<compile_context>
chip_gen: v7x
topology: tpu7x:2x2x1
jax: 0.10.2.dev20260603
libtpu: 0.0.44.dev20260713+nightly
codegen_flags: <defaults>
</compile_context>

<pallas_src>
import functools

import jax
import jax.numpy as jnp
from jax import lax
from jax.experimental import pallas as pl
from jax.experimental.pallas import tpu as pltpu
from jax.experimental.pallas import tpu_sc as plsc

NC = 2
NS = 16
NW = NC * NS
K = 50
ACC_W = 144
L = 16


def _sc_edge_pass(xlr, idx3, att):
    N2, D = xlr.shape
    N = N2 // 2
    _, CHp, K2 = idx3.shape
    CH = CHp - 2
    rows_per_tile = N // NS
    acc_t = jax.ShapeDtypeStruct((N, ACC_W), jnp.float32)
    mesh = plsc.VectorSubcoreMesh(core_axis_name="c", subcore_axis_name="s")

    @functools.partial(
        pl.kernel,
        out_type=(acc_t, acc_t),
        mesh=mesh,
        compiler_params=pltpu.CompilerParams(use_tc_tiling_on_sc=False,
                                             needs_layout_passes=False),
        scratch_types=[
            pltpu.VMEM_SHARED((N, ACC_W), jnp.float32),
            pltpu.VMEM((K2,), jnp.int32),
            pltpu.VMEM((K2,), jnp.int32),
            pltpu.VMEM((K2, D), jnp.bfloat16),
            pltpu.VMEM((K2, D), jnp.bfloat16),
            pltpu.VMEM((K,), jnp.int32),
            pltpu.VMEM((K,), jnp.int32),
            pltpu.VMEM((K, ACC_W), jnp.float32),
            pltpu.VMEM((K, ACC_W), jnp.float32),
            pltpu.VMEM((D,), jnp.float32),
            pltpu.SemaphoreType.DMA,
            pltpu.SemaphoreType.DMA,
            pltpu.SemaphoreType.DMA,
            pltpu.SemaphoreType.DMA,
            pltpu.SemaphoreType.DMA,
            pltpu.SemaphoreType.DMA,
        ],
    )
    def k(xlr_hbm, idx_hbm, att_hbm, acc0_hbm, acc1_hbm,
          acc_sp, idxA, idxB, glrA, glrB, dstvA, dstvB, wrowA, wrowB, attv,
          semA, semB, semIA, semIB, semSA, semSB):
        c = lax.axis_index("c")
        s = lax.axis_index("s")
        wid = s * NC + c
        row0 = s * rows_per_tile

        @pl.loop(0, K)
        def _(i):
            for j in range(ACC_W // L):
                wrowA[i, pl.ds(j * L, L)] = jnp.zeros((L,), jnp.float32)
        nsl = -(-K // L)
        for j in range(nsl):
            off = min(j * L, K - L)
            dstvA[pl.ds(off, L)] = jnp.zeros((L,), jnp.int32)
            dstvB[pl.ds(off, L)] = jnp.zeros((L,), jnp.int32)

        @pl.loop(0, rows_per_tile // K)
        def _(i):
            pltpu.sync_copy(wrowA, acc_sp.at[pl.ds(row0 + i * K, K)])
        rem = rows_per_tile % K
        if rem:
            pltpu.sync_copy(wrowA.at[pl.ds(0, rem)],
                            acc_sp.at[pl.ds(row0 + (rows_per_tile // K) * K, rem)])

        pltpu.sync_copy(att_hbm, attv)
        att_regs = [attv[pl.ds(j * L, L)] for j in range(D // L)]
        lane0 = lax.iota(jnp.int32, L) == 0

        plsc.subcore_barrier()

        def issue_gather(glr, idx, sem):
            pltpu.async_copy(xlr_hbm.at[idx], glr, sem)

        def wait_gather(glr, idx, sem):
            pltpu.make_async_copy(xlr_hbm.at[idx], glr, sem).wait()

        def issue_idx(kk, idx, sem):
            pltpu.async_copy(idx_hbm.at[wid, kk], idx, sem)

        def wait_idx(kk, idx, sem):
            pltpu.make_async_copy(idx_hbm.at[wid, kk], idx, sem).wait()

        def issue_scatter(wrow, dstv, semS):
            pltpu.async_copy(wrow, acc_sp.at[dstv], semS, add=True)

        def wait_scatter(wrow, dstv, semS):
            pltpu.make_async_copy(wrow, acc_sp.at[dstv], semS).wait()

        def compute(glr, wrow):
            @plsc.parallel_loop(0, K, unroll=2)
            def _(e):
                a_chunks = []
                acc = None
                for j in range(D // 32):
                    a2 = glr[e, pl.ds(j * 32, 32)]
                    b2 = glr[K + e, pl.ds(j * 32, 32)]
                    ab = plsc.unpack(a2, format=plsc.PackFormat.INTERLEAVED,
                                     preferred_element_type=jnp.float32)
                    bb = plsc.unpack(b2, format=plsc.PackFormat.INTERLEAVED,
                                     preferred_element_type=jnp.float32)
                    for half in range(2):
                        a = ab[half]
                        t = a + bb[half]
                        t = jnp.maximum(t, t * 0.2)
                        p = t * att_regs[2 * j + half]
                        acc = p if acc is None else acc + p
                        a_chunks.append(a)
                s_ = jnp.minimum(jnp.sum(acc), 75.0)
                wv = jnp.exp(jnp.broadcast_to(s_, (L,)))
                for j in range(D // L):
                    wrow[e, pl.ds(j * L, L)] = a_chunks[j] * wv
                wrow[e, pl.ds(D, L)] = jnp.where(lane0, wv, 0.0)

        def extract_dst(idx, dstv):
            for j in range(nsl):
                off = min(K + j * L, 2 * K - L)
                dstv[pl.ds(off - K, L)] = idx[pl.ds(off, L)] - N

        issue_idx(0, idxA, semIA)
        wait_idx(0, idxA, semIA)
        issue_gather(glrA, idxA, semA)
        issue_idx(1, idxB, semIB)
        wait_idx(1, idxB, semIB)
        issue_scatter(wrowA, dstvA, semSA)
        issue_scatter(wrowA, dstvB, semSB)

        @pl.loop(0, CH, step=2)
        def _(kk):
            issue_gather(glrB, idxB, semB)
            wait_gather(glrA, idxA, semA)
            wait_scatter(wrowA, dstvA, semSA)
            extract_dst(idxA, dstvA)
            issue_idx(kk + 2, idxA, semIA)
            compute(glrA, wrowA)
            issue_scatter(wrowA, dstvA, semSA)
            wait_idx(kk + 2, idxA, semIA)
            issue_gather(glrA, idxA, semA)
            wait_gather(glrB, idxB, semB)
            wait_scatter(wrowB, dstvB, semSB)
            extract_dst(idxB, dstvB)
            issue_idx(kk + 3, idxB, semIB)
            compute(glrB, wrowB)
            issue_scatter(wrowB, dstvB, semSB)
            wait_idx(kk + 3, idxB, semIB)

        wait_gather(glrA, idxA, semA)
        wait_scatter(wrowA, dstvA, semSA)
        wait_scatter(wrowB, dstvB, semSB)

        plsc.subcore_barrier()

        @pl.when(c == 0)
        def _():
            pltpu.sync_copy(acc_sp.at[pl.ds(row0, rows_per_tile)],
                            acc0_hbm.at[pl.ds(row0, rows_per_tile)])

        @pl.when(c == 1)
        def _():
            pltpu.sync_copy(acc_sp.at[pl.ds(row0, rows_per_tile)],
                            acc1_hbm.at[pl.ds(row0, rows_per_tile)])

    return k(xlr, idx3, att)


def _dot_t(a, w):
    return lax.dot_general(a, w, (((1,), (1,)), ((), ())),
                           preferred_element_type=jnp.float32)


def _mm_body(x_ref, wl_ref, wr_ref, o_ref):
    x = x_ref[...]
    o_ref[0] = _dot_t(x, wl_ref[...]).astype(jnp.bfloat16)
    o_ref[1] = _dot_t(x, wr_ref[...]).astype(jnp.bfloat16)


def _mm(x, Wl, Wr):
    N, D = x.shape
    B = 1000
    return pl.pallas_call(
        _mm_body,
        grid=(N // B,),
        in_specs=[pl.BlockSpec((B, D), lambda i: (i, 0)),
                  pl.BlockSpec((D, D), lambda i: (0, 0)),
                  pl.BlockSpec((D, D), lambda i: (0, 0))],
        out_specs=pl.BlockSpec((2, B, D), lambda i: (0, i, 0)),
        out_shape=jax.ShapeDtypeStruct((2, N, D), jnp.bfloat16),
    )(x, Wl, Wr)


def _normalize(a0, a1, bias2, D):
    a = a0 + a1
    num = a[:, :D]
    den = a[:, D:D + 1]
    return num / (den + 1e-16) + bias2


def _cmb_mm_body(a0_ref, a1_ref, bias_ref, wl_ref, wr_ref, o_ref):
    D = wl_ref.shape[0]
    h = _normalize(a0_ref[...], a1_ref[...], bias_ref[...], D)
    o_ref[0] = _dot_t(h, wl_ref[...]).astype(jnp.bfloat16)
    o_ref[1] = _dot_t(h, wr_ref[...]).astype(jnp.bfloat16)


def _cmb_mm(a0, a1, bias2, Wl, Wr):
    N = a0.shape[0]
    D = Wl.shape[0]
    B = 1000
    return pl.pallas_call(
        _cmb_mm_body,
        grid=(N // B,),
        in_specs=[pl.BlockSpec((B, ACC_W), lambda i: (i, 0)),
                  pl.BlockSpec((B, ACC_W), lambda i: (i, 0)),
                  pl.BlockSpec((1, D), lambda i: (0, 0)),
                  pl.BlockSpec((D, D), lambda i: (0, 0)),
                  pl.BlockSpec((D, D), lambda i: (0, 0))],
        out_specs=pl.BlockSpec((2, B, D), lambda i: (0, i, 0)),
        out_shape=jax.ShapeDtypeStruct((2, N, D), jnp.bfloat16),
    )(a0, a1, bias2, Wl, Wr)


def _final_body(a0_ref, a1_ref, bias_ref, x_ref, o_ref):
    D = x_ref.shape[1]
    h = _normalize(a0_ref[...], a1_ref[...], bias_ref[...], D)
    o_ref[...] = x_ref[...] + h


def _final(a0, a1, bias2, x):
    N, D = x.shape
    B = 1000
    return pl.pallas_call(
        _final_body,
        grid=(N // B,),
        in_specs=[pl.BlockSpec((B, ACC_W), lambda i: (i, 0)),
                  pl.BlockSpec((B, ACC_W), lambda i: (i, 0)),
                  pl.BlockSpec((1, D), lambda i: (0, 0)),
                  pl.BlockSpec((B, D), lambda i: (i, 0))],
        out_specs=pl.BlockSpec((B, D), lambda i: (i, 0)),
        out_shape=jax.ShapeDtypeStruct((N, D), jnp.float32),
    )(a0, a1, bias2, x)


def _interleave_perm(D):
    perm = []
    for q in range(D):
        c, r = q // 32, q % 32
        perm.append(c * 32 + (r // 2) + (16 if r % 2 else 0))
    return jnp.asarray(perm, dtype=jnp.int32)


def kernel(x, edge_index, Wl, Wr, att, bias):
    N, D = x.shape
    E = edge_index.shape[1]
    per_w = E // NW
    ch = per_w // K
    src3 = edge_index[0].reshape(NW, ch, K)
    dst3 = edge_index[1].reshape(NW, ch, K)
    idx3 = jnp.concatenate([src3, dst3 + N], axis=2)
    idx3 = jnp.pad(idx3, ((0, 0), (0, 2), (0, 0)))
    bias2 = bias.reshape(1, D)
    perm = _interleave_perm(D)
    Wl_p = Wl[perm, :]
    Wr_p = Wr[perm, :]

    xlr1 = _mm(x, Wl_p, Wr_p).reshape(2 * N, D)
    a0, a1 = _sc_edge_pass(xlr1, idx3, att)
    xlr2 = _cmb_mm(a0, a1, bias2, Wl_p, Wr_p).reshape(2 * N, D)
    b0, b1 = _sc_edge_pass(xlr2, idx3, att)
    return _final(b0, b1, bias2, x)

# --- scband reference (transcript-rebuilt; emitter-appended) ---
"""Pipeline reference for scband-gatv2-conv-layer-67379446940468 (READ-ONLY COPY).

The authoritative reference and input builder live on the scoring server;
editing this copy changes nothing except your own understanding.
"""

import jax, jax.numpy as jnp
import numpy as np

N = 10000
E = 320000
D = 128


def setup_inputs(seed: int = 0) -> dict:
    key = jax.random.key(seed)
    ks = jax.random.split(key, 6)
    x = jax.random.normal(ks[0], (N, D), dtype=jnp.float32)
    edge_index = jax.random.randint(ks[1], (2, E), 0, N, dtype=jnp.int32)
    scale = 1.0 / np.sqrt(D)
    Wl = jax.random.normal(ks[2], (D, D), dtype=jnp.float32) * scale
    Wr = jax.random.normal(ks[3], (D, D), dtype=jnp.float32) * scale
    att = jax.random.normal(ks[4], (D,), dtype=jnp.float32) * scale
    bias = jnp.zeros((D,), dtype=jnp.float32)
    return {"x": x, "edge_index": edge_index, "Wl": Wl, "Wr": Wr, "att": att, "bias": bias}


def _gatv2_layer(x, edge_index, Wl, Wr, att, bias):
    # GATv2Conv(D, D), heads=1, concat=True, negative_slope=0.2, share_weights=False, edge_dim=None
    src = edge_index[0]
    dst = edge_index[1]
    xl = x @ Wl.T  # lin_l (source/message transform)
    xr = x @ Wr.T  # lin_r (target transform)
    e = jax.nn.leaky_relu(xl[src] + xr[dst], negative_slope=0.2)  # [E, D]
    logits = e @ att  # [E]
    # softmax over incoming edges of each dst node
    seg_max = jax.ops.segment_max(logits, dst, num_segments=N)
    seg_max = jnp.where(jnp.isfinite(seg_max), seg_max, 0.0)
    ex = jnp.exp(logits - seg_max[dst])
    denom = jax.ops.segment_sum(ex, dst, num_segments=N)
    alpha = ex / (denom[dst] + 1e-16)
    out = jax.ops.segment_sum(xl[src] * alpha[:, None], dst, num_segments=N)
    return out + bias


def reference(x, edge_index, Wl, Wr, att, bias):
    # forward: same GATv2Conv applied twice (shared weights), edge_attr is None, then residual add
    x_in = x
    h = _gatv2_layer(x, edge_index, Wl, Wr, att, bias)
    h = _gatv2_layer(h, edge_index, Wl, Wr, att, bias)
    return x_in + h

if __name__ == "__main__":
    import jax
    _d = setup_inputs()
    print(jax.jit(kernel)(*tuple(_d.values())))

</pallas_src>

<mosaic_0001>
#map = affine_map<(d0, d1) -> (0, 0)>
#map1 = affine_map<(d0, d1) -> (0, 0, 0)>
#map2 = affine_map<(d0, d1) -> (0)>
module attributes {stable_mosaic.version = 14 : i64} {
  func.func @k(%arg0: i32, %arg1: i32, %arg2: memref<20000x128xbf16, #tpu.memory_space<hbm>>, %arg3: memref<32x202x100xi32, #tpu.memory_space<hbm>>, %arg4: memref<128xf32, #tpu.memory_space<hbm>>, %arg5: memref<10000x144xf32, #tpu.memory_space<hbm>>, %arg6: memref<10000x144xf32, #tpu.memory_space<hbm>>, %arg7: memref<10000x144xf32, #tpu.memory_space<vmem_shared>>, %arg8: memref<100xi32, #tpu.memory_space<vmem>>, %arg9: memref<100xi32, #tpu.memory_space<vmem>>, %arg10: memref<100x128xbf16, #tpu.memory_space<vmem>>, %arg11: memref<100x128xbf16, #tpu.memory_space<vmem>>, %arg12: memref<50xi32, #tpu.memory_space<vmem>>, %arg13: memref<50xi32, #tpu.memory_space<vmem>>, %arg14: memref<50x144xf32, #tpu.memory_space<vmem>>, %arg15: memref<50x144xf32, #tpu.memory_space<vmem>>, %arg16: memref<128xf32, #tpu.memory_space<vmem>>, %arg17: memref<!tpu.dma_semaphore, #tpu.memory_space<semaphore_mem>>, %arg18: memref<!tpu.dma_semaphore, #tpu.memory_space<semaphore_mem>>, %arg19: memref<!tpu.dma_semaphore, #tpu.memory_space<semaphore_mem>>, %arg20: memref<!tpu.dma_semaphore, #tpu.memory_space<semaphore_mem>>, %arg21: memref<!tpu.dma_semaphore, #tpu.memory_space<semaphore_mem>>, %arg22: memref<!tpu.dma_semaphore, #tpu.memory_space<semaphore_mem>>) attributes {dimension_semantics = [#tpu.dimension_semantics<core_parallel>, #tpu.dimension_semantics<subcore_parallel>], iteration_bounds = array<i64: 2, 16>, scalar_prefetch = 0 : i64, scratch_operands = 16 : i64, tpu.core_type = #tpu.core_type<sc_vector_subcore>, window_params = [{transform_indices = #map}, {transform_indices = #map1}, {transform_indices = #map2}, {transform_indices = #map}, {transform_indices = #map}]} {
    %mul3A = arith.constant 2 : i32
    %mul3A_0 = arith.muli %arg1, %mul3A : i32
    %add3A = arith.addi %mul3A_0, %arg0 : i32
    %mul3A_1 = arith.constant 625 : i32
    %mul3A_2 = arith.muli %arg1, %mul3A_1 : i32
    %scan3A = arith.constant 0 : i32
    %scan3A_3 = arith.constant 50 : i32
    %scan3A_4 = arith.addi %scan3A, %scan3A_3 : i32
    %scan3A_5 = arith.constant 1 : i32
    scf.for %scan3A_119 = %scan3A to %scan3A_4 step %scan3A_5  : i32 {
      %mul3A_120 = arith.constant 1 : i32
      %mul3A_121 = arith.muli %scan3A_119, %mul3A_120 : i32
      %add3A_122 = arith.constant 0 : i32
      %add3A_123 = arith.addi %add3A_122, %mul3A_121 : i32
      %broadcast_in_dim3A_124 = arith.constant 0.000000e+00 : f32
      %broadcast_in_dim3A_125 = vector.broadcast %broadcast_in_dim3A_124 : f32 to vector<16xf32>
      %swap3A_126 = arith.index_cast %add3A_123 : i32 to index
      %swap3A_127 = arith.constant 0 : index
      %swap3A_128 = tpu.vector_load %arg14[%swap3A_126, %swap3A_127] {strides = array<i32>} : memref<50x144xf32, #tpu.memory_space<vmem>>, vector<16xf32>,
      tpu.vector_store %arg14[%swap3A_126, %swap3A_127], %broadcast_in_dim3A_125 {strides = array<i32>} : memref<50x144xf32, #tpu.memory_space<vmem>>, vector<16xf32>,
      %broadcast_in_dim3A_129 = arith.constant 0.000000e+00 : f32
      %broadcast_in_dim3A_130 = vector.broadcast %broadcast_in_dim3A_129 : f32 to vector<16xf32>
      %swap3A_131 = arith.index_cast %add3A_123 : i32 to index
      %swap3A_132 = arith.constant 16 : index
      %swap3A_133 = tpu.vector_load %arg14[%swap3A_131, %swap3A_132] {strides = array<i32>} : memref<50x144xf32, #tpu.memory_space<vmem>>, vector<16xf32>,
      tpu.vector_store %arg14[%swap3A_131, %swap3A_132], %broadcast_in_dim3A_130 {strides = array<i32>} : memref<50x144xf32, #tpu.memory_space<vmem>>, vector<16xf32>,
      %broadcast_in_dim3A_134 = arith.constant 0.000000e+00 : f32
      %broadcast_in_dim3A_135 = vector.broadcast %broadcast_in_dim3A_134 : f32 to vector<16xf32>
      %swap3A_136 = arith.index_cast %add3A_123 : i32 to index
      %swap3A_137 = arith.constant 32 : index
      %swap3A_138 = tpu.vector_load %arg14[%swap3A_136, %swap3A_137] {strides = array<i32>} : memref<50x144xf32, #tpu.memory_space<vmem>>, vector<16xf32>,
      tpu.vector_store %arg14[%swap3A_136, %swap3A_137], %broadcast_in_dim3A_135 {strides = array<i32>} : memref<50x144xf32, #tpu.memory_space<vmem>>, vector<16xf32>,
      %broadcast_in_dim3A_139 = arith.constant 0.000000e+00 : f32
      %broadcast_in_dim3A_140 = vector.broadcast %broadcast_in_dim3A_139 : f32 to vector<16xf32>
      %swap3A_141 = arith.index_cast %add3A_123 : i32 to index
      %swap3A_142 = arith.constant 48 : index
      %swap3A_143 = tpu.vector_load %arg14[%swap3A_141, %swap3A_142] {strides = array<i32>} : memref<50x144xf32, #tpu.memory_space<vmem>>, vector<16xf32>,
      tpu.vector_store %arg14[%swap3A_141, %swap3A_142], %broadcast_in_dim3A_140 {strides = array<i32>} : memref<50x144xf32, #tpu.memory_space<vmem>>, vector<16xf32>,
      %broadcast_in_dim3A_144 = arith.constant 0.000000e+00 : f32
      %broadcast_in_dim3A_145 = vector.broadcast %broadcast_in_dim3A_144 : f32 to vector<16xf32>
      %swap3A_146 = arith.index_cast %add3A_123 : i32 to index
      %swap3A_147 = arith.constant 64 : index
      %swap3A_148 = tpu.vector_load %arg14[%swap3A_146, %swap3A_147] {strides = array<i32>} : memref<50x144xf32, #tpu.memory_space<vmem>>, vector<16xf32>,
      tpu.vector_store %arg14[%swap3A_146, %swap3A_147], %broadcast_in_dim3A_145 {strides = array<i32>} : memref<50x144xf32, #tpu.memory_space<vmem>>, vector<16xf32>,
      %broadcast_in_dim3A_149 = arith.constant 0.000000e+00 : f32
      %broadcast_in_dim3A_150 = vector.broadcast %broadcast_in_dim3A_149 : f32 to vector<16xf32>
      %swap3A_151 = arith.index_cast %add3A_123 : i32 to index
      %swap3A_152 = arith.constant 80 : index
      %swap3A_153 = tpu.vector_load %arg14[%swap3A_151, %swap3A_152] {strides = array<i32>} : memref<50x144xf32, #tpu.memory_space<vmem>>, vector<16xf32>,
      tpu.vector_store %arg14[%swap3A_151, %swap3A_152], %broadcast_in_dim3A_150 {strides = array<i32>} : memref<50x144xf32, #tpu.memory_space<vmem>>, vector<16xf32>,
      %broadcast_in_dim3A_154 = arith.constant 0.000000e+00 : f32
      %broadcast_in_dim3A_155 = vector.broadcast %broadcast_in_dim3A_154 : f32 to vector<16xf32>
      %swap3A_156 = arith.index_cast %add3A_123 : i32 to index
      %swap3A_157 = arith.constant 96 : index
      %swap3A_158 = tpu.vector_load %arg14[%swap3A_156, %swap3A_157] {strides = array<i32>} : memref<50x144xf32, #tpu.memory_space<vmem>>, vector<16xf32>,
      tpu.vector_store %arg14[%swap3A_156, %swap3A_157], %broadcast_in_dim3A_155 {strides = array<i32>} : memref<50x144xf32, #tpu.memory_space<vmem>>, vector<16xf32>,
      %broadcast_in_dim3A_159 = arith.constant 0.000000e+00 : f32
      %broadcast_in_dim3A_160 = vector.broadcast %broadcast_in_dim3A_159 : f32 to vector<16xf32>
      %swap3A_161 = arith.index_cast %add3A_123 : i32 to index
      %swap3A_162 = arith.constant 112 : index
      %swap3A_163 = tpu.vector_load %arg14[%swap3A_161, %swap3A_162] {strides = array<i32>} : memref<50x144xf32, #tpu.memory_space<vmem>>, vector<16xf32>,
      tpu.vector_store %arg14[%swap3A_161, %swap3A_162], %broadcast_in_dim3A_160 {strides = array<i32>} : memref<50x144xf32, #tpu.memory_space<vmem>>, vector<16xf32>,
      %broadcast_in_dim3A_164 = arith.constant 0.000000e+00 : f32
      %broadcast_in_dim3A_165 = vector.broadcast %broadcast_in_dim3A_164 : f32 to vector<16xf32>
      %swap3A_166 = arith.index_cast %add3A_123 : i32 to index
      %swap3A_167 = arith.constant 128 : index
      %swap3A_168 = tpu.vector_load %arg14[%swap3A_166, %swap3A_167] {strides = array<i32>} : memref<50x144xf32, #tpu.memory_space<vmem>>, vector<16xf32>,
      tpu.vector_store %arg14[%swap3A_166, %swap3A_167], %broadcast_in_dim3A_165 {strides = array<i32>} : memref<50x144xf32, #tpu.memory_space<vmem>>, vector<16xf32>,
    }
    %scan3A_6 = arith.constant 50 : i32
    %broadcast_in_dim3A = arith.constant 0 : i32
    %broadcast_in_dim3A_7 = vector.broadcast %broadcast_in_dim3A : i32 to vector<16xi32>
    %swap3A = arith.constant 0 : index
    %swap3A_8 = tpu.vector_load %arg12[%swap3A] {strides = array<i32>} : memref<50xi32, #tpu.memory_space<vmem>>, vector<16xi32>,
    tpu.vector_store %arg12[%swap3A], %broadcast_in_dim3A_7 {strides = array<i32>} : memref<50xi32, #tpu.memory_space<vmem>>, vector<16xi32>,
    %broadcast_in_dim3A_9 = arith.constant 0 : i32
    %broadcast_in_dim3A_10 = vector.broadcast %broadcast_in_dim3A_9 : i32 to vector<16xi32>
    %swap3A_11 = arith.constant 0 : index
    %swap3A_12 = tpu.vector_load %arg13[%swap3A_11] {strides = array<i32>} : memref<50xi32, #tpu.memory_space<vmem>>, vector<16xi32>,
    tpu.vector_store %arg13[%swap3A_11], %broadcast_in_dim3A_10 {strides = array<i32>} : memref<50xi32, #tpu.memory_space<vmem>>, vector<16xi32>,
    %broadcast_in_dim3A_13 = arith.constant 0 : i32
    %broadcast_in_dim3A_14 = vector.broadcast %broadcast_in_dim3A_13 : i32 to vector<16xi32>
    %swap3A_15 = arith.constant 16 : index
    %swap3A_16 = tpu.vector_load %arg12[%swap3A_15] {strides = array<i32>} : memref<50xi32, #tpu.memory_space<vmem>>, vector<16xi32>,
    tpu.vector_store %arg12[%swap3A_15], %broadcast_in_dim3A_14 {strides = array<i32>} : memref<50xi32, #tpu.memory_space<vmem>>, vector<16xi32>,
    %broadcast_in_dim3A_17 = arith.constant 0 : i32
    %broadcast_in_dim3A_18 = vector.broadcast %broadcast_in_dim3A_17 : i32 to vector<16xi32>
    %swap3A_19 = arith.constant 16 : index
    %swap3A_20 = tpu.vector_load %arg13[%swap3A_19] {strides = array<i32>} : memref<50xi32, #tpu.memory_space<vmem>>, vector<16xi32>,
    tpu.vector_store %arg13[%swap3A_19], %broadcast_in_dim3A_18 {strides = array<i32>} : memref<50xi32, #tpu.memory_space<vmem>>, vector<16xi32>,
    %broadcast_in_dim3A_21 = arith.constant 0 : i32
    %broadcast_in_dim3A_22 = vector.broadcast %broadcast_in_dim3A_21 : i32 to vector<16xi32>
    %swap3A_23 = arith.constant 32 : index
    %swap3A_24 = tpu.vector_load %arg12[%swap3A_23] {strides = array<i32>} : memref<50xi32, #tpu.memory_space<vmem>>, vector<16xi32>,
    tpu.vector_store %arg12[%swap3A_23], %broadcast_in_dim3A_22 {strides = array<i32>} : memref<50xi32, #tpu.memory_space<vmem>>, vector<16xi32>,
    %broadcast_in_dim3A_25 = arith.constant 0 : i32
    %broadcast_in_dim3A_26 = vector.broadcast %broadcast_in_dim3A_25 : i32 to vector<16xi32>
    %swap3A_27 = arith.constant 32 : index
    %swap3A_28 = tpu.vector_load %arg13[%swap3A_27] {strides = array<i32>} : memref<50xi32, #tpu.memory_space<vmem>>, vector<16xi32>,
    tpu.vector_store %arg13[%swap3A_27], %broadcast_in_dim3A_26 {strides = array<i32>} : memref<50xi32, #tpu.memory_space<vmem>>, vector<16xi32>,
    %broadcast_in_dim3A_29 = arith.constant 0 : i32
    %broadcast_in_dim3A_30 = vector.broadcast %broadcast_in_dim3A_29 : i32 to vector<16xi32>
    %swap3A_31 = arith.constant 34 : index
    %swap3A_32 = tpu.vector_load %arg12[%swap3A_31] {strides = array<i32>} : memref<50xi32, #tpu.memory_space<vmem>>, vector<16xi32>,
    tpu.vector_store %arg12[%swap3A_31], %broadcast_in_dim3A_30 {strides = array<i32>} : memref<50xi32, #tpu.memory_space<vmem>>, vector<16xi32>,
    %broadcast_in_dim3A_33 = arith.constant 0 : i32
    %broadcast_in_dim3A_34 = vector.broadcast %broadcast_in_dim3A_33 : i32 to vector<16xi32>
    %swap3A_35 = arith.constant 34 : index
    %swap3A_36 = tpu.vector_load %arg13[%swap3A_35] {strides = array<i32>} : memref<50xi32, #tpu.memory_space<vmem>>, vector<16xi32>,
    tpu.vector_store %arg13[%swap3A_35], %broadcast_in_dim3A_34 {strides = array<i32>} : memref<50xi32, #tpu.memory_space<vmem>>, vector<16xi32>,
    %scan3A_37 = arith.constant 0 : i32
    %scan3A_38 = arith.constant 12 : i32
    %scan3A_39 = arith.addi %scan3A_37, %scan3A_38 : i32
    %scan3A_40 = arith.constant 1 : i32
    scf.for %scan3A_119 = %scan3A_37 to %scan3A_39 step %scan3A_40  : i32 {
      %mul3A_120 = arith.constant 1 : i32
      %mul3A_121 = arith.muli %scan3A_119, %mul3A_120 : i32
      %add3A_122 = arith.constant 0 : i32
      %add3A_123 = arith.addi %add3A_122, %mul3A_121 : i32
      %mul3A_124 = arith.constant 50 : i32
      %mul3A_125 = arith.muli %add3A_123, %mul3A_124 : i32
      %add3A_126 = arith.addi %mul3A_2, %mul3A_125 : i32
      "tpu.region"() ({
        %run_scoped3A = tpu.sem_alloc : memref<!tpu.dma_semaphore, #tpu.memory_space<semaphore_mem>>
        %dma_start3A_127 = arith.constant 0 : i32
        %dma_start3A_128 = tpu.memref_slice %arg7[%add3A_126, %dma_start3A_127] : memref<10000x144xf32, #tpu.memory_space<vmem_shared>> -> memref<50x144xf32, #tpu.memory_space<vmem_shared>>
        %dma_start3A_129 = arith.constant 0 : i32
        %dma_start3A_130 = tpu.memref_slice %arg7[%add3A_126, %dma_start3A_129] : memref<10000x144xf32, #tpu.memory_space<vmem_shared>> -> memref<50x144xf32, #tpu.memory_space<vmem_shared>>
        tpu.enqueue_dma source(%arg14 : memref<50x144xf32, #tpu.memory_space<vmem>>) target(%dma_start3A_130 : memref<50x144xf32, #tpu.memory_space<vmem_shared>>) target_semaphore(%run_scoped3A : memref<!tpu.dma_semaphore, #tpu.memory_space<semaphore_mem>>)
        %dma_wait3A_131 = arith.constant 0 : i32
        %dma_wait3A_132 = tpu.memref_slice %arg7[%add3A_126, %dma_wait3A_131] : memref<10000x144xf32, #tpu.memory_space<vmem_shared>> -> memref<50x144xf32, #tpu.memory_space<vmem_shared>>
        %dma_wait3A_133 = arith.constant 0 : i32
        %dma_wait3A_134 = tpu.memref_slice %arg7[%add3A_126, %dma_wait3A_133] : memref<10000x144xf32, #tpu.memory_space<vmem_shared>> -> memref<50x144xf32, #tpu.memory_space<vmem_shared>>
        tpu.wait_dma2 semaphore(%run_scoped3A : memref<!tpu.dma_semaphore, #tpu.memory_space<semaphore_mem>>) src(%arg14 : memref<50x144xf32, #tpu.memory_space<vmem>>) dst(%dma_wait3A_134 : memref<50x144xf32, #tpu.memory_space<vmem_shared>>)
        tpu.yield
      }) : () -> ()
    }
    %scan3A_41 = arith.constant 12 : i32
    %add3A_42 = arith.constant 600 : i32
    %add3A_43 = arith.addi %mul3A_2, %add3A_42 : i32
    "tpu.region"() ({
      %run_scoped3A = tpu.sem_alloc : memref<!tpu.dma_semaphore, #tpu.memory_space<semaphore_mem>>
      %dma_start3A_119 = arith.constant 0 : i32
      %dma_start3A_120 = arith.constant 0 : i32
      %dma_start3A_121 = tpu.memref_slice %arg14[%dma_start3A_119, %dma_start3A_120] : memref<50x144xf32, #tpu.memory_space<vmem>> -> memref<25x144xf32, #tpu.memory_space<vmem>>
      %dma_start3A_122 = arith.constant 0 : i32
      %dma_start3A_123 = tpu.memref_slice %arg7[%add3A_43, %dma_start3A_122] : memref<10000x144xf32, #tpu.memory_space<vmem_shared>> -> memref<25x144xf32, #tpu.memory_space<vmem_shared>>
      %dma_start3A_124 = arith.constant 0 : i32
      %dma_start3A_125 = tpu.memref_slice %arg7[%add3A_43, %dma_start3A_124] : memref<10000x144xf32, #tpu.memory_space<vmem_shared>> -> memref<25x144xf32, #tpu.memory_space<vmem_shared>>
      %dma_start3A_126 = arith.constant 0 : i32
      %dma_start3A_127 = arith.constant 0 : i32
      %dma_start3A_128 = tpu.memref_slice %arg14[%dma_start3A_126, %dma_start3A_127] : memref<50x144xf32, #tpu.memory_space<vmem>> -> memref<25x144xf32, #tpu.memory_space<vmem>>
      tpu.enqueue_dma source(%dma_start3A_128 : memref<25x144xf32, #tpu.memory_space<vmem>>) target(%dma_start3A_125 : memref<25x144xf32, #tpu.memory_space<vmem_shared>>) target_semaphore(%run_scoped3A : memref<!tpu.dma_semaphore, #tpu.memory_space<semaphore_mem>>)
      %dma_wait3A_129 = arith.constant 0 : i32
      %dma_wait3A_130 = arith.constant 0 : i32
      %dma_wait3A_131 = tpu.memref_slice %arg14[%dma_wait3A_129, %dma_wait3A_130] : memref<50x144xf32, #tpu.memory_space<vmem>> -> memref<25x144xf32, #tpu.memory_space<vmem>>
      %dma_wait3A_132 = arith.constant 0 : i32
      %dma_wait3A_133 = tpu.memref_slice %arg7[%add3A_43, %dma_wait3A_132] : memref<10000x144xf32, #tpu.memory_space<vmem_shared>> -> memref<25x144xf32, #tpu.memory_space<vmem_shared>>
      %dma_wait3A_134 = arith.constant 0 : i32
      %dma_wait3A_135 = tpu.memref_slice %arg7[%add3A_43, %dma_wait3A_134] : memref<10000x144xf32, #tpu.memory_space<vmem_shared>> -> memref<25x144xf32, #tpu.memory_space<vmem_shared>>
      %dma_wait3A_136 = arith.constant 0 : i32
      %dma_wait3A_137 = arith.constant 0 : i32
      %dma_wait3A_138 = tpu.memref_slice %arg14[%dma_wait3A_136, %dma_wait3A_137] : memref<50x144xf32, #tpu.memory_space<vmem>> -> memref<25x144xf32, #tpu.memory_space<vmem>>
      tpu.wait_dma2 semaphore(%run_scoped3A : memref<!tpu.dma_semaphore, #tpu.memory_space<semaphore_mem>>) src(%dma_wait3A_138 : memref<25x144xf32, #tpu.memory_space<vmem>>) dst(%dma_wait3A_135 : memref<25x144xf32, #tpu.memory_space<vmem_shared>>)
      tpu.yield
    }) : () -> ()
    "tpu.region"() ({
      %run_scoped3A = tpu.sem_alloc : memref<!tpu.dma_semaphore, #tpu.memory_space<semaphore_mem>>
      tpu.enqueue_dma source(%arg4 : memref<128xf32, #tpu.memory_space<hbm>>) target(%arg16 : memref<128xf32, #tpu.memory_space<vmem>>) target_semaphore(%run_scoped3A : memref<!tpu.dma_semaphore, #tpu.memory_space<semaphore_mem>>)
      tpu.wait_dma2 semaphore(%run_scoped3A : memref<!tpu.dma_semaphore, #tpu.memory_space<semaphore_mem>>) src(%arg4 : memref<128xf32, #tpu.memory_space<hbm>>) dst(%arg16 : memref<128xf32, #tpu.memory_space<vmem>>)
      tpu.yield
    }) : () -> ()
    %get3A = arith.constant 0 : index
    %get3A_44 = tpu.vector_load %arg16[%get3A] {strides = array<i32>} : memref<128xf32, #tpu.memory_space<vmem>>, vector<16xf32>,
    %get3A_45 = arith.constant 16 : index
    %get3A_46 = tpu.vector_load %arg16[%get3A_45] {strides = array<i32>} : memref<128xf32, #tpu.memory_space<vmem>>, vector<16xf32>,
    %get3A_47 = arith.constant 32 : index
    %get3A_48 = tpu.vector_load %arg16[%get3A_47] {strides = array<i32>} : memref<128xf32, #tpu.memory_space<vmem>>, vector<16xf32>,
    %get3A_49 = arith.constant 48 : index
    %get3A_50 = tpu.vector_load %arg16[%get3A_49] {strides = array<i32>} : memref<128xf32, #tpu.memory_space<vmem>>, vector<16xf32>,
    %get3A_51 = arith.constant 64 : index
    %get3A_52 = tpu.vector_load %arg16[%get3A_51] {strides = array<i32>} : memref<128xf32, #tpu.memory_space<vmem>>, vector<16xf32>,
    %get3A_53 = arith.constant 80 : index
    %get3A_54 = tpu.vector_load %arg16[%get3A_53] {strides = array<i32>} : memref<128xf32, #tpu.memory_space<vmem>>, vector<16xf32>,
    %get3A_55 = arith.constant 96 : index
    %get3A_56 = tpu.vector_load %arg16[%get3A_55] {strides = array<i32>} : memref<128xf32, #tpu.memory_space<vmem>>, vector<16xf32>,
    %get3A_57 = arith.constant 112 : index
    %get3A_58 = tpu.vector_load %arg16[%get3A_57] {strides = array<i32>} : memref<128xf32, #tpu.memory_space<vmem>>, vector<16xf32>,
    %iota3A = tpu.iota {dimensions = array<i32: 0>} : vector<16xi32>
    %eq3A = arith.constant 0 : i32
    %eq3A_59 = vector.broadcast %eq3A : i32 to vector<16xi32>
    %eq3A_60 = arith.cmpi eq, %iota3A, %eq3A_59 : vector<16xi32>
    %barrier3A = arith.constant 0 : index
    tpu.barrier barrier_id(%barrier3A)
    %dma_start3A = arith.constant 0 : i32
    %dma_start3A_61 = arith.constant 0 : i32
    %dma_start3A_62 = tpu.memref_slice %arg3[%add3A, %dma_start3A, %dma_start3A_61] : memref<32x202x100xi32, #tpu.memory_space<hbm>> -> memref<1x1x100xi32, #tpu.memory_space<hbm>>
    %dma_start3A_63 = tpu.memref_squeeze %dma_start3A_62 : memref<1x1x100xi32, #tpu.memory_space<hbm>> -> memref<100xi32, #tpu.memory_space<hbm>>
    %dma_start3A_64 = arith.constant 0 : i32
    %dma_start3A_65 = tpu.memref_slice %arg3[%add3A, %dma_start3A, %dma_start3A_64] : memref<32x202x100xi32, #tpu.memory_space<hbm>> -> memref<1x1x100xi32, #tpu.memory_space<hbm>>
    %dma_start3A_66 = tpu.memref_squeeze %dma_start3A_65 : memref<1x1x100xi32, #tpu.memory_space<hbm>> -> memref<100xi32, #tpu.memory_space<hbm>>
    tpu.enqueue_dma source(%dma_start3A_66 : memref<100xi32, #tpu.memory_space<hbm>>) target(%arg8 : memref<100xi32, #tpu.memory_space<vmem>>) target_semaphore(%arg19 : memref<!tpu.dma_semaphore, #tpu.memory_space<semaphore_mem>>)
    %dma_wait3A = arith.constant 0 : i32
    %dma_wait3A_67 = arith.constant 0 : i32
    %dma_wait3A_68 = tpu.memref_slice %arg3[%add3A, %dma_wait3A, %dma_wait3A_67] : memref<32x202x100xi32, #tpu.memory_space<hbm>> -> memref<1x1x100xi32, #tpu.memory_space<hbm>>
    %dma_wait3A_69 = tpu.memref_squeeze %dma_wait3A_68 : memref<1x1x100xi32, #tpu.memory_space<hbm>> -> memref<100xi32, #tpu.memory_space<hbm>>
    %dma_wait3A_70 = arith.constant 0 : i32
    %dma_wait3A_71 = tpu.memref_slice %arg3[%add3A, %dma_wait3A, %dma_wait3A_70] : memref<32x202x100xi32, #tpu.memory_space<hbm>> -> memref<1x1x100xi32, #tpu.memory_space<hbm>>
    %dma_wait3A_72 = tpu.memref_squeeze %dma_wait3A_71 : memref<1x1x100xi32, #tpu.memory_space<hbm>> -> memref<100xi32, #tpu.memory_space<hbm>>
    tpu.wait_dma2 semaphore(%arg19 : memref<!tpu.dma_semaphore, #tpu.memory_space<semaphore_mem>>) src(%dma_wait3A_72 : memref<100xi32, #tpu.memory_space<hbm>>) dst(%arg8 : memref<100xi32, #tpu.memory_space<vmem>>)
    %dma_start3A_73 = arith.constant 0 : i32
    %dma_start3A_74 = arith.constant 0 : i32
    %dma_start3A_75 = tpu.memref_slice %arg2[%dma_start3A_73, %dma_start3A_74] : memref<20000x128xbf16, #tpu.memory_space<hbm>> -> memref<20000x128xbf16, #tpu.memory_space<hbm>>
    tpu.enqueue_indirect_dma source(%dma_start3A_75 : memref<20000x128xbf16, #tpu.memory_space<hbm>>) target(%arg10 : memref<100x128xbf16, #tpu.memory_space<vmem>>) offsets(%arg8 : memref<100xi32, #tpu.memory_space<vmem>>) semaphore(%arg17 : memref<!tpu.dma_semaphore, #tpu.memory_space<semaphore_mem>>)
    %dma_start3A_76 = arith.constant 1 : i32
    %dma_start3A_77 = arith.constant 0 : i32
    %dma_start3A_78 = tpu.memref_slice %arg3[%add3A, %dma_start3A_76, %dma_start3A_77] : memref<32x202x100xi32, #tpu.memory_space<hbm>> -> memref<1x1x100xi32, #tpu.memory_space<hbm>>
    %dma_start3A_79 = tpu.memref_squeeze %dma_start3A_78 : memref<1x1x100xi32, #tpu.memory_space<hbm>> -> memref<100xi32, #tpu.memory_space<hbm>>
    %dma_start3A_80 = arith.constant 0 : i32
    %dma_start3A_81 = tpu.memref_slice %arg3[%add3A, %dma_start3A_76, %dma_start3A_80] : memref<32x202x100xi32, #tpu.memory_space<hbm>> -> memref<1x1x100xi32, #tpu.memory_space<hbm>>
    %dma_start3A_82 = tpu.memref_squeeze %dma_start3A_81 : memref<1x1x100xi32, #tpu.memory_space<hbm>> -> memref<100xi32, #tpu.memory_space<hbm>>
    tpu.enqueue_dma source(%dma_start3A_82 : memref<100xi32, #tpu.memory_space<hbm>>) target(%arg9 : memref<100xi32, #tpu.memory_space<vmem>>) target_semaphore(%arg20 : memref<!tpu.dma_semaphore, #tpu.memory_space<semaphore_mem>>)
    %dma_wait3A_83 = arith.constant 1 : i32
    %dma_wait3A_84 = arith.constant 0 : i32
    %dma_wait3A_85 = tpu.memref_slice %arg3[%add3A, %dma_wait3A_83, %dma_wait3A_84] : memref<32x202x100xi32, #tpu.memory_space<hbm>> -> memref<1x1x100xi32, #tpu.memory_space<hbm>>
    %dma_wait3A_86 = tpu.memref_squeeze %dma_wait3A_85 : memref<1x1x100xi32, #tpu.memory_space<hbm>> -> memref<100xi32, #tpu.memory_space<hbm>>
    %dma_wait3A_87 = arith.constant 0 : i32
    %dma_wait3A_88 = tpu.memref_slice %arg3[%add3A, %dma_wait3A_83, %dma_wait3A_87] : memref<32x202x100xi32, #tpu.memory_space<hbm>> -> memref<1x1x100xi32, #tpu.memory_space<hbm>>
    %dma_wait3A_89 = tpu.memref_squeeze %dma_wait3A_88 : memref<1x1x100xi32, #tpu.memory_space<hbm>> -> memref<100xi32, #tpu.memory_space<hbm>>
    tpu.wait_dma2 semaphore(%arg20 : memref<!tpu.dma_semaphore, #tpu.memory_space<semaphore_mem>>) src(%dma_wait3A_89 : memref<100xi32, #tpu.memory_space<hbm>>) dst(%arg9 : memref<100xi32, #tpu.memory_space<vmem>>)
    %dma_start3A_90 = arith.constant 0 : i32
    %dma_start3A_91 = arith.constant 0 : i32
    %dma_start3A_92 = tpu.memref_slice %arg7[%dma_start3A_90, %dma_start3A_91] : memref<10000x144xf32, #tpu.memory_space<vmem_shared>> -> memref<10000x144xf32, #tpu.memory_space<vmem_shared>>
    tpu.enqueue_indirect_dma source(%arg14 : memref<50x144xf32, #tpu.memory_space<vmem>>) target(%dma_start3A_92 : memref<10000x144xf32, #tpu.memory_space<vmem_shared>>) offsets(%arg12 : memref<50xi32, #tpu.memory_space<vmem>>) semaphore(%arg21 : memref<!tpu.dma_semaphore, #tpu.memory_space<semaphore_mem>>) {add = true}
    %dma_start3A_93 = arith.constant 0 : i32
    %dma_start3A_94 = arith.constant 0 : i32
    %dma_start3A_95 = tpu.memref_slice %arg7[%dma_start3A_93, %dma_start3A_94] : memref<10000x144xf32, #tpu.memory_space<vmem_shared>> -> memref<10000x144xf32, #tpu.memory_space<vmem_shared>>
    tpu.enqueue_indirect_dma source(%arg14 : memref<50x144xf32, #tpu.memory_space<vmem>>) target(%dma_start3A_95 : memref<10000x144xf32, #tpu.memory_space<vmem_shared>>) offsets(%arg13 : memref<50xi32, #tpu.memory_space<vmem>>) semaphore(%arg22 : memref<!tpu.dma_semaphore, #tpu.memory_space<semaphore_mem>>) {add = true}
    %scan3A_96 = arith.constant 0 : i32
    %scan3A_97 = arith.constant 100 : i32
    %scan3A_98 = arith.addi %scan3A_96, %scan3A_97 : i32
    %scan3A_99 = arith.constant 1 : i32
    scf.for %scan3A_119 = %scan3A_96 to %scan3A_98 step %scan3A_99  : i32 {
      %mul3A_120 = arith.constant 2 : i32
      %mul3A_121 = arith.muli %scan3A_119, %mul3A_120 : i32
      %add3A_122 = arith.constant 0 : i32
      %add3A_123 = arith.addi %add3A_122, %mul3A_121 : i32
      %dma_start3A_124 = arith.constant 0 : i32
      %dma_start3A_125 = arith.constant 0 : i32
      %dma_start3A_126 = tpu.memref_slice %arg2[%dma_start3A_124, %dma_start3A_125] : memref<20000x128xbf16, #tpu.memory_space<hbm>> -> memref<20000x128xbf16, #tpu.memory_space<hbm>>
      tpu.enqueue_indirect_dma source(%dma_start3A_126 : memref<20000x128xbf16, #tpu.memory_space<hbm>>) target(%arg11 : memref<100x128xbf16, #tpu.memory_space<vmem>>) offsets(%arg9 : memref<100xi32, #tpu.memory_space<vmem>>) semaphore(%arg18 : memref<!tpu.dma_semaphore, #tpu.memory_space<semaphore_mem>>)
      %dma_wait3A_127 = arith.constant 0 : i32
      %dma_wait3A_128 = arith.constant 0 : i32
      %dma_wait3A_129 = tpu.memref_slice %arg2[%dma_wait3A_127, %dma_wait3A_128] : memref<20000x128xbf16, #tpu.memory_space<hbm>> -> memref<20000x128xbf16, #tpu.memory_space<hbm>>
      tpu.wait_indirect_dma semaphore(%arg17 : memref<!tpu.dma_semaphore, #tpu.memory_space<semaphore_mem>>) src(%dma_wait3A_129 : memref<20000x128xbf16, #tpu.memory_space<hbm>>) dst(%arg10 : memref<100x128xbf16, #tpu.memory_space<vmem>>)
      %dma_wait3A_130 = arith.constant 0 : i32
      %dma_wait3A_131 = arith.constant 0 : i32
      %dma_wait3A_132 = tpu.memref_slice %arg7[%dma_wait3A_130, %dma_wait3A_131] : memref<10000x144xf32, #tpu.memory_space<vmem_shared>> -> memref<10000x144xf32, #tpu.memory_space<vmem_shared>>
      tpu.wait_indirect_dma semaphore(%arg21 : memref<!tpu.dma_semaphore, #tpu.memory_space<semaphore_mem>>) src(%arg14 : memref<50x144xf32, #tpu.memory_space<vmem>>) dst(%dma_wait3A_132 : memref<10000x144xf32, #tpu.memory_space<vmem_shared>>)
      %get3A_133 = arith.constant 50 : index
      %get3A_134 = tpu.vector_load %arg8[%get3A_133] {strides = array<i32>} : memref<100xi32, #tpu.memory_space<vmem>>, vector<16xi32>,
      %sub3A = arith.constant 10000 : i32
      %sub3A_135 = vector.broadcast %sub3A : i32 to vector<16xi32>
      %sub3A_136 = arith.subi %get3A_134, %sub3A_135 : vector<16xi32>
      %swap3A_137 = arith.constant 0 : index
      %swap3A_138 = tpu.vector_load %arg12[%swap3A_137] {strides = array<i32>} : memref<50xi32, #tpu.memory_space<vmem>>, vector<16xi32>,
      tpu.vector_store %arg12[%swap3A_137], %sub3A_136 {strides = array<i32>} : memref<50xi32, #tpu.memory_space<vmem>>, vector<16xi32>,
      %get3A_139 = arith.constant 66 : index
      %get3A_140 = tpu.vector_load %arg8[%get3A_139] {strides = array<i32>} : memref<100xi32, #tpu.memory_space<vmem>>, vector<16xi32>,
      %sub3A_141 = arith.constant 10000 : i32
      %sub3A_142 = vector.broadcast %sub3A_141 : i32 to vector<16xi32>
      %sub3A_143 = arith.subi %get3A_140, %sub3A_142 : vector<16xi32>
      %swap3A_144 = arith.constant 16 : index
      %swap3A_145 = tpu.vector_load %arg12[%swap3A_144] {strides = array<i32>} : memref<50xi32, #tpu.memory_space<vmem>>, vector<16xi32>,
      tpu.vector_store %arg12[%swap3A_144], %sub3A_143 {strides = array<i32>} : memref<50xi32, #tpu.memory_space<vmem>>, vector<16xi32>,
      %get3A_146 = arith.constant 82 : index
      %get3A_147 = tpu.vector_load %arg8[%get3A_146] {strides = array<i32>} : memref<100xi32, #tpu.memory_space<vmem>>, vector<16xi32>,
      %sub3A_148 = arith.constant 10000 : i32
      %sub3A_149 = vector.broadcast %sub3A_148 : i32 to vector<16xi32>
      %sub3A_150 = arith.subi %get3A_147, %sub3A_149 : vector<16xi32>
      %swap3A_151 = arith.constant 32 : index
      %swap3A_152 = tpu.vector_load %arg12[%swap3A_151] {strides = array<i32>} : memref<50xi32, #tpu.memory_space<vmem>>, vector<16xi32>,
      tpu.vector_store %arg12[%swap3A_151], %sub3A_150 {strides = array<i32>} : memref<50xi32, #tpu.memory_space<vmem>>, vector<16xi32>,
      %get3A_153 = arith.constant 84 : index
      %get3A_154 = tpu.vector_load %arg8[%get3A_153] {strides = array<i32>} : memref<100xi32, #tpu.memory_space<vmem>>, vector<16xi32>,
      %sub3A_155 = arith.constant 10000 : i32
      %sub3A_156 = vector.broadcast %sub3A_155 : i32 to vector<16xi32>
      %sub3A_157 = arith.subi %get3A_154, %sub3A_156 : vector<16xi32>
      %swap3A_158 = arith.constant 34 : index
      %swap3A_159 = tpu.vector_load %arg12[%swap3A_158] {strides = array<i32>} : memref<50xi32, #tpu.memory_space<vmem>>, vector<16xi32>,
      tpu.vector_store %arg12[%swap3A_158], %sub3A_157 {strides = array<i32>} : memref<50xi32, #tpu.memory_space<vmem>>, vector<16xi32>,
      %add3A_160 = arith.constant 2 : i32
      %add3A_161 = arith.addi %add3A_123, %add3A_160 : i32
      %dma_start3A_162 = arith.constant 0 : i32
      %dma_start3A_163 = tpu.memref_slice %arg3[%add3A, %add3A_161, %dma_start3A_162] : memref<32x202x100xi32, #tpu.memory_space<hbm>> -> memref<1x1x100xi32, #tpu.memory_space<hbm>>
      %dma_start3A_164 = tpu.memref_squeeze %dma_start3A_163 : memref<1x1x100xi32, #tpu.memory_space<hbm>> -> memref<100xi32, #tpu.memory_space<hbm>>
      %dma_start3A_165 = arith.constant 0 : i32
      %dma_start3A_166 = tpu.memref_slice %arg3[%add3A, %add3A_161, %dma_start3A_165] : memref<32x202x100xi32, #tpu.memory_space<hbm>> -> memref<1x1x100xi32, #tpu.memory_space<hbm>>
      %dma_start3A_167 = tpu.memref_squeeze %dma_start3A_166 : memref<1x1x100xi32, #tpu.memory_space<hbm>> -> memref<100xi32, #tpu.memory_space<hbm>>
      tpu.enqueue_dma source(%dma_start3A_167 : memref<100xi32, #tpu.memory_space<hbm>>) target(%arg8 : memref<100xi32, #tpu.memory_space<vmem>>) target_semaphore(%arg19 : memref<!tpu.dma_semaphore, #tpu.memory_space<semaphore_mem>>)
      %parallel_loop3A = arith.constant 0 : i32
      %parallel_loop3A_168 = arith.constant 50 : i32
      %parallel_loop3A_169 = arith.constant 1 : i32
      scf.for %parallel_loop3A_240 = %parallel_loop3A to %parallel_loop3A_168 step %parallel_loop3A_169  : i32 {
        %parallel_loop3A_241 = arith.index_cast %parallel_loop3A_240 : i32 to index
        %parallel_loop3A_242 = arith.constant 0 : index
        %parallel_loop3A_243 = tpu.vector_load %arg10[%parallel_loop3A_241, %parallel_loop3A_242] {strides = array<i32>} : memref<100x128xbf16, #tpu.memory_space<vmem>>, vector<32xbf16>,
        %parallel_loop3A_244 = arith.constant 50 : i32
        %parallel_loop3A_245 = arith.addi %parallel_loop3A_244, %parallel_loop3A_240 : i32
        %parallel_loop3A_246 = arith.index_cast %parallel_loop3A_245 : i32 to index
        %parallel_loop3A_247 = arith.constant 0 : index
        %parallel_loop3A_248 = tpu.vector_load %arg10[%parallel_loop3A_246, %parallel_loop3A_247] {strides = array<i32>} : memref<100x128xbf16, #tpu.memory_space<vmem>>, vector<32xbf16>,
        %parallel_loop3A_249 = tpu.unpack_subelements %parallel_loop3A_243, 0 {pack_format = #tpu.pack_format<interleaved>} : vector<32xbf16> -> vector<16xf32>
        %parallel_loop3A_250 = tpu.unpack_subelements %parallel_loop3A_243, 1 {pack_format = #tpu.pack_format<interleaved>} : vector<32xbf16> -> vector<16xf32>
        %parallel_loop3A_251 = tpu.unpack_subelements %parallel_loop3A_248, 0 {pack_format = #tpu.pack_format<interleaved>} : vector<32xbf16> -> vector<16xf32>
        %parallel_loop3A_252 = tpu.unpack_subelements %parallel_loop3A_248, 1 {pack_format = #tpu.pack_format<interleaved>} : vector<32xbf16> -> vector<16xf32>
        %parallel_loop3A_253 = arith.addf %parallel_loop3A_249, %parallel_loop3A_251 : vector<16xf32>
        %parallel_loop3A_254 = arith.constant 2.000000e-01 : f32
        %parallel_loop3A_255 = vector.broadcast %parallel_loop3A_254 : f32 to vector<16xf32>
        %parallel_loop3A_256 = arith.mulf %parallel_loop3A_253, %parallel_loop3A_255 : vector<16xf32>
        %parallel_loop3A_257 = arith.maximumf %parallel_loop3A_253, %parallel_loop3A_256 : vector<16xf32>
        %parallel_loop3A_258 = arith.mulf %parallel_loop3A_257, %get3A_44 : vector<16xf32>
        %parallel_loop3A_259 = arith.addf %parallel_loop3A_250, %parallel_loop3A_252 : vector<16xf32>
        %parallel_loop3A_260 = arith.constant 2.000000e-01 : f32
        %parallel_loop3A_261 = vector.broadcast %parallel_loop3A_260 : f32 to vector<16xf32>
        %parallel_loop3A_262 = arith.mulf %parallel_loop3A_259, %parallel_loop3A_261 : vector<16xf32>
        %parallel_loop3A_263 = arith.maximumf %parallel_loop3A_259, %parallel_loop3A_262 : vector<16xf32>
        %parallel_loop3A_264 = arith.mulf %parallel_loop3A_263, %get3A_46 : vector<16xf32>
        %parallel_loop3A_265 = arith.addf %parallel_loop3A_258, %parallel_loop3A_264 : vector<16xf32>
        %parallel_loop3A_266 = arith.index_cast %parallel_loop3A_240 : i32 to index
        %parallel_loop3A_267 = arith.constant 32 : index
        %parallel_loop3A_268 = tpu.vector_load %arg10[%parallel_loop3A_266, %parallel_loop3A_267] {strides = array<i32>} : memref<100x128xbf16, #tpu.memory_space<vmem>>, vector<32xbf16>,
        %parallel_loop3A_269 = arith.constant 50 : i32
        %parallel_loop3A_270 = arith.addi %parallel_loop3A_269, %parallel_loop3A_240 : i32
        %parallel_loop3A_271 = arith.index_cast %parallel_loop3A_270 : i32 to index
        %parallel_loop3A_272 = arith.constant 32 : index
        %parallel_loop3A_273 = tpu.vector_load %arg10[%parallel_loop3A_271, %parallel_loop3A_272] {strides = array<i32>} : memref<100x128xbf16, #tpu.memory_space<vmem>>, vector<32xbf16>,
        %parallel_loop3A_274 = tpu.unpack_subelements %parallel_loop3A_268, 0 {pack_format = #tpu.pack_format<interleaved>} : vector<32xbf16> -> vector<16xf32>
        %parallel_loop3A_275 = tpu.unpack_subelements %parallel_loop3A_268, 1 {pack_format = #tpu.pack_format<interleaved>} : vector<32xbf16> -> vector<16xf32>
        %parallel_loop3A_276 = tpu.unpack_subelements %parallel_loop3A_273, 0 {pack_format = #tpu.pack_format<interleaved>} : vector<32xbf16> -> vector<16xf32>
        %parallel_loop3A_277 = tpu.unpack_subelements %parallel_loop3A_273, 1 {pack_format = #tpu.pack_format<interleaved>} : vector<32xbf16> -> vector<16xf32>
        %parallel_loop3A_278 = arith.addf %parallel_loop3A_274, %parallel_loop3A_276 : vector<16xf32>
        %parallel_loop3A_279 = arith.constant 2.000000e-01 : f32
        %parallel_loop3A_280 = vector.broadcast %parallel_loop3A_279 : f32 to vector<16xf32>
        %parallel_loop3A_281 = arith.mulf %parallel_loop3A_278, %parallel_loop3A_280 : vector<16xf32>
        %parallel_loop3A_282 = arith.maximumf %parallel_loop3A_278, %parallel_loop3A_281 : vector<16xf32>
        %parallel_loop3A_283 = arith.mulf %parallel_loop3A_282, %get3A_48 : vector<16xf32>
        %parallel_loop3A_284 = arith.addf %parallel_loop3A_265, %parallel_loop3A_283 : vector<16xf32>
        %parallel_loop3A_285 = arith.addf %parallel_loop3A_275, %parallel_loop3A_277 : vector<16xf32>
        %parallel_loop3A_286 = arith.constant 2.000000e-01 : f32
        %parallel_loop3A_287 = vector.broadcast %parallel_loop3A_286 : f32 to vector<16xf32>
        %parallel_loop3A_288 = arith.mulf %parallel_loop3A_285, %parallel_loop3A_287 : vector<16xf32>
        %parallel_loop3A_289 = arith.maximumf %parallel_loop3A_285, %parallel_loop3A_288 : vector<16xf32>
        %parallel_loop3A_290 = arith.mulf %parallel_loop3A_289, %get3A_50 : vector<16xf32>
        %parallel_loop3A_291 = arith.addf %parallel_loop3A_284, %parallel_loop3A_290 : vector<16xf32>
        %parallel_loop3A_292 = arith.index_cast %parallel_loop3A_240 : i32 to index
        %parallel_loop3A_293 = arith.constant 64 : index
        %parallel_loop3A_294 = tpu.vector_load %arg10[%parallel_loop3A_292, %parallel_loop3A_293] {strides = array<i32>} : memref<100x128xbf16, #tpu.memory_space<vmem>>, vector<32xbf16>,
        %parallel_loop3A_295 = arith.constant 50 : i32
        %parallel_loop3A_296 = arith.addi %parallel_loop3A_295, %parallel_loop3A_240 : i32
        %parallel_loop3A_297 = arith.index_cast %parallel_loop3A_296 : i32 to index
        %parallel_loop3A_298 = arith.constant 64 : index
        %parallel_loop3A_299 = tpu.vector_load %arg10[%parallel_loop3A_297, %parallel_loop3A_298] {strides = array<i32>} : memref<100x128xbf16, #tpu.memory_space<vmem>>, vector<32xbf16>,
        %parallel_loop3A_300 = tpu.unpack_subelements %parallel_loop3A_294, 0 {pack_format = #tpu.pack_format<interleaved>} : vector<32xbf16> -> vector<16xf32>
        %parallel_loop3A_301 = tpu.unpack_subelements %parallel_loop3A_294, 1 {pack_format = #tpu.pack_format<interleaved>} : vector<32xbf16> -> vector<16xf32>
        %parallel_loop3A_302 = tpu.unpack_subelements %parallel_loop3A_299, 0 {pack_format = #tpu.pack_format<interleaved>} : vector<32xbf16> -> vector<16xf32>
        %parallel_loop3A_303 = tpu.unpack_subelements %parallel_loop3A_299, 1 {pack_format = #tpu.pack_format<interleaved>} : vector<32xbf16> -> vector<16xf32>
        %parallel_loop3A_304 = arith.addf %parallel_loop3A_300, %parallel_loop3A_302 : vector<16xf32>
        %parallel_loop3A_305 = arith.constant 2.000000e-01 : f32
        %parallel_loop3A_306 = vector.broadcast %parallel_loop3A_305 : f32 to vector<16xf32>
        %parallel_loop3A_307 = arith.mulf %parallel_loop3A_304, %parallel_loop3A_306 : vector<16xf32>
        %parallel_loop3A_308 = arith.maximumf %parallel_loop3A_304, %parallel_loop3A_307 : vector<16xf32>
        %parallel_loop3A_309 = arith.mulf %parallel_loop3A_308, %get3A_52 : vector<16xf32>
        %parallel_loop3A_310 = arith.addf %parallel_loop3A_291, %parallel_loop3A_309 : vector<16xf32>
        %parallel_loop3A_311 = arith.addf %parallel_loop3A_301, %parallel_loop3A_303 : vector<16xf32>
        %parallel_loop3A_312 = arith.constant 2.000000e-01 : f32
        %parallel_loop3A_313 = vector.broadcast %parallel_loop3A_312 : f32 to vector<16xf32>
        %parallel_loop3A_314 = arith.mulf %parallel_loop3A_311, %parallel_loop3A_313 : vector<16xf32>
        %parallel_loop3A_315 = arith.maximumf %parallel_loop3A_311, %parallel_loop3A_314 : vector<16xf32>
        %parallel_loop3A_316 = arith.mulf %parallel_loop3A_315, %get3A_54 : vector<16xf32>
        %parallel_loop3A_317 = arith.addf %parallel_loop3A_310, %parallel_loop3A_316 : vector<16xf32>
        %parallel_loop3A_318 = arith.index_cast %parallel_loop3A_240 : i32 to index
        %parallel_loop3A_319 = arith.constant 96 : index
        %parallel_loop3A_320 = tpu.vector_load %arg10[%parallel_loop3A_318, %parallel_loop3A_319] {strides = array<i32>} : memref<100x128xbf16, #tpu.memory_space<vmem>>, vector<32xbf16>,
        %parallel_loop3A_321 = arith.constant 50 : i32
        %parallel_loop3A_322 = arith.addi %parallel_loop3A_321, %parallel_loop3A_240 : i32
        %parallel_loop3A_323 = arith.index_cast %parallel_loop3A_322 : i32 to index
        %parallel_loop3A_324 = arith.constant 96 : index
        %parallel_loop3A_325 = tpu.vector_load %arg10[%parallel_loop3A_323, %parallel_loop3A_324] {strides = array<i32>} : memref<100x128xbf16, #tpu.memory_space<vmem>>, vector<32xbf16>,
        %parallel_loop3A_326 = tpu.unpack_subelements %parallel_loop3A_320, 0 {pack_format = #tpu.pack_format<interleaved>} : vector<32xbf16> -> vector<16xf32>
        %parallel_loop3A_327 = tpu.unpack_subelements %parallel_loop3A_320, 1 {pack_format = #tpu.pack_format<interleaved>} : vector<32xbf16> -> vector<16xf32>
        %parallel_loop3A_328 = tpu.unpack_subelements %parallel_loop3A_325, 0 {pack_format = #tpu.pack_format<interleaved>} : vector<32xbf16> -> vector<16xf32>
        %parallel_loop3A_329 = tpu.unpack_subelements %parallel_loop3A_325, 1 {pack_format = #tpu.pack_format<interleaved>} : vector<32xbf16> -> vector<16xf32>
        %parallel_loop3A_330 = arith.addf %parallel_loop3A_326, %parallel_loop3A_328 : vector<16xf32>
        %parallel_loop3A_331 = arith.constant 2.000000e-01 : f32
        %parallel_loop3A_332 = vector.broadcast %parallel_loop3A_331 : f32 to vector<16xf32>
        %parallel_loop3A_333 = arith.mulf %parallel_loop3A_330, %parallel_loop3A_332 : vector<16xf32>
        %parallel_loop3A_334 = arith.maximumf %parallel_loop3A_330, %parallel_loop3A_333 : vector<16xf32>
        %parallel_loop3A_335 = arith.mulf %parallel_loop3A_334, %get3A_56 : vector<16xf32>
        %parallel_loop3A_336 = arith.addf %parallel_loop3A_317, %parallel_loop3A_335 : vector<16xf32>
        %parallel_loop3A_337 = arith.addf %parallel_loop3A_327, %parallel_loop3A_329 : vector<16xf32>
        %parallel_loop3A_338 = arith.constant 2.000000e-01 : f32
        %parallel_loop3A_339 = vector.broadcast %parallel_loop3A_338 : f32 to vector<16xf32>
        %parallel_loop3A_340 = arith.mulf %parallel_loop3A_337, %parallel_loop3A_339 : vector<16xf32>
        %parallel_loop3A_341 = arith.maximumf %parallel_loop3A_337, %parallel_loop3A_340 : vector<16xf32>
        %parallel_loop3A_342 = arith.mulf %parallel_loop3A_341, %get3A_58 : vector<16xf32>
        %parallel_loop3A_343 = arith.addf %parallel_loop3A_336, %parallel_loop3A_342 : vector<16xf32>
        %parallel_loop3A_344 = arith.constant true
        %parallel_loop3A_345 = vector.broadcast %parallel_loop3A_344 : i1 to vector<16xi1>
        %parallel_loop3A_346 = tpu.scan <sum>, %parallel_loop3A_343 masked %parallel_loop3A_345 : vector<16xf32>, vector<16xi1> -> vector<16xf32>
        %parallel_loop3A_347 = vector.extract %parallel_loop3A_346[15] : f32 from vector<16xf32>
        %parallel_loop3A_348 = arith.constant 7.500000e+01 : f32
        %parallel_loop3A_349 = arith.minimumf %parallel_loop3A_347, %parallel_loop3A_348 : f32
        %parallel_loop3A_350 = vector.broadcast %parallel_loop3A_349 : f32 to vector<16xf32>
        %parallel_loop3A_351 = math.exp %parallel_loop3A_350 : vector<16xf32>
        %parallel_loop3A_352 = arith.mulf %parallel_loop3A_249, %parallel_loop3A_351 : vector<16xf32>
        %parallel_loop3A_353 = arith.index_cast %parallel_loop3A_240 : i32 to index
        %parallel_loop3A_354 = arith.constant 0 : index
        %parallel_loop3A_355 = tpu.vector_load %arg14[%parallel_loop3A_353, %parallel_loop3A_354] {strides = array<i32>} : memref<50x144xf32, #tpu.memory_space<vmem>>, vector<16xf32>,
        tpu.vector_store %arg14[%parallel_loop3A_353, %parallel_loop3A_354], %parallel_loop3A_352 {strides = array<i32>} : memref<50x144xf32, #tpu.memory_space<vmem>>, vector<16xf32>,
        %parallel_loop3A_356 = arith.mulf %parallel_loop3A_250, %parallel_loop3A_351 : vector<16xf32>
        %parallel_loop3A_357 = arith.index_cast %parallel_loop3A_240 : i32 to index
        %parallel_loop3A_358 = arith.constant 16 : index
        %parallel_loop3A_359 = tpu.vector_load %arg14[%parallel_loop3A_357, %parallel_loop3A_358] {strides = array<i32>} : memref<50x144xf32, #tpu.memory_space<vmem>>, vector<16xf32>,
        tpu.vector_store %arg14[%parallel_loop3A_357, %parallel_loop3A_358], %parallel_loop3A_356 {strides = array<i32>} : memref<50x144xf32, #tpu.memory_space<vmem>>, vector<16xf32>,
        %parallel_loop3A_360 = arith.mulf %parallel_loop3A_274, %parallel_loop3A_351 : vector<16xf32>
        %parallel_loop3A_361 = arith.index_cast %parallel_loop3A_240 : i32 to index
        %parallel_loop3A_362 = arith.constant 32 : index
        %parallel_loop3A_363 = tpu.vector_load %arg14[%parallel_loop3A_361, %parallel_loop3A_362] {strides = array<i32>} : memref<50x144xf32, #tpu.memory_space<vmem>>, vector<16xf32>,
        tpu.vector_store %arg14[%parallel_loop3A_361, %parallel_loop3A_362], %parallel_loop3A_360 {strides = array<i32>} : memref<50x144xf32, #tpu.memory_space<vmem>>, vector<16xf32>,
        %parallel_loop3A_364 = arith.mulf %parallel_loop3A_275, %parallel_loop3A_351 : vector<16xf32>
        %parallel_loop3A_365 = arith.index_cast %parallel_loop3A_240 : i32 to index
        %parallel_loop3A_366 = arith.constant 48 : index
        %parallel_loop3A_367 = tpu.vector_load %arg14[%parallel_loop3A_365, %parallel_loop3A_366] {strides = array<i32>} : memref<50x144xf32, #tpu.memory_space<vmem>>, vector<16xf32>,
        tpu.vector_store %arg14[%parallel_loop3A_365, %parallel_loop3A_366], %parallel_loop3A_364 {strides = array<i32>} : memref<50x144xf32, #tpu.memory_space<vmem>>, vector<16xf32>,
        %parallel_loop3A_368 = arith.mulf %parallel_loop3A_300, %parallel_loop3A_351 : vector<16xf32>
        %parallel_loop3A_369 = arith.index_cast %parallel_loop3A_240 : i32 to index
        %parallel_loop3A_370 = arith.constant 64 : index
        %parallel_loop3A_371 = tpu.vector_load %arg14[%parallel_loop3A_369, %parallel_loop3A_370] {strides = array<i32>} : memref<50x144xf32, #tpu.memory_space<vmem>>, vector<16xf32>,
        tpu.vector_store %arg14[%parallel_loop3A_369, %parallel_loop3A_370], %parallel_loop3A_368 {strides = array<i32>} : memref<50x144xf32, #tpu.memory_space<vmem>>, vector<16xf32>,
        %parallel_loop3A_372 = arith.mulf %parallel_loop3A_301, %parallel_loop3A_351 : vector<16xf32>
        %parallel_loop3A_373 = arith.index_cast %parallel_loop3A_240 : i32 to index
        %parallel_loop3A_374 = arith.constant 80 : index
        %parallel_loop3A_375 = tpu.vector_load %arg14[%parallel_loop3A_373, %parallel_loop3A_374] {strides = array<i32>} : memref<50x144xf32, #tpu.memory_space<vmem>>, vector<16xf32>,
        tpu.vector_store %arg14[%parallel_loop3A_373, %parallel_loop3A_374], %parallel_loop3A_372 {strides = array<i32>} : memref<50x144xf32, #tpu.memory_space<vmem>>, vector<16xf32>,
        %parallel_loop3A_376 = arith.mulf %parallel_loop3A_326, %parallel_loop3A_351 : vector<16xf32>
        %parallel_loop3A_377 = arith.index_cast %parallel_loop3A_240 : i32 to index
        %parallel_loop3A_378 = arith.constant 96 : index
        %parallel_loop3A_379 = tpu.vector_load %arg14[%parallel_loop3A_377, %parallel_loop3A_378] {strides = array<i32>} : memref<50x144xf32, #tpu.memory_space<vmem>>, vector<16xf32>,
        tpu.vector_store %arg14[%parallel_loop3A_377, %parallel_loop3A_378], %parallel_loop3A_376 {strides = array<i32>} : memref<50x144xf32, #tpu.memory_space<vmem>>, vector<16xf32>,
        %parallel_loop3A_380 = arith.mulf %parallel_loop3A_327, %parallel_loop3A_351 : vector<16xf32>
        %parallel_loop3A_381 = arith.index_cast %parallel_loop3A_240 : i32 to index
        %parallel_loop3A_382 = arith.constant 112 : index
        %parallel_loop3A_383 = tpu.vector_load %arg14[%parallel_loop3A_381, %parallel_loop3A_382] {strides = array<i32>} : memref<50x144xf32, #tpu.memory_space<vmem>>, vector<16xf32>,
        tpu.vector_store %arg14[%parallel_loop3A_381, %parallel_loop3A_382], %parallel_loop3A_380 {strides = array<i32>} : memref<50x144xf32, #tpu.memory_space<vmem>>, vector<16xf32>,
        %parallel_loop3A_384 = arith.constant 0.000000e+00 : f32
        %parallel_loop3A_385 = vector.broadcast %parallel_loop3A_384 : f32 to vector<16xf32>
        %parallel_loop3A_386 = arith.select %eq3A_60, %parallel_loop3A_351, %parallel_loop3A_385 : vector<16xi1>, vector<16xf32>
        %parallel_loop3A_387 = arith.index_cast %parallel_loop3A_240 : i32 to index
        %parallel_loop3A_388 = arith.constant 128 : index
        %parallel_loop3A_389 = tpu.vector_load %arg14[%parallel_loop3A_387, %parallel_loop3A_388] {strides = array<i32>} : memref<50x144xf32, #tpu.memory_space<vmem>>, vector<16xf32>,
        tpu.vector_store %arg14[%parallel_loop3A_387, %parallel_loop3A_388], %parallel_loop3A_386 {strides = array<i32>} : memref<50x144xf32, #tpu.memory_space<vmem>>, vector<16xf32>,
      } {sc.loop_unroll_factor = 2 : i64, sc.parallel_access}
      %dma_start3A_170 = arith.constant 0 : i32
      %dma_start3A_171 = arith.constant 0 : i32
      %dma_start3A_172 = tpu.memref_slice %arg7[%dma_start3A_170, %dma_start3A_171] : memref<10000x144xf32, #tpu.memory_space<vmem_shared>> -> memref<10000x144xf32, #tpu.memory_space<vmem_shared>>
      tpu.enqueue_indirect_dma source(%arg14 : memref<50x144xf32, #tpu.memory_space<vmem>>) target(%dma_start3A_172 : memref<10000x144xf32, #tpu.memory_space<vmem_shared>>) offsets(%arg12 : memref<50xi32, #tpu.memory_space<vmem>>) semaphore(%arg21 : memref<!tpu.dma_semaphore, #tpu.memory_space<semaphore_mem>>) {add = true}
      %add3A_173 = arith.constant 2 : i32
      %add3A_174 = arith.addi %add3A_123, %add3A_173 : i32
      %dma_wait3A_175 = arith.constant 0 : i32
      %dma_wait3A_176 = tpu.memref_slice %arg3[%add3A, %add3A_174, %dma_wait3A_175] : memref<32x202x100xi32, #tpu.memory_space<hbm>> -> memref<1x1x100xi32, #tpu.memory_space<hbm>>
      %dma_wait3A_177 = tpu.memref_squeeze %dma_wait3A_176 : memref<1x1x100xi32, #tpu.memory_space<hbm>> -> memref<100xi32, #tpu.memory_space<hbm>>
      %dma_wait3A_178 = arith.constant 0 : i32
      %dma_wait3A_179 = tpu.memref_slice %arg3[%add3A, %add3A_174, %dma_wait3A_178] : memref<32x202x100xi32, #tpu.memory_space<hbm>> -> memref<1x1x100xi32, #tpu.memory_space<hbm>>
      %dma_wait3A_180 = tpu.memref_squeeze %dma_wait3A_179 : memref<1x1x100xi32, #tpu.memory_space<hbm>> -> memref<100xi32, #tpu.memory_space<hbm>>
      tpu.wait_dma2 semaphore(%arg19 : memref<!tpu.dma_semaphore, #tpu.memory_space<semaphore_mem>>) src(%dma_wait3A_180 : memref<100xi32, #tpu.memory_space<hbm>>) dst(%arg8 : memref<100xi32, #tpu.memory_space<vmem>>)
      %dma_start3A_181 = arith.constant 0 : i32
      %dma_start3A_182 = arith.constant 0 : i32
      %dma_start3A_183 = tpu.memref_slice %arg2[%dma_start3A_181, %dma_start3A_182] : memref<20000x128xbf16, #tpu.memory_space<hbm>> -> memref<20000x128xbf16, #tpu.memory_space<hbm>>
      tpu.enqueue_indirect_dma source(%dma_start3A_183 : memref<20000x128xbf16, #tpu.memory_space<hbm>>) target(%arg10 : memref<100x128xbf16, #tpu.memory_space<vmem>>) offsets(%arg8 : memref<100xi32, #tpu.memory_space<vmem>>) semaphore(%arg17 : memref<!tpu.dma_semaphore, #tpu.memory_space<semaphore_mem>>)
      %dma_wait3A_184 = arith.constant 0 : i32
      %dma_wait3A_185 = arith.constant 0 : i32
      %dma_wait3A_186 = tpu.memref_slice %arg2[%dma_wait3A_184, %dma_wait3A_185] : memref<20000x128xbf16, #tpu.memory_space<hbm>> -> memref<20000x128xbf16, #tpu.memory_space<hbm>>
      tpu.wait_indirect_dma semaphore(%arg18 : memref<!tpu.dma_semaphore, #tpu.memory_space<semaphore_mem>>) src(%dma_wait3A_186 : memref<20000x128xbf16, #tpu.memory_space<hbm>>) dst(%arg11 : memref<100x128xbf16, #tpu.memory_space<vmem>>)
      %dma_wait3A_187 = arith.constant 0 : i32
      %dma_wait3A_188 = arith.constant 0 : i32
      %dma_wait3A_189 = tpu.memref_slice %arg7[%dma_wait3A_187, %dma_wait3A_188] : memref<10000x144xf32, #tpu.memory_space<vmem_shared>> -> memref<10000x144xf32, #tpu.memory_space<vmem_shared>>
      tpu.wait_indirect_dma semaphore(%arg22 : memref<!tpu.dma_semaphore, #tpu.memory_space<semaphore_mem>>) src(%arg15 : memref<50x144xf32, #tpu.memory_space<vmem>>) dst(%dma_wait3A_189 : memref<10000x144xf32, #tpu.memory_space<vmem_shared>>)
      %get3A_190 = arith.constant 50 : index
      %get3A_191 = tpu.vector_load %arg9[%get3A_190] {strides = array<i32>} : memref<100xi32, #tpu.memory_space<vmem>>, vector<16xi32>,
      %sub3A_192 = arith.constant 10000 : i32
      %sub3A_193 = vector.broadcast %sub3A_192 : i32 to vector<16xi32>
      %sub3A_194 = arith.subi %get3A_191, %sub3A_193 : vector<16xi32>
      %swap3A_195 = arith.constant 0 : index
      %swap3A_196 = tpu.vector_load %arg13[%swap3A_195] {strides = array<i32>} : memref<50xi32, #tpu.memory_space<vmem>>, vector<16xi32>,
      tpu.vector_store %arg13[%swap3A_195], %sub3A_194 {strides = array<i32>} : memref<50xi32, #tpu.memory_space<vmem>>, vector<16xi32>,
      %get3A_197 = arith.constant 66 : index
      %get3A_198 = tpu.vector_load %arg9[%get3A_197] {strides = array<i32>} : memref<100xi32, #tpu.memory_space<vmem>>, vector<16xi32>,
      %sub3A_199 = arith.constant 10000 : i32
      %sub3A_200 = vector.broadcast %sub3A_199 : i32 to vector<16xi32>
      %sub3A_201 = arith.subi %get3A_198, %sub3A_200 : vector<16xi32>
      %swap3A_202 = arith.constant 16 : index
      %swap3A_203 = tpu.vector_load %arg13[%swap3A_202] {strides = array<i32>} : memref<50xi32, #tpu.memory_space<vmem>>, vector<16xi32>,
      tpu.vector_store %arg13[%swap3A_202], %sub3A_201 {strides = array<i32>} : memref<50xi32, #tpu.memory_space<vmem>>, vector<16xi32>,
      %get3A_204 = arith.constant 82 : index
      %get3A_205 = tpu.vector_load %arg9[%get3A_204] {strides = array<i32>} : memref<100xi32, #tpu.memory_space<vmem>>, vector<16xi32>,
      %sub3A_206 = arith.constant 10000 : i32
      %sub3A_207 = vector.broadcast %sub3A_206 : i32 to vector<16xi32>
      %sub3A_208 = arith.subi %get3A_205, %sub3A_207 : vector<16xi32>
      %swap3A_209 = arith.constant 32 : index
      %swap3A_210 = tpu.vector_load %arg13[%swap3A_209] {strides = array<i32>} : memref<50xi32, #tpu.memory_space<vmem>>, vector<16xi32>,
      tpu.vector_store %arg13[%swap3A_209], %sub3A_208 {strides = array<i32>} : memref<50xi32, #tpu.memory_space<vmem>>, vector<16xi32>,
      %get3A_211 = arith.constant 84 : index
      %get3A_212 = tpu.vector_load %arg9[%get3A_211] {strides = array<i32>} : memref<100xi32, #tpu.memory_space<vmem>>, vector<16xi32>,
      %sub3A_213 = arith.constant 10000 : i32
      %sub3A_214 = vector.broadcast %sub3A_213 : i32 to vector<16xi32>
      %sub3A_215 = arith.subi %get3A_212, %sub3A_214 : vector<16xi32>
      %swap3A_216 = arith.constant 34 : index
      %swap3A_217 = tpu.vector_load %arg13[%swap3A_216] {strides = array<i32>} : memref<50xi32, #tpu.memory_space<vmem>>, vector<16xi32>,
      tpu.vector_store %arg13[%swap3A_216], %sub3A_215 {strides = array<i32>} : memref<50xi32, #tpu.memory_space<vmem>>, vector<16xi32>,
      %add3A_218 = arith.constant 3 : i32
      %add3A_219 = arith.addi %add3A_123, %add3A_218 : i32
      %dma_start3A_220 = arith.constant 0 : i32
      %dma_start3A_221 = tpu.memref_slice %arg3[%add3A, %add3A_219, %dma_start3A_220] : memref<32x202x100xi32, #tpu.memory_space<hbm>> -> memref<1x1x100xi32, #tpu.memory_space<hbm>>
      %dma_start3A_222 = tpu.memref_squeeze %dma_start3A_221 : memref<1x1x100xi32, #tpu.memory_space<hbm>> -> memref<100xi32, #tpu.memory_space<hbm>>
      %dma_start3A_223 = arith.constant 0 : i32
      %dma_start3A_224 = tpu.memref_slice %arg3[%add3A, %add3A_219, %dma_start3A_223] : memref<32x202x100xi32, #tpu.memory_space<hbm>> -> memref<1x1x100xi32, #tpu.memory_space<hbm>>
      %dma_start3A_225 = tpu.memref_squeeze %dma_start3A_224 : memref<1x1x100xi32, #tpu.memory_space<hbm>> -> memref<100xi32, #tpu.memory_space<hbm>>
      tpu.enqueue_dma source(%dma_start3A_225 : memref<100xi32, #tpu.memory_space<hbm>>) target(%arg9 : memref<100xi32, #tpu.memory_space<vmem>>) target_semaphore(%arg20 : memref<!tpu.dma_semaphore, #tpu.memory_space<semaphore_mem>>)
      %parallel_loop3A_226 = arith.constant 0 : i32
      %parallel_loop3A_227 = arith.constant 50 : i32
      %parallel_loop3A_228 = arith.constant 1 : i32
      scf.for %parallel_loop3A_240 = %parallel_loop3A_226 to %parallel_loop3A_227 step %parallel_loop3A_228  : i32 {
        %parallel_loop3A_241 = arith.index_cast %parallel_loop3A_240 : i32 to index
        %parallel_loop3A_242 = arith.constant 0 : index
        %parallel_loop3A_243 = tpu.vector_load %arg11[%parallel_loop3A_241, %parallel_loop3A_242] {strides = array<i32>} : memref<100x128xbf16, #tpu.memory_space<vmem>>, vector<32xbf16>,
        %parallel_loop3A_244 = arith.constant 50 : i32
        %parallel_loop3A_245 = arith.addi %parallel_loop3A_244, %parallel_loop3A_240 : i32
        %parallel_loop3A_246 = arith.index_cast %parallel_loop3A_245 : i32 to index
        %parallel_loop3A_247 = arith.constant 0 : index
        %parallel_loop3A_248 = tpu.vector_load %arg11[%parallel_loop3A_246, %parallel_loop3A_247] {strides = array<i32>} : memref<100x128xbf16, #tpu.memory_space<vmem>>, vector<32xbf16>,
        %parallel_loop3A_249 = tpu.unpack_subelements %parallel_loop3A_243, 0 {pack_format = #tpu.pack_format<interleaved>} : vector<32xbf16> -> vector<16xf32>
        %parallel_loop3A_250 = tpu.unpack_subelements %parallel_loop3A_243, 1 {pack_format = #tpu.pack_format<interleaved>} : vector<32xbf16> -> vector<16xf32>
        %parallel_loop3A_251 = tpu.unpack_subelements %parallel_loop3A_248, 0 {pack_format = #tpu.pack_format<interleaved>} : vector<32xbf16> -> vector<16xf32>
        %parallel_loop3A_252 = tpu.unpack_subelements %parallel_loop3A_248, 1 {pack_format = #tpu.pack_format<interleaved>} : vector<32xbf16> -> vector<16xf32>
        %parallel_loop3A_253 = arith.addf %parallel_loop3A_249, %parallel_loop3A_251 : vector<16xf32>
        %parallel_loop3A_254 = arith.constant 2.000000e-01 : f32
        %parallel_loop3A_255 = vector.broadcast %parallel_loop3A_254 : f32 to vector<16xf32>
        %parallel_loop3A_256 = arith.mulf %parallel_loop3A_253, %parallel_loop3A_255 : vector<16xf32>
        %parallel_loop3A_257 = arith.maximumf %parallel_loop3A_253, %parallel_loop3A_256 : vector<16xf32>
        %parallel_loop3A_258 = arith.mulf %parallel_loop3A_257, %get3A_44 : vector<16xf32>
        %parallel_loop3A_259 = arith.addf %parallel_loop3A_250, %parallel_loop3A_252 : vector<16xf32>
        %parallel_loop3A_260 = arith.constant 2.000000e-01 : f32
        %parallel_loop3A_261 = vector.broadcast %parallel_loop3A_260 : f32 to vector<16xf32>
        %parallel_loop3A_262 = arith.mulf %parallel_loop3A_259, %parallel_loop3A_261 : vector<16xf32>
        %parallel_loop3A_263 = arith.maximumf %parallel_loop3A_259, %parallel_loop3A_262 : vector<16xf32>
        %parallel_loop3A_264 = arith.mulf %parallel_loop3A_263, %get3A_46 : vector<16xf32>
        %parallel_loop3A_265 = arith.addf %parallel_loop3A_258, %parallel_loop3A_264 : vector<16xf32>
        %parallel_loop3A_266 = arith.index_cast %parallel_loop3A_240 : i32 to index
        %parallel_loop3A_267 = arith.constant 32 : index
        %parallel_loop3A_268 = tpu.vector_load %arg11[%parallel_loop3A_266, %parallel_loop3A_267] {strides = array<i32>} : memref<100x128xbf16, #tpu.memory_space<vmem>>, vector<32xbf16>,
        %parallel_loop3A_269 = arith.constant 50 : i32
        %parallel_loop3A_270 = arith.addi %parallel_loop3A_269, %parallel_loop3A_240 : i32
        %parallel_loop3A_271 = arith.index_cast %parallel_loop3A_270 : i32 to index
        %parallel_loop3A_272 = arith.constant 32 : index
        %parallel_loop3A_273 = tpu.vector_load %arg11[%parallel_loop3A_271, %parallel_loop3A_272] {strides = array<i32>} : memref<100x128xbf16, #tpu.memory_space<vmem>>, vector<32xbf16>,
        %parallel_loop3A_274 = tpu.unpack_subelements %parallel_loop3A_268, 0 {pack_format = #tpu.pack_format<interleaved>} : vector<32xbf16> -> vector<16xf32>
        %parallel_loop3A_275 = tpu.unpack_subelements %parallel_loop3A_268, 1 {pack_format = #tpu.pack_format<interleaved>} : vector<32xbf16> -> vector<16xf32>
        %parallel_loop3A_276 = tpu.unpack_subelements %parallel_loop3A_273, 0 {pack_format = #tpu.pack_format<interleaved>} : vector<32xbf16> -> vector<16xf32>
        %parallel_loop3A_277 = tpu.unpack_subelements %parallel_loop3A_273, 1 {pack_format = #tpu.pack_format<interleaved>} : vector<32xbf16> -> vector<16xf32>
        %parallel_loop3A_278 = arith.addf %parallel_loop3A_274, %parallel_loop3A_276 : vector<16xf32>
        %parallel_loop3A_279 = arith.constant 2.000000e-01 : f32
        %parallel_loop3A_280 = vector.broadcast %parallel_loop3A_279 : f32 to vector<16xf32>
        %parallel_loop3A_281 = arith.mulf %parallel_loop3A_278, %parallel_loop3A_280 : vector<16xf32>
        %parallel_loop3A_282 = arith.maximumf %parallel_loop3A_278, %parallel_loop3A_281 : vector<16xf32>
        %parallel_loop3A_283 = arith.mulf %parallel_loop3A_282, %get3A_48 : vector<16xf32>
        %parallel_loop3A_284 = arith.addf %parallel_loop3A_265, %parallel_loop3A_283 : vector<16xf32>
        %parallel_loop3A_285 = arith.addf %parallel_loop3A_275, %parallel_loop3A_277 : vector<16xf32>
        %parallel_loop3A_286 = arith.constant 2.000000e-01 : f32
        %parallel_loop3A_287 = vector.broadcast %parallel_loop3A_286 : f32 to vector<16xf32>
        %parallel_loop3A_288 = arith.mulf %parallel_loop3A_285, %parallel_loop3A_287 : vector<16xf32>
        %parallel_loop3A_289 = arith.maximumf %parallel_loop3A_285, %parallel_loop3A_288 : vector<16xf32>
        %parallel_loop3A_290 = arith.mulf %parallel_loop3A_289, %get3A_50 : vector<16xf32>
        %parallel_loop3A_291 = arith.addf %parallel_loop3A_284, %parallel_loop3A_290 : vector<16xf32>
        %parallel_loop3A_292 = arith.index_cast %parallel_loop3A_240 : i32 to index
        %parallel_loop3A_293 = arith.constant 64 : index
        %parallel_loop3A_294 = tpu.vector_load %arg11[%parallel_loop3A_292, %parallel_loop3A_293] {strides = array<i32>} : memref<100x128xbf16, #tpu.memory_space<vmem>>, vector<32xbf16>,
        %parallel_loop3A_295 = arith.constant 50 : i32
        %parallel_loop3A_296 = arith.addi %parallel_loop3A_295, %parallel_loop3A_240 : i32
        %parallel_loop3A_297 = arith.index_cast %parallel_loop3A_296 : i32 to index
        %parallel_loop3A_298 = arith.constant 64 : index
        %parallel_loop3A_299 = tpu.vector_load %arg11[%parallel_loop3A_297, %parallel_loop3A_298] {strides = array<i32>} : memref<100x128xbf16, #tpu.memory_space<vmem>>, vector<32xbf16>,
        %parallel_loop3A_300 = tpu.unpack_subelements %parallel_loop3A_294, 0 {pack_format = #tpu.pack_format<interleaved>} : vector<32xbf16> -> vector<16xf32>
        %parallel_loop3A_301 = tpu.unpack_subelements %parallel_loop3A_294, 1 {pack_format = #tpu.pack_format<interleaved>} : vector<32xbf16> -> vector<16xf32>
        %parallel_loop3A_302 = tpu.unpack_subelements %parallel_loop3A_299, 0 {pack_format = #tpu.pack_format<interleaved>} : vector<32xbf16> -> vector<16xf32>
        %parallel_loop3A_303 = tpu.unpack_subelements %parallel_loop3A_299, 1 {pack_format = #tpu.pack_format<interleaved>} : vector<32xbf16> -> vector<16xf32>
        %parallel_loop3A_304 = arith.addf %parallel_loop3A_300, %parallel_loop3A_302 : vector<16xf32>
        %parallel_loop3A_305 = arith.constant 2.000000e-01 : f32
        %parallel_loop3A_306 = vector.broadcast %parallel_loop3A_305 : f32 to vector<16xf32>
        %parallel_loop3A_307 = arith.mulf %parallel_loop3A_304, %parallel_loop3A_306 : vector<16xf32>
        %parallel_loop3A_308 = arith.maximumf %parallel_loop3A_304, %parallel_loop3A_307 : vector<16xf32>
        %parallel_loop3A_309 = arith.mulf %parallel_loop3A_308, %get3A_52 : vector<16xf32>
        %parallel_loop3A_310 = arith.addf %parallel_loop3A_291, %parallel_loop3A_309 : vector<16xf32>
        %parallel_loop3A_311 = arith.addf %parallel_loop3A_301, %parallel_loop3A_303 : vector<16xf32>
        %parallel_loop3A_312 = arith.constant 2.000000e-01 : f32
        %parallel_loop3A_313 = vector.broadcast %parallel_loop3A_312 : f32 to vector<16xf32>
        %parallel_loop3A_314 = arith.mulf %parallel_loop3A_311, %parallel_loop3A_313 : vector<16xf32>
        %parallel_loop3A_315 = arith.maximumf %parallel_loop3A_311, %parallel_loop3A_314 : vector<16xf32>
        %parallel_loop3A_316 = arith.mulf %parallel_loop3A_315, %get3A_54 : vector<16xf32>
        %parallel_loop3A_317 = arith.addf %parallel_loop3A_310, %parallel_loop3A_316 : vector<16xf32>
        %parallel_loop3A_318 = arith.index_cast %parallel_loop3A_240 : i32 to index
        %parallel_loop3A_319 = arith.constant 96 : index
        %parallel_loop3A_320 = tpu.vector_load %arg11[%parallel_loop3A_318, %parallel_loop3A_319] {strides = array<i32>} : memref<100x128xbf16, #tpu.memory_space<vmem>>, vector<32xbf16>,
        %parallel_loop3A_321 = arith.constant 50 : i32
        %parallel_loop3A_322 = arith.addi %parallel_loop3A_321, %parallel_loop3A_240 : i32
        %parallel_loop3A_323 = arith.index_cast %parallel_loop3A_322 : i32 to index
        %parallel_loop3A_324 = arith.constant 96 : index
        %parallel_loop3A_325 = tpu.vector_load %arg11[%parallel_loop3A_323, %parallel_loop3A_324] {strides = array<i32>} : memref<100x128xbf16, #tpu.memory_space<vmem>>, vector<32xbf16>,
        %parallel_loop3A_326 = tpu.unpack_subelements %parallel_loop3A_320, 0 {pack_format = #tpu.pack_format<interleaved>} : vector<32xbf16> -> vector<16xf32>
        %parallel_loop3A_327 = tpu.unpack_subelements %parallel_loop3A_320, 1 {pack_format = #tpu.pack_format<interleaved>} : vector<32xbf16> -> vector<16xf32>
        %parallel_loop3A_328 = tpu.unpack_subelements %parallel_loop3A_325, 0 {pack_format = #tpu.pack_format<interleaved>} : vector<32xbf16> -> vector<16xf32>
        %parallel_loop3A_329 = tpu.unpack_subelements %parallel_loop3A_325, 1 {pack_format = #tpu.pack_format<interleaved>} : vector<32xbf16> -> vector<16xf32>
        %parallel_loop3A_330 = arith.addf %parallel_loop3A_326, %parallel_loop3A_328 : vector<16xf32>
        %parallel_loop3A_331 = arith.constant 2.000000e-01 : f32
        %parallel_loop3A_332 = vector.broadcast %parallel_loop3A_331 : f32 to vector<16xf32>
        %parallel_loop3A_333 = arith.mulf %parallel_loop3A_330, %parallel_loop3A_332 : vector<16xf32>
        %parallel_loop3A_334 = arith.maximumf %parallel_loop3A_330, %parallel_loop3A_333 : vector<16xf32>
        %parallel_loop3A_335 = arith.mulf %parallel_loop3A_334, %get3A_56 : vector<16xf32>
        %parallel_loop3A_336 = arith.addf %parallel_loop3A_317, %parallel_loop3A_335 : vector<16xf32>
        %parallel_loop3A_337 = arith.addf %parallel_loop3A_327, %parallel_loop3A_329 : vector<16xf32>
        %parallel_loop3A_338 = arith.constant 2.000000e-01 : f32
        %parallel_loop3A_339 = vector.broadcast %parallel_loop3A_338 : f32 to vector<16xf32>
        %parallel_loop3A_340 = arith.mulf %parallel_loop3A_337, %parallel_loop3A_339 : vector<16xf32>
        %parallel_loop3A_341 = arith.maximumf %parallel_loop3A_337, %parallel_loop3A_340 : vector<16xf32>
        %parallel_loop3A_342 = arith.mulf %parallel_loop3A_341, %get3A_58 : vector<16xf32>
        %parallel_loop3A_343 = arith.addf %parallel_loop3A_336, %parallel_loop3A_342 : vector<16xf32>
        %parallel_loop3A_344 = arith.constant true
        %parallel_loop3A_345 = vector.broadcast %parallel_loop3A_344 : i1 to vector<16xi1>
        %parallel_loop3A_346 = tpu.scan <sum>, %parallel_loop3A_343 masked %parallel_loop3A_345 : vector<16xf32>, vector<16xi1> -> vector<16xf32>
        %parallel_loop3A_347 = vector.extract %parallel_loop3A_346[15] : f32 from vector<16xf32>
        %parallel_loop3A_348 = arith.constant 7.500000e+01 : f32
        %parallel_loop3A_349 = arith.minimumf %parallel_loop3A_347, %parallel_loop3A_348 : f32
        %parallel_loop3A_350 = vector.broadcast %parallel_loop3A_349 : f32 to vector<16xf32>
        %parallel_loop3A_351 = math.exp %parallel_loop3A_350 : vector<16xf32>
        %parallel_loop3A_352 = arith.mulf %parallel_loop3A_249, %parallel_loop3A_351 : vector<16xf32>
        %parallel_loop3A_353 = arith.index_cast %parallel_loop3A_240 : i32 to index
        %parallel_loop3A_354 = arith.constant 0 : index
        %parallel_loop3A_355 = tpu.vector_load %arg15[%parallel_loop3A_353, %parallel_loop3A_354] {strides = array<i32>} : memref<50x144xf32, #tpu.memory_space<vmem>>, vector<16xf32>,
        tpu.vector_store %arg15[%parallel_loop3A_353, %parallel_loop3A_354], %parallel_loop3A_352 {strides = array<i32>} : memref<50x144xf32, #tpu.memory_space<vmem>>, vector<16xf32>,
        %parallel_loop3A_356 = arith.mulf %parallel_loop3A_250, %parallel_loop3A_351 : vector<16xf32>
        %parallel_loop3A_357 = arith.index_cast %parallel_loop3A_240 : i32 to index
        %parallel_loop3A_358 = arith.constant 16 : index
        %parallel_loop3A_359 = tpu.vector_load %arg15[%parallel_loop3A_357, %parallel_loop3A_358] {strides = array<i32>} : memref<50x144xf32, #tpu.memory_space<vmem>>, vector<16xf32>,
        tpu.vector_store %arg15[%parallel_loop3A_357, %parallel_loop3A_358], %parallel_loop3A_356 {strides = array<i32>} : memref<50x144xf32, #tpu.memory_space<vmem>>, vector<16xf32>,
        %parallel_loop3A_360 = arith.mulf %parallel_loop3A_274, %parallel_loop3A_351 : vector<16xf32>
        %parallel_loop3A_361 = arith.index_cast %parallel_loop3A_240 : i32 to index
        %parallel_loop3A_362 = arith.constant 32 : index
        %parallel_loop3A_363 = tpu.vector_load %arg15[%parallel_loop3A_361, %parallel_loop3A_362] {strides = array<i32>} : memref<50x144xf32, #tpu.memory_space<vmem>>, vector<16xf32>,
        tpu.vector_store %arg15[%parallel_loop3A_361, %parallel_loop3A_362], %parallel_loop3A_360 {strides = array<i32>} : memref<50x144xf32, #tpu.memory_space<vmem>>, vector<16xf32>,
        %parallel_loop3A_364 = arith.mulf %parallel_loop3A_275, %parallel_loop3A_351 : vector<16xf32>
        %parallel_loop3A_365 = arith.index_cast %parallel_loop3A_240 : i32 to index
        %parallel_loop3A_366 = arith.constant 48 : index
        %parallel_loop3A_367 = tpu.vector_load %arg15[%parallel_loop3A_365, %parallel_loop3A_366] {strides = array<i32>} : memref<50x144xf32, #tpu.memory_space<vmem>>, vector<16xf32>,
        tpu.vector_store %arg15[%parallel_loop3A_365, %parallel_loop3A_366], %parallel_loop3A_364 {strides = array<i32>} : memref<50x144xf32, #tpu.memory_space<vmem>>, vector<16xf32>,
        %parallel_loop3A_368 = arith.mulf %parallel_loop3A_300, %parallel_loop3A_351 : vector<16xf32>
        %parallel_loop3A_369 = arith.index_cast %parallel_loop3A_240 : i32 to index
        %parallel_loop3A_370 = arith.constant 64 : index
        %parallel_loop3A_371 = tpu.vector_load %arg15[%parallel_loop3A_369, %parallel_loop3A_370] {strides = array<i32>} : memref<50x144xf32, #tpu.memory_space<vmem>>, vector<16xf32>,
        tpu.vector_store %arg15[%parallel_loop3A_369, %parallel_loop3A_370], %parallel_loop3A_368 {strides = array<i32>} : memref<50x144xf32, #tpu.memory_space<vmem>>, vector<16xf32>,
        %parallel_loop3A_372 = arith.mulf %parallel_loop3A_301, %parallel_loop3A_351 : vector<16xf32>
        %parallel_loop3A_373 = arith.index_cast %parallel_loop3A_240 : i32 to index
        %parallel_loop3A_374 = arith.constant 80 : index
        %parallel_loop3A_375 = tpu.vector_load %arg15[%parallel_loop3A_373, %parallel_loop3A_374] {strides = array<i32>} : memref<50x144xf32, #tpu.memory_space<vmem>>, vector<16xf32>,
        tpu.vector_store %arg15[%parallel_loop3A_373, %parallel_loop3A_374], %parallel_loop3A_372 {strides = array<i32>} : memref<50x144xf32, #tpu.memory_space<vmem>>, vector<16xf32>,
        %parallel_loop3A_376 = arith.mulf %parallel_loop3A_326, %parallel_loop3A_351 : vector<16xf32>
        %parallel_loop3A_377 = arith.index_cast %parallel_loop3A_240 : i32 to index
        %parallel_loop3A_378 = arith.constant 96 : index
        %parallel_loop3A_379 = tpu.vector_load %arg15[%parallel_loop3A_377, %parallel_loop3A_378] {strides = array<i32>} : memref<50x144xf32, #tpu.memory_space<vmem>>, vector<16xf32>,
        tpu.vector_store %arg15[%parallel_loop3A_377, %parallel_loop3A_378], %parallel_loop3A_376 {strides = array<i32>} : memref<50x144xf32, #tpu.memory_space<vmem>>, vector<16xf32>,
        %parallel_loop3A_380 = arith.mulf %parallel_loop3A_327, %parallel_loop3A_351 : vector<16xf32>
        %parallel_loop3A_381 = arith.index_cast %parallel_loop3A_240 : i32 to index
        %parallel_loop3A_382 = arith.constant 112 : index
        %parallel_loop3A_383 = tpu.vector_load %arg15[%parallel_loop3A_381, %parallel_loop3A_382] {strides = array<i32>} : memref<50x144xf32, #tpu.memory_space<vmem>>, vector<16xf32>,
        tpu.vector_store %arg15[%parallel_loop3A_381, %parallel_loop3A_382], %parallel_loop3A_380 {strides = array<i32>} : memref<50x144xf32, #tpu.memory_space<vmem>>, vector<16xf32>,
        %parallel_loop3A_384 = arith.constant 0.000000e+00 : f32
        %parallel_loop3A_385 = vector.broadcast %parallel_loop3A_384 : f32 to vector<16xf32>
        %parallel_loop3A_386 = arith.select %eq3A_60, %parallel_loop3A_351, %parallel_loop3A_385 : vector<16xi1>, vector<16xf32>
        %parallel_loop3A_387 = arith.index_cast %parallel_loop3A_240 : i32 to index
        %parallel_loop3A_388 = arith.constant 128 : index
        %parallel_loop3A_389 = tpu.vector_load %arg15[%parallel_loop3A_387, %parallel_loop3A_388] {strides = array<i32>} : memref<50x144xf32, #tpu.memory_space<vmem>>, vector<16xf32>,
        tpu.vector_store %arg15[%parallel_loop3A_387, %parallel_loop3A_388], %parallel_loop3A_386 {strides = array<i32>} : memref<50x144xf32, #tpu.memory_space<vmem>>, vector<16xf32>,
      } {sc.loop_unroll_factor = 2 : i64, sc.parallel_access}
      %dma_start3A_229 = arith.constant 0 : i32
      %dma_start3A_230 = arith.constant 0 : i32
      %dma_start3A_231 = tpu.memref_slice %arg7[%dma_start3A_229, %dma_start3A_230] : memref<10000x144xf32, #tpu.memory_space<vmem_shared>> -> memref<10000x144xf32, #tpu.memory_space<vmem_shared>>
      tpu.enqueue_indirect_dma source(%arg15 : memref<50x144xf32, #tpu.memory_space<vmem>>) target(%dma_start3A_231 : memref<10000x144xf32, #tpu.memory_space<vmem_shared>>) offsets(%arg13 : memref<50xi32, #tpu.memory_space<vmem>>) semaphore(%arg22 : memref<!tpu.dma_semaphore, #tpu.memory_space<semaphore_mem>>) {add = true}
      %add3A_232 = arith.constant 3 : i32
      %add3A_233 = arith.addi %add3A_123, %add3A_232 : i32
      %dma_wait3A_234 = arith.constant 0 : i32
      %dma_wait3A_235 = tpu.memref_slice %arg3[%add3A, %add3A_233, %dma_wait3A_234] : memref<32x202x100xi32, #tpu.memory_space<hbm>> -> memref<1x1x100xi32, #tpu.memory_space<hbm>>
      %dma_wait3A_236 = tpu.memref_squeeze %dma_wait3A_235 : memref<1x1x100xi32, #tpu.memory_space<hbm>> -> memref<100xi32, #tpu.memory_space<hbm>>
      %dma_wait3A_237 = arith.constant 0 : i32
      %dma_wait3A_238 = tpu.memref_slice %arg3[%add3A, %add3A_233, %dma_wait3A_237] : memref<32x202x100xi32, #tpu.memory_space<hbm>> -> memref<1x1x100xi32, #tpu.memory_space<hbm>>
      %dma_wait3A_239 = tpu.memref_squeeze %dma_wait3A_238 : memref<1x1x100xi32, #tpu.memory_space<hbm>> -> memref<100xi32, #tpu.memory_space<hbm>>
      tpu.wait_dma2 semaphore(%arg20 : memref<!tpu.dma_semaphore, #tpu.memory_space<semaphore_mem>>) src(%dma_wait3A_239 : memref<100xi32, #tpu.memory_space<hbm>>) dst(%arg9 : memref<100xi32, #tpu.memory_space<vmem>>)
    }
    %scan3A_100 = arith.constant 100 : i32
    %dma_wait3A_101 = arith.constant 0 : i32
    %dma_wait3A_102 = arith.constant 0 : i32
    %dma_wait3A_103 = tpu.memref_slice %arg2[%dma_wait3A_101, %dma_wait3A_102] : memref<20000x128xbf16, #tpu.memory_space<hbm>> -> memref<20000x128xbf16, #tpu.memory_space<hbm>>
    tpu.wait_indirect_dma semaphore(%arg17 : memref<!tpu.dma_semaphore, #tpu.memory_space<semaphore_mem>>) src(%dma_wait3A_103 : memref<20000x128xbf16, #tpu.memory_space<hbm>>) dst(%arg10 : memref<100x128xbf16, #tpu.memory_space<vmem>>)
    %dma_wait3A_104 = arith.constant 0 : i32
    %dma_wait3A_105 = arith.constant 0 : i32
    %dma_wait3A_106 = tpu.memref_slice %arg7[%dma_wait3A_104, %dma_wait3A_105] : memref<10000x144xf32, #tpu.memory_space<vmem_shared>> -> memref<10000x144xf32, #tpu.memory_space<vmem_shared>>
    tpu.wait_indirect_dma semaphore(%arg21 : memref<!tpu.dma_semaphore, #tpu.memory_space<semaphore_mem>>) src(%arg14 : memref<50x144xf32, #tpu.memory_space<vmem>>) dst(%dma_wait3A_106 : memref<10000x144xf32, #tpu.memory_space<vmem_shared>>)
    %dma_wait3A_107 = arith.constant 0 : i32
    %dma_wait3A_108 = arith.constant 0 : i32
    %dma_wait3A_109 = tpu.memref_slice %arg7[%dma_wait3A_107, %dma_wait3A_108] : memref<10000x144xf32, #tpu.memory_space<vmem_shared>> -> memref<10000x144xf32, #tpu.memory_space<vmem_shared>>
    tpu.wait_indirect_dma semaphore(%arg22 : memref<!tpu.dma_semaphore, #tpu.memory_space<semaphore_mem>>) src(%arg15 : memref<50x144xf32, #tpu.memory_space<vmem>>) dst(%dma_wait3A_109 : memref<10000x144xf32, #tpu.memory_space<vmem_shared>>)
    %barrier3A_110 = arith.constant 0 : index
    tpu.barrier barrier_id(%barrier3A_110)
    %eq3A_111 = arith.constant 0 : i32
    %eq3A_112 = arith.cmpi eq, %arg0, %eq3A_111 : i32
    %convert_element_type3A = arith.extui %eq3A_112 : i1 to i32
    %cond3A = arith.constant 0 : i32
    %cond3A_113 = arith.cmpi ne, %convert_element_type3A, %cond3A : i32
    scf.if %cond3A_113 {
      "tpu.region"() ({
        %run_scoped3A = tpu.sem_alloc : memref<!tpu.dma_semaphore, #tpu.memory_space<semaphore_mem>>
        %dma_start3A_119 = arith.constant 0 : i32
        %dma_start3A_120 = tpu.memref_slice %arg5[%mul3A_2, %dma_start3A_119] : memref<10000x144xf32, #tpu.memory_space<hbm>> -> memref<625x144xf32, #tpu.memory_space<hbm>>
        %dma_start3A_121 = arith.constant 0 : i32
        %dma_start3A_122 = tpu.memref_slice %arg7[%mul3A_2, %dma_start3A_121] : memref<10000x144xf32, #tpu.memory_space<vmem_shared>> -> memref<625x144xf32, #tpu.memory_space<vmem_shared>>
        tpu.enqueue_dma source(%dma_start3A_122 : memref<625x144xf32, #tpu.memory_space<vmem_shared>>) target(%dma_start3A_120 : memref<625x144xf32, #tpu.memory_space<hbm>>) target_semaphore(%run_scoped3A : memref<!tpu.dma_semaphore, #tpu.memory_space<semaphore_mem>>)
        %dma_wait3A_123 = arith.constant 0 : i32
        %dma_wait3A_124 = tpu.memref_slice %arg5[%mul3A_2, %dma_wait3A_123] : memref<10000x144xf32, #tpu.memory_space<hbm>> -> memref<625x144xf32, #tpu.memory_space<hbm>>
        %dma_wait3A_125 = arith.constant 0 : i32
        %dma_wait3A_126 = tpu.memref_slice %arg7[%mul3A_2, %dma_wait3A_125] : memref<10000x144xf32, #tpu.memory_space<vmem_shared>> -> memref<625x144xf32, #tpu.memory_space<vmem_shared>>
        tpu.wait_dma2 semaphore(%run_scoped3A : memref<!tpu.dma_semaphore, #tpu.memory_space<semaphore_mem>>) src(%dma_wait3A_126 : memref<625x144xf32, #tpu.memory_space<vmem_shared>>) dst(%dma_wait3A_124 : memref<625x144xf32, #tpu.memory_space<hbm>>)
        tpu.yield
      }) : () -> ()
    } else {
    }
    %eq3A_114 = arith.constant 1 : i32
    %eq3A_115 = arith.cmpi eq, %arg0, %eq3A_114 : i32
    %convert_element_type3A_116 = arith.extui %eq3A_115 : i1 to i32
    %cond3A_117 = arith.constant 0 : i32
    %cond3A_118 = arith.cmpi ne, %convert_element_type3A_116, %cond3A_117 : i32
    scf.if %cond3A_118 {
      "tpu.region"() ({
        %run_scoped3A = tpu.sem_alloc : memref<!tpu.dma_semaphore, #tpu.memory_space<semaphore_mem>>
        %dma_start3A_119 = arith.constant 0 : i32
        %dma_start3A_120 = tpu.memref_slice %arg6[%mul3A_2, %dma_start3A_119] : memref<10000x144xf32, #tpu.memory_space<hbm>> -> memref<625x144xf32, #tpu.memory_space<hbm>>
        %dma_start3A_121 = arith.constant 0 : i32
        %dma_start3A_122 = tpu.memref_slice %arg7[%mul3A_2, %dma_start3A_121] : memref<10000x144xf32, #tpu.memory_space<vmem_shared>> -> memref<625x144xf32, #tpu.memory_space<vmem_shared>>
        tpu.enqueue_dma source(%dma_start3A_122 : memref<625x144xf32, #tpu.memory_space<vmem_shared>>) target(%dma_start3A_120 : memref<625x144xf32, #tpu.memory_space<hbm>>) target_semaphore(%run_scoped3A : memref<!tpu.dma_semaphore, #tpu.memory_space<semaphore_mem>>)
        %dma_wait3A_123 = arith.constant 0 : i32
        %dma_wait3A_124 = tpu.memref_slice %arg6[%mul3A_2, %dma_wait3A_123] : memref<10000x144xf32, #tpu.memory_space<hbm>> -> memref<625x144xf32, #tpu.memory_space<hbm>>
        %dma_wait3A_125 = arith.constant 0 : i32
        %dma_wait3A_126 = tpu.memref_slice %arg7[%mul3A_2, %dma_wait3A_125] : memref<10000x144xf32, #tpu.memory_space<vmem_shared>> -> memref<625x144xf32, #tpu.memory_space<vmem_shared>>
        tpu.wait_dma2 semaphore(%run_scoped3A : memref<!tpu.dma_semaphore, #tpu.memory_space<semaphore_mem>>) src(%dma_wait3A_126 : memref<625x144xf32, #tpu.memory_space<vmem_shared>>) dst(%dma_wait3A_124 : memref<625x144xf32, #tpu.memory_space<hbm>>)
        tpu.yield
      }) : () -> ()
    } else {
    }
    return
  }
}

#map = affine_map<(d0, d1) -> (0, 0)>
#map1 = affine_map<(d0, d1) -> (0, 0, 0)>
#map2 = affine_map<(d0, d1) -> (0)>
module attributes {stable_mosaic.version = 14 : i64} {
  func.func @k(%arg0: i32, %arg1: i32, %arg2: memref<20000x128xbf16, #tpu.memory_space<hbm>>, %arg3: memref<32x202x100xi32, #tpu.memory_space<hbm>>, %arg4: memref<128xf32, #tpu.memory_space<hbm>>, %arg5: memref<10000x144xf32, #tpu.memory_space<hbm>>, %arg6: memref<10000x144xf32, #tpu.memory_space<hbm>>, %arg7: memref<10000x144xf32, #tpu.memory_space<vmem_shared>>, %arg8: memref<100xi32, #tpu.memory_space<vmem>>, %arg9: memref<100xi32, #tpu.memory_space<vmem>>, %arg10: memref<100x128xbf16, #tpu.memory_space<vmem>>, %arg11: memref<100x128xbf16, #tpu.memory_space<vmem>>, %arg12: memref<50xi32, #tpu.memory_space<vmem>>, %arg13: memref<50xi32, #tpu.memory_space<vmem>>, %arg14: memref<50x144xf32, #tpu.memory_space<vmem>>, %arg15: memref<50x144xf32, #tpu.memory_space<vmem>>, %arg16: memref<128xf32, #tpu.memory_space<vmem>>, %arg17: memref<!tpu.dma_semaphore, #tpu.memory_space<semaphore_mem>>, %arg18: memref<!tpu.dma_semaphore, #tpu.memory_space<semaphore_mem>>, %arg19: memref<!tpu.dma_semaphore, #tpu.memory_space<semaphore_mem>>, %arg20: memref<!tpu.dma_semaphore, #tpu.memory_space<semaphore_mem>>, %arg21: memref<!tpu.dma_semaphore, #tpu.memory_space<semaphore_mem>>, %arg22: memref<!tpu.dma_semaphore, #tpu.memory_space<semaphore_mem>>) attributes {dimension_semantics = [#tpu.dimension_semantics<core_parallel>, #tpu.dimension_semantics<subcore_parallel>], iteration_bounds = array<i64: 2, 16>, scalar_prefetch = 0 : i64, scratch_operands = 16 : i64, tpu.core_type = #tpu.core_type<sc_vector_subcore>, window_params = [{transform_indices = #map}, {transform_indices = #map1}, {transform_indices = #map2}, {transform_indices = #map}, {transform_indices = #map}]} {
    %mul3A = arith.constant 2 : i32
    %mul3A_0 = arith.muli %arg1, %mul3A : i32
    %add3A = arith.addi %mul3A_0, %arg0 : i32
    %mul3A_1 = arith.constant 625 : i32
    %mul3A_2 = arith.muli %arg1, %mul3A_1 : i32
    %scan3A = arith.constant 0 : i32
    %scan3A_3 = arith.constant 50 : i32
    %scan3A_4 = arith.addi %scan3A, %scan3A_3 : i32
    %scan3A_5 = arith.constant 1 : i32
    scf.for %scan3A_119 = %scan3A to %scan3A_4 step %scan3A_5  : i32 {
      %mul3A_120 = arith.constant 1 : i32
      %mul3A_121 = arith.muli %scan3A_119, %mul3A_120 : i32
      %add3A_122 = arith.constant 0 : i32
      %add3A_123 = arith.addi %add3A_122, %mul3A_121 : i32
      %broadcast_in_dim3A_124 = arith.constant 0.000000e+00 : f32
      %broadcast_in_dim3A_125 = vector.broadcast %broadcast_in_dim3A_124 : f32 to vector<16xf32>
      %swap3A_126 = arith.index_cast %add3A_123 : i32 to index
      %swap3A_127 = arith.constant 0 : index
      %swap3A_128 = tpu.vector_load %arg14[%swap3A_126, %swap3A_127] {strides = array<i32>} : memref<50x144xf32, #tpu.memory_space<vmem>>, vector<16xf32>,
      tpu.vector_store %arg14[%swap3A_126, %swap3A_127], %broadcast_in_dim3A_125 {strides = array<i32>} : memref<50x144xf32, #tpu.memory_space<vmem>>, vector<16xf32>,
      %broadcast_in_dim3A_129 = arith.constant 0.000000e+00 : f32
      %broadcast_in_dim3A_130 = vector.broadcast %broadcast_in_dim3A_129 : f32 to vector<16xf32>
      %swap3A_131 = arith.index_cast %add3A_123 : i32 to index
      %swap3A_132 = arith.constant 16 : index
      %swap3A_133 = tpu.vector_load %arg14[%swap3A_131, %swap3A_132] {strides = array<i32>} : memref<50x144xf32, #tpu.memory_space<vmem>>, vector<16xf32>,
      tpu.vector_store %arg14[%swap3A_131, %swap3A_132], %broadcast_in_dim3A_130 {strides = array<i32>} : memref<50x144xf32, #tpu.memory_space<vmem>>, vector<16xf32>,
      %broadcast_in_dim3A_134 = arith.constant 0.000000e+00 : f32
      %broadcast_in_dim3A_135 = vector.broadcast %broadcast_in_dim3A_134 : f32 to vector<16xf32>
      %swap3A_136 = arith.index_cast %add3A_123 : i32 to index
      %swap3A_137 = arith.constant 32 : index
      %swap3A_138 = tpu.vector_load %arg14[%swap3A_136, %swap3A_137] {strides = array<i32>} : memref<50x144xf32, #tpu.memory_space<vmem>>, vector<16xf32>,
      tpu.vector_store %arg14[%swap3A_136, %swap3A_137], %broadcast_in_dim3A_135 {strides = array<i32>} : memref<50x144xf32, #tpu.memory_space<vmem>>, vector<16xf32>,
      %broadcast_in_dim3A_139 = arith.constant 0.000000e+00 : f32
      %broadcast_in_dim3A_140 = vector.broadcast %broadcast_in_dim3A_139 : f32 to vector<16xf32>
      %swap3A_141 = arith.index_cast %add3A_123 : i32 to index
      %swap3A_142 = arith.constant 48 : index
      %swap3A_143 = tpu.vector_load %arg14[%swap3A_141, %swap3A_142] {strides = array<i32>} : memref<50x144xf32, #tpu.memory_space<vmem>>, vector<16xf32>,
      tpu.vector_store %arg14[%swap3A_141, %swap3A_142], %broadcast_in_dim3A_140 {strides = array<i32>} : memref<50x144xf32, #tpu.memory_space<vmem>>, vector<16xf32>,
      %broadcast_in_dim3A_144 = arith.constant 0.000000e+00 : f32
      %broadcast_in_dim3A_145 = vector.broadcast %broadcast_in_dim3A_144 : f32 to vector<16xf32>
      %swap3A_146 = arith.index_cast %add3A_123 : i32 to index
      %swap3A_147 = arith.constant 64 : index
      %swap3A_148 = tpu.vector_load %arg14[%swap3A_146, %swap3A_147] {strides = array<i32>} : memref<50x144xf32, #tpu.memory_space<vmem>>, vector<16xf32>,
      tpu.vector_store %arg14[%swap3A_146, %swap3A_147], %broadcast_in_dim3A_145 {strides = array<i32>} : memref<50x144xf32, #tpu.memory_space<vmem>>, vector<16xf32>,
      %broadcast_in_dim3A_149 = arith.constant 0.000000e+00 : f32
      %broadcast_in_dim3A_150 = vector.broadcast %broadcast_in_dim3A_149 : f32 to vector<16xf32>
      %swap3A_151 = arith.index_cast %add3A_123 : i32 to index
      %swap3A_152 = arith.constant 80 : index
      %swap3A_153 = tpu.vector_load %arg14[%swap3A_151, %swap3A_152] {strides = array<i32>} : memref<50x144xf32, #tpu.memory_space<vmem>>, vector<16xf32>,
      tpu.vector_store %arg14[%swap3A_151, %swap3A_152], %broadcast_in_dim3A_150 {strides = array<i32>} : memref<50x144xf32, #tpu.memory_space<vmem>>, vector<16xf32>,
      %broadcast_in_dim3A_154 = arith.constant 0.000000e+00 : f32
      %broadcast_in_dim3A_155 = vector.broadcast %broadcast_in_dim3A_154 : f32 to vector<16xf32>
      %swap3A_156 = arith.index_cast %add3A_123 : i32 to index
      %swap3A_157 = arith.constant 96 : index
      %swap3A_158 = tpu.vector_load %arg14[%swap3A_156, %swap3A_157] {strides = array<i32>} : memref<50x144xf32, #tpu.memory_space<vmem>>, vector<16xf32>,
      tpu.vector_store %arg14[%swap3A_156, %swap3A_157], %broadcast_in_dim3A_155 {strides = array<i32>} : memref<50x144xf32, #tpu.memory_space<vmem>>, vector<16xf32>,
      %broadcast_in_dim3A_159 = arith.constant 0.000000e+00 : f32
      %broadcast_in_dim3A_160 = vector.broadcast %broadcast_in_dim3A_159 : f32 to vector<16xf32>
      %swap3A_161 = arith.index_cast %add3A_123 : i32 to index
      %swap3A_162 = arith.constant 112 : index
      %swap3A_163 = tpu.vector_load %arg14[%swap3A_161, %swap3A_162] {strides = array<i32>} : memref<50x144xf32, #tpu.memory_space<vmem>>, vector<16xf32>,
      tpu.vector_store %arg14[%swap3A_161, %swap3A_162], %broadcast_in_dim3A_160 {strides = array<i32>} : memref<50x144xf32, #tpu.memory_space<vmem>>, vector<16xf32>,
      %broadcast_in_dim3A_164 = arith.constant 0.000000e+00 : f32
      %broadcast_in_dim3A_165 = vector.broadcast %broadcast_in_dim3A_164 : f32 to vector<16xf32>
      %swap3A_166 = arith.index_cast %add3A_123 : i32 to index
      %swap3A_167 = arith.constant 128 : index
      %swap3A_168 = tpu.vector_load %arg14[%swap3A_166, %swap3A_167] {strides = array<i32>} : memref<50x144xf32, #tpu.memory_space<vmem>>, vector<16xf32>,
      tpu.vector_store %arg14[%swap3A_166, %swap3A_167], %broadcast_in_dim3A_165 {strides = array<i32>} : memref<50x144xf32, #tpu.memory_space<vmem>>, vector<16xf32>,
    }
    %scan3A_6 = arith.constant 50 : i32
    %broadcast_in_dim3A = arith.constant 0 : i32
    %broadcast_in_dim3A_7 = vector.broadcast %broadcast_in_dim3A : i32 to vector<16xi32>
    %swap3A = arith.constant 0 : index
    %swap3A_8 = tpu.vector_load %arg12[%swap3A] {strides = array<i32>} : memref<50xi32, #tpu.memory_space<vmem>>, vector<16xi32>,
    tpu.vector_store %arg12[%swap3A], %broadcast_in_dim3A_7 {strides = array<i32>} : memref<50xi32, #tpu.memory_space<vmem>>, vector<16xi32>,
    %broadcast_in_dim3A_9 = arith.constant 0 : i32
    %broadcast_in_dim3A_10 = vector.broadcast %broadcast_in_dim3A_9 : i32 to vector<16xi32>
    %swap3A_11 = arith.constant 0 : index
    %swap3A_12 = tpu.vector_load %arg13[%swap3A_11] {strides = array<i32>} : memref<50xi32, #tpu.memory_space<vmem>>, vector<16xi32>,
    tpu.vector_store %arg13[%swap3A_11], %broadcast_in_dim3A_10 {strides = array<i32>} : memref<50xi32, #tpu.memory_space<vmem>>, vector<16xi32>,
    %broadcast_in_dim3A_13 = arith.constant 0 : i32
    %broadcast_in_dim3A_14 = vector.broadcast %broadcast_in_dim3A_13 : i32 to vector<16xi32>
    %swap3A_15 = arith.constant 16 : index
    %swap3A_16 = tpu.vector_load %arg12[%swap3A_15] {strides = array<i32>} : memref<50xi32, #tpu.memory_space<vmem>>, vector<16xi32>,
    tpu.vector_store %arg12[%swap3A_15], %broadcast_in_dim3A_14 {strides = array<i32>} : memref<50xi32, #tpu.memory_space<vmem>>, vector<16xi32>,
    %broadcast_in_dim3A_17 = arith.constant 0 : i32
    %broadcast_in_dim3A_18 = vector.broadcast %broadcast_in_dim3A_17 : i32 to vector<16xi32>
    %swap3A_19 = arith.constant 16 : index
    %swap3A_20 = tpu.vector_load %arg13[%swap3A_19] {strides = array<i32>} : memref<50xi32, #tpu.memory_space<vmem>>, vector<16xi32>,
    tpu.vector_store %arg13[%swap3A_19], %broadcast_in_dim3A_18 {strides = array<i32>} : memref<50xi32, #tpu.memory_space<vmem>>, vector<16xi32>,
    %broadcast_in_dim3A_21 = arith.constant 0 : i32
    %broadcast_in_dim3A_22 = vector.broadcast %broadcast_in_dim3A_21 : i32 to vector<16xi32>
    %swap3A_23 = arith.constant 32 : index
    %swap3A_24 = tpu.vector_load %arg12[%swap3A_23] {strides = array<i32>} : memref<50xi32, #tpu.memory_space<vmem>>, vector<16xi32>,
    tpu.vector_store %arg12[%swap3A_23], %broadcast_in_dim3A_22 {strides = array<i32>} : memref<50xi32, #tpu.memory_space<vmem>>, vector<16xi32>,
    %broadcast_in_dim3A_25 = arith.constant 0 : i32
    %broadcast_in_dim3A_26 = vector.broadcast %broadcast_in_dim3A_25 : i32 to vector<16xi32>
    %swap3A_27 = arith.constant 32 : index
    %swap3A_28 = tpu.vector_load %arg13[%swap3A_27] {strides = array<i32>} : memref<50xi32, #tpu.memory_space<vmem>>, vector<16xi32>,
    tpu.vector_store %arg13[%swap3A_27], %broadcast_in_dim3A_26 {strides = array<i32>} : memref<50xi32, #tpu.memory_space<vmem>>, vector<16xi32>,
    %broadcast_in_dim3A_29 = arith.constant 0 : i32
    %broadcast_in_dim3A_30 = vector.broadcast %broadcast_in_dim3A_29 : i32 to vector<16xi32>
    %swap3A_31 = arith.constant 34 : index
    %swap3A_32 = tpu.vector_load %arg12[%swap3A_31] {strides = array<i32>} : memref<50xi32, #tpu.memory_space<vmem>>, vector<16xi32>,
    tpu.vector_store %arg12[%swap3A_31], %broadcast_in_dim3A_30 {strides = array<i32>} : memref<50xi32, #tpu.memory_space<vmem>>, vector<16xi32>,
    %broadcast_in_dim3A_33 = arith.constant 0 : i32
    %broadcast_in_dim3A_34 = vector.broadcast %broadcast_in_dim3A_33 : i32 to vector<16xi32>
    %swap3A_35 = arith.constant 34 : index
    %swap3A_36 = tpu.vector_load %arg13[%swap3A_35] {strides = array<i32>} : memref<50xi32, #tpu.memory_space<vmem>>, vector<16xi32>,
    tpu.vector_store %arg13[%swap3A_35], %broadcast_in_dim3A_34 {strides = array<i32>} : memref<50xi32, #tpu.memory_space<vmem>>, vector<16xi32>,
    %scan3A_37 = arith.constant 0 : i32
    %scan3A_38 = arith.constant 12 : i32
    %scan3A_39 = arith.addi %scan3A_37, %scan3A_38 : i32
    %scan3A_40 = arith.constant 1 : i32
    scf.for %scan3A_119 = %scan3A_37 to %scan3A_39 step %scan3A_40  : i32 {
      %mul3A_120 = arith.constant 1 : i32
      %mul3A_121 = arith.muli %scan3A_119, %mul3A_120 : i32
      %add3A_122 = arith.constant 0 : i32
      %add3A_123 = arith.addi %add3A_122, %mul3A_121 : i32
      %mul3A_124 = arith.constant 50 : i32
      %mul3A_125 = arith.muli %add3A_123, %mul3A_124 : i32
      %add3A_126 = arith.addi %mul3A_2, %mul3A_125 : i32
      "tpu.region"() ({
        %run_scoped3A = tpu.sem_alloc : memref<!tpu.dma_semaphore, #tpu.memory_space<semaphore_mem>>
        %dma_start3A_127 = arith.constant 0 : i32
        %dma_start3A_128 = tpu.memref_slice %arg7[%add3A_126, %dma_start3A_127] : memref<10000x144xf32, #tpu.memory_space<vmem_shared>> -> memref<50x144xf32, #tpu.memory_space<vmem_shared>>
        %dma_start3A_129 = arith.constant 0 : i32
        %dma_start3A_130 = tpu.memref_slice %arg7[%add3A_126, %dma_start3A_129] : memref<10000x144xf32, #tpu.memory_space<vmem_shared>> -> memref<50x144xf32, #tpu.memory_space<vmem_shared>>
        tpu.enqueue_dma source(%arg14 : memref<50x144xf32, #tpu.memory_space<vmem>>) target(%dma_start3A_130 : memref<50x144xf32, #tpu.memory_space<vmem_shared>>) target_semaphore(%run_scoped3A : memref<!tpu.dma_semaphore, #tpu.memory_space<semaphore_mem>>)
        %dma_wait3A_131 = arith.constant 0 : i32
        %dma_wait3A_132 = tpu.memref_slice %arg7[%add3A_126, %dma_wait3A_131] : memref<10000x144xf32, #tpu.memory_space<vmem_shared>> -> memref<50x144xf32, #tpu.memory_space<vmem_shared>>
        %dma_wait3A_133 = arith.constant 0 : i32
        %dma_wait3A_134 = tpu.memref_slice %arg7[%add3A_126, %dma_wait3A_133] : memref<10000x144xf32, #tpu.memory_space<vmem_shared>> -> memref<50x144xf32, #tpu.memory_space<vmem_shared>>
        tpu.wait_dma2 semaphore(%run_scoped3A : memref<!tpu.dma_semaphore, #tpu.memory_space<semaphore_mem>>) src(%arg14 : memref<50x144xf32, #tpu.memory_space<vmem>>) dst(%dma_wait3A_134 : memref<50x144xf32, #tpu.memory_space<vmem_shared>>)
        tpu.yield
      }) : () -> ()
    }
    %scan3A_41 = arith.constant 12 : i32
    %add3A_42 = arith.constant 600 : i32
    %add3A_43 = arith.addi %mul3A_2, %add3A_42 : i32
    "tpu.region"() ({
      %run_scoped3A = tpu.sem_alloc : memref<!tpu.dma_semaphore, #tpu.memory_space<semaphore_mem>>
      %dma_start3A_119 = arith.constant 0 : i32
      %dma_start3A_120 = arith.constant 0 : i32
      %dma_start3A_121 = tpu.memref_slice %arg14[%dma_start3A_119, %dma_start3A_120] : memref<50x144xf32, #tpu.memory_space<vmem>> -> memref<25x144xf32, #tpu.memory_space<vmem>>
      %dma_start3A_122 = arith.constant 0 : i32
      %dma_start3A_123 = tpu.memref_slice %arg7[%add3A_43, %dma_start3A_122] : memref<10000x144xf32, #tpu.memory_space<vmem_shared>> -> memref<25x144xf32, #tpu.memory_space<vmem_shared>>
      %dma_start3A_124 = arith.constant 0 : i32
      %dma_start3A_125 = tpu.memref_slice %arg7[%add3A_43, %dma_start3A_124] : memref<10000x144xf32, #tpu.memory_space<vmem_shared>> -> memref<25x144xf32, #tpu.memory_space<vmem_shared>>
      %dma_start3A_126 = arith.constant 0 : i32
      %dma_start3A_127 = arith.constant 0 : i32
      %dma_start3A_128 = tpu.memref_slice %arg14[%dma_start3A_126, %dma_start3A_127] : memref<50x144xf32, #tpu.memory_space<vmem>> -> memref<25x144xf32, #tpu.memory_space<vmem>>
      tpu.enqueue_dma source(%dma_start3A_128 : memref<25x144xf32, #tpu.memory_space<vmem>>) target(%dma_start3A_125 : memref<25x144xf32, #tpu.memory_space<vmem_shared>>) target_semaphore(%run_scoped3A : memref<!tpu.dma_semaphore, #tpu.memory_space<semaphore_mem>>)
      %dma_wait3A_129 = arith.constant 0 : i32
      %dma_wait3A_130 = arith.constant 0 : i32
      %dma_wait3A_131 = tpu.memref_slice %arg14[%dma_wait3A_129, %dma_wait3A_130] : memref<50x144xf32, #tpu.memory_space<vmem>> -> memref<25x144xf32, #tpu.memory_space<vmem>>
      %dma_wait3A_132 = arith.constant 0 : i32
      %dma_wait3A_133 = tpu.memref_slice %arg7[%add3A_43, %dma_wait3A_132] : memref<10000x144xf32, #tpu.memory_space<vmem_shared>> -> memref<25x144xf32, #tpu.memory_space<vmem_shared>>
      %dma_wait3A_134 = arith.constant 0 : i32
      %dma_wait3A_135 = tpu.memref_slice %arg7[%add3A_43, %dma_wait3A_134] : memref<10000x144xf32, #tpu.memory_space<vmem_shared>> -> memref<25x144xf32, #tpu.memory_space<vmem_shared>>
      %dma_wait3A_136 = arith.constant 0 : i32
      %dma_wait3A_137 = arith.constant 0 : i32
      %dma_wait3A_138 = tpu.memref_slice %arg14[%dma_wait3A_136, %dma_wait3A_137] : memref<50x144xf32, #tpu.memory_space<vmem>> -> memref<25x144xf32, #tpu.memory_space<vmem>>
      tpu.wait_dma2 semaphore(%run_scoped3A : memref<!tpu.dma_semaphore, #tpu.memory_space<semaphore_mem>>) src(%dma_wait3A_138 : memref<25x144xf32, #tpu.memory_space<vmem>>) dst(%dma_wait3A_135 : memref<25x144xf32, #tpu.memory_space<vmem_shared>>)
      tpu.yield
    }) : () -> ()
    "tpu.region"() ({
      %run_scoped3A = tpu.sem_alloc : memref<!tpu.dma_semaphore, #tpu.memory_space<semaphore_mem>>
      tpu.enqueue_dma source(%arg4 : memref<128xf32, #tpu.memory_space<hbm>>) target(%arg16 : memref<128xf32, #tpu.memory_space<vmem>>) target_semaphore(%run_scoped3A : memref<!tpu.dma_semaphore, #tpu.memory_space<semaphore_mem>>)
      tpu.wait_dma2 semaphore(%run_scoped3A : memref<!tpu.dma_semaphore, #tpu.memory_space<semaphore_mem>>) src(%arg4 : memref<128xf32, #tpu.memory_space<hbm>>) dst(%arg16 : memref<128xf32, #tpu.memory_space<vmem>>)
      tpu.yield
    }) : () -> ()
    %get3A = arith.constant 0 : index
    %get3A_44 = tpu.vector_load %arg16[%get3A] {strides = array<i32>} : memref<128xf32, #tpu.memory_space<vmem>>, vector<16xf32>,
    %get3A_45 = arith.constant 16 : index
    %get3A_46 = tpu.vector_load %arg16[%get3A_45] {strides = array<i32>} : memref<128xf32, #tpu.memory_space<vmem>>, vector<16xf32>,
    %get3A_47 = arith.constant 32 : index
    %get3A_48 = tpu.vector_load %arg16[%get3A_47] {strides = array<i32>} : memref<128xf32, #tpu.memory_space<vmem>>, vector<16xf32>,
    %get3A_49 = arith.constant 48 : index
    %get3A_50 = tpu.vector_load %arg16[%get3A_49] {strides = array<i32>} : memref<128xf32, #tpu.memory_space<vmem>>, vector<16xf32>,
    %get3A_51 = arith.constant 64 : index
    %get3A_52 = tpu.vector_load %arg16[%get3A_51] {strides = array<i32>} : memref<128xf32, #tpu.memory_space<vmem>>, vector<16xf32>,
    %get3A_53 = arith.constant 80 : index
    %get3A_54 = tpu.vector_load %arg16[%get3A_53] {strides = array<i32>} : memref<128xf32, #tpu.memory_space<vmem>>, vector<16xf32>,
    %get3A_55 = arith.constant 96 : index
    %get3A_56 = tpu.vector_load %arg16[%get3A_55] {strides = array<i32>} : memref<128xf32, #tpu.memory_space<vmem>>, vector<16xf32>,
    %get3A_57 = arith.constant 112 : index
    %get3A_58 = tpu.vector_load %arg16[%get3A_57] {strides = array<i32>} : memref<128xf32, #tpu.memory_space<vmem>>, vector<16xf32>,
    %iota3A = tpu.iota {dimensions = array<i32: 0>} : vector<16xi32>
    %eq3A = arith.constant 0 : i32
    %eq3A_59 = vector.broadcast %eq3A : i32 to vector<16xi32>
    %eq3A_60 = arith.cmpi eq, %iota3A, %eq3A_59 : vector<16xi32>
    %barrier3A = arith.constant 0 : index
    tpu.barrier barrier_id(%barrier3A)
    %dma_start3A = arith.constant 0 : i32
    %dma_start3A_61 = arith.constant 0 : i32
    %dma_start3A_62 = tpu.memref_slice %arg3[%add3A, %dma_start3A, %dma_start3A_61] : memref<32x202x100xi32, #tpu.memory_space<hbm>> -> memref<1x1x100xi32, #tpu.memory_space<hbm>>
    %dma_start3A_63 = tpu.memref_squeeze %dma_start3A_62 : memref<1x1x100xi32, #tpu.memory_space<hbm>> -> memref<100xi32, #tpu.memory_space<hbm>>
    %dma_start3A_64 = arith.constant 0 : i32
    %dma_start3A_65 = tpu.memref_slice %arg3[%add3A, %dma_start3A, %dma_start3A_64] : memref<32x202x100xi32, #tpu.memory_space<hbm>> -> memref<1x1x100xi32, #tpu.memory_space<hbm>>
    %dma_start3A_66 = tpu.memref_squeeze %dma_start3A_65 : memref<1x1x100xi32, #tpu.memory_space<hbm>> -> memref<100xi32, #tpu.memory_space<hbm>>
    tpu.enqueue_dma source(%dma_start3A_66 : memref<100xi32, #tpu.memory_space<hbm>>) target(%arg8 : memref<100xi32, #tpu.memory_space<vmem>>) target_semaphore(%arg19 : memref<!tpu.dma_semaphore, #tpu.memory_space<semaphore_mem>>)
    %dma_wait3A = arith.constant 0 : i32
    %dma_wait3A_67 = arith.constant 0 : i32
    %dma_wait3A_68 = tpu.memref_slice %arg3[%add3A, %dma_wait3A, %dma_wait3A_67] : memref<32x202x100xi32, #tpu.memory_space<hbm>> -> memref<1x1x100xi32, #tpu.memory_space<hbm>>
    %dma_wait3A_69 = tpu.memref_squeeze %dma_wait3A_68 : memref<1x1x100xi32, #tpu.memory_space<hbm>> -> memref<100xi32, #tpu.memory_space<hbm>>
    %dma_wait3A_70 = arith.constant 0 : i32
    %dma_wait3A_71 = tpu.memref_slice %arg3[%add3A, %dma_wait3A, %dma_wait3A_70] : memref<32x202x100xi32, #tpu.memory_space<hbm>> -> memref<1x1x100xi32, #tpu.memory_space<hbm>>
    %dma_wait3A_72 = tpu.memref_squeeze %dma_wait3A_71 : memref<1x1x100xi32, #tpu.memory_space<hbm>> -> memref<100xi32, #tpu.memory_space<hbm>>
    tpu.wait_dma2 semaphore(%arg19 : memref<!tpu.dma_semaphore, #tpu.memory_space<semaphore_mem>>) src(%dma_wait3A_72 : memref<100xi32, #tpu.memory_space<hbm>>) dst(%arg8 : memref<100xi32, #tpu.memory_space<vmem>>)
    %dma_start3A_73 = arith.constant 0 : i32
    %dma_start3A_74 = arith.constant 0 : i32
    %dma_start3A_75 = tpu.memref_slice %arg2[%dma_start3A_73, %dma_start3A_74] : memref<20000x128xbf16, #tpu.memory_space<hbm>> -> memref<20000x128xbf16, #tpu.memory_space<hbm>>
    tpu.enqueue_indirect_dma source(%dma_start3A_75 : memref<20000x128xbf16, #tpu.memory_space<hbm>>) target(%arg10 : memref<100x128xbf16, #tpu.memory_space<vmem>>) offsets(%arg8 : memref<100xi32, #tpu.memory_space<vmem>>) semaphore(%arg17 : memref<!tpu.dma_semaphore, #tpu.memory_space<semaphore_mem>>)
    %dma_start3A_76 = arith.constant 1 : i32
    %dma_start3A_77 = arith.constant 0 : i32
    %dma_start3A_78 = tpu.memref_slice %arg3[%add3A, %dma_start3A_76, %dma_start3A_77] : memref<32x202x100xi32, #tpu.memory_space<hbm>> -> memref<1x1x100xi32, #tpu.memory_space<hbm>>
    %dma_start3A_79 = tpu.memref_squeeze %dma_start3A_78 : memref<1x1x100xi32, #tpu.memory_space<hbm>> -> memref<100xi32, #tpu.memory_space<hbm>>
    %dma_start3A_80 = arith.constant 0 : i32
    %dma_start3A_81 = tpu.memref_slice %arg3[%add3A, %dma_start3A_76, %dma_start3A_80] : memref<32x202x100xi32, #tpu.memory_space<hbm>> -> memref<1x1x100xi32, #tpu.memory_space<hbm>>
    %dma_start3A_82 = tpu.memref_squeeze %dma_start3A_81 : memref<1x1x100xi32, #tpu.memory_space<hbm>> -> memref<100xi32, #tpu.memory_space<hbm>>
    tpu.enqueue_dma source(%dma_start3A_82 : memref<100xi32, #tpu.memory_space<hbm>>) target(%arg9 : memref<100xi32, #tpu.memory_space<vmem>>) target_semaphore(%arg20 : memref<!tpu.dma_semaphore, #tpu.memory_space<semaphore_mem>>)
    %dma_wait3A_83 = arith.constant 1 : i32
    %dma_wait3A_84 = arith.constant 0 : i32
    %dma_wait3A_85 = tpu.memref_slice %arg3[%add3A, %dma_wait3A_83, %dma_wait3A_84] : memref<32x202x100xi32, #tpu.memory_space<hbm>> -> memref<1x1x100xi32, #tpu.memory_space<hbm>>
    %dma_wait3A_86 = tpu.memref_squeeze %dma_wait3A_85 : memref<1x1x100xi32, #tpu.memory_space<hbm>> -> memref<100xi32, #tpu.memory_space<hbm>>
    %dma_wait3A_87 = arith.constant 0 : i32
    %dma_wait3A_88 = tpu.memref_slice %arg3[%add3A, %dma_wait3A_83, %dma_wait3A_87] : memref<32x202x100xi32, #tpu.memory_space<hbm>> -> memref<1x1x100xi32, #tpu.memory_space<hbm>>
    %dma_wait3A_89 = tpu.memref_squeeze %dma_wait3A_88 : memref<1x1x100xi32, #tpu.memory_space<hbm>> -> memref<100xi32, #tpu.memory_space<hbm>>
    tpu.wait_dma2 semaphore(%arg20 : memref<!tpu.dma_semaphore, #tpu.memory_space<semaphore_mem>>) src(%dma_wait3A_89 : memref<100xi32, #tpu.memory_space<hbm>>) dst(%arg9 : memref<100xi32, #tpu.memory_space<vmem>>)
    %dma_start3A_90 = arith.constant 0 : i32
    %dma_start3A_91 = arith.constant 0 : i32
    %dma_start3A_92 = tpu.memref_slice %arg7[%dma_start3A_90, %dma_start3A_91] : memref<10000x144xf32, #tpu.memory_space<vmem_shared>> -> memref<10000x144xf32, #tpu.memory_space<vmem_shared>>
    tpu.enqueue_indirect_dma source(%arg14 : memref<50x144xf32, #tpu.memory_space<vmem>>) target(%dma_start3A_92 : memref<10000x144xf32, #tpu.memory_space<vmem_shared>>) offsets(%arg12 : memref<50xi32, #tpu.memory_space<vmem>>) semaphore(%arg21 : memref<!tpu.dma_semaphore, #tpu.memory_space<semaphore_mem>>) {add = true}
    %dma_start3A_93 = arith.constant 0 : i32
    %dma_start3A_94 = arith.constant 0 : i32
    %dma_start3A_95 = tpu.memref_slice %arg7[%dma_start3A_93, %dma_start3A_94] : memref<10000x144xf32, #tpu.memory_space<vmem_shared>> -> memref<10000x144xf32, #tpu.memory_space<vmem_shared>>
    tpu.enqueue_indirect_dma source(%arg14 : memref<50x144xf32, #tpu.memory_space<vmem>>) target(%dma_start3A_95 : memref<10000x144xf32, #tpu.memory_space<vmem_shared>>) offsets(%arg13 : memref<50xi32, #tpu.memory_space<vmem>>) semaphore(%arg22 : memref<!tpu.dma_semaphore, #tpu.memory_space<semaphore_mem>>) {add = true}
    %scan3A_96 = arith.constant 0 : i32
    %scan3A_97 = arith.constant 100 : i32
    %scan3A_98 = arith.addi %scan3A_96, %scan3A_97 : i32
    %scan3A_99 = arith.constant 1 : i32
    scf.for %scan3A_119 = %scan3A_96 to %scan3A_98 step %scan3A_99  : i32 {
      %mul3A_120 = arith.constant 2 : i32
      %mul3A_121 = arith.muli %scan3A_119, %mul3A_120 : i32
      %add3A_122 = arith.constant 0 : i32
      %add3A_123 = arith.addi %add3A_122, %mul3A_121 : i32
      %dma_start3A_124 = arith.constant 0 : i32
      %dma_start3A_125 = arith.constant 0 : i32
      %dma_start3A_126 = tpu.memref_slice %arg2[%dma_start3A_124, %dma_start3A_125] : memref<20000x128xbf16, #tpu.memory_space<hbm>> -> memref<20000x128xbf16, #tpu.memory_space<hbm>>
      tpu.enqueue_indirect_dma source(%dma_start3A_126 : memref<20000x128xbf16, #tpu.memory_space<hbm>>) target(%arg11 : memref<100x128xbf16, #tpu.memory_space<vmem>>) offsets(%arg9 : memref<100xi32, #tpu.memory_space<vmem>>) semaphore(%arg18 : memref<!tpu.dma_semaphore, #tpu.memory_space<semaphore_mem>>)
      %dma_wait3A_127 = arith.constant 0 : i32
      %dma_wait3A_128 = arith.constant 0 : i32
      %dma_wait3A_129 = tpu.memref_slice %arg2[%dma_wait3A_127, %dma_wait3A_128] : memref<20000x128xbf16, #tpu.memory_space<hbm>> -> memref<20000x128xbf16, #tpu.memory_space<hbm>>
      tpu.wait_indirect_dma semaphore(%arg17 : memref<!tpu.dma_semaphore, #tpu.memory_space<semaphore_mem>>) src(%dma_wait3A_129 : memref<20000x128xbf16, #tpu.memory_space<hbm>>) dst(%arg10 : memref<100x128xbf16, #tpu.memory_space<vmem>>)
      %dma_wait3A_130 = arith.constant 0 : i32
      %dma_wait3A_131 = arith.constant 0 : i32
      %dma_wait3A_132 = tpu.memref_slice %arg7[%dma_wait3A_130, %dma_wait3A_131] : memref<10000x144xf32, #tpu.memory_space<vmem_shared>> -> memref<10000x144xf32, #tpu.memory_space<vmem_shared>>
      tpu.wait_indirect_dma semaphore(%arg21 : memref<!tpu.dma_semaphore, #tpu.memory_space<semaphore_mem>>) src(%arg14 : memref<50x144xf32, #tpu.memory_space<vmem>>) dst(%dma_wait3A_132 : memref<10000x144xf32, #tpu.memory_space<vmem_shared>>)
      %get3A_133 = arith.constant 50 : index
      %get3A_134 = tpu.vector_load %arg8[%get3A_133] {strides = array<i32>} : memref<100xi32, #tpu.memory_space<vmem>>, vector<16xi32>,
      %sub3A = arith.constant 10000 : i32
      %sub3A_135 = vector.broadcast %sub3A : i32 to vector<16xi32>
      %sub3A_136 = arith.subi %get3A_134, %sub3A_135 : vector<16xi32>
      %swap3A_137 = arith.constant 0 : index
      %swap3A_138 = tpu.vector_load %arg12[%swap3A_137] {strides = array<i32>} : memref<50xi32, #tpu.memory_space<vmem>>, vector<16xi32>,
      tpu.vector_store %arg12[%swap3A_137], %sub3A_136 {strides = array<i32>} : memref<50xi32, #tpu.memory_space<vmem>>, vector<16xi32>,
      %get3A_139 = arith.constant 66 : index
      %get3A_140 = tpu.vector_load %arg8[%get3A_139] {strides = array<i32>} : memref<100xi32, #tpu.memory_space<vmem>>, vector<16xi32>,
      %sub3A_141 = arith.constant 10000 : i32
      %sub3A_142 = vector.broadcast %sub3A_141 : i32 to vector<16xi32>
      %sub3A_143 = arith.subi %get3A_140, %sub3A_142 : vector<16xi32>
      %swap3A_144 = arith.constant 16 : index
      %swap3A_145 = tpu.vector_load %arg12[%swap3A_144] {strides = array<i32>} : memref<50xi32, #tpu.memory_space<vmem>>, vector<16xi32>,
      tpu.vector_store %arg12[%swap3A_144], %sub3A_143 {strides = array<i32>} : memref<50xi32, #tpu.memory_space<vmem>>, vector<16xi32>,
      %get3A_146 = arith.constant 82 : index
      %get3A_147 = tpu.vector_load %arg8[%get3A_146] {strides = array<i32>} : memref<100xi32, #tpu.memory_space<vmem>>, vector<16xi32>,
      %sub3A_148 = arith.constant 10000 : i32
      %sub3A_149 = vector.broadcast %sub3A_148 : i32 to vector<16xi32>
      %sub3A_150 = arith.subi %get3A_147, %sub3A_149 : vector<16xi32>
      %swap3A_151 = arith.constant 32 : index
      %swap3A_152 = tpu.vector_load %arg12[%swap3A_151] {strides = array<i32>} : memref<50xi32, #tpu.memory_space<vmem>>, vector<16xi32>,
      tpu.vector_store %arg12[%swap3A_151], %sub3A_150 {strides = array<i32>} : memref<50xi32, #tpu.memory_space<vmem>>, vector<16xi32>,
      %get3A_153 = arith.constant 84 : index
      %get3A_154 = tpu.vector_load %arg8[%get3A_153] {strides = array<i32>} : memref<100xi32, #tpu.memory_space<vmem>>, vector<16xi32>,
      %sub3A_155 = arith.constant 10000 : i32
      %sub3A_156 = vector.broadcast %sub3A_155 : i32 to vector<16xi32>
      %sub3A_157 = arith.subi %get3A_154, %sub3A_156 : vector<16xi32>
      %swap3A_158 = arith.constant 34 : index
      %swap3A_159 = tpu.vector_load %arg12[%swap3A_158] {strides = array<i32>} : memref<50xi32, #tpu.memory_space<vmem>>, vector<16xi32>,
      tpu.vector_store %arg12[%swap3A_158], %sub3A_157 {strides = array<i32>} : memref<50xi32, #tpu.memory_space<vmem>>, vector<16xi32>,
      %add3A_160 = arith.constant 2 : i32
      %add3A_161 = arith.addi %add3A_123, %add3A_160 : i32
      %dma_start3A_162 = arith.constant 0 : i32
      %dma_start3A_163 = tpu.memref_slice %arg3[%add3A, %add3A_161, %dma_start3A_162] : memref<32x202x100xi32, #tpu.memory_space<hbm>> -> memref<1x1x100xi32, #tpu.memory_space<hbm>>
      %dma_start3A_164 = tpu.memref_squeeze %dma_start3A_163 : memref<1x1x100xi32, #tpu.memory_space<hbm>> -> memref<100xi32, #tpu.memory_space<hbm>>
      %dma_start3A_165 = arith.constant 0 : i32
      %dma_start3A_166 = tpu.memref_slice %arg3[%add3A, %add3A_161, %dma_start3A_165] : memref<32x202x100xi32, #tpu.memory_space<hbm>> -> memref<1x1x100xi32, #tpu.memory_space<hbm>>
      %dma_start3A_167 = tpu.memref_squeeze %dma_start3A_166 : memref<1x1x100xi32, #tpu.memory_space<hbm>> -> memref<100xi32, #tpu.memory_space<hbm>>
      tpu.enqueue_dma source(%dma_start3A_167 : memref<100xi32, #tpu.memory_space<hbm>>) target(%arg8 : memref<100xi32, #tpu.memory_space<vmem>>) target_semaphore(%arg19 : memref<!tpu.dma_semaphore, #tpu.memory_space<semaphore_mem>>)
      %parallel_loop3A = arith.constant 0 : i32
      %parallel_loop3A_168 = arith.constant 50 : i32
      %parallel_loop3A_169 = arith.constant 1 : i32
      scf.for %parallel_loop3A_240 = %parallel_loop3A to %parallel_loop3A_168 step %parallel_loop3A_169  : i32 {
        %parallel_loop3A_241 = arith.index_cast %parallel_loop3A_240 : i32 to index
        %parallel_loop3A_242 = arith.constant 0 : index
        %parallel_loop3A_243 = tpu.vector_load %arg10[%parallel_loop3A_241, %parallel_loop3A_242] {strides = array<i32>} : memref<100x128xbf16, #tpu.memory_space<vmem>>, vector<32xbf16>,
        %parallel_loop3A_244 = arith.constant 50 : i32
        %parallel_loop3A_245 = arith.addi %parallel_loop3A_244, %parallel_loop3A_240 : i32
        %parallel_loop3A_246 = arith.index_cast %parallel_loop3A_245 : i32 to index
        %parallel_loop3A_247 = arith.constant 0 : index
        %parallel_loop3A_248 = tpu.vector_load %arg10[%parallel_loop3A_246, %parallel_loop3A_247] {strides = array<i32>} : memref<100x128xbf16, #tpu.memory_space<vmem>>, vector<32xbf16>,
        %parallel_loop3A_249 = tpu.unpack_subelements %parallel_loop3A_243, 0 {pack_format = #tpu.pack_format<interleaved>} : vector<32xbf16> -> vector<16xf32>
        %parallel_loop3A_250 = tpu.unpack_subelements %parallel_loop3A_243, 1 {pack_format = #tpu.pack_format<interleaved>} : vector<32xbf16> -> vector<16xf32>
        %parallel_loop3A_251 = tpu.unpack_subelements %parallel_loop3A_248, 0 {pack_format = #tpu.pack_format<interleaved>} : vector<32xbf16> -> vector<16xf32>
        %parallel_loop3A_252 = tpu.unpack_subelements %parallel_loop3A_248, 1 {pack_format = #tpu.pack_format<interleaved>} : vector<32xbf16> -> vector<16xf32>
        %parallel_loop3A_253 = arith.addf %parallel_loop3A_249, %parallel_loop3A_251 : vector<16xf32>
        %parallel_loop3A_254 = arith.constant 2.000000e-01 : f32
        %parallel_loop3A_255 = vector.broadcast %parallel_loop3A_254 : f32 to vector<16xf32>
        %parallel_loop3A_256 = arith.mulf %parallel_loop3A_253, %parallel_loop3A_255 : vector<16xf32>
        %parallel_loop3A_257 = arith.maximumf %parallel_loop3A_253, %parallel_loop3A_256 : vector<16xf32>
        %parallel_loop3A_258 = arith.mulf %parallel_loop3A_257, %get3A_44 : vector<16xf32>
        %parallel_loop3A_259 = arith.addf %parallel_loop3A_250, %parallel_loop3A_252 : vector<16xf32>
        %parallel_loop3A_260 = arith.constant 2.000000e-01 : f32
        %parallel_loop3A_261 = vector.broadcast %parallel_loop3A_260 : f32 to vector<16xf32>
        %parallel_loop3A_262 = arith.mulf %parallel_loop3A_259, %parallel_loop3A_261 : vector<16xf32>
        %parallel_loop3A_263 = arith.maximumf %parallel_loop3A_259, %parallel_loop3A_262 : vector<16xf32>
        %parallel_loop3A_264 = arith.mulf %parallel_loop3A_263, %get3A_46 : vector<16xf32>
        %parallel_loop3A_265 = arith.addf %parallel_loop3A_258, %parallel_loop3A_264 : vector<16xf32>
        %parallel_loop3A_266 = arith.index_cast %parallel_loop3A_240 : i32 to index
        %parallel_loop3A_267 = arith.constant 32 : index
        %parallel_loop3A_268 = tpu.vector_load %arg10[%parallel_loop3A_266, %parallel_loop3A_267] {strides = array<i32>} : memref<100x128xbf16, #tpu.memory_space<vmem>>, vector<32xbf16>,
        %parallel_loop3A_269 = arith.constant 50 : i32
        %parallel_loop3A_270 = arith.addi %parallel_loop3A_269, %parallel_loop3A_240 : i32
        %parallel_loop3A_271 = arith.index_cast %parallel_loop3A_270 : i32 to index
        %parallel_loop3A_272 = arith.constant 32 : index
        %parallel_loop3A_273 = tpu.vector_load %arg10[%parallel_loop3A_271, %parallel_loop3A_272] {strides = array<i32>} : memref<100x128xbf16, #tpu.memory_space<vmem>>, vector<32xbf16>,
        %parallel_loop3A_274 = tpu.unpack_subelements %parallel_loop3A_268, 0 {pack_format = #tpu.pack_format<interleaved>} : vector<32xbf16> -> vector<16xf32>
        %parallel_loop3A_275 = tpu.unpack_subelements %parallel_loop3A_268, 1 {pack_format = #tpu.pack_format<interleaved>} : vector<32xbf16> -> vector<16xf32>
        %parallel_loop3A_276 = tpu.unpack_subelements %parallel_loop3A_273, 0 {pack_format = #tpu.pack_format<interleaved>} : vector<32xbf16> -> vector<16xf32>
        %parallel_loop3A_277 = tpu.unpack_subelements %parallel_loop3A_273, 1 {pack_format = #tpu.pack_format<interleaved>} : vector<32xbf16> -> vector<16xf32>
        %parallel_loop3A_278 = arith.addf %parallel_loop3A_274, %parallel_loop3A_276 : vector<16xf32>
        %parallel_loop3A_279 = arith.constant 2.000000e-01 : f32
        %parallel_loop3A_280 = vector.broadcast %parallel_loop3A_279 : f32 to vector<16xf32>
        %parallel_loop3A_281 = arith.mulf %parallel_loop3A_278, %parallel_loop3A_280 : vector<16xf32>
        %parallel_loop3A_282 = arith.maximumf %parallel_loop3A_278, %parallel_loop3A_281 : vector<16xf32>
        %parallel_loop3A_283 = arith.mulf %parallel_loop3A_282, %get3A_48 : vector<16xf32>
        %parallel_loop3A_284 = arith.addf %parallel_loop3A_265, %parallel_loop3A_283 : vector<16xf32>
        %parallel_loop3A_285 = arith.addf %parallel_loop3A_275, %parallel_loop3A_277 : vector<16xf32>
        %parallel_loop3A_286 = arith.constant 2.000000e-01 : f32
        %parallel_loop3A_287 = vector.broadcast %parallel_loop3A_286 : f32 to vector<16xf32>
        %parallel_loop3A_288 = arith.mulf %parallel_loop3A_285, %parallel_loop3A_287 : vector<16xf32>
        %parallel_loop3A_289 = arith.maximumf %parallel_loop3A_285, %parallel_loop3A_288 : vector<16xf32>
        %parallel_loop3A_290 = arith.mulf %parallel_loop3A_289, %get3A_50 : vector<16xf32>
        %parallel_loop3A_291 = arith.addf %parallel_loop3A_284, %parallel_loop3A_290 : vector<16xf32>
        %parallel_loop3A_292 = arith.index_cast %parallel_loop3A_240 : i32 to index
        %parallel_loop3A_293 = arith.constant 64 : index
        %parallel_loop3A_294 = tpu.vector_load %arg10[%parallel_loop3A_292, %parallel_loop3A_293] {strides = array<i32>} : memref<100x128xbf16, #tpu.memory_space<vmem>>, vector<32xbf16>,
        %parallel_loop3A_295 = arith.constant 50 : i32
        %parallel_loop3A_296 = arith.addi %parallel_loop3A_295, %parallel_loop3A_240 : i32
        %parallel_loop3A_297 = arith.index_cast %parallel_loop3A_296 : i32 to index
        %parallel_loop3A_298 = arith.constant 64 : index
        %parallel_loop3A_299 = tpu.vector_load %arg10[%parallel_loop3A_297, %parallel_loop3A_298] {strides = array<i32>} : memref<100x128xbf16, #tpu.memory_space<vmem>>, vector<32xbf16>,
        %parallel_loop3A_300 = tpu.unpack_subelements %parallel_loop3A_294, 0 {pack_format = #tpu.pack_format<interleaved>} : vector<32xbf16> -> vector<16xf32>
        %parallel_loop3A_301 = tpu.unpack_subelements %parallel_loop3A_294, 1 {pack_format = #tpu.pack_format<interleaved>} : vector<32xbf16> -> vector<16xf32>
        %parallel_loop3A_302 = tpu.unpack_subelements %parallel_loop3A_299, 0 {pack_format = #tpu.pack_format<interleaved>} : vector<32xbf16> -> vector<16xf32>
        %parallel_loop3A_303 = tpu.unpack_subelements %parallel_loop3A_299, 1 {pack_format = #tpu.pack_format<interleaved>} : vector<32xbf16> -> vector<16xf32>
        %parallel_loop3A_304 = arith.addf %parallel_loop3A_300, %parallel_loop3A_302 : vector<16xf32>
        %parallel_loop3A_305 = arith.constant 2.000000e-01 : f32
        %parallel_loop3A_306 = vector.broadcast %parallel_loop3A_305 : f32 to vector<16xf32>
        %parallel_loop3A_307 = arith.mulf %parallel_loop3A_304, %parallel_loop3A_306 : vector<16xf32>
        %parallel_loop3A_308 = arith.maximumf %parallel_loop3A_304, %parallel_loop3A_307 : vector<16xf32>
        %parallel_loop3A_309 = arith.mulf %parallel_loop3A_308, %get3A_52 : vector<16xf32>
        %parallel_loop3A_310 = arith.addf %parallel_loop3A_291, %parallel_loop3A_309 : vector<16xf32>
        %parallel_loop3A_311 = arith.addf %parallel_loop3A_301, %parallel_loop3A_303 : vector<16xf32>
        %parallel_loop3A_312 = arith.constant 2.000000e-01 : f32
        %parallel_loop3A_313 = vector.broadcast %parallel_loop3A_312 : f32 to vector<16xf32>
        %parallel_loop3A_314 = arith.mulf %parallel_loop3A_311, %parallel_loop3A_313 : vector<16xf32>
        %parallel_loop3A_315 = arith.maximumf %parallel_loop3A_311, %parallel_loop3A_314 : vector<16xf32>
        %parallel_loop3A_316 = arith.mulf %parallel_loop3A_315, %get3A_54 : vector<16xf32>
        %parallel_loop3A_317 = arith.addf %parallel_loop3A_310, %parallel_loop3A_316 : vector<16xf32>
        %parallel_loop3A_318 = arith.index_cast %parallel_loop3A_240 : i32 to index
        %parallel_loop3A_319 = arith.constant 96 : index
        %parallel_loop3A_320 = tpu.vector_load %arg10[%parallel_loop3A_318, %parallel_loop3A_319] {strides = array<i32>} : memref<100x128xbf16, #tpu.memory_space<vmem>>, vector<32xbf16>,
        %parallel_loop3A_321 = arith.constant 50 : i32
        %parallel_loop3A_322 = arith.addi %parallel_loop3A_321, %parallel_loop3A_240 : i32
        %parallel_loop3A_323 = arith.index_cast %parallel_loop3A_322 : i32 to index
        %parallel_loop3A_324 = arith.constant 96 : index
        %parallel_loop3A_325 = tpu.vector_load %arg10[%parallel_loop3A_323, %parallel_loop3A_324] {strides = array<i32>} : memref<100x128xbf16, #tpu.memory_space<vmem>>, vector<32xbf16>,
        %parallel_loop3A_326 = tpu.unpack_subelements %parallel_loop3A_320, 0 {pack_format = #tpu.pack_format<interleaved>} : vector<32xbf16> -> vector<16xf32>
        %parallel_loop3A_327 = tpu.unpack_subelements %parallel_loop3A_320, 1 {pack_format = #tpu.pack_format<interleaved>} : vector<32xbf16> -> vector<16xf32>
        %parallel_loop3A_328 = tpu.unpack_subelements %parallel_loop3A_325, 0 {pack_format = #tpu.pack_format<interleaved>} : vector<32xbf16> -> vector<16xf32>
        %parallel_loop3A_329 = tpu.unpack_subelements %parallel_loop3A_325, 1 {pack_format = #tpu.pack_format<interleaved>} : vector<32xbf16> -> vector<16xf32>
        %parallel_loop3A_330 = arith.addf %parallel_loop3A_326, %parallel_loop3A_328 : vector<16xf32>
        %parallel_loop3A_331 = arith.constant 2.000000e-01 : f32
        %parallel_loop3A_332 = vector.broadcast %parallel_loop3A_331 : f32 to vector<16xf32>
        %parallel_loop3A_333 = arith.mulf %parallel_loop3A_330, %parallel_loop3A_332 : vector<16xf32>
        %parallel_loop3A_334 = arith.maximumf %parallel_loop3A_330, %parallel_loop3A_333 : vector<16xf32>
        %parallel_loop3A_335 = arith.mulf %parallel_loop3A_334, %get3A_56 : vector<16xf32>
        %parallel_loop3A_336 = arith.addf %parallel_loop3A_317, %parallel_loop3A_335 : vector<16xf32>
        %parallel_loop3A_337 = arith.addf %parallel_loop3A_327, %parallel_loop3A_329 : vector<16xf32>
        %parallel_loop3A_338 = arith.constant 2.000000e-01 : f32
        %parallel_loop3A_339 = vector.broadcast %parallel_loop3A_338 : f32 to vector<16xf32>
        %parallel_loop3A_340 = arith.mulf %parallel_loop3A_337, %parallel_loop3A_339 : vector<16xf32>
        %parallel_loop3A_341 = arith.maximumf %parallel_loop3A_337, %parallel_loop3A_340 : vector<16xf32>
        %parallel_loop3A_342 = arith.mulf %parallel_loop3A_341, %get3A_58 : vector<16xf32>
        %parallel_loop3A_343 = arith.addf %parallel_loop3A_336, %parallel_loop3A_342 : vector<16xf32>
        %parallel_loop3A_344 = arith.constant true
        %parallel_loop3A_345 = vector.broadcast %parallel_loop3A_344 : i1 to vector<16xi1>
        %parallel_loop3A_346 = tpu.scan <sum>, %parallel_loop3A_343 masked %parallel_loop3A_345 : vector<16xf32>, vector<16xi1> -> vector<16xf32>
        %parallel_loop3A_347 = vector.extract %parallel_loop3A_346[15] : f32 from vector<16xf32>
        %parallel_loop3A_348 = arith.constant 7.500000e+01 : f32
        %parallel_loop3A_349 = arith.minimumf %parallel_loop3A_347, %parallel_loop3A_348 : f32
        %parallel_loop3A_350 = vector.broadcast %parallel_loop3A_349 : f32 to vector<16xf32>
        %parallel_loop3A_351 = math.exp %parallel_loop3A_350 : vector<16xf32>
        %parallel_loop3A_352 = arith.mulf %parallel_loop3A_249, %parallel_loop3A_351 : vector<16xf32>
        %parallel_loop3A_353 = arith.index_cast %parallel_loop3A_240 : i32 to index
        %parallel_loop3A_354 = arith.constant 0 : index
        %parallel_loop3A_355 = tpu.vector_load %arg14[%parallel_loop3A_353, %parallel_loop3A_354] {strides = array<i32>} : memref<50x144xf32, #tpu.memory_space<vmem>>, vector<16xf32>,
        tpu.vector_store %arg14[%parallel_loop3A_353, %parallel_loop3A_354], %parallel_loop3A_352 {strides = array<i32>} : memref<50x144xf32, #tpu.memory_space<vmem>>, vector<16xf32>,
        %parallel_loop3A_356 = arith.mulf %parallel_loop3A_250, %parallel_loop3A_351 : vector<16xf32>
        %parallel_loop3A_357 = arith.index_cast %parallel_loop3A_240 : i32 to index
        %parallel_loop3A_358 = arith.constant 16 : index
        %parallel_loop3A_359 = tpu.vector_load %arg14[%parallel_loop3A_357, %parallel_loop3A_358] {strides = array<i32>} : memref<50x144xf32, #tpu.memory_space<vmem>>, vector<16xf32>,
        tpu.vector_store %arg14[%parallel_loop3A_357, %parallel_loop3A_358], %parallel_loop3A_356 {strides = array<i32>} : memref<50x144xf32, #tpu.memory_space<vmem>>, vector<16xf32>,
        %parallel_loop3A_360 = arith.mulf %parallel_loop3A_274, %parallel_loop3A_351 : vector<16xf32>
        %parallel_loop3A_361 = arith.index_cast %parallel_loop3A_240 : i32 to index
        %parallel_loop3A_362 = arith.constant 32 : index
        %parallel_loop3A_363 = tpu.vector_load %arg14[%parallel_loop3A_361, %parallel_loop3A_362] {strides = array<i32>} : memref<50x144xf32, #tpu.memory_space<vmem>>, vector<16xf32>,
        tpu.vector_store %arg14[%parallel_loop3A_361, %parallel_loop3A_362], %parallel_loop3A_360 {strides = array<i32>} : memref<50x144xf32, #tpu.memory_space<vmem>>, vector<16xf32>,
        %parallel_loop3A_364 = arith.mulf %parallel_loop3A_275, %parallel_loop3A_351 : vector<16xf32>
        %parallel_loop3A_365 = arith.index_cast %parallel_loop3A_240 : i32 to index
        %parallel_loop3A_366 = arith.constant 48 : index
        %parallel_loop3A_367 = tpu.vector_load %arg14[%parallel_loop3A_365, %parallel_loop3A_366] {strides = array<i32>} : memref<50x144xf32, #tpu.memory_space<vmem>>, vector<16xf32>,
        tpu.vector_store %arg14[%parallel_loop3A_365, %parallel_loop3A_366], %parallel_loop3A_364 {strides = array<i32>} : memref<50x144xf32, #tpu.memory_space<vmem>>, vector<16xf32>,
        %parallel_loop3A_368 = arith.mulf %parallel_loop3A_300, %parallel_loop3A_351 : vector<16xf32>
        %parallel_loop3A_369 = arith.index_cast %parallel_loop3A_240 : i32 to index
        %parallel_loop3A_370 = arith.constant 64 : index
        %parallel_loop3A_371 = tpu.vector_load %arg14[%parallel_loop3A_369, %parallel_loop3A_370] {strides = array<i32>} : memref<50x144xf32, #tpu.memory_space<vmem>>, vector<16xf32>,
        tpu.vector_store %arg14[%parallel_loop3A_369, %parallel_loop3A_370], %parallel_loop3A_368 {strides = array<i32>} : memref<50x144xf32, #tpu.memory_space<vmem>>, vector<16xf32>,
        %parallel_loop3A_372 = arith.mulf %parallel_loop3A_301, %parallel_loop3A_351 : vector<16xf32>
        %parallel_loop3A_373 = arith.index_cast %parallel_loop3A_240 : i32 to index
        %parallel_loop3A_374 = arith.constant 80 : index
        %parallel_loop3A_375 = tpu.vector_load %arg14[%parallel_loop3A_373, %parallel_loop3A_374] {strides = array<i32>} : memref<50x144xf32, #tpu.memory_space<vmem>>, vector<16xf32>,
        tpu.vector_store %arg14[%parallel_loop3A_373, %parallel_loop3A_374], %parallel_loop3A_372 {strides = array<i32>} : memref<50x144xf32, #tpu.memory_space<vmem>>, vector<16xf32>,
        %parallel_loop3A_376 = arith.mulf %parallel_loop3A_326, %parallel_loop3A_351 : vector<16xf32>
        %parallel_loop3A_377 = arith.index_cast %parallel_loop3A_240 : i32 to index
        %parallel_loop3A_378 = arith.constant 96 : index
        %parallel_loop3A_379 = tpu.vector_load %arg14[%parallel_loop3A_377, %parallel_loop3A_378] {strides = array<i32>} : memref<50x144xf32, #tpu.memory_space<vmem>>, vector<16xf32>,
        tpu.vector_store %arg14[%parallel_loop3A_377, %parallel_loop3A_378], %parallel_loop3A_376 {strides = array<i32>} : memref<50x144xf32, #tpu.memory_space<vmem>>, vector<16xf32>,
        %parallel_loop3A_380 = arith.mulf %parallel_loop3A_327, %parallel_loop3A_351 : vector<16xf32>
        %parallel_loop3A_381 = arith.index_cast %parallel_loop3A_240 : i32 to index
        %parallel_loop3A_382 = arith.constant 112 : index
        %parallel_loop3A_383 = tpu.vector_load %arg14[%parallel_loop3A_381, %parallel_loop3A_382] {strides = array<i32>} : memref<50x144xf32, #tpu.memory_space<vmem>>, vector<16xf32>,
        tpu.vector_store %arg14[%parallel_loop3A_381, %parallel_loop3A_382], %parallel_loop3A_380 {strides = array<i32>} : memref<50x144xf32, #tpu.memory_space<vmem>>, vector<16xf32>,
        %parallel_loop3A_384 = arith.constant 0.000000e+00 : f32
        %parallel_loop3A_385 = vector.broadcast %parallel_loop3A_384 : f32 to vector<16xf32>
        %parallel_loop3A_386 = arith.select %eq3A_60, %parallel_loop3A_351, %parallel_loop3A_385 : vector<16xi1>, vector<16xf32>
        %parallel_loop3A_387 = arith.index_cast %parallel_loop3A_240 : i32 to index
        %parallel_loop3A_388 = arith.constant 128 : index
        %parallel_loop3A_389 = tpu.vector_load %arg14[%parallel_loop3A_387, %parallel_loop3A_388] {strides = array<i32>} : memref<50x144xf32, #tpu.memory_space<vmem>>, vector<16xf32>,
        tpu.vector_store %arg14[%parallel_loop3A_387, %parallel_loop3A_388], %parallel_loop3A_386 {strides = array<i32>} : memref<50x144xf32, #tpu.memory_space<vmem>>, vector<16xf32>,
      } {sc.loop_unroll_factor = 2 : i64, sc.parallel_access}
      %dma_start3A_170 = arith.constant 0 : i32
      %dma_start3A_171 = arith.constant 0 : i32
      %dma_start3A_172 = tpu.memref_slice %arg7[%dma_start3A_170, %dma_start3A_171] : memref<10000x144xf32, #tpu.memory_space<vmem_shared>> -> memref<10000x144xf32, #tpu.memory_space<vmem_shared>>
      tpu.enqueue_indirect_dma source(%arg14 : memref<50x144xf32, #tpu.memory_space<vmem>>) target(%dma_start3A_172 : memref<10000x144xf32, #tpu.memory_space<vmem_shared>>) offsets(%arg12 : memref<50xi32, #tpu.memory_space<vmem>>) semaphore(%arg21 : memref<!tpu.dma_semaphore, #tpu.memory_space<semaphore_mem>>) {add = true}
      %add3A_173 = arith.constant 2 : i32
      %add3A_174 = arith.addi %add3A_123, %add3A_173 : i32
      %dma_wait3A_175 = arith.constant 0 : i32
      %dma_wait3A_176 = tpu.memref_slice %arg3[%add3A, %add3A_174, %dma_wait3A_175] : memref<32x202x100xi32, #tpu.memory_space<hbm>> -> memref<1x1x100xi32, #tpu.memory_space<hbm>>
      %dma_wait3A_177 = tpu.memref_squeeze %dma_wait3A_176 : memref<1x1x100xi32, #tpu.memory_space<hbm>> -> memref<100xi32, #tpu.memory_space<hbm>>
      %dma_wait3A_178 = arith.constant 0 : i32
      %dma_wait3A_179 = tpu.memref_slice %arg3[%add3A, %add3A_174, %dma_wait3A_178] : memref<32x202x100xi32, #tpu.memory_space<hbm>> -> memref<1x1x100xi32, #tpu.memory_space<hbm>>
      %dma_wait3A_180 = tpu.memref_squeeze %dma_wait3A_179 : memref<1x1x100xi32, #tpu.memory_space<hbm>> -> memref<100xi32, #tpu.memory_space<hbm>>
      tpu.wait_dma2 semaphore(%arg19 : memref<!tpu.dma_semaphore, #tpu.memory_space<semaphore_mem>>) src(%dma_wait3A_180 : memref<100xi32, #tpu.memory_space<hbm>>) dst(%arg8 : memref<100xi32, #tpu.memory_space<vmem>>)
      %dma_start3A_181 = arith.constant 0 : i32
      %dma_start3A_182 = arith.constant 0 : i32
      %dma_start3A_183 = tpu.memref_slice %arg2[%dma_start3A_181, %dma_start3A_182] : memref<20000x128xbf16, #tpu.memory_space<hbm>> -> memref<20000x128xbf16, #tpu.memory_space<hbm>>
      tpu.enqueue_indirect_dma source(%dma_start3A_183 : memref<20000x128xbf16, #tpu.memory_space<hbm>>) target(%arg10 : memref<100x128xbf16, #tpu.memory_space<vmem>>) offsets(%arg8 : memref<100xi32, #tpu.memory_space<vmem>>) semaphore(%arg17 : memref<!tpu.dma_semaphore, #tpu.memory_space<semaphore_mem>>)
      %dma_wait3A_184 = arith.constant 0 : i32
      %dma_wait3A_185 = arith.constant 0 : i32
      %dma_wait3A_186 = tpu.memref_slice %arg2[%dma_wait3A_184, %dma_wait3A_185] : memref<20000x128xbf16, #tpu.memory_space<hbm>> -> memref<20000x128xbf16, #tpu.memory_space<hbm>>
      tpu.wait_indirect_dma semaphore(%arg18 : memref<!tpu.dma_semaphore, #tpu.memory_space<semaphore_mem>>) src(%dma_wait3A_186 : memref<20000x128xbf16, #tpu.memory_space<hbm>>) dst(%arg11 : memref<100x128xbf16, #tpu.memory_space<vmem>>)
      %dma_wait3A_187 = arith.constant 0 : i32
      %dma_wait3A_188 = arith.constant 0 : i32
      %dma_wait3A_189 = tpu.memref_slice %arg7[%dma_wait3A_187, %dma_wait3A_188] : memref<10000x144xf32, #tpu.memory_space<vmem_shared>> -> memref<10000x144xf32, #tpu.memory_space<vmem_shared>>
      tpu.wait_indirect_dma semaphore(%arg22 : memref<!tpu.dma_semaphore, #tpu.memory_space<semaphore_mem>>) src(%arg15 : memref<50x144xf32, #tpu.memory_space<vmem>>) dst(%dma_wait3A_189 : memref<10000x144xf32, #tpu.memory_space<vmem_shared>>)
      %get3A_190 = arith.constant 50 : index
      %get3A_191 = tpu.vector_load %arg9[%get3A_190] {strides = array<i32>} : memref<100xi32, #tpu.memory_space<vmem>>, vector<16xi32>,
      %sub3A_192 = arith.constant 10000 : i32
      %sub3A_193 = vector.broadcast %sub3A_192 : i32 to vector<16xi32>
      %sub3A_194 = arith.subi %get3A_191, %sub3A_193 : vector<16xi32>
      %swap3A_195 = arith.constant 0 : index
      %swap3A_196 = tpu.vector_load %arg13[%swap3A_195] {strides = array<i32>} : memref<50xi32, #tpu.memory_space<vmem>>, vector<16xi32>,
      tpu.vector_store %arg13[%swap3A_195], %sub3A_194 {strides = array<i32>} : memref<50xi32, #tpu.memory_space<vmem>>, vector<16xi32>,
      %get3A_197 = arith.constant 66 : index
      %get3A_198 = tpu.vector_load %arg9[%get3A_197] {strides = array<i32>} : memref<100xi32, #tpu.memory_space<vmem>>, vector<16xi32>,
      %sub3A_199 = arith.constant 10000 : i32
      %sub3A_200 = vector.broadcast %sub3A_199 : i32 to vector<16xi32>
      %sub3A_201 = arith.subi %get3A_198, %sub3A_200 : vector<16xi32>
      %swap3A_202 = arith.constant 16 : index
      %swap3A_203 = tpu.vector_load %arg13[%swap3A_202] {strides = array<i32>} : memref<50xi32, #tpu.memory_space<vmem>>, vector<16xi32>,
      tpu.vector_store %arg13[%swap3A_202], %sub3A_201 {strides = array<i32>} : memref<50xi32, #tpu.memory_space<vmem>>, vector<16xi32>,
      %get3A_204 = arith.constant 82 : index
      %get3A_205 = tpu.vector_load %arg9[%get3A_204] {strides = array<i32>} : memref<100xi32, #tpu.memory_space<vmem>>, vector<16xi32>,
      %sub3A_206 = arith.constant 10000 : i32
      %sub3A_207 = vector.broadcast %sub3A_206 : i32 to vector<16xi32>
      %sub3A_208 = arith.subi %get3A_205, %sub3A_207 : vector<16xi32>
      %swap3A_209 = arith.constant 32 : index
      %swap3A_210 = tpu.vector_load %arg13[%swap3A_209] {strides = array<i32>} : memref<50xi32, #tpu.memory_space<vmem>>, vector<16xi32>,
      tpu.vector_store %arg13[%swap3A_209], %sub3A_208 {strides = array<i32>} : memref<50xi32, #tpu.memory_space<vmem>>, vector<16xi32>,
      %get3A_211 = arith.constant 84 : index
      %get3A_212 = tpu.vector_load %arg9[%get3A_211] {strides = array<i32>} : memref<100xi32, #tpu.memory_space<vmem>>, vector<16xi32>,
      %sub3A_213 = arith.constant 10000 : i32
      %sub3A_214 = vector.broadcast %sub3A_213 : i32 to vector<16xi32>
      %sub3A_215 = arith.subi %get3A_212, %sub3A_214 : vector<16xi32>
      %swap3A_216 = arith.constant 34 : index
      %swap3A_217 = tpu.vector_load %arg13[%swap3A_216] {strides = array<i32>} : memref<50xi32, #tpu.memory_space<vmem>>, vector<16xi32>,
      tpu.vector_store %arg13[%swap3A_216], %sub3A_215 {strides = array<i32>} : memref<50xi32, #tpu.memory_space<vmem>>, vector<16xi32>,
      %add3A_218 = arith.constant 3 : i32
      %add3A_219 = arith.addi %add3A_123, %add3A_218 : i32
      %dma_start3A_220 = arith.constant 0 : i32
      %dma_start3A_221 = tpu.memref_slice %arg3[%add3A, %add3A_219, %dma_start3A_220] : memref<32x202x100xi32, #tpu.memory_space<hbm>> -> memref<1x1x100xi32, #tpu.memory_space<hbm>>
      %dma_start3A_222 = tpu.memref_squeeze %dma_start3A_221 : memref<1x1x100xi32, #tpu.memory_space<hbm>> -> memref<100xi32, #tpu.memory_space<hbm>>
      %dma_start3A_223 = arith.constant 0 : i32
      %dma_start3A_224 = tpu.memref_slice %arg3[%add3A, %add3A_219, %dma_start3A_223] : memref<32x202x100xi32, #tpu.memory_space<hbm>> -> memref<1x1x100xi32, #tpu.memory_space<hbm>>
      %dma_start3A_225 = tpu.memref_squeeze %dma_start3A_224 : memref<1x1x100xi32, #tpu.memory_space<hbm>> -> memref<100xi32, #tpu.memory_space<hbm>>
      tpu.enqueue_dma source(%dma_start3A_225 : memref<100xi32, #tpu.memory_space<hbm>>) target(%arg9 : memref<100xi32, #tpu.memory_space<vmem>>) target_semaphore(%arg20 : memref<!tpu.dma_semaphore, #tpu.memory_space<semaphore_mem>>)
      %parallel_loop3A_226 = arith.constant 0 : i32
      %parallel_loop3A_227 = arith.constant 50 : i32
      %parallel_loop3A_228 = arith.constant 1 : i32
      scf.for %parallel_loop3A_240 = %parallel_loop3A_226 to %parallel_loop3A_227 step %parallel_loop3A_228  : i32 {
        %parallel_loop3A_241 = arith.index_cast %parallel_loop3A_240 : i32 to index
        %parallel_loop3A_242 = arith.constant 0 : index
        %parallel_loop3A_243 = tpu.vector_load %arg11[%parallel_loop3A_241, %parallel_loop3A_242] {strides = array<i32>} : memref<100x128xbf16, #tpu.memory_space<vmem>>, vector<32xbf16>,
        %parallel_loop3A_244 = arith.constant 50 : i32
        %parallel_loop3A_245 = arith.addi %parallel_loop3A_244, %parallel_loop3A_240 : i32
        %parallel_loop3A_246 = arith.index_cast %parallel_loop3A_245 : i32 to index
        %parallel_loop3A_247 = arith.constant 0 : index
        %parallel_loop3A_248 = tpu.vector_load %arg11[%parallel_loop3A_246, %parallel_loop3A_247] {strides = array<i32>} : memref<100x128xbf16, #tpu.memory_space<vmem>>, vector<32xbf16>,
        %parallel_loop3A_249 = tpu.unpack_subelements %parallel_loop3A_243, 0 {pack_format = #tpu.pack_format<interleaved>} : vector<32xbf16> -> vector<16xf32>
        %parallel_loop3A_250 = tpu.unpack_subelements %parallel_loop3A_243, 1 {pack_format = #tpu.pack_format<interleaved>} : vector<32xbf16> -> vector<16xf32>
        %parallel_loop3A_251 = tpu.unpack_subelements %parallel_loop3A_248, 0 {pack_format = #tpu.pack_format<interleaved>} : vector<32xbf16> -> vector<16xf32>
        %parallel_loop3A_252 = tpu.unpack_subelements %parallel_loop3A_248, 1 {pack_format = #tpu.pack_format<interleaved>} : vector<32xbf16> -> vector<16xf32>
        %parallel_loop3A_253 = arith.addf %parallel_loop3A_249, %parallel_loop3A_251 : vector<16xf32>
        %parallel_loop3A_254 = arith.constant 2.000000e-01 : f32
        %parallel_loop3A_255 = vector.broadcast %parallel_loop3A_254 : f32 to vector<16xf32>
        %parallel_loop3A_256 = arith.mulf %parallel_loop3A_253, %parallel_loop3A_255 : vector<16xf32>
        %parallel_loop3A_257 = arith.maximumf %parallel_loop3A_253, %parallel_loop3A_256 : vector<16xf32>
        %parallel_loop3A_258 = arith.mulf %parallel_loop3A_257, %get3A_44 : vector<16xf32>
        %parallel_loop3A_259 = arith.addf %parallel_loop3A_250, %parallel_loop3A_252 : vector<16xf32>
        %parallel_loop3A_260 = arith.constant 2.000000e-01 : f32
        %parallel_loop3A_261 = vector.broadcast %parallel_loop3A_260 : f32 to vector<16xf32>
        %parallel_loop3A_262 = arith.mulf %parallel_loop3A_259, %parallel_loop3A_261 : vector<16xf32>
        %parallel_loop3A_263 = arith.maximumf %parallel_loop3A_259, %parallel_loop3A_262 : vector<16xf32>
        %parallel_loop3A_264 = arith.mulf %parallel_loop3A_263, %get3A_46 : vector<16xf32>
        %parallel_loop3A_265 = arith.addf %parallel_loop3A_258, %parallel_loop3A_264 : vector<16xf32>
        %parallel_loop3A_266 = arith.index_cast %parallel_loop3A_240 : i32 to index
        %parallel_loop3A_267 = arith.constant 32 : index
        %parallel_loop3A_268 = tpu.vector_load %arg11[%parallel_loop3A_266, %parallel_loop3A_267] {strides = array<i32>} : memref<100x128xbf16, #tpu.memory_space<vmem>>, vector<32xbf16>,
        %parallel_loop3A_269 = arith.constant 50 : i32
        %parallel_loop3A_270 = arith.addi %parallel_loop3A_269, %parallel_loop3A_240 : i32
        %parallel_loop3A_271 = arith.index_cast %parallel_loop3A_270 : i32 to index
        %parallel_loop3A_272 = arith.constant 32 : index
        %parallel_loop3A_273 = tpu.vector_load %arg11[%parallel_loop3A_271, %parallel_loop3A_272] {strides = array<i32>} : memref<100x128xbf16, #tpu.memory_space<vmem>>, vector<32xbf16>,
        %parallel_loop3A_274 = tpu.unpack_subelements %parallel_loop3A_268, 0 {pack_format = #tpu.pack_format<interleaved>} : vector<32xbf16> -> vector<16xf32>
        %parallel_loop3A_275 = tpu.unpack_subelements %parallel_loop3A_268, 1 {pack_format = #tpu.pack_format<interleaved>} : vector<32xbf16> -> vector<16xf32>
        %parallel_loop3A_276 = tpu.unpack_subelements %parallel_loop3A_273, 0 {pack_format = #tpu.pack_format<interleaved>} : vector<32xbf16> -> vector<16xf32>
        %parallel_loop3A_277 = tpu.unpack_subelements %parallel_loop3A_273, 1 {pack_format = #tpu.pack_format<interleaved>} : vector<32xbf16> -> vector<16xf32>
        %parallel_loop3A_278 = arith.addf %parallel_loop3A_274, %parallel_loop3A_276 : vector<16xf32>
        %parallel_loop3A_279 = arith.constant 2.000000e-01 : f32
        %parallel_loop3A_280 = vector.broadcast %parallel_loop3A_279 : f32 to vector<16xf32>
        %parallel_loop3A_281 = arith.mulf %parallel_loop3A_278, %parallel_loop3A_280 : vector<16xf32>
        %parallel_loop3A_282 = arith.maximumf %parallel_loop3A_278, %parallel_loop3A_281 : vector<16xf32>
        %parallel_loop3A_283 = arith.mulf %parallel_loop3A_282, %get3A_48 : vector<16xf32>
        %parallel_loop3A_284 = arith.addf %parallel_loop3A_265, %parallel_loop3A_283 : vector<16xf32>
        %parallel_loop3A_285 = arith.addf %parallel_loop3A_275, %parallel_loop3A_277 : vector<16xf32>
        %parallel_loop3A_286 = arith.constant 2.000000e-01 : f32
        %parallel_loop3A_287 = vector.broadcast %parallel_loop3A_286 : f32 to vector<16xf32>
        %parallel_loop3A_288 = arith.mulf %parallel_loop3A_285, %parallel_loop3A_287 : vector<16xf32>
        %parallel_loop3A_289 = arith.maximumf %parallel_loop3A_285, %parallel_loop3A_288 : vector<16xf32>
        %parallel_loop3A_290 = arith.mulf %parallel_loop3A_289, %get3A_50 : vector<16xf32>
        %parallel_loop3A_291 = arith.addf %parallel_loop3A_284, %parallel_loop3A_290 : vector<16xf32>
        %parallel_loop3A_292 = arith.index_cast %parallel_loop3A_240 : i32 to index
        %parallel_loop3A_293 = arith.constant 64 : index
        %parallel_loop3A_294 = tpu.vector_load %arg11[%parallel_loop3A_292, %parallel_loop3A_293] {strides = array<i32>} : memref<100x128xbf16, #tpu.memory_space<vmem>>, vector<32xbf16>,
        %parallel_loop3A_295 = arith.constant 50 : i32
        %parallel_loop3A_296 = arith.addi %parallel_loop3A_295, %parallel_loop3A_240 : i32
        %parallel_loop3A_297 = arith.index_cast %parallel_loop3A_296 : i32 to index
        %parallel_loop3A_298 = arith.constant 64 : index
        %parallel_loop3A_299 = tpu.vector_load %arg11[%parallel_loop3A_297, %parallel_loop3A_298] {strides = array<i32>} : memref<100x128xbf16, #tpu.memory_space<vmem>>, vector<32xbf16>,
        %parallel_loop3A_300 = tpu.unpack_subelements %parallel_loop3A_294, 0 {pack_format = #tpu.pack_format<interleaved>} : vector<32xbf16> -> vector<16xf32>
        %parallel_loop3A_301 = tpu.unpack_subelements %parallel_loop3A_294, 1 {pack_format = #tpu.pack_format<interleaved>} : vector<32xbf16> -> vector<16xf32>
        %parallel_loop3A_302 = tpu.unpack_subelements %parallel_loop3A_299, 0 {pack_format = #tpu.pack_format<interleaved>} : vector<32xbf16> -> vector<16xf32>
        %parallel_loop3A_303 = tpu.unpack_subelements %parallel_loop3A_299, 1 {pack_format = #tpu.pack_format<interleaved>} : vector<32xbf16> -> vector<16xf32>
        %parallel_loop3A_304 = arith.addf %parallel_loop3A_300, %parallel_loop3A_302 : vector<16xf32>
        %parallel_loop3A_305 = arith.constant 2.000000e-01 : f32
        %parallel_loop3A_306 = vector.broadcast %parallel_loop3A_305 : f32 to vector<16xf32>
        %parallel_loop3A_307 = arith.mulf %parallel_loop3A_304, %parallel_loop3A_306 : vector<16xf32>
        %parallel_loop3A_308 = arith.maximumf %parallel_loop3A_304, %parallel_loop3A_307 : vector<16xf32>
        %parallel_loop3A_309 = arith.mulf %parallel_loop3A_308, %get3A_52 : vector<16xf32>
        %parallel_loop3A_310 = arith.addf %parallel_loop3A_291, %parallel_loop3A_309 : vector<16xf32>
        %parallel_loop3A_311 = arith.addf %parallel_loop3A_301, %parallel_loop3A_303 : vector<16xf32>
        %parallel_loop3A_312 = arith.constant 2.000000e-01 : f32
        %parallel_loop3A_313 = vector.broadcast %parallel_loop3A_312 : f32 to vector<16xf32>
        %parallel_loop3A_314 = arith.mulf %parallel_loop3A_311, %parallel_loop3A_313 : vector<16xf32>
        %parallel_loop3A_315 = arith.maximumf %parallel_loop3A_311, %parallel_loop3A_314 : vector<16xf32>
        %parallel_loop3A_316 = arith.mulf %parallel_loop3A_315, %get3A_54 : vector<16xf32>
        %parallel_loop3A_317 = arith.addf %parallel_loop3A_310, %parallel_loop3A_316 : vector<16xf32>
        %parallel_loop3A_318 = arith.index_cast %parallel_loop3A_240 : i32 to index
        %parallel_loop3A_319 = arith.constant 96 : index
        %parallel_loop3A_320 = tpu.vector_load %arg11[%parallel_loop3A_318, %parallel_loop3A_319] {strides = array<i32>} : memref<100x128xbf16, #tpu.memory_space<vmem>>, vector<32xbf16>,
        %parallel_loop3A_321 = arith.constant 50 : i32
        %parallel_loop3A_322 = arith.addi %parallel_loop3A_321, %parallel_loop3A_240 : i32
        %parallel_loop3A_323 = arith.index_cast %parallel_loop3A_322 : i32 to index
        %parallel_loop3A_324 = arith.constant 96 : index
        %parallel_loop3A_325 = tpu.vector_load %arg11[%parallel_loop3A_323, %parallel_loop3A_324] {strides = array<i32>} : memref<100x128xbf16, #tpu.memory_space<vmem>>, vector<32xbf16>,
        %parallel_loop3A_326 = tpu.unpack_subelements %parallel_loop3A_320, 0 {pack_format = #tpu.pack_format<interleaved>} : vector<32xbf16> -> vector<16xf32>
        %parallel_loop3A_327 = tpu.unpack_subelements %parallel_loop3A_320, 1 {pack_format = #tpu.pack_format<interleaved>} : vector<32xbf16> -> vector<16xf32>
        %parallel_loop3A_328 = tpu.unpack_subelements %parallel_loop3A_325, 0 {pack_format = #tpu.pack_format<interleaved>} : vector<32xbf16> -> vector<16xf32>
        %parallel_loop3A_329 = tpu.unpack_subelements %parallel_loop3A_325, 1 {pack_format = #tpu.pack_format<interleaved>} : vector<32xbf16> -> vector<16xf32>
        %parallel_loop3A_330 = arith.addf %parallel_loop3A_326, %parallel_loop3A_328 : vector<16xf32>
        %parallel_loop3A_331 = arith.constant 2.000000e-01 : f32
        %parallel_loop3A_332 = vector.broadcast %parallel_loop3A_331 : f32 to vector<16xf32>
        %parallel_loop3A_333 = arith.mulf %parallel_loop3A_330, %parallel_loop3A_332 : vector<16xf32>
        %parallel_loop3A_334 = arith.maximumf %parallel_loop3A_330, %parallel_loop3A_333 : vector<16xf32>
        %parallel_loop3A_335 = arith.mulf %parallel_loop3A_334, %get3A_56 : vector<16xf32>
        %parallel_loop3A_336 = arith.addf %parallel_loop3A_317, %parallel_loop3A_335 : vector<16xf32>
        %parallel_loop3A_337 = arith.addf %parallel_loop3A_327, %parallel_loop3A_329 : vector<16xf32>
        %parallel_loop3A_338 = arith.constant 2.000000e-01 : f32
        %parallel_loop3A_339 = vector.broadcast %parallel_loop3A_338 : f32 to vector<16xf32>
        %parallel_loop3A_340 = arith.mulf %parallel_loop3A_337, %parallel_loop3A_339 : vector<16xf32>
        %parallel_loop3A_341 = arith.maximumf %parallel_loop3A_337, %parallel_loop3A_340 : vector<16xf32>
        %parallel_loop3A_342 = arith.mulf %parallel_loop3A_341, %get3A_58 : vector<16xf32>
        %parallel_loop3A_343 = arith.addf %parallel_loop3A_336, %parallel_loop3A_342 : vector<16xf32>
        %parallel_loop3A_344 = arith.constant true
        %parallel_loop3A_345 = vector.broadcast %parallel_loop3A_344 : i1 to vector<16xi1>
        %parallel_loop3A_346 = tpu.scan <sum>, %parallel_loop3A_343 masked %parallel_loop3A_345 : vector<16xf32>, vector<16xi1> -> vector<16xf32>
        %parallel_loop3A_347 = vector.extract %parallel_loop3A_346[15] : f32 from vector<16xf32>
        %parallel_loop3A_348 = arith.constant 7.500000e+01 : f32
        %parallel_loop3A_349 = arith.minimumf %parallel_loop3A_347, %parallel_loop3A_348 : f32
        %parallel_loop3A_350 = vector.broadcast %parallel_loop3A_349 : f32 to vector<16xf32>
        %parallel_loop3A_351 = math.exp %parallel_loop3A_350 : vector<16xf32>
        %parallel_loop3A_352 = arith.mulf %parallel_loop3A_249, %parallel_loop3A_351 : vector<16xf32>
        %parallel_loop3A_353 = arith.index_cast %parallel_loop3A_240 : i32 to index
        %parallel_loop3A_354 = arith.constant 0 : index
        %parallel_loop3A_355 = tpu.vector_load %arg15[%parallel_loop3A_353, %parallel_loop3A_354] {strides = array<i32>} : memref<50x144xf32, #tpu.memory_space<vmem>>, vector<16xf32>,
        tpu.vector_store %arg15[%parallel_loop3A_353, %parallel_loop3A_354], %parallel_loop3A_352 {strides = array<i32>} : memref<50x144xf32, #tpu.memory_space<vmem>>, vector<16xf32>,
        %parallel_loop3A_356 = arith.mulf %parallel_loop3A_250, %parallel_loop3A_351 : vector<16xf32>
        %parallel_loop3A_357 = arith.index_cast %parallel_loop3A_240 : i32 to index
        %parallel_loop3A_358 = arith.constant 16 : index
        %parallel_loop3A_359 = tpu.vector_load %arg15[%parallel_loop3A_357, %parallel_loop3A_358] {strides = array<i32>} : memref<50x144xf32, #tpu.memory_space<vmem>>, vector<16xf32>,
        tpu.vector_store %arg15[%parallel_loop3A_357, %parallel_loop3A_358], %parallel_loop3A_356 {strides = array<i32>} : memref<50x144xf32, #tpu.memory_space<vmem>>, vector<16xf32>,
        %parallel_loop3A_360 = arith.mulf %parallel_loop3A_274, %parallel_loop3A_351 : vector<16xf32>
        %parallel_loop3A_361 = arith.index_cast %parallel_loop3A_240 : i32 to index
        %parallel_loop3A_362 = arith.constant 32 : index
        %parallel_loop3A_363 = tpu.vector_load %arg15[%parallel_loop3A_361, %parallel_loop3A_362] {strides = array<i32>} : memref<50x144xf32, #tpu.memory_space<vmem>>, vector<16xf32>,
        tpu.vector_store %arg15[%parallel_loop3A_361, %parallel_loop3A_362], %parallel_loop3A_360 {strides = array<i32>} : memref<50x144xf32, #tpu.memory_space<vmem>>, vector<16xf32>,
        %parallel_loop3A_364 = arith.mulf %parallel_loop3A_275, %parallel_loop3A_351 : vector<16xf32>
        %parallel_loop3A_365 = arith.index_cast %parallel_loop3A_240 : i32 to index
        %parallel_loop3A_366 = arith.constant 48 : index
        %parallel_loop3A_367 = tpu.vector_load %arg15[%parallel_loop3A_365, %parallel_loop3A_366] {strides = array<i32>} : memref<50x144xf32, #tpu.memory_space<vmem>>, vector<16xf32>,
        tpu.vector_store %arg15[%parallel_loop3A_365, %parallel_loop3A_366], %parallel_loop3A_364 {strides = array<i32>} : memref<50x144xf32, #tpu.memory_space<vmem>>, vector<16xf32>,
        %parallel_loop3A_368 = arith.mulf %parallel_loop3A_300, %parallel_loop3A_351 : vector<16xf32>
        %parallel_loop3A_369 = arith.index_cast %parallel_loop3A_240 : i32 to index
        %parallel_loop3A_370 = arith.constant 64 : index
        %parallel_loop3A_371 = tpu.vector_load %arg15[%parallel_loop3A_369, %parallel_loop3A_370] {strides = array<i32>} : memref<50x144xf32, #tpu.memory_space<vmem>>, vector<16xf32>,
        tpu.vector_store %arg15[%parallel_loop3A_369, %parallel_loop3A_370], %parallel_loop3A_368 {strides = array<i32>} : memref<50x144xf32, #tpu.memory_space<vmem>>, vector<16xf32>,
        %parallel_loop3A_372 = arith.mulf %parallel_loop3A_301, %parallel_loop3A_351 : vector<16xf32>
        %parallel_loop3A_373 = arith.index_cast %parallel_loop3A_240 : i32 to index
        %parallel_loop3A_374 = arith.constant 80 : index
        %parallel_loop3A_375 = tpu.vector_load %arg15[%parallel_loop3A_373, %parallel_loop3A_374] {strides = array<i32>} : memref<50x144xf32, #tpu.memory_space<vmem>>, vector<16xf32>,
        tpu.vector_store %arg15[%parallel_loop3A_373, %parallel_loop3A_374], %parallel_loop3A_372 {strides = array<i32>} : memref<50x144xf32, #tpu.memory_space<vmem>>, vector<16xf32>,
        %parallel_loop3A_376 = arith.mulf %parallel_loop3A_326, %parallel_loop3A_351 : vector<16xf32>
        %parallel_loop3A_377 = arith.index_cast %parallel_loop3A_240 : i32 to index
        %parallel_loop3A_378 = arith.constant 96 : index
        %parallel_loop3A_379 = tpu.vector_load %arg15[%parallel_loop3A_377, %parallel_loop3A_378] {strides = array<i32>} : memref<50x144xf32, #tpu.memory_space<vmem>>, vector<16xf32>,
        tpu.vector_store %arg15[%parallel_loop3A_377, %parallel_loop3A_378], %parallel_loop3A_376 {strides = array<i32>} : memref<50x144xf32, #tpu.memory_space<vmem>>, vector<16xf32>,
        %parallel_loop3A_380 = arith.mulf %parallel_loop3A_327, %parallel_loop3A_351 : vector<16xf32>
        %parallel_loop3A_381 = arith.index_cast %parallel_loop3A_240 : i32 to index
        %parallel_loop3A_382 = arith.constant 112 : index
        %parallel_loop3A_383 = tpu.vector_load %arg15[%parallel_loop3A_381, %parallel_loop3A_382] {strides = array<i32>} : memref<50x144xf32, #tpu.memory_space<vmem>>, vector<16xf32>,
        tpu.vector_store %arg15[%parallel_loop3A_381, %parallel_loop3A_382], %parallel_loop3A_380 {strides = array<i32>} : memref<50x144xf32, #tpu.memory_space<vmem>>, vector<16xf32>,
        %parallel_loop3A_384 = arith.constant 0.000000e+00 : f32
        %parallel_loop3A_385 = vector.broadcast %parallel_loop3A_384 : f32 to vector<16xf32>
        %parallel_loop3A_386 = arith.select %eq3A_60, %parallel_loop3A_351, %parallel_loop3A_385 : vector<16xi1>, vector<16xf32>
        %parallel_loop3A_387 = arith.index_cast %parallel_loop3A_240 : i32 to index
        %parallel_loop3A_388 = arith.constant 128 : index
        %parallel_loop3A_389 = tpu.vector_load %arg15[%parallel_loop3A_387, %parallel_loop3A_388] {strides = array<i32>} : memref<50x144xf32, #tpu.memory_space<vmem>>, vector<16xf32>,
        tpu.vector_store %arg15[%parallel_loop3A_387, %parallel_loop3A_388], %parallel_loop3A_386 {strides = array<i32>} : memref<50x144xf32, #tpu.memory_space<vmem>>, vector<16xf32>,
      } {sc.loop_unroll_factor = 2 : i64, sc.parallel_access}
      %dma_start3A_229 = arith.constant 0 : i32
      %dma_start3A_230 = arith.constant 0 : i32
      %dma_start3A_231 = tpu.memref_slice %arg7[%dma_start3A_229, %dma_start3A_230] : memref<10000x144xf32, #tpu.memory_space<vmem_shared>> -> memref<10000x144xf32, #tpu.memory_space<vmem_shared>>
      tpu.enqueue_indirect_dma source(%arg15 : memref<50x144xf32, #tpu.memory_space<vmem>>) target(%dma_start3A_231 : memref<10000x144xf32, #tpu.memory_space<vmem_shared>>) offsets(%arg13 : memref<50xi32, #tpu.memory_space<vmem>>) semaphore(%arg22 : memref<!tpu.dma_semaphore, #tpu.memory_space<semaphore_mem>>) {add = true}
      %add3A_232 = arith.constant 3 : i32
      %add3A_233 = arith.addi %add3A_123, %add3A_232 : i32
      %dma_wait3A_234 = arith.constant 0 : i32
      %dma_wait3A_235 = tpu.memref_slice %arg3[%add3A, %add3A_233, %dma_wait3A_234] : memref<32x202x100xi32, #tpu.memory_space<hbm>> -> memref<1x1x100xi32, #tpu.memory_space<hbm>>
      %dma_wait3A_236 = tpu.memref_squeeze %dma_wait3A_235 : memref<1x1x100xi32, #tpu.memory_space<hbm>> -> memref<100xi32, #tpu.memory_space<hbm>>
      %dma_wait3A_237 = arith.constant 0 : i32
      %dma_wait3A_238 = tpu.memref_slice %arg3[%add3A, %add3A_233, %dma_wait3A_237] : memref<32x202x100xi32, #tpu.memory_space<hbm>> -> memref<1x1x100xi32, #tpu.memory_space<hbm>>
      %dma_wait3A_239 = tpu.memref_squeeze %dma_wait3A_238 : memref<1x1x100xi32, #tpu.memory_space<hbm>> -> memref<100xi32, #tpu.memory_space<hbm>>
      tpu.wait_dma2 semaphore(%arg20 : memref<!tpu.dma_semaphore, #tpu.memory_space<semaphore_mem>>) src(%dma_wait3A_239 : memref<100xi32, #tpu.memory_space<hbm>>) dst(%arg9 : memref<100xi32, #tpu.memory_space<vmem>>)
    }
    %scan3A_100 = arith.constant 100 : i32
    %dma_wait3A_101 = arith.constant 0 : i32
    %dma_wait3A_102 = arith.constant 0 : i32
    %dma_wait3A_103 = tpu.memref_slice %arg2[%dma_wait3A_101, %dma_wait3A_102] : memref<20000x128xbf16, #tpu.memory_space<hbm>> -> memref<20000x128xbf16, #tpu.memory_space<hbm>>
    tpu.wait_indirect_dma semaphore(%arg17 : memref<!tpu.dma_semaphore, #tpu.memory_space<semaphore_mem>>) src(%dma_wait3A_103 : memref<20000x128xbf16, #tpu.memory_space<hbm>>) dst(%arg10 : memref<100x128xbf16, #tpu.memory_space<vmem>>)
    %dma_wait3A_104 = arith.constant 0 : i32
    %dma_wait3A_105 = arith.constant 0 : i32
    %dma_wait3A_106 = tpu.memref_slice %arg7[%dma_wait3A_104, %dma_wait3A_105] : memref<10000x144xf32, #tpu.memory_space<vmem_shared>> -> memref<10000x144xf32, #tpu.memory_space<vmem_shared>>
    tpu.wait_indirect_dma semaphore(%arg21 : memref<!tpu.dma_semaphore, #tpu.memory_space<semaphore_mem>>) src(%arg14 : memref<50x144xf32, #tpu.memory_space<vmem>>) dst(%dma_wait3A_106 : memref<10000x144xf32, #tpu.memory_space<vmem_shared>>)
    %dma_wait3A_107 = arith.constant 0 : i32
    %dma_wait3A_108 = arith.constant 0 : i32
    %dma_wait3A_109 = tpu.memref_slice %arg7[%dma_wait3A_107, %dma_wait3A_108] : memref<10000x144xf32, #tpu.memory_space<vmem_shared>> -> memref<10000x144xf32, #tpu.memory_space<vmem_shared>>
    tpu.wait_indirect_dma semaphore(%arg22 : memref<!tpu.dma_semaphore, #tpu.memory_space<semaphore_mem>>) src(%arg15 : memref<50x144xf32, #tpu.memory_space<vmem>>) dst(%dma_wait3A_109 : memref<10000x144xf32, #tpu.memory_space<vmem_shared>>)
    %barrier3A_110 = arith.constant 0 : index
    tpu.barrier barrier_id(%barrier3A_110)
    %eq3A_111 = arith.constant 0 : i32
    %eq3A_112 = arith.cmpi eq, %arg0, %eq3A_111 : i32
    %convert_element_type3A = arith.extui %eq3A_112 : i1 to i32
    %cond3A = arith.constant 0 : i32
    %cond3A_113 = arith.cmpi ne, %convert_element_type3A, %cond3A : i32
    scf.if %cond3A_113 {
      "tpu.region"() ({
        %run_scoped3A = tpu.sem_alloc : memref<!tpu.dma_semaphore, #tpu.memory_space<semaphore_mem>>
        %dma_start3A_119 = arith.constant 0 : i32
        %dma_start3A_120 = tpu.memref_slice %arg5[%mul3A_2, %dma_start3A_119] : memref<10000x144xf32, #tpu.memory_space<hbm>> -> memref<625x144xf32, #tpu.memory_space<hbm>>
        %dma_start3A_121 = arith.constant 0 : i32
        %dma_start3A_122 = tpu.memref_slice %arg7[%mul3A_2, %dma_start3A_121] : memref<10000x144xf32, #tpu.memory_space<vmem_shared>> -> memref<625x144xf32, #tpu.memory_space<vmem_shared>>
        tpu.enqueue_dma source(%dma_start3A_122 : memref<625x144xf32, #tpu.memory_space<vmem_shared>>) target(%dma_start3A_120 : memref<625x144xf32, #tpu.memory_space<hbm>>) target_semaphore(%run_scoped3A : memref<!tpu.dma_semaphore, #tpu.memory_space<semaphore_mem>>)
        %dma_wait3A_123 = arith.constant 0 : i32
        %dma_wait3A_124 = tpu.memref_slice %arg5[%mul3A_2, %dma_wait3A_123] : memref<10000x144xf32, #tpu.memory_space<hbm>> -> memref<625x144xf32, #tpu.memory_space<hbm>>
        %dma_wait3A_125 = arith.constant 0 : i32
        %dma_wait3A_126 = tpu.memref_slice %arg7[%mul3A_2, %dma_wait3A_125] : memref<10000x144xf32, #tpu.memory_space<vmem_shared>> -> memref<625x144xf32, #tpu.memory_space<vmem_shared>>
        tpu.wait_dma2 semaphore(%run_scoped3A : memref<!tpu.dma_semaphore, #tpu.memory_space<semaphore_mem>>) src(%dma_wait3A_126 : memref<625x144xf32, #tpu.memory_space<vmem_shared>>) dst(%dma_wait3A_124 : memref<625x144xf32, #tpu.memory_space<hbm>>)
        tpu.yield
      }) : () -> ()
    } else {
    }
    %eq3A_114 = arith.constant 1 : i32
    %eq3A_115 = arith.cmpi eq, %arg0, %eq3A_114 : i32
    %convert_element_type3A_116 = arith.extui %eq3A_115 : i1 to i32
    %cond3A_117 = arith.constant 0 : i32
    %cond3A_118 = arith.cmpi ne, %convert_element_type3A_116, %cond3A_117 : i32
    scf.if %cond3A_118 {
      "tpu.region"() ({
        %run_scoped3A = tpu.sem_alloc : memref<!tpu.dma_semaphore, #tpu.memory_space<semaphore_mem>>
        %dma_start3A_119 = arith.constant 0 : i32
        %dma_start3A_120 = tpu.memref_slice %arg6[%mul3A_2, %dma_start3A_119] : memref<10000x144xf32, #tpu.memory_space<hbm>> -> memref<625x144xf32, #tpu.memory_space<hbm>>
        %dma_start3A_121 = arith.constant 0 : i32
        %dma_start3A_122 = tpu.memref_slice %arg7[%mul3A_2, %dma_start3A_121] : memref<10000x144xf32, #tpu.memory_space<vmem_shared>> -> memref<625x144xf32, #tpu.memory_space<vmem_shared>>
        tpu.enqueue_dma source(%dma_start3A_122 : memref<625x144xf32, #tpu.memory_space<vmem_shared>>) target(%dma_start3A_120 : memref<625x144xf32, #tpu.memory_space<hbm>>) target_semaphore(%run_scoped3A : memref<!tpu.dma_semaphore, #tpu.memory_space<semaphore_mem>>)
        %dma_wait3A_123 = arith.constant 0 : i32
        %dma_wait3A_124 = tpu.memref_slice %arg6[%mul3A_2, %dma_wait3A_123] : memref<10000x144xf32, #tpu.memory_space<hbm>> -> memref<625x144xf32, #tpu.memory_space<hbm>>
        %dma_wait3A_125 = arith.constant 0 : i32
        %dma_wait3A_126 = tpu.memref_slice %arg7[%mul3A_2, %dma_wait3A_125] : memref<10000x144xf32, #tpu.memory_space<vmem_shared>> -> memref<625x144xf32, #tpu.memory_space<vmem_shared>>
        tpu.wait_dma2 semaphore(%run_scoped3A : memref<!tpu.dma_semaphore, #tpu.memory_space<semaphore_mem>>) src(%dma_wait3A_126 : memref<625x144xf32, #tpu.memory_space<vmem_shared>>) dst(%dma_wait3A_124 : memref<625x144xf32, #tpu.memory_space<hbm>>)
        tpu.yield
      }) : () -> ()
    } else {
    }
    return
  }
}

module attributes {stable_mosaic.version = 14 : i64} {
  func.func @_mm_body(%arg0: i32, %arg1: memref<1000x128xf32, #tpu.memory_space<vmem>>, %arg2: memref<128x128xf32, #tpu.memory_space<vmem>>, %arg3: memref<128x128xf32, #tpu.memory_space<vmem>>, %arg4: memref<2x1000x128xbf16, #tpu.memory_space<vmem>>) attributes {dimension_semantics = [#tpu.dimension_semantics<arbitrary>], iteration_bounds = array<i64: 10>, scalar_prefetch = 0 : i64, scratch_operands = 0 : i64, tpu.core_type = #tpu.core_type<tc>, window_params = [{transform_indices = @transform_0, window_bounds = array<i64: 1000, 128>}, {pipeline_mode = #tpu.pipeline_mode<synchronous>, transform_indices = @transform_1, window_bounds = array<i64: 128, 128>}, {pipeline_mode = #tpu.pipeline_mode<synchronous>, transform_indices = @transform_2, window_bounds = array<i64: 128, 128>}, {transform_indices = @transform_3, window_bounds = array<i64: 2, 1000, 128>}]} {
    %get3A = arith.constant 0 : index
    %get3A_0 = arith.constant 0 : index
    %get3A_1 = vector.load %arg1[%get3A, %get3A_0] : memref<1000x128xf32, #tpu.memory_space<vmem>>, vector<1000x128xf32>
    %get3A_2 = arith.constant 0 : index
    %get3A_3 = arith.constant 0 : index
    %get3A_4 = vector.load %arg2[%get3A_2, %get3A_3] : memref<128x128xf32, #tpu.memory_space<vmem>>, vector<128x128xf32>
    %dot_general3A = arith.constant dense<0.000000e+00> : vector<1000x128xf32>
    %dot_general3A_5 = tpu.matmul %get3A_1, %get3A_4, %dot_general3A {dimension_numbers = #tpu.dot_dimension_numbers<[1], [1], [0], [0], [0, 0, 1, 0], [], []>, transpose_lhs_hint = false} : vector<1000x128xf32>, vector<128x128xf32>, vector<1000x128xf32> -> vector<1000x128xf32>
    %convert_element_type3A = arith.truncf %dot_general3A_5 : vector<1000x128xf32> to vector<1000x128xbf16>
    %swap3A = arith.constant 0 : index
    %swap3A_6 = arith.constant 0 : index
    %swap3A_7 = arith.constant 0 : index
    %swap3A_8 = vector.load %arg4[%swap3A, %swap3A_6, %swap3A_7] : memref<2x1000x128xbf16, #tpu.memory_space<vmem>>, vector<1x1000x128xbf16>
    %swap3A_9 = vector.shape_cast %swap3A_8 : vector<1x1000x128xbf16> to vector<1000x128xbf16>
    %swap3A_10 = vector.shape_cast %convert_element_type3A : vector<1000x128xbf16> to vector<1x1000x128xbf16>
    tpu.vector_store %arg4[%swap3A, %swap3A_6, %swap3A_7], %swap3A_10 {strides = array<i32>} : memref<2x1000x128xbf16, #tpu.memory_space<vmem>>, vector<1x1000x128xbf16>,
    %get3A_11 = arith.constant 0 : index
    %get3A_12 = arith.constant 0 : index
    %get3A_13 = vector.load %arg3[%get3A_11, %get3A_12] : memref<128x128xf32, #tpu.memory_space<vmem>>, vector<128x128xf32>
    %dot_general3A_14 = arith.constant dense<0.000000e+00> : vector<1000x128xf32>
    %dot_general3A_15 = tpu.matmul %get3A_1, %get3A_13, %dot_general3A_14 {dimension_numbers = #tpu.dot_dimension_numbers<[1], [1], [0], [0], [0, 0, 1, 0], [], []>, transpose_lhs_hint = false} : vector<1000x128xf32>, vector<128x128xf32>, vector<1000x128xf32> -> vector<1000x128xf32>
    %convert_element_type3A_16 = arith.truncf %dot_general3A_15 : vector<1000x128xf32> to vector<1000x128xbf16>
    %swap3A_17 = arith.constant 1 : index
    %swap3A_18 = arith.constant 0 : index
    %swap3A_19 = arith.constant 0 : index
    %swap3A_20 = vector.load %arg4[%swap3A_17, %swap3A_18, %swap3A_19] : memref<2x1000x128xbf16, #tpu.memory_space<vmem>>, vector<1x1000x128xbf16>
    %swap3A_21 = vector.shape_cast %swap3A_20 : vector<1x1000x128xbf16> to vector<1000x128xbf16>
    %swap3A_22 = vector.shape_cast %convert_element_type3A_16 : vector<1000x128xbf16> to vector<1x1000x128xbf16>
    tpu.vector_store %arg4[%swap3A_17, %swap3A_18, %swap3A_19], %swap3A_22 {strides = array<i32>} : memref<2x1000x128xbf16, #tpu.memory_space<vmem>>, vector<1x1000x128xbf16>,
    return
  }
  func.func @transform_0(%arg0: i32) -> (i32, i32) {
    %c0_i32 = arith.constant 0 : i32
    %c0_i32_0 = arith.constant 0 : i32
    return %arg0, %c0_i32 : i32, i32
  }
  func.func @transform_1(%arg0: i32) -> (i32, i32) {
    %c0_i32 = arith.constant 0 : i32
    %c0_i32_0 = arith.constant 0 : i32
    %c0_i32_1 = arith.constant 0 : i32
    return %c0_i32, %c0_i32_0 : i32, i32
  }
  func.func @transform_2(%arg0: i32) -> (i32, i32) {
    %c0_i32 = arith.constant 0 : i32
    %c0_i32_0 = arith.constant 0 : i32
    %c0_i32_1 = arith.constant 0 : i32
    return %c0_i32, %c0_i32_0 : i32, i32
  }
  func.func @transform_3(%arg0: i32) -> (i32, i32, i32) {
    %c0_i32 = arith.constant 0 : i32
    %c0_i32_0 = arith.constant 0 : i32
    %c0_i32_1 = arith.constant 0 : i32
    return %c0_i32, %arg0, %c0_i32_0 : i32, i32, i32
  }
}

module attributes {stable_mosaic.version = 14 : i64} {
  func.func @_cmb_mm_body(%arg0: i32, %arg1: memref<1000x144xf32, #tpu.memory_space<vmem>>, %arg2: memref<1000x144xf32, #tpu.memory_space<vmem>>, %arg3: memref<1x128xf32, #tpu.memory_space<vmem>>, %arg4: memref<128x128xf32, #tpu.memory_space<vmem>>, %arg5: memref<128x128xf32, #tpu.memory_space<vmem>>, %arg6: memref<2x1000x128xbf16, #tpu.memory_space<vmem>>) attributes {dimension_semantics = [#tpu.dimension_semantics<arbitrary>], iteration_bounds = array<i64: 10>, scalar_prefetch = 0 : i64, scratch_operands = 0 : i64, tpu.core_type = #tpu.core_type<tc>, window_params = [{transform_indices = @transform_0, window_bounds = array<i64: 1000, 144>}, {transform_indices = @transform_1, window_bounds = array<i64: 1000, 144>}, {pipeline_mode = #tpu.pipeline_mode<synchronous>, transform_indices = @transform_2, window_bounds = array<i64: 1, 128>}, {pipeline_mode = #tpu.pipeline_mode<synchronous>, transform_indices = @transform_3, window_bounds = array<i64: 128, 128>}, {pipeline_mode = #tpu.pipeline_mode<synchronous>, transform_indices = @transform_4, window_bounds = array<i64: 128, 128>}, {transform_indices = @transform_5, window_bounds = array<i64: 2, 1000, 128>}]} {
    %get3A = arith.constant 0 : index
    %get3A_0 = arith.constant 0 : index
    %get3A_1 = vector.load %arg1[%get3A, %get3A_0] : memref<1000x144xf32, #tpu.memory_space<vmem>>, vector<1000x144xf32>
    %get3A_2 = arith.constant 0 : index
    %get3A_3 = arith.constant 0 : index
    %get3A_4 = vector.load %arg2[%get3A_2, %get3A_3] : memref<1000x144xf32, #tpu.memory_space<vmem>>, vector<1000x144xf32>
    %get3A_5 = arith.constant 0 : index
    %get3A_6 = arith.constant 0 : index
    %get3A_7 = vector.load %arg3[%get3A_5, %get3A_6] : memref<1x128xf32, #tpu.memory_space<vmem>>, vector<1x128xf32>
    %add3A = arith.addf %get3A_1, %get3A_4 : vector<1000x144xf32>
    %slice3A = vector.extract_strided_slice %add3A {offsets = [0, 0], sizes = [1000, 128], strides = [1, 1]} : vector<1000x144xf32> to vector<1000x128xf32>
    %slice3A_8 = vector.extract_strided_slice %add3A {offsets = [0, 128], sizes = [1000, 1], strides = [1, 1]} : vector<1000x144xf32> to vector<1000x1xf32>
    %add3A_9 = arith.constant 1.000000e-16 : f32
    %add3A_10 = vector.broadcast %add3A_9 : f32 to vector<1000x1xf32>
    %add3A_11 = arith.addf %slice3A_8, %add3A_10 : vector<1000x1xf32>
    %div3A = vector.broadcast %add3A_11 : vector<1000x1xf32> to vector<1000x128xf32>
    %div3A_12 = arith.divf %slice3A, %div3A : vector<1000x128xf32>
    %add3A_13 = vector.broadcast %get3A_7 : vector<1x128xf32> to vector<1000x128xf32>
    %add3A_14 = arith.addf %div3A_12, %add3A_13 : vector<1000x128xf32>
    %get3A_15 = arith.constant 0 : index
    %get3A_16 = arith.constant 0 : index
    %get3A_17 = vector.load %arg4[%get3A_15, %get3A_16] : memref<128x128xf32, #tpu.memory_space<vmem>>, vector<128x128xf32>
    %dot_general3A = arith.constant dense<0.000000e+00> : vector<1000x128xf32>
    %dot_general3A_18 = tpu.matmul %add3A_14, %get3A_17, %dot_general3A {dimension_numbers = #tpu.dot_dimension_numbers<[1], [1], [0], [0], [0, 0, 1, 0], [], []>, transpose_lhs_hint = false} : vector<1000x128xf32>, vector<128x128xf32>, vector<1000x128xf32> -> vector<1000x128xf32>
    %convert_element_type3A = arith.truncf %dot_general3A_18 : vector<1000x128xf32> to vector<1000x128xbf16>
    %swap3A = arith.constant 0 : index
    %swap3A_19 = arith.constant 0 : index
    %swap3A_20 = arith.constant 0 : index
    %swap3A_21 = vector.load %arg6[%swap3A, %swap3A_19, %swap3A_20] : memref<2x1000x128xbf16, #tpu.memory_space<vmem>>, vector<1x1000x128xbf16>
    %swap3A_22 = vector.shape_cast %swap3A_21 : vector<1x1000x128xbf16> to vector<1000x128xbf16>
    %swap3A_23 = vector.shape_cast %convert_element_type3A : vector<1000x128xbf16> to vector<1x1000x128xbf16>
    tpu.vector_store %arg6[%swap3A, %swap3A_19, %swap3A_20], %swap3A_23 {strides = array<i32>} : memref<2x1000x128xbf16, #tpu.memory_space<vmem>>, vector<1x1000x128xbf16>,
    %get3A_24 = arith.constant 0 : index
    %get3A_25 = arith.constant 0 : index
    %get3A_26 = vector.load %arg5[%get3A_24, %get3A_25] : memref<128x128xf32, #tpu.memory_space<vmem>>, vector<128x128xf32>
    %dot_general3A_27 = arith.constant dense<0.000000e+00> : vector<1000x128xf32>
    %dot_general3A_28 = tpu.matmul %add3A_14, %get3A_26, %dot_general3A_27 {dimension_numbers = #tpu.dot_dimension_numbers<[1], [1], [0], [0], [0, 0, 1, 0], [], []>, transpose_lhs_hint = false} : vector<1000x128xf32>, vector<128x128xf32>, vector<1000x128xf32> -> vector<1000x128xf32>
    %convert_element_type3A_29 = arith.truncf %dot_general3A_28 : vector<1000x128xf32> to vector<1000x128xbf16>
    %swap3A_30 = arith.constant 1 : index
    %swap3A_31 = arith.constant 0 : index
    %swap3A_32 = arith.constant 0 : index
    %swap3A_33 = vector.load %arg6[%swap3A_30, %swap3A_31, %swap3A_32] : memref<2x1000x128xbf16, #tpu.memory_space<vmem>>, vector<1x1000x128xbf16>
    %swap3A_34 = vector.shape_cast %swap3A_33 : vector<1x1000x128xbf16> to vector<1000x128xbf16>
    %swap3A_35 = vector.shape_cast %convert_element_type3A_29 : vector<1000x128xbf16> to vector<1x1000x128xbf16>
    tpu.vector_store %arg6[%swap3A_30, %swap3A_31, %swap3A_32], %swap3A_35 {strides = array<i32>} : memref<2x1000x128xbf16, #tpu.memory_space<vmem>>, vector<1x1000x128xbf16>,
    return
  }
  func.func @transform_0(%arg0: i32) -> (i32, i32) {
    %c0_i32 = arith.constant 0 : i32
    %c0_i32_0 = arith.constant 0 : i32
    return %arg0, %c0_i32 : i32, i32
  }
  func.func @transform_1(%arg0: i32) -> (i32, i32) {
    %c0_i32 = arith.constant 0 : i32
    %c0_i32_0 = arith.constant 0 : i32
    return %arg0, %c0_i32 : i32, i32
  }
  func.func @transform_2(%arg0: i32) -> (i32, i32) {
    %c0_i32 = arith.constant 0 : i32
    %c0_i32_0 = arith.constant 0 : i32
    %c0_i32_1 = arith.constant 0 : i32
    return %c0_i32, %c0_i32_0 : i32, i32
  }
  func.func @transform_3(%arg0: i32) -> (i32, i32) {
    %c0_i32 = arith.constant 0 : i32
    %c0_i32_0 = arith.constant 0 : i32
    %c0_i32_1 = arith.constant 0 : i32
    return %c0_i32, %c0_i32_0 : i32, i32
  }
  func.func @transform_4(%arg0: i32) -> (i32, i32) {
    %c0_i32 = arith.constant 0 : i32
    %c0_i32_0 = arith.constant 0 : i32
    %c0_i32_1 = arith.constant 0 : i32
    return %c0_i32, %c0_i32_0 : i32, i32
  }
  func.func @transform_5(%arg0: i32) -> (i32, i32, i32) {
    %c0_i32 = arith.constant 0 : i32
    %c0_i32_0 = arith.constant 0 : i32
    %c0_i32_1 = arith.constant 0 : i32
    return %c0_i32, %arg0, %c0_i32_0 : i32, i32, i32
  }
}

module attributes {stable_mosaic.version = 14 : i64} {
  func.func @_final_body(%arg0: i32, %arg1: memref<1000x144xf32, #tpu.memory_space<vmem>>, %arg2: memref<1000x144xf32, #tpu.memory_space<vmem>>, %arg3: memref<1x128xf32, #tpu.memory_space<vmem>>, %arg4: memref<1000x128xf32, #tpu.memory_space<vmem>>, %arg5: memref<1000x128xf32, #tpu.memory_space<vmem>>) attributes {dimension_semantics = [#tpu.dimension_semantics<arbitrary>], iteration_bounds = array<i64: 10>, scalar_prefetch = 0 : i64, scratch_operands = 0 : i64, tpu.core_type = #tpu.core_type<tc>, window_params = [{transform_indices = @transform_0, window_bounds = array<i64: 1000, 144>}, {transform_indices = @transform_1, window_bounds = array<i64: 1000, 144>}, {pipeline_mode = #tpu.pipeline_mode<synchronous>, transform_indices = @transform_2, window_bounds = array<i64: 1, 128>}, {transform_indices = @transform_3, window_bounds = array<i64: 1000, 128>}, {transform_indices = @transform_4, window_bounds = array<i64: 1000, 128>}]} {
    %get3A = arith.constant 0 : index
    %get3A_0 = arith.constant 0 : index
    %get3A_1 = vector.load %arg1[%get3A, %get3A_0] : memref<1000x144xf32, #tpu.memory_space<vmem>>, vector<1000x144xf32>
    %get3A_2 = arith.constant 0 : index
    %get3A_3 = arith.constant 0 : index
    %get3A_4 = vector.load %arg2[%get3A_2, %get3A_3] : memref<1000x144xf32, #tpu.memory_space<vmem>>, vector<1000x144xf32>
    %get3A_5 = arith.constant 0 : index
    %get3A_6 = arith.constant 0 : index
    %get3A_7 = vector.load %arg3[%get3A_5, %get3A_6] : memref<1x128xf32, #tpu.memory_space<vmem>>, vector<1x128xf32>
    %add3A = arith.addf %get3A_1, %get3A_4 : vector<1000x144xf32>
    %slice3A = vector.extract_strided_slice %add3A {offsets = [0, 0], sizes = [1000, 128], strides = [1, 1]} : vector<1000x144xf32> to vector<1000x128xf32>
    %slice3A_8 = vector.extract_strided_slice %add3A {offsets = [0, 128], sizes = [1000, 1], strides = [1, 1]} : vector<1000x144xf32> to vector<1000x1xf32>
    %add3A_9 = arith.constant 1.000000e-16 : f32
    %add3A_10 = vector.broadcast %add3A_9 : f32 to vector<1000x1xf32>
    %add3A_11 = arith.addf %slice3A_8, %add3A_10 : vector<1000x1xf32>
    %div3A = vector.broadcast %add3A_11 : vector<1000x1xf32> to vector<1000x128xf32>
    %div3A_12 = arith.divf %slice3A, %div3A : vector<1000x128xf32>
    %add3A_13 = vector.broadcast %get3A_7 : vector<1x128xf32> to vector<1000x128xf32>
    %add3A_14 = arith.addf %div3A_12, %add3A_13 : vector<1000x128xf32>
    %get3A_15 = arith.constant 0 : index
    %get3A_16 = arith.constant 0 : index
    %get3A_17 = vector.load %arg4[%get3A_15, %get3A_16] : memref<1000x128xf32, #tpu.memory_space<vmem>>, vector<1000x128xf32>
    %add3A_18 = arith.addf %get3A_17, %add3A_14 : vector<1000x128xf32>
    %swap3A = arith.constant 0 : index
    %swap3A_19 = arith.constant 0 : index
    %swap3A_20 = vector.load %arg5[%swap3A, %swap3A_19] : memref<1000x128xf32, #tpu.memory_space<vmem>>, vector<1000x128xf32>
    tpu.vector_store %arg5[%swap3A, %swap3A_19], %add3A_18 {strides = array<i32>} : memref<1000x128xf32, #tpu.memory_space<vmem>>, vector<1000x128xf32>,
    return
  }
  func.func @transform_0(%arg0: i32) -> (i32, i32) {
    %c0_i32 = arith.constant 0 : i32
    %c0_i32_0 = arith.constant 0 : i32
    return %arg0, %c0_i32 : i32, i32
  }
  func.func @transform_1(%arg0: i32) -> (i32, i32) {
    %c0_i32 = arith.constant 0 : i32
    %c0_i32_0 = arith.constant 0 : i32
    return %arg0, %c0_i32 : i32, i32
  }
  func.func @transform_2(%arg0: i32) -> (i32, i32) {
    %c0_i32 = arith.constant 0 : i32
    %c0_i32_0 = arith.constant 0 : i32
    %c0_i32_1 = arith.constant 0 : i32
    return %c0_i32, %c0_i32_0 : i32, i32
  }
  func.func @transform_3(%arg0: i32) -> (i32, i32) {
    %c0_i32 = arith.constant 0 : i32
    %c0_i32_0 = arith.constant 0 : i32
    return %arg0, %c0_i32 : i32, i32
  }
  func.func @transform_4(%arg0: i32) -> (i32, i32) {
    %c0_i32 = arith.constant 0 : i32
    %c0_i32_0 = arith.constant 0 : i32
    return %arg0, %c0_i32 : i32, i32
  }
}

</mosaic_0001>

<sc_bundles>
// kernel: kernel.10.cloned.1.call-start
scs
__scs_entry_jumppad:
0x0: {  	(pc) =	sbr.rel $0x88, $3  }
0x1: {  	(tag) =	ssettag $0x0;
	lr =	simm.s32 $0x1  }
0x2: {  	[smem:$0x3F9B] =	sst lr;
	_ =	strace $0xD0000000  }
0x3: {  	_ = 	snop  }
0x4: {  	_ = 	snop  }
0x5: {  	_ = 	snop  }
0x6: {  	_ = 	snop  }
0x7: {  	_ = 	snop  }
__scs_overlays_trampoline_lowered:
0x8: {  	[smem:$0x3FAA] =	sst s0  }
0x9: {  	[smem:$0x3FAB] =	sst s1  }
0xa: {  	[smem:$0x3FAC] =	sst s2  }
0xb: {  	[smem:$0x3FAD] =	sst s3  }
0xc: {  	[smem:$0x3FAE] =	sst s4  }
0xd: {  	[smem:$0x3FAF] =	sst s5  }
0xe: {  	[smem:$0x3FB0] =	sst s6  }
0xf: {  	[smem:$0x3FB1] =	sst s7  }
0x10: {  	[smem:$0x3FB2] =	sst s8  }
0x11: {  	[smem:$0x3FB3] =	sst s9;
	s0 =	simm.s32 @!p0 $0x0  }
0x12: {  	s1 =	sld [smem:$0x3F99];
	s0 =	simm.s32 @p0 $0x1  }
0x13: {  	[smem:$0x3FB4] =	sst s0;
	s0 =	simm.s32 @!p1 $0x0  }
0x14: {  	s2 =	sld [smem:$0x3F98];
	s0 =	simm.s32 @p1 $0x1  }
0x15: {  	[smem:$0x3FB5] =	sst s0;
	s0 =	simm.s32 @!p2 $0x0  }
0x16: {  	s3 =	sld [smem:$0x3FDB];
	s0 =	simm.s32 @p2 $0x1  }
0x17: {  	s4 =	simm.s32 $0x1BF5;
	[smem:$0x3FB7] =	sst s0  }
0x18: {  	s0 =	sld [smem:$0x3F9A];
	_ =	swait.ge [sflag:s4], $0x0  }
0x19: {  	s7 =	sld [smem:$0x3F9B]  }
0x1a: {  	s8 =	sadd.s32 $0xFFFFE003, lr  }
0x1b: {  	s9 =	sadd.s32 $0xFFFFFEF7, lr;
	s5 =	simm.s32 $0xFFFFFFFF;
	p2 =	slt.u32 s8, $0xFFFFF086  }
0x1c: {  	p1 =	slt.u32 s9, $0xF7A;
	s5 =	simm.s32 @!p2 $0x0  }
0x1d: {  	s5 =	simm.s32 @p1 $0x1;
	p0 =	seq.s32 s7, s2  }
0x1e: {  	s7 =	smul.u32 @!p0 $0xF7A, s2;
	p2 =	seq.s32 @!p0 s5, $0x0  }
0x1f: {  	s9 =	smul.u32 $0xF7A, s1;
	s8 =	simm.s32 @!p0 $0x1BF5;
	p2 =	por !p2, p0  }
0x20: {  	[sflag:s8] =	ssyncset.s32 @!p0 $0xFFFFF086;
	s6 =	sadd.s32 @!p0 s3, s7;
	s7 =	simm.s32 @!p0 $0x108  }
0x21: {  	s3 =	sadd.s32 s3, s9;
	s6 =	sadd.s32 @!p0 $0x88, s6;
	s7 =	simm.s32 @p2 $0x1082  }
0x22: {  	[simem:s7], [sflag:s8] =	dma.local @!p0 [hbm:s6], $0xF7A  }
0x23: {  	s9 =	sor.u32 $0xD0000000, s2;
	s6 =	simm.s32 $0x108;
	_ =	swait.ge @!p0 [sflag:s8], $0x0  }
0x24: {  	s3 =	sadd.s32 $0x88, s3;
	s6 =	simm.s32 @!p1 $0x1082;
	[sflag:s4] =	ssyncset.s32 $0xFFFFF086  }
0x25: {  	[simem:s6], [sflag:s4] =	dma.local [hbm:s3], $0xF7A  }
0x26: {  	[smem:$0x3F9B] =	sst s1;
	(tag) =	ssettag s2;
	_ =	strace s9  }
0x27: {  	s1 =	sld [smem:$0x3FAB]  }
0x28: {  	s2 =	sld [smem:$0x3FAC]  }
0x29: {  	s4 =	sld [smem:$0x3FAE]  }
0x2a: {  	p0 =	seq.s32 s5, $0x0;
	s5 =	sld [smem:$0x3FAF]  }
0x2b: {  	s6 =	sld [smem:$0x3FB0]  }
0x2c: {  	s7 =	sld [smem:$0x3FB1]  }
0x2d: {  	s3 =	simm.s32 $0x108;
	s8 =	sld [smem:$0x3FB2]  }
0x2e: {  	s3 =	simm.s32 @!p0 $0x1082;
	s9 =	sld [smem:$0x3FB3]  }
0x2f: {  	lr =	sadd.s32 s0, s3;
	s0 =	sld [smem:$0x3FAA]  }
0x30: {  	s3 =	sld [smem:$0x3FAD]  }
0x31: {  	[smem:$0x3FB6] =	sst s10  }
0x32: {  	s10 =	sld [smem:$0x3FB4];
	_ =	sdelay $0x3  }
0x33: {  	p0 =	seq.s32 s10, $0x1;
	s10 =	sld [smem:$0x3FB6];
	_ =	sdelay $0x3  }
0x34: {  	[smem:$0x3FB6] =	sst s10  }
0x35: {  	s10 =	sld [smem:$0x3FB5];
	_ =	sdelay $0x3  }
0x36: {  	p1 =	seq.s32 s10, $0x1;
	s10 =	sld [smem:$0x3FB6];
	_ =	sdelay $0x3  }
0x37: {  	[smem:$0x3FB6] =	sst s10  }
0x38: {  	s10 =	sld [smem:$0x3FB7]  }
0x39: {  	_ = 	snop;
	(pc) =	sbr.ind lr, $3  }
0x3a: {  	_ = 	snop  }
0x3b: {  	_ = 	snop  }
0x3c: {  	p2 =	seq.s32 s10, $0x1;
	s10 =	sld [smem:$0x3FB6]  }
0x3d: {  	_ =	shalt  }
0x3e: {  	_ =	shalt  }
0x3f: {  	_ =	shalt  }
0x40: {  	_ =	shalt  }
0x41: {  	_ =	shalt  }
0x42: {  	_ =	shalt  }
0x43: {  	_ =	shalt  }
0x44: {  	_ =	shalt  }
0x45: {  	_ =	shalt  }
0x46: {  	_ =	shalt  }
0x47: {  	_ =	shalt  }
0x48: {  	_ =	shalt  }
0x49: {  	_ =	shalt  }
0x4a: {  	_ =	shalt  }
0x4b: {  	_ =	shalt  }
0x4c: {  	_ =	shalt  }
0x4d: {  	_ =	shalt  }
0x4e: {  	_ =	shalt  }
0x4f: {  	_ =	shalt  }
0x50: {  	_ =	shalt  }
0x51: {  	_ =	shalt  }
0x52: {  	_ =	shalt  }
0x53: {  	_ =	shalt  }
0x54: {  	_ =	shalt  }
0x55: {  	_ =	shalt  }
0x56: {  	_ =	shalt  }
0x57: {  	_ =	shalt  }
0x58: {  	_ =	shalt  }
0x59: {  	_ =	shalt  }
0x5a: {  	_ =	shalt  }
0x5b: {  	_ =	shalt  }
0x5c: {  	_ =	shalt  }
0x5d: {  	_ =	shalt  }
0x5e: {  	_ =	shalt  }
0x5f: {  	_ =	shalt  }
0x60: {  	_ =	shalt  }
0x61: {  	_ =	shalt  }
0x62: {  	_ =	shalt  }
0x63: {  	_ =	shalt  }
0x64: {  	_ =	shalt  }
0x65: {  	_ =	shalt  }
0x66: {  	_ =	shalt  }
0x67: {  	_ =	shalt  }
0x68: {  	_ =	shalt  }
0x69: {  	_ =	shalt  }
0x6a: {  	_ =	shalt  }
0x6b: {  	_ =	shalt  }
0x6c: {  	_ =	shalt  }
0x6d: {  	_ =	shalt  }
0x6e: {  	_ =	shalt  }
0x6f: {  	_ =	shalt  }
0x70: {  	_ =	shalt  }
0x71: {  	_ =	shalt  }
0x72: {  	_ =	shalt  }
0x73: {  	_ =	shalt  }
0x74: {  	_ =	shalt  }
0x75: {  	_ =	shalt  }
0x76: {  	_ =	shalt  }
0x77: {  	_ =	shalt  }
0x78: {  	_ =	shalt  }
0x79: {  	_ =	shalt  }
0x7a: {  	_ =	shalt  }
0x7b: {  	_ =	shalt  }
0x7c: {  	_ =	shalt  }
0x7d: {  	_ =	shalt  }
0x7e: {  	_ =	shalt  }
0x7f: {  	_ =	shalt  }
0x80: {  	_ =	shalt  }
0x81: {  	_ =	shalt  }
0x82: {  	_ =	shalt  }
0x83: {  	_ =	shalt  }
0x84: {  	_ =	shalt  }
0x85: {  	_ =	shalt  }
0x86: {  	_ =	shalt  }
0x87: {  	_ =	shalt  }
.Lfunc_end0:
.L_simem_size_0:
called_computation.1_lowered:
.L_overlay_start_0:
0x88: {  	s2 =	sld [smem:$0x3FD9]  }
0x89: {  	s3 =	sld [smem:$0x3FFE];
	_ =	sdelay $0x1  }
0x8a: {  	s1 =	srdreg.scid  }
0x8b: {  	s0 =	sand.u32 $0x1, s1  }
0x8c: {  	s17 =	sshll.u32 s0, $0xA;
	s2 =	sadd.s32 s3, s2  }
0x8d: {  	s2 =	sadd.s32 s2, s17  }
0x8e: {  	[smem:$0x3FC2] =	sst s2  }
0x8f: {  	_ = 	snop  }
0x90: {  	s2 =	sld [smem:$0x3FC5]  }
0x91: {  	s18 =	sld [smem:$0x3FD0];
	(tm) =	ssettm $0x1  }
0x92: {  	s4 =	sld [smem:$0x3FFB];
	_ =	sdelay $0x3  }
0x93: {  	_ =	strace s4  }
0x94: {  	s4 =	sld [smem:$0x3FFC];
	_ =	sdelay $0x3  }
0x95: {  	_ =	strace s4  }
0x96: {  	s4 =	sld [smem:$0x3FFD];
	_ =	sdelay $0x3  }
0x97: {  	_ =	strace s4  }
0x98: {  	_ =	strace $0x8FFFFFFF  }
0x99: {  	s19 =	sld [smem:$0x3FDB];
	_ =	sdelay $0x1  }
0x9a: {  	s5 =	simm.s32 $_scs_section_size  }
0x9b: {  	s6 =	simm.s32 $_size__tile_overlayer_lowered;
	s7 =	simm.s32 $_tile_overlayer_lowered  }
0x9c: {  	s22 =	simm.s32 $0x1BFF;
	s21 =	sshll.u32 s7, $0x1;
	s4 =	sadd.s32 s5, s19  }
0x9d: {  	s8 =	simm.s32 $0x0;
	s20 =	sshll.u32 s6, $0x1;
	s6 =	sadd.s32 s21, s4  }
0x9e: {  	[timem:s8], [sflag:s22] =	dma.local [hbm:s6], s20  }
0x9f: {  	_ =	swait.ge [sflag:s22], s20  }
0xa0: {  	s5 =	ssub.s32 $0x0, s20;
	[sflag:s22] =	ssyncset.done $0x0  }
0xa1: {  	[sflag:s22] =	ssyncadd.s32 s5;
	_ =	sdelay $0x1  }
0xa2: {  	s23 =	simm.s32 $0x1B8B  }
0xa3: {  	_ =	swait.ge [sflag:s23], $0x1  }
0xa4: {  	[sflag:s23] =	ssyncset.done $0x0  }
0xa5: {  	s25 =	simm.s32 $0x1B8E;
	s24 =	sld [smem:$0x3FFE];
	[sflag:s23] =	ssyncadd.s32 $0xFFFFFFFF  }
0xa6: {  	s26 =	simm.s32 $execute0_lowered;
	[smem:$0x3FD2] =	sst s25  }
0xa7: {  	s6 =	sshll.u32 s26, $0x1;
	_ =	strace $0x80000049;
	[dreg:$0x1] =	wrdreg $0xFFFFFFFF  }
0xa8: {  	s28 =	simm.s32 $_size_execute0_lowered;
	s4 =	sadd.s32 s4, s6;
	[dreg:$0x0] =	wrdreg $0x0  }
0xa9: {  	s6 =	sshll.u32 s28, $0x1;
	[dreg:$0x2] =	wrdreg s4  }
0xaa: {  	[dreg:$0x3] =	wrdreg s6  }
0xab: {  	[dreg:$0x4] =	wrdreg $0xC0  }
0xac: {  	_ =	task [dreg:s8], $0x5FFFF  }
0xad: {  	[dreg:$0x1] =	wrdreg $0xFFFFFFFF  }
0xae: {  	[dreg:$0x0] =	wrdreg $0x60  }
0xaf: {  	[dreg:$0x2] =	wrdreg s18  }
0xb0: {  	[dreg:$0x3] =	wrdreg s24  }
0xb1: {  	[dreg:$0x4] =	wrdreg s2  }
0xb2: {  	[dreg:$0x5] =	wrdreg $0x0  }
0xb3: {  	[dreg:$0x6] =	wrdreg $0x9  }
0xb4: {  	_ =	task.clear_ibuf [dreg:s8], $0x7FFFF;
	_ =	strace $0x90000049  }
0xb5: {  	s29 =	simm.s32 $0x9;
	_ =	strace $0x8000004B  }
0xb6: {  	_ =	swait.ge [sflag:s29], $0x1  }
0xb7: {  	[sflag:s29] =	ssyncadd.s32 $0xFFFFFFFF  }
0xb8: {  	_ =	strace $0x9000004B  }
0xb9: {  	_ =	sfence  }
0xba: {  	s30 =	sld [smem:$0x0];
	_ =	sdelay $0x2  }
0xbb: {  	s31 =	sshll.u32 s1, $0xD;
	s1 =	sshrl.u32 s1, $0x2  }
0xbc: {  	s3 =	sand.u32 $0x4000, s31;
	s1 =	sadd.s32 s1, s30  }
0xbd: {  	s0 =	sor.u32 s3, s0;
	s1 =	sshll.u32 s1, $0x11  }
0xbe: {  	s0 =	sor.u32 s1, s0  }
0xbf: {  	s0 =	sadd.s32 $0x8F2B, s0  }
0xc0: {  	[sflag:s0] =	ssyncadd.remote.s32 $0x1  }
0xc1: {  	_ =	sfence.sel $0xFFFF  }
0xc2: {  	[dreg:$0x0] =	wrdreg $0xFFFFFFFF;
	(pc) =	sbr.abs _section_cstart, $3  }
0xc3: {  	[dreg:$0x1] =	wrdreg $0xFFFFFFFF  }
0xc4: {  	_ =	task.clear_ibuf [dreg:s8], $0x2FFFF;
	_ =	strace $0x9FFFFFFF  }
0xc5: {  	(tm) =	ssettm $0x7FFFFFFF  }
tec
execute0_lowered:
.L_overlay_start_1:
0x0: {  	(tag) =	ssettag $0x1  }
0x1: {  	s1 =	rddreg [dreg:$0x0]  }
0x2: {  	s0 =	rddreg [dreg:$0x1]  }
0x3: {  	s3 =	rddreg [dreg:$0x3];
	s5 =	simm.s32 $0x0;
	s2 =	srdreg.scid  }
0x4: {  	s10 =	stileid.u32;
	s28 =	simm.s32 $0x192D0;
	s29 =	simm.s32 $0x7  }
0x5: {  	s31 =	simm.s32 $0x15F90;
	s30 =	simm.s32 $0x16060;
	[smem:$0x7FF] =	sst s5  }
0x6: {  	s2 =	sand.u32 $0x1, s2;
	s4 =	sshll.u32 s10, $0x1;
	s6 =	smul.u32 $0x57E40, s10  }
0x7: {  	s26 =	smul.u32 $0x15F90, s10;
	_ =	strace $0x8000004A;
	s7 =	ssub.s32 $0x2, s2  }
0x8: {  	s4 =	sor.u32 s2, s4;
	p0 =	seq.s32 s2, $0x1;
	s2 =	simm.s32 $0x64  }
0x9: {  	s8 =	sshrl.u32 s7, $0x1;
	s9 =	sshrl.u32 s6, $0x2;
	s4 =	smul.u32 $0x5210, s4  }
0xa: {  	s6 =	sadd.s32 $0x1A00, s0;
	s10 =	sshrl.u32 s26, $0x3;
	s14 =	sadd.s32 s26, s3  }
0xb: {  	s7 =	ssub.s32 s7, s8;
	s13 =	sadd.s32 s9, s3;
	s9 =	simm.s32 $0x32  }
0xc: {  	s22 =	sadd.s32 $0x15180, s13;
	s23 =	sshrl.u32 s4, $0x3;
	[dreg:$0x5] =	wrdreg s13  }
0xd: {  	s24 =	sadd.s32 $0x68, s4;
	s7 =	smax.u32 s7, $0x1;
	[dreg:$0x6] =	wrdreg s22  }
0xe: {  	s11 =	sadd.s32 $0xD0, s4;
	s15 =	sadd.s32 $0x1C20, s13;
	[dreg:$0x9] =	wrdreg s7  }
0xf: {  	s12 =	sadd.s32 $0x138, s4;
	s16 =	sadd.s32 $0x3840, s13;
	[dreg:$0xa] =	wrdreg s15  }
0x10: {  	s17 =	sadd.s32 $0x5460, s13;
	s18 =	sadd.s32 $0x7080, s13;
	[dreg:$0xb] =	wrdreg s16  }
0x11: {  	s19 =	sadd.s32 $0x8CA0, s13;
	s20 =	sadd.s32 $0xA8C0, s13;
	[dreg:$0xc] =	wrdreg s17  }
0x12: {  	s21 =	sadd.s32 $0xC4E0, s13;
	s26 =	sadd.s32 $0x13560, s13;
	[dreg:$0xd] =	wrdreg s18  }
0x13: {  	s4 =	simm.s32 $0x15FF8;
	s8 =	sadd.s32 s6, s23;
	[dreg:$0xe] =	wrdreg s19  }
0x14: {  	s25 =	sshrl.u32 s24, $0x3;
	s7 =	simm.s32 $0x16400;
	[dreg:$0xf] =	wrdreg s20  }
0x15: {  	[dreg:$0x10] =	wrdreg s21;
	s22 =	sadd.s32 $0xE100, s13;
	s23 =	sadd.s32 $0xFD20, s13  }
0x16: {  	s24 =	sadd.s32 $0x11940, s13;
	[dreg:$0x16] =	wrdreg s26;
	s13 =	simm.s32 $0x19298  }
0x17: {  	s15 =	simm.s32 $0x1;
	s16 =	simm.s32 $0x5;
	[dreg:$0x7] =	wrdreg s8  }
0x18: {  	s17 =	simm.s32 $0x2;
	s18 =	simm.s32 $0x6;
	[dreg:$0x11] =	wrdreg s22  }
0x19: {  	s19 =	simm.s32 $0x1AEF0;
	s8 =	sadd.s32 s6, s25;
	[dreg:$0x12] =	wrdreg s23  }
0x1a: {  	s7 =	simm.s32 @!p0 $0x42400;
	[dreg:$0x14] =	wrdreg s24;
	s25 =	sshrl.u32 s14, $0x3  }
0x1b: {  	s14 =	simm.s32 $0x0;
	[dreg:$0x8] =	wrdreg s8;
	s0 =	sadd.s32 s7, s0  }
0x1c: {  	[dreg:$0x15] =	wrdreg s25;
	s8 =	simm.s32 $0x4;
	s0 =	sadd.s32 s0, s10  }
0x1d: {  	v0 =	vimm.f32 $0.0e+00;
	vm0 =	vmmov $0x1;
	s10 =	simm.s32 $0x19260;
	[dreg:$0x13] =	wrdreg s0;
	s0 =	simm.s32 $0x3  }
.LBB2_1:
0x1e: {  	[dreg:$0x17] =	wrdreg s14;
	s7 =	simm.s32 $0x0;
	s20 =	simm.s32 $0x240  }
.LBB2_2:
0x1f: {  	p0 =	sne.s32 s20, $0x6E40;
	[tilespmem:s7+$0x19350] =	vst v0  }
0x20: {  	[tilespmem:s7+$0x192D0] =	vst v0  }
0x21: {  	[tilespmem:s7+$0x192E0] =	vst v0  }
0x22: {  	[tilespmem:s7+$0x192F0] =	vst v0  }
.Ltmp0:
0x23: {  	[tilespmem:s7+$0x19300] =	vst v0;
	(pc) =	sbr.rel @p0 .LBB2_2-.Ltmp0, $4  }
0x24: {  	[tilespmem:s7+$0x19310] =	vst v0  }
0x25: {  	[tilespmem:s7+$0x19320] =	vst v0  }
0x26: {  	[tilespmem:s7+$0x19330] =	vst v0  }
0x27: {  	[tilespmem:s7+$0x19340] =	vst v0;
	s7 =	sshra.s32 s20, $0x2;
	s20 =	sadd.s32 $0x240, s20  }
0x28: {  	[tilespmem:s7+$0x19350] =	vst v0  }
0x29: {  	[tilespmem:s7+$0x192D0] =	vst v0  }
0x2a: {  	[tilespmem:s7+$0x192E0] =	vst v0  }
0x2b: {  	[tilespmem:s7+$0x192F0] =	vst v0  }
0x2c: {  	[tilespmem:s7+$0x19300] =	vst v0  }
0x2d: {  	[tilespmem:s7+$0x19310] =	vst v0  }
0x2e: {  	[tilespmem:s7+$0x19320] =	vst v0  }
0x2f: {  	[tilespmem:s7+$0x19330] =	vst v0  }
0x30: {  	[tilespmem:s7+$0x19340] =	vst v0;
	v0 =	vimm.s32 $0x0  }
0x31: {  	[tilespmem:$0x19260] =	vst v0  }
0x32: {  	[tilespmem:$0x19298] =	vst v0  }
0x33: {  	[tilespmem:$0x19270] =	vst v0  }
0x34: {  	[tilespmem:$0x192A8] =	vst v0  }
0x35: {  	[tilespmem:$0x19280] =	vst v0  }
0x36: {  	[tilespmem:$0x192B8] =	vst v0  }
0x37: {  	[tilespmem:$0x19282] =	vst v0  }
0x38: {  	s14 =	rddreg [dreg:$0x5];
	[tilespmem:$0x192BA] =	vst v0  }
0x39: {  	[spmem:s14] =	stream.linear.scatter [tilespmem:s28], [sflag:$0x7], $0x1C20, $0x38;
	[tilespmem:$0x1CB90] =	vst v63  }
0x3a: {  	_ =	swait.ge [sflag:s29], $0x1C20  }
0x3b: {  	[sflag:s29] =	ssyncset.done $0x0  }
0x3c: {  	s20 =	rddreg [dreg:$0xa];
	[sflag:s29] =	ssyncadd.s32 $0xFFFFE3E0  }
0x3d: {  	[spmem:s20] =	stream.linear.scatter [tilespmem:s28], [sflag:$0x7], $0x1C20, $0x38;
	[tilespmem:$0x1CB90] =	vst v63  }
0x3e: {  	_ =	swait.ge [sflag:s29], $0x1C20  }
0x3f: {  	[sflag:s29] =	ssyncset.done $0x0  }
0x40: {  	s21 =	rddreg [dreg:$0xb];
	[sflag:s29] =	ssyncadd.s32 $0xFFFFE3E0  }
0x41: {  	[spmem:s21] =	stream.linear.scatter [tilespmem:s28], [sflag:$0x7], $0x1C20, $0x38;
	[tilespmem:$0x1CB90] =	vst v63  }
0x42: {  	_ =	swait.ge [sflag:s29], $0x1C20  }
0x43: {  	[sflag:s29] =	ssyncset.done $0x0  }
0x44: {  	s22 =	rddreg [dreg:$0xc];
	[sflag:s29] =	ssyncadd.s32 $0xFFFFE3E0  }
0x45: {  	[spmem:s22] =	stream.linear.scatter [tilespmem:s28], [sflag:$0x7], $0x1C20, $0x38;
	[tilespmem:$0x1CB90] =	vst v63  }
0x46: {  	_ =	swait.ge [sflag:s29], $0x1C20  }
0x47: {  	[sflag:s29] =	ssyncset.done $0x0  }
0x48: {  	s23 =	rddreg [dreg:$0xd];
	[sflag:s29] =	ssyncadd.s32 $0xFFFFE3E0  }
0x49: {  	[spmem:s23] =	stream.linear.scatter [tilespmem:s28], [sflag:$0x7], $0x1C20, $0x38;
	[tilespmem:$0x1CB90] =	vst v63  }
0x4a: {  	_ =	swait.ge [sflag:s29], $0x1C20  }
0x4b: {  	[sflag:s29] =	ssyncset.done $0x0  }
0x4c: {  	s24 =	rddreg [dreg:$0xe];
	[sflag:s29] =	ssyncadd.s32 $0xFFFFE3E0  }
0x4d: {  	[spmem:s24] =	stream.linear.scatter [tilespmem:s28], [sflag:$0x7], $0x1C20, $0x38;
	[tilespmem:$0x1CB90] =	vst v63  }
0x4e: {  	_ =	swait.ge [sflag:s29], $0x1C20  }
0x4f: {  	[sflag:s29] =	ssyncset.done $0x0  }
0x50: {  	s25 =	rddreg [dreg:$0xf];
	[sflag:s29] =	ssyncadd.s32 $0xFFFFE3E0  }
0x51: {  	[spmem:s25] =	stream.linear.scatter [tilespmem:s28], [sflag:$0x7], $0x1C20, $0x38;
	[tilespmem:$0x1CB90] =	vst v63  }
0x52: {  	_ =	swait.ge [sflag:s29], $0x1C20  }
0x53: {  	[sflag:s29] =	ssyncset.done $0x0  }
0x54: {  	s26 =	rddreg [dreg:$0x10];
	[sflag:s29] =	ssyncadd.s32 $0xFFFFE3E0  }
0x55: {  	[spmem:s26] =	stream.linear.scatter [tilespmem:s28], [sflag:$0x7], $0x1C20, $0x38;
	[tilespmem:$0x1CB90] =	vst v63  }
0x56: {  	_ =	swait.ge [sflag:s29], $0x1C20  }
0x57: {  	[sflag:s29] =	ssyncset.done $0x0  }
0x58: {  	s14 =	rddreg [dreg:$0x11];
	[sflag:s29] =	ssyncadd.s32 $0xFFFFE3E0  }
0x59: {  	[spmem:s14] =	stream.linear.scatter [tilespmem:s28], [sflag:$0x7], $0x1C20, $0x38;
	[tilespmem:$0x1CB90] =	vst v63  }
0x5a: {  	_ =	swait.ge [sflag:s29], $0x1C20  }
0x5b: {  	[sflag:s29] =	ssyncset.done $0x0  }
0x5c: {  	s20 =	rddreg [dreg:$0x12];
	[sflag:s29] =	ssyncadd.s32 $0xFFFFE3E0  }
0x5d: {  	[spmem:s20] =	stream.linear.scatter [tilespmem:s28], [sflag:$0x7], $0x1C20, $0x38;
	[tilespmem:$0x1CB90] =	vst v63  }
0x5e: {  	_ =	swait.ge [sflag:s29], $0x1C20  }
0x5f: {  	[sflag:s29] =	ssyncset.done $0x0  }
0x60: {  	s21 =	rddreg [dreg:$0x14];
	[sflag:s29] =	ssyncadd.s32 $0xFFFFE3E0  }
0x61: {  	[spmem:s21] =	stream.linear.scatter [tilespmem:s28], [sflag:$0x7], $0x1C20, $0x38;
	[tilespmem:$0x1CB90] =	vst v63  }
0x62: {  	_ =	swait.ge [sflag:s29], $0x1C20  }
0x63: {  	[sflag:s29] =	ssyncset.done $0x0  }
0x64: {  	s22 =	rddreg [dreg:$0x16];
	[sflag:s29] =	ssyncadd.s32 $0xFFFFE3E0  }
0x65: {  	[spmem:s22] =	stream.linear.scatter [tilespmem:s28], [sflag:$0x7], $0x1C20, $0x38;
	[tilespmem:$0x1CB90] =	vst v63  }
0x66: {  	_ =	swait.ge [sflag:s29], $0x1C20  }
0x67: {  	[sflag:s29] =	ssyncset.done $0x0  }
0x68: {  	s23 =	rddreg [dreg:$0x6];
	[sflag:s29] =	ssyncadd.s32 $0xFFFFE3E0  }
0x69: {  	[spmem:s23] =	stream.linear.scatter [tilespmem:s28], [sflag:$0x7], $0xE10, $0x38;
	[tilespmem:$0x1CB90] =	vst v63  }
0x6a: {  	_ =	swait.ge [sflag:s29], $0xE10  }
0x6b: {  	[sflag:s29] =	ssyncset.done $0x0  }
0x6c: {  	[sflag:s29] =	ssyncadd.s32 $0xFFFFF1F0  }
0x6d: {  	s14 =	simm.s32 $0x1CB10;
	s21 =	simm.s32 $0x0;
	s24 =	rddreg [dreg:$0x2]  }
0x6e: {  	[tilespmem:s14], [sflag:$0x7] =	stream.linear.gather [hbm4b:s24+s21], $0x80, $0x38;
	[tilespmem:$0x1CB90] =	vst v63  }
0x6f: {  	_ =	swait.ge [sflag:s29], $0x80  }
0x70: {  	[sflag:s29] =	ssyncset.done $0x0  }
0x71: {  	[sflag:s29] =	ssyncadd.s32 $0xFFFFFF80  }
0x72: {  	v2 =	vld [tilespmem:$0x1CB10]  }
0x73: {  	v0 =	vld [tilespmem:$0x1CB80]  }
0x74: {  	v3 =	vld [tilespmem:$0x1CB20]  }
0x75: {  	v4 =	vld [tilespmem:$0x1CB30]  }
0x76: {  	v5 =	vld [tilespmem:$0x1CB40]  }
0x77: {  	v6 =	vld [tilespmem:$0x1CB50]  }
0x78: {  	v9 =	vld [tilespmem:$0x1CB60];
	[tilespmem:$0x1FF80] =	vst v0  }
0x79: {  	v7 =	vld [tilespmem:$0x1CB70];
	[bflag:$0x0] =	sbarrier.arrive $0xFFFF  }
0x7a: {  	s25 =	rddreg [dreg:$0x7]  }
0x7b: {  	[tilespmem:s31], [sflag:$0x3] =	stream.linear.gather [hbm4b:s25+s21], $0x68, $0x38;
	[tilespmem:$0x1CB90] =	vst v63  }
0x7c: {  	_ =	swait.ge [sflag:s0], $0x68  }
0x7d: {  	[sflag:s0] =	ssyncset.done $0x0  }
0x7e: {  	[sflag:s0] =	ssyncadd.s32 $0xFFFFFF98  }
0x7f: {  	[tilespmem:s30], [sflag:$0x1] =	stream.indirect.gather [hbm4b:s1+s2], $0x40, s31, s2, $0xb8;
	[tilespmem:$0x1CB90] =	vst v63  }
0x80: {  	s26 =	rddreg [dreg:$0x8]  }
0x81: {  	[tilespmem:s4], [sflag:$0x4] =	stream.linear.gather [hbm4b:s26+s21], $0x68, $0x38;
	[tilespmem:$0x1CB90] =	vst v63  }
0x82: {  	_ =	swait.ge [sflag:s8], $0x68  }
0x83: {  	[tilespmem:$0x1FF90] =	vst v7  }
0x84: {  	[tilespmem:$0x1FFA0] =	vst v2  }
0x85: {  	[tilespmem:$0x1FFB0] =	vst v3  }
0x86: {  	[tilespmem:$0x1FFC0] =	vst v4  }
0x87: {  	[sflag:s8] =	ssyncset.done $0x0;
	[tilespmem:$0x1FFD0] =	vst v5  }
0x88: {  	[tilespmem:$0x1FFE0] =	vst v6;
	[sflag:s8] =	ssyncadd.s32 $0xFFFFFF98  }
0x89: {  	[spmem:s3] =	stream.indirect.scatter.add.f32 [tilespmem:s28], [sflag:$0x5], $0x90, s10, s9, $0xb8;
	[tilespmem:$0x1CB90] =	vst v63  }
0x8a: {  	[tilespmem:$0x1FFF0] =	vst v9  }
0x8b: {  	[spmem:s3] =	stream.indirect.scatter.add.f32 [tilespmem:s28], [sflag:$0x6], $0x90, s13, s9, $0xb8;
	[tilespmem:$0x1CB90] =	vst v63  }
.LBB2_4:
0x8c: {  	s7 =	simm.s32 $0x17960  }
0x8d: {  	[tilespmem:s7], [sflag:$0x2] =	stream.indirect.gather [hbm4b:s1+s2], $0x40, s4, s2, $0xb8;
	[tilespmem:$0x1CB90] =	vst v63  }
0x8e: {  	_ =	swait.ge [sflag:s15], $0x1900  }
0x8f: {  	[sflag:s15] =	ssyncset.done $0x0  }
0x90: {  	[sflag:s15] =	ssyncadd.s32 $0xFFFFE700  }
0x91: {  	_ =	swait.ge [sflag:s16], $0x1C20  }
0x92: {  	[sflag:s16] =	ssyncset.done $0x0  }
0x93: {  	[sflag:s16] =	ssyncadd.s32 $0xFFFFE3E0  }
0x94: {  	v0 =	vld [tilespmem:$0x15FC2]  }
0x95: {  	v1 =	vld [tilespmem:$0x15FD2]  }
0x96: {  	v10 =	vld [tilespmem:$0x15FE2]  }
0x97: {  	v11 =	vld [tilespmem:$0x15FE4];
	_ =	sdelay $0x1  }
0x98: {  	s22 =	smul.u32 $0xD0, s21;
	v0 =	vadd.s32 $0xFFFFD8F0, v0  }
0x99: {  	[tilespmem:$0x19260] =	vst v0;
	v0 =	vadd.s32 $0xFFFFD8F0, v1  }
0x9a: {  	s20 =	sadd.s32 s22, s11;
	[tilespmem:$0x19270] =	vst v0;
	v0 =	vadd.s32 $0xFFFFD8F0, v10  }
0x9b: {  	s7 =	sshrl.u32 s20, $0x3;
	[tilespmem:$0x19280] =	vst v0;
	v0 =	vadd.s32 $0xFFFFD8F0, v11  }
0x9c: {  	s23 =	simm.s32 $0x16D50;
	s7 =	sadd.s32 s6, s7;
	[tilespmem:$0x19282] =	vst v0  }
0x9d: {  	[tilespmem:s31], [sflag:$0x3] =	stream.linear.gather [hbm4b:s7+s5], $0x68, $0x38;
	[tilespmem:$0x1CB90] =	vst v63  }
0x9e: {  	v0 =	vld [tilespmem:s23+$0xFFFFF380]  }
0x9f: {  	v1 =	vld [tilespmem:s23+$0xFFFFF370]  }
0xa0: {  	v10 =	vld [tilespmem:s23+$0xFFFFF350]  }
0xa1: {  	v11 =	vld [tilespmem:s23+$0xFFFFFFD0]  }
0xa2: {  	v13 =	vld [tilespmem:s23+$0xFFFFF360]  }
0xa3: {  	v14 =	vld [tilespmem:s23+$0xFFFFFFE0];
	_ =	sdelay $0x1  }
0xa4: {  	v18 =	vunpack.i.u.bf16.f32 v0  }
0xa5: {  	v12 =	vld [tilespmem:s23+$0xFFFFFFF0];
	v8 =	vunpack.i.l.bf16.f32 v10;
	v15 =	vunpack.i.l.bf16.f32 v11;
	v16 =	vunpack.i.u.bf16.f32 v10;
	[tilespmem:$0x1FE70] =	vst v18  }
0xa6: {  	v10 =	vunpack.i.u.bf16.f32 v11;
	v63 =	vunpack.i.u.bf16.f32 v1;
	v19 =	vunpack.i.l.bf16.f32 v13;
	[tilespmem:$0x1FE80] =	vst v8  }
0xa7: {  	v17 =	vunpack.i.l.bf16.f32 v14;
	[tilespmem:$0x1FE90] =	vst v16;
	v11 =	vadd.f32 v15, v8;
	v10 =	vadd.f32 v10, v16  }
0xa8: {  	[tilespmem:$0x1FEA0] =	vst v19;
	v8 =	vunpack.i.l.bf16.f32 v1;
	v17 =	vadd.f32 v17, v19;
	v19 =	vunpack.i.u.bf16.f32 v13  }
0xa9: {  	v13 =	vunpack.i.u.bf16.f32 v14;
	[tilespmem:$0x1FEC0] =	vst v8;
	v16 =	vmul.f32 $2.000000030e-01, v11;
	v1 =	vmul.f32 $2.000000030e-01, v10  }
0xaa: {  	v15 =	vunpack.i.u.bf16.f32 v12;
	[tilespmem:$0x1FEB0] =	vst v19;
	v13 =	vadd.f32 v13, v19  }
0xab: {  	v14 =	vld [tilespmem:s23+$0x0];
	v11 =	vmax.f32 v11, v16;
	v1 =	vmax.f32 v10, v1;
	v10 =	vmul.f32 $2.000000030e-01, v17  }
0xac: {  	v12 =	vunpack.i.l.bf16.f32 v12;
	v11 =	vmul.f32 v11, v2;
	v1 =	vmul.f32 v1, v3  }
0xad: {  	v12 =	vadd.f32 v12, v8;
	v16 =	vmul.f32 $2.000000030e-01, v13;
	v10 =	vmax.f32 v17, v10  }
0xae: {  	v8 =	vunpack.i.l.bf16.f32 v0;
	v0 =	vadd.f32 v11, v1;
	v1 =	vmul.f32 v10, v4  }
0xaf: {  	[tilespmem:$0x1FED0] =	vst v8;
	v10 =	vmax.f32 v13, v16;
	v11 =	vmul.f32 $2.000000030e-01, v12;
	v13 =	vadd.f32 v15, v63  }
0xb0: {  	v15 =	vld [tilespmem:s23+$0xFFFFF310];
	v0 =	vadd.f32 v1, v0;
	v1 =	vmul.f32 v10, v5;
	v10 =	vunpack.i.l.bf16.f32 v14  }
0xb1: {  	v16 =	vld [tilespmem:s23+$0xFFFFFF90];
	v11 =	vmax.f32 v12, v11;
	v12 =	vmul.f32 $2.000000030e-01, v13;
	v10 =	vadd.f32 v10, v8  }
0xb2: {  	v0 =	vadd.f32 v0, v1;
	v1 =	vmul.f32 v11, v6  }
0xb3: {  	v12 =	vmax.f32 v13, v12;
	v13 =	vmul.f32 $2.000000030e-01, v10  }
0xb4: {  	v0 =	vadd.f32 v1, v0;
	v1 =	vmul.f32 v12, v9  }
0xb5: {  	v17 =	vld [tilespmem:s23+$0xFFFFFFA0];
	v11 =	vunpack.i.u.bf16.f32 v14;
	v8 =	vunpack.i.u.bf16.f32 v15;
	v10 =	vmax.f32 v10, v13  }
0xb6: {  	v14 =	vld [tilespmem:s23+$0xFFFFF320];
	v0 =	vadd.f32 v0, v1;
	v1 =	vmul.f32 v10, v7;
	v10 =	vunpack.i.u.bf16.f32 v16  }
0xb7: {  	v11 =	vadd.f32 v11, v18;
	[tilespmem:$0x1FF70] =	vst v8;
	v13 =	vunpack.i.l.bf16.f32 v16;
	v16 =	vadd.f32 v10, v8;
	v8 =	vld [tilespmem:$0x1FF80];
	_ =	sdelay $0x1  }
0xb8: {  	v18 =	vunpack.i.l.bf16.f32 v15;
	v12 =	vmul.f32 $2.000000030e-01, v11  }
0xb9: {  	[tilespmem:$0x1FF60] =	vst v18  }
0xba: {  	v15 =	vld [tilespmem:s23+$0xFFFFF330];
	v13 =	vadd.f32 v13, v18;
	v11 =	vmax.f32 v11, v12;
	v10 =	vunpack.i.l.bf16.f32 v14  }
0xbb: {  	v12 =	vunpack.i.l.bf16.f32 v17;
	v0 =	vadd.f32 v1, v0;
	v1 =	vmul.f32 v11, v8;
	v11 =	vld [tilespmem:s23+$0xFFFFFFB0]  }
0xbc: {  	v19 =	vadd.f32 v12, v10;
	v12 =	vunpack.i.u.bf16.f32 v14;
	v18 =	vmul.f32 $2.000000030e-01, v16  }
0xbd: {  	v14 =	vunpack.i.u.bf16.f32 v17;
	v0 =	vadd.f32 v0, v1;
	v1 =	vmul.f32 $2.000000030e-01, v13  }
0xbe: {  	v14 =	vadd.f32 v14, v12;
	v16 =	vmax.f32 v16, v18  }
0xbf: {  	v21 =	vld [tilespmem:s23+$0xFFFFFFC0];
	v17 =	vmul.f32 $2.000000030e-01, v19;
	v1 =	vmax.f32 v13, v1;
	v13 =	vmul.f32 v16, v3  }
0xc0: {  	v18 =	vld [tilespmem:s23+$0xFFFFF340];
	v16 =	vunpack.i.l.bf16.f32 v15;
	v1 =	vmul.f32 v1, v2;
	v20 =	vunpack.i.l.bf16.f32 v11  }
0xc1: {  	v17 =	vmax.f32 v19, v17;
	v19 =	vmul.f32 $2.000000030e-01, v14;
	v23 =	vadd.f32 v20, v16  }
0xc2: {  	(xrf2) =	vadd.scan.msk.f32 $0xffff, v0;
	v0 =	vmul.f32 v17, v4;
	v11 =	vunpack.i.u.bf16.f32 v11;
	v1 =	vadd.f32 v1, v13  }
0xc3: {  	v20 =	vunpack.i.u.bf16.f32 v15;
	v13 =	vmax.f32 v14, v19;
	v14 =	vmul.f32 $2.000000030e-01, v23  }
0xc4: {  	v11 =	vadd.f32 v11, v20;
	v0 =	vadd.f32 v0, v1;
	v1 =	vmul.f32 v13, v5  }
0xc5: {  	s24 =	simm.s32 $0x16DD0;
	v22 =	vunpack.i.l.bf16.f32 v18;
	v13 =	vmax.f32 v23, v14;
	v14 =	vunpack.i.l.bf16.f32 v21  }
0xc6: {  	v19 =	vld [tilespmem:s24+$0xFFFFF350];
	v15 =	vmul.f32 $2.000000030e-01, v11;
	v0 =	vadd.f32 v0, v1;
	v1 =	vadd.f32 v14, v22  }
0xc7: {  	v17 =	vunpack.i.u.bf16.f32 v21;
	v23 =	vunpack.i.u.bf16.f32 v18;
	v14 =	vld [tilespmem:s24+$0xFFFFF380];
	v13 =	vmul.f32 v13, v6  }
0xc8: {  	v18 =	vld [tilespmem:s24+$0xFFFFF370];
	v11 =	vmax.f32 v11, v15;
	v17 =	vadd.f32 v17, v23;
	v15 =	vmul.f32 $2.000000030e-01, v1  }
0xc9: {  	v11 =	vmul.f32 v11, v9;
	v0 =	vadd.f32 v13, v0;
	v13 =	vld [tilespmem:s24+$0xFFFFFFD0]  }
0xca: {  	v21 =	vld [tilespmem:s24+$0xFFFFFFF0];
	v1 =	vmax.f32 v1, v15;
	v15 =	vmul.f32 $2.000000030e-01, v17  }
0xcb: {  	v0 =	vadd.f32 v0, v11;
	v11 =	vld [tilespmem:s24+$0xFFFFF360]  }
0xcc: {  	v24, _, _ =	vpop (xrf2);
	v1 =	vmul.f32 v1, v7;
	v29 =	vunpack.i.u.bf16.f32 v14;
	v15 =	vmax.f32 v17, v15;
	v17 =	vld [tilespmem:s24+$0xFFFFFFE0]  }
0xcd: {  	v25 =	vunpack.i.u.bf16.f32 v19;
	(v2sf) =	vpush v24, $0xF;
	v27 =	vunpack.i.l.bf16.f32 v18;
	[tilespmem:$0x1FEE0] =	vst v29  }
0xce: {  	[tilespmem:$0x1FF00] =	vst v25;
	v0 =	vadd.f32 v1, v0;
	v1 =	vunpack.i.l.bf16.f32 v19;
	v24 =	vunpack.i.l.bf16.f32 v13  }
0xcf: {  	[tilespmem:$0x1FF30] =	vst v27;
	v15 =	vmul.f32 v15, v8;
	v13 =	vunpack.i.u.bf16.f32 v13;
	v19 =	vadd.f32 v24, v1  }
0xd0: {  	[tilespmem:$0x1FEF0] =	vst v1;
	v1 =	vunpack.i.u.bf16.f32 v18;
	v24 =	vunpack.i.u.bf16.f32 v21;
	v13 =	vadd.f32 v13, v25  }
0xd1: {  	[tilespmem:$0x1FF40] =	vst v1;
	v28 =	vunpack.i.l.bf16.f32 v11;
	v25 =	vmul.f32 $2.000000030e-01, v19;
	v26 =	vunpack.i.l.bf16.f32 v17  }
0xd2: {  	[tilespmem:$0x1FF10] =	vst v28;
	v18 =	vmul.f32 $2.000000030e-01, v13;
	v26 =	vadd.f32 v26, v28;
	v28 =	vunpack.i.u.bf16.f32 v11  }
0xd3: {  	v21 =	vunpack.i.l.bf16.f32 v21;
	v11 =	vunpack.i.u.bf16.f32 v17;
	v17 =	vmax.f32 v19, v25;
	[tilespmem:$0x1FF20] =	vst v28  }
0xd4: {  	v13 =	vmax.f32 v13, v18;
	v11 =	vadd.f32 v11, v28;
	v18 =	vmul.f32 $2.000000030e-01, v26;
	v19 =	vld [tilespmem:s24+$0x0]  }
0xd5: {  	v21 =	vadd.f32 v21, v27;
	v17 =	vmul.f32 v17, v2;
	v13 =	vmul.f32 v13, v3  }
0xd6: {  	v25 =	vmul.f32 $2.000000030e-01, v11;
	v18 =	vmax.f32 v26, v18;
	v26 =	vunpack.i.l.bf16.f32 v14  }
0xd7: {  	v0 =	vadd.f32 v0, v15;
	v13 =	vadd.f32 v17, v13;
	[tilespmem:$0x1FF50] =	vst v26;
	v14 =	vmul.f32 v18, v4  }
0xd8: {  	v17 =	vmul.f32 $2.000000030e-01, v21;
	v11 =	vmax.f32 v11, v25;
	v18 =	vadd.f32 v24, v1;
	v24 =	vld [tilespmem:s24+$0xFFFFF310]  }
0xd9: {  	v11 =	vmul.f32 v11, v5;
	v13 =	vadd.f32 v14, v13;
	v14 =	vunpack.i.l.bf16.f32 v19  }
0xda: {  	v17 =	vmax.f32 v21, v17;
	v25 =	vld [tilespmem:s24+$0xFFFFFF90];
	v21 =	vmul.f32 $2.000000030e-01, v18;
	v14 =	vadd.f32 v14, v26  }
0xdb: {  	v30 =	vld [tilespmem:s24+$0xFFFFFFC0];
	v11 =	vadd.f32 v13, v11;
	v13 =	vmul.f32 v17, v6;
	v17 =	vunpack.i.u.bf16.f32 v19  }
0xdc: {  	v26 =	vld [tilespmem:s24+$0xFFFFFFA0];
	v18 =	vmax.f32 v18, v21;
	v21 =	vmul.f32 $2.000000030e-01, v14;
	v17 =	vadd.f32 v17, v29  }
0xdd: {  	v19 =	vld [tilespmem:s24+$0xFFFFF320];
	v18 =	vmul.f32 v18, v9;
	v15 =	vadd.f32 v13, v11;
	v11 =	vunpack.i.u.bf16.f32 v24  }
0xde: {  	v13 =	vunpack.i.l.bf16.f32 v24;
	v14 =	vmax.f32 v14, v21;
	v21 =	vmul.f32 $2.000000030e-01, v17  }
0xdf: {  	v24 =	vunpack.i.l.bf16.f32 v25;
	v15 =	vadd.f32 v15, v18;
	v14 =	vmul.f32 v14, v7  }
0xe0: {  	v31 =	vunpack.i.l.bf16.f32 v30;
	v18 =	vunpack.i.u.bf16.f32 v25;
	v17 =	vmax.f32 v17, v21  }
0xe1: {  	v21 =	vld [tilespmem:s24+$0xFFFFF330];
	v18 =	vadd.f32 v18, v11;
	v14 =	vadd.f32 v14, v15;
	v17 =	vmul.f32 v17, v8  }
0xe2: {  	v24 =	vadd.f32 v24, v13;
	v25 =	vld [tilespmem:s24+$0xFFFFFFB0];
	v27 =	vunpack.i.l.bf16.f32 v26;
	v15 =	vunpack.i.l.bf16.f32 v19  }
0xe3: {  	v28 =	vmul.f32 $2.000000030e-01, v18;
	v27 =	vadd.f32 v27, v15;
	v29 =	vadd.f32 v14, v17  }
0xe4: {  	v17 =	vmul.f32 $2.000000030e-01, v24;
	v14 =	vunpack.i.u.bf16.f32 v19;
	v19 =	vunpack.i.u.bf16.f32 v26  }
0xe5: {  	v18 =	vmax.f32 v18, v28;
	v26 =	vmul.f32 $2.000000030e-01, v27;
	v19 =	vadd.f32 v19, v14  }
0xe6: {  	v28 =	vld [tilespmem:s24+$0xFFFFF340];
	v24 =	vmax.f32 v24, v17;
	v18 =	vmul.f32 v18, v3;
	v1 =	vunpack.i.l.bf16.f32 v21  }
0xe7: {  	(xrf2) =	vadd.scan.msk.f32 $0xffff, v0;
	s25 =	spop (v2sf);
	v24 =	vmul.f32 v24, v2;
	v26 =	vmax.f32 v27, v26;
	v27 =	vunpack.i.l.bf16.f32 v25  }
0xe8: {  	s7 =	smin.f32 s25, $7.500000000e+01;
	(xrf2) =	vadd.scan.msk.f32 $0xffff, v29;
	v0 =	vmul.f32 v26, v4;
	v26 =	vmul.f32 $2.000000030e-01, v19;
	v27 =	vadd.f32 v27, v1  }
0xe9: {  	[tilespmem:$0x1FE10] =	vst v1;
	v1 =	vunpack.i.u.bf16.f32 v21;
	v21 =	vunpack.i.u.bf16.f32 v25;
	v25 =	vmov s7  }
0xea: {  	v24 =	vadd.f32 v24, v18;
	v21 =	vadd.f32 v21, v1;
	v25 =	vmul.f32 $1.442695020e+00, v25  }
0xeb: {  	[tilespmem:$0x1FE20] =	vst v1;
	v19 =	vmax.f32 v19, v26;
	v26 =	vmul.f32 $2.000000030e-01, v27;
	v1 =	vunpack.i.l.bf16.f32 v28  }
0xec: {  	s23 =	simm.s32 $0x16E50;
	v0 =	vadd.f32 v0, v24;
	v24 =	vmul.f32 v19, v5;
	v29 =	vmul.f32 $2.000000030e-01, v21;
	[tilespmem:$0x1FE30] =	vst v1  }
0xed: {  	v25 =	vbroadcast v25, $0x0;
	v26 =	vmax.f32 v27, v26;
	v27 =	vadd.f32 v31, v1;
	v17 =	vld [tilespmem:s23+$0xFFFFF380]  }
0xee: {  	v32 =	vld [tilespmem:s23+$0xFFFFF370];
	v1 =	vunpack.i.u.bf16.f32 v28;
	v0 =	vadd.f32 v0, v24;
	v24 =	vmul.f32 v26, v6  }
0xef: {  	v28 =	vunpack.i.u.bf16.f32 v30;
	v30 =	vld [tilespmem:s23+$0xFFFFF350];
	v26 =	vmax.f32 v21, v29;
	[tilespmem:$0x1FE40] =	vst v1  }
0xf0: {  	v29 =	vmul.f32 $2.000000030e-01, v27;
	v31 =	vld [tilespmem:s23+$0xFFFFFFD0];
	v0 =	vadd.f32 v24, v0;
	v24 =	vadd.f32 v28, v1  }
0xf1: {  	v35, _, _ =	vpop (xrf2);
	v26 =	vmul.f32 v26, v9;
	v34 =	vld [tilespmem:s23+$0xFFFFFFF0]  }
0xf2: {  	(erf) = vpow2.f32 v25;
	v36 =	vld [tilespmem:s23+$0xFFFFFFE0];
	v27 =	vmax.f32 v27, v29;
	v25, _, _ =	vpop (xrf2);
	v28 =	vmul.f32 $2.000000030e-01, v24  }
0xf3: {  	v0 =	vadd.f32 v0, v26;
	v26 =	vmul.f32 v27, v7;
	(v2sf) =	vpush v25, $0xF  }
0xf4: {  	v27 =	vld [tilespmem:s23+$0xFFFFF360];
	v21 =	vunpack.i.u.bf16.f32 v17;
	v1 =	vunpack.i.u.bf16.f32 v30;
	v19 =	vunpack.i.u.bf16.f32 v32  }
0xf5: {  	(v2sf) =	vpush v35, $0xF;
	v24 =	vmax.f32 v24, v28;
	v0 =	vadd.f32 v26, v0  }
0xf6: {  	v28 =	vunpack.i.l.bf16.f32 v30;
	v25 =	vunpack.i.l.bf16.f32 v31;
	v26 =	vunpack.i.u.bf16.f32 v31  }
0xf7: {  	v38 =	vunpack.i.u.bf16.f32 v34;
	v40 =	vunpack.i.l.bf16.f32 v36;
	v34 =	vunpack.i.l.bf16.f32 v34  }
0xf8: {  	[tilespmem:$0x1FE50] =	vst v1;
	v37 =	vadd.f32 v25, v28;
	v26 =	vadd.f32 v26, v1;
	v1 =	vunpack.i.l.bf16.f32 v32  }
0xf9: {  	v53 =	vadd.f32 v38, v19;
	v24 =	vmul.f32 v24, v8;
	v18 =	vunpack.i.l.bf16.f32 v27  }
0xfa: {  	v51 =	vadd.f32 v34, v1;
	v39 =	vmul.f32 $2.000000030e-01, v37;
	v41 =	vmul.f32 $2.000000030e-01, v26;
	[tilespmem:$0x1FE60] =	vst v18  }
0xfb: {  	v40 =	vadd.f32 v40, v18;
	v18 =	vunpack.i.u.bf16.f32 v27;
	v27 =	vunpack.i.u.bf16.f32 v36;
	v49 =	vld [tilespmem:s23+$0x0]  }
0xfc: {  	v52 =	vmul.f32 $2.000000030e-01, v51;
	v47 =	vmax.f32 v37, v39;
	v27 =	vadd.f32 v27, v18;
	v54 =	vld [tilespmem:s23+$0xFFFFF310]  }
0xfd: {  	v26 =	vmax.f32 v26, v41;
	v56 =	vld [tilespmem:s23+$0xFFFFFF90];
	v48 =	vmul.f32 $2.000000030e-01, v40;
	v36 =	vmul.f32 v47, v2  }
0xfe: {  	v34 =	vunpack.i.l.bf16.f32 v17;
	v58 =	vld [tilespmem:s23+$0xFFFFF320];
	v26 =	vmul.f32 v26, v3;
	v50 =	vmul.f32 $2.000000030e-01, v27  }
0xff: {  	v38 =	vmul.f32 $2.000000030e-01, v53;
	v0 =	vadd.f32 v0, v24;
	v60 =	vld [tilespmem:s23+$0xFFFFFFA0];
	v37 =	vmax.f32 v40, v48  }
0x100: {  	v26 =	vadd.f32 v36, v26;
	v36 =	vmax.f32 v51, v52;
	v27 =	vmax.f32 v27, v50  }
0x101: {  	v32 =	vmovc v1;
	v1 =	vmul.f32 v37, v4;
	v37 =	vmax.f32 v53, v38;
	v27 =	vmul.f32 v27, v5  }
0x102: {  	v55 =	vunpack.i.u.bf16.f32 v49;
	v17 =	vunpack.i.u.bf16.f32 v54;
	v61 =	vunpack.i.u.bf16.f32 v56  }
0x103: {  	v29 =	vunpack.i.l.bf16.f32 v54;
	v39 =	vunpack.i.l.bf16.f32 v56;
	v24 =	vunpack.i.l.bf16.f32 v58  }
0x104: {  	v51 =	vunpack.i.l.bf16.f32 v60;
	v26 =	vadd.f32 v1, v26;
	v1 =	vunpack.i.l.bf16.f32 v49  }
0x105: {  	v35 =	vunpack.i.u.bf16.f32 v58;
	v52 =	vunpack.i.u.bf16.f32 v60;
	v1 =	vadd.f32 v1, v34  }
0x106: {  	v39 =	vadd.f32 v39, v29;
	v26 =	vadd.f32 v26, v27;
	v27 =	vmul.f32 v36, v6  }
0x107: {  	s14 =	simm.s32 $0x16ED0;
	v41 =	vadd.f32 v51, v24;
	v36 =	vadd.f32 v55, v21;
	v57 =	vmul.f32 $2.000000030e-01, v1  }
0x108: {  	v47 =	vld [tilespmem:s14+$0xFFFFF360];
	v44 =	vadd.f32 v52, v35;
	v26 =	vadd.f32 v27, v26;
	v27 =	vmul.f32 v37, v9  }
0x109: {  	(xrf2) =	vadd.scan.msk.f32 $0xffff, v0;
	v0 =	vmul.f32 $2.000000030e-01, v39;
	v59 =	vmul.f32 $2.000000030e-01, v36;
	v1 =	vmax.f32 v1, v57  }
0x10a: {  	v49 =	vld [tilespmem:s23+$0xFFFFFFB0];
	v58 =	vmul.f32 $2.000000030e-01, v41;
	v26 =	vadd.f32 v26, v27;
	v27 =	vmul.f32 v1, v7  }
0x10b: {  	v62 =	vld [tilespmem:s23+$0xFFFFF330];
	s26 =	spop (v2sf);
	v45 =	vmul.f32 $2.000000030e-01, v44;
	v37 =	vadd.f32 v61, v17;
	v36 =	vmax.f32 v36, v59  }
0x10c: {  	v53 =	vld [tilespmem:s14+$0xFFFFF350];
	s7 =	smin.f32 s26, $7.500000000e+01;
	v41 =	vmax.f32 v41, v58;
	v36 =	vmul.f32 v36, v8;
	v26 =	vadd.f32 v27, v26  }
0x10d: {  	v60 =	vld [tilespmem:s14+$0xFFFFFFD0];
	v50 =	vmax.f32 v44, v45;
	v44 =	vunpack.i.u.bf16.f32 v47;
	v1 =	vmov s7  }
0x10e: {  	v56 =	vld [tilespmem:s14+$0xFFFFFFE0];
	v42 =	vmul.f32 $2.000000030e-01, v37;
	v1 =	vmul.f32 $1.442695020e+00, v1;
	v36 =	vadd.f32 v26, v36  }
0x10f: {  	v61 =	vunpack.i.l.bf16.f32 v49;
	v41 =	vmul.f32 v41, v4;
	v59 =	vmax.f32 v39, v0  }
0x110: {  	v0 =	vunpack.i.l.bf16.f32 v62;
	v37 =	vmax.f32 v37, v42;
	v43 =	vbroadcast v1, $0x0;
	(xrf2) =	vadd.scan.msk.f32 $0xffff, v36  }
0x111: {  	v48 =	vadd.f32 v61, v0;
	v42 =	vunpack.i.l.bf16.f32 v53;
	v37 =	vmul.f32 v37, v3  }
0x112: {  	(erf) = vpow2.f32 v43;
	v36 =	vmul.f32 v59, v2;
	v59 =	vunpack.i.l.bf16.f32 v60  }
0x113: {  	v43 =	vunpack.i.u.bf16.f32 v53;
	v53 =	vunpack.i.u.bf16.f32 v56;
	v61 =	vadd.f32 v59, v42  }
0x114: {  	v37 =	vadd.f32 v36, v37;
	v36 =	vunpack.i.u.bf16.f32 v62;
	v62 =	vmul.f32 $2.000000030e-01, v48  }
0x115: {  	v33 =	vmovc v0;
	v0 =	vunpack.i.l.bf16.f32 v56;
	v60 =	vunpack.i.u.bf16.f32 v60;
	v54 =	vadd.f32 v53, v44  }
0x116: {  	v55 =	vld [tilespmem:s23+$0xFFFFFFC0];
	v45 =	vmul.f32 $2.000000030e-01, v61;
	v1 =	vmax.f32 v48, v62;
	v62 =	vadd.f32 v60, v43  }
0x117: {  	v52 =	vadd.f32 v41, v37;
	v48 =	vunpack.i.l.bf16.f32 v47;
	v60 =	vunpack.i.u.bf16.f32 v49  }
0x118: {  	v56 =	vld [tilespmem:s14+$0xFFFFFFF0];
	v0 =	vadd.f32 v0, v48;
	v39 =	vmax.f32 v61, v45;
	v38 =	vmul.f32 $2.000000030e-01, v62  }
0x119: {  	v57 =	vld [tilespmem:s23+$0xFFFFF340];
	v58, _, _ =	vpop (xrf2);
	v47 =	vadd.f32 v60, v36;
	v61 =	vmul.f32 $2.000000030e-01, v54;
	v39 =	vmul.f32 v39, v2  }
0x11a: {  	v59 =	vmul.f32 $2.000000030e-01, v0;
	v37 =	vmax.f32 v62, v38;
	v62 =	vmul.f32 v50, v5;
	v41, _, _ =	vpop (xrf2)  }
0x11b: {  	v38 =	vmax.f32 v54, v61;
	v61 =	vunpack.i.l.bf16.f32 v55;
	(v2sf) =	vpush v41, $0xF;
	v41 =	vld [tilespmem:s14+$0xFFFFF370]  }
0x11c: {  	v54 =	vmul.f32 v1, v6;
	v37 =	vmul.f32 v37, v3;
	v40 =	vmax.f32 v0, v59  }
0x11d: {  	v0 =	vunpack.i.l.bf16.f32 v56;
	v56 =	vunpack.i.u.bf16.f32 v56;
	v53 =	vmul.f32 v38, v5  }
0x11e: {  	v49 =	vadd.f32 v52, v62;
	v60 =	vadd.f32 v39, v37;
	v37 =	vunpack.i.l.bf16.f32 v57  }
0x11f: {  	v38 =	vld [tilespmem:s14+$0xFFFFF380];
	v40 =	vmul.f32 v40, v4;
	v62 =	vmul.f32 $2.000000030e-01, v47;
	v1 =	vadd.f32 v61, v37  }
0x120: {  	v49 =	vadd.f32 v54, v49;
	v45 =	vunpack.i.l.bf16.f32 v41;
	v41 =	vunpack.i.u.bf16.f32 v41  }
0x121: {  	s20 =	spop (v2sf);
	v50 =	vld [tilespmem:s14+$0x0];
	v47 =	vmax.f32 v47, v62;
	v0 =	vadd.f32 v0, v45;
	v56 =	vadd.f32 v56, v41  }
0x122: {  	s20 =	smin.f32 s20, $7.500000000e+01;
	v51 =	vadd.f32 v40, v60;
	v40 =	vunpack.i.u.bf16.f32 v57;
	v46 =	vmul.f32 $2.000000030e-01, v1  }
0x123: {  	v57 =	vmov s20;
	v59 =	vmul.f32 $2.000000030e-01, v0;
	v60 =	vmul.f32 $2.000000030e-01, v56  }
0x124: {  	v61 =	vadd.f32 v51, v53;
	v53 =	vmul.f32 v47, v9;
	v47 =	vunpack.i.l.bf16.f32 v38  }
0x125: {  	v0 =	vmax.f32 v0, v59;
	v62 =	vmax.f32 v56, v60;
	v56 =	vunpack.i.u.bf16.f32 v55  }
0x126: {  	v59 =	vunpack.i.l.bf16.f32 v50;
	v50 =	vunpack.i.u.bf16.f32 v50;
	v51 =	vadd.f32 v56, v40  }
0x127: {  	v56 =	vunpack.i.u.bf16.f32 v38;
	v38 =	vadd.f32 v59, v47;
	v0 =	vmul.f32 v0, v6  }
0x128: {  	v52 =	vmul.f32 $1.442695020e+00, v57;
	v50 =	vadd.f32 v50, v56;
	v60 =	vmul.f32 $2.000000030e-01, v51  }
0x129: {  	v0 =	vadd.f32 v0, v61;
	v61 =	vmul.f32 v62, v9;
	v62 =	vmul.f32 $2.000000030e-01, v38  }
0x12a: {  	v1 =	vmax.f32 v1, v46;
	v52 =	vbroadcast v52, $0x0;
	v49 =	vadd.f32 v49, v53  }
0x12b: {  	v59 =	vmul.f32 $2.000000030e-01, v50;
	v51 =	vmax.f32 v51, v60;
	s25 =	spop (v2sf);
	v60 =	vmax.f32 v38, v62  }
0x12c: {  	(erf) = vpow2.f32 v52;
	v0 =	vadd.f32 v0, v61;
	s20 =	smin.f32 s25, $7.500000000e+01;
	v52 =	vmul.f32 v60, v7  }
0x12d: {  	v1 =	vmul.f32 v1, v7;
	v50 =	vmax.f32 v50, v59;
	v61 =	vmov s20  }
0x12e: {  	v46 =	vld [tilespmem:s14+$0xFFFFFF90];
	v50 =	vmul.f32 v50, v8;
	v62 =	vmul.f32 $1.442695020e+00, v61;
	v0 =	vadd.f32 v52, v0  }
0x12f: {  	v1 =	vadd.f32 v1, v49;
	v55 =	vld [tilespmem:s14+$0xFFFFF310]  }
0x130: {  	v51 =	vmul.f32 v51, v8;
	v49 =	vbroadcast v62, $0x0;
	v62 =	vadd.f32 v0, v50;
	v0 =	vld [tilespmem:$0x1FE70];
	_ =	sdelay $0x3  }
0x131: {  	v61 =	vadd.f32 v1, v51;
	v51 =	vpop (erf)  }
0x132: {  	v57 =	vunpack.i.u.bf16.f32 v46;
	v39 =	vunpack.i.u.bf16.f32 v55;
	v53 =	vmul.f32 v51, v0;
	v0 =	vld [tilespmem:$0x1FE80]  }
0x133: {  	v54 =	vadd.f32 v57, v39  }
0x134: {  	v38 =	vunpack.i.l.bf16.f32 v55;
	v55 =	vld [tilespmem:s14+$0xFFFFF320]  }
0x135: {  	v57 =	vld [tilespmem:s14+$0xFFFFFFA0];
	v52 =	vmul.f32 $2.000000030e-01, v54  }
0x136: {  	v46 =	vunpack.i.l.bf16.f32 v46;
	v1 =	vld [tilespmem:$0x1FEA0]  }
0x137: {  	v46 =	vadd.f32 v46, v38;
	v60 =	vmax.f32 v54, v52;
	v54 =	vmul.f32 v51, v0;
	v0 =	vld [tilespmem:$0x1FE90];
	_ =	sdelay $0x1  }
0x138: {  	v59 =	vmul.f32 $2.000000030e-01, v46  }
0x139: {  	s24 =	simm.s32 $0x19360;
	(v2sf) =	vpush v58, $0xF  }
0x13a: {  	v59 =	vmax.f32 v46, v59;
	v52 =	vunpack.i.l.bf16.f32 v55;
	v46 =	vunpack.i.l.bf16.f32 v57;
	[tilespmem:s24+$0x70] =	vst v53  }
0x13b: {  	v58 =	vmul.f32 v51, v0;
	v0 =	vadd.f32 v46, v52;
	v46 =	vmul.f32 v51, v1;
	v1 =	vld [tilespmem:$0x1FEB0];
	_ =	sdelay $0x4  }
0x13c: {  	v53 =	vmul.f32 v51, v1;
	v1 =	vmul.f32 $2.000000030e-01, v0  }
0x13d: {  	[tilespmem:s24+$0x0] =	vst v54  }
0x13e: {  	v0 =	vmax.f32 v0, v1;
	v1 =	vld [tilespmem:$0x1FEC0];
	[tilespmem:s24+$0x10] =	vst v58  }
0x13f: {  	v59 =	vmul.f32 v59, v2;
	v2 =	vld [tilespmem:$0x1FED0];
	_ =	sdelay $0x2  }
0x140: {  	v54 =	vmul.f32 v60, v3;
	[tilespmem:s24+$0x20] =	vst v46  }
0x141: {  	[tilespmem:s24+$0x30] =	vst v53;
	v1 =	vmul.f32 v51, v1  }
0x142: {  	v54 =	vadd.f32 v59, v54;
	v59 =	vmul.f32 v51, v2;
	v2 =	vld [tilespmem:$0x1FEE0]  }
0x143: {  	v58 =	vmul.f32 v51, v63;
	[tilespmem:s24+$0x40] =	vst v1  }
0x144: {  	v50 =	vunpack.i.u.bf16.f32 v55;
	v55 =	vunpack.i.u.bf16.f32 v57;
	v1 =	vld [tilespmem:$0x1FEF0]  }
0x145: {  	v55 =	vadd.f32 v55, v50;
	[tilespmem:s24+$0x50] =	vst v58  }
0x146: {  	(xrf2) =	vadd.scan.msk.f32 $0xffff, v61;
	v61 =	vpop (erf);
	[tilespmem:s24+$0x60] =	vst v59  }
0x147: {  	v60 =	vmul.f32 $2.000000030e-01, v55;
	v63 =	vmul.f32 v61, v2;
	v2 =	vld [tilespmem:$0x1FF00]  }
0x148: {  	v0 =	vmul.f32 v0, v4;
	v4 =	vnsel vm0, $0x0, v51  }
0x149: {  	s23 =	simm.s32 $0x19480;
	v55 =	vmax.f32 v55, v60;
	[tilespmem:s24+$0x80] =	vst v4;
	v60 =	vmul.f32 v61, v1  }
0x14a: {  	[tilespmem:s23+$0x70] =	vst v63  }
0x14b: {  	[tilespmem:s23+$0x0] =	vst v60  }
0x14c: {  	v51 =	vmul.f32 v61, v2;
	v2 =	vld [tilespmem:$0x1FF10];
	_ =	sdelay $0x2  }
0x14d: {  	v57 =	vld [tilespmem:s14+$0xFFFFFFB0]  }
0x14e: {  	(erf) = vpow2.f32 v49;
	v49 =	vld [tilespmem:s14+$0xFFFFF330];
	[tilespmem:s23+$0x10] =	vst v51  }
0x14f: {  	v4 =	vmul.f32 v61, v2;
	v2 =	vld [tilespmem:$0x1FF20];
	_ =	sdelay $0x3  }
0x150: {  	(xrf2) =	vadd.scan.msk.f32 $0xffff, v62;
	v62 =	vunpack.i.l.bf16.f32 v57;
	v46 =	vunpack.i.l.bf16.f32 v49;
	[tilespmem:s23+$0x20] =	vst v4  }
0x151: {  	v62 =	vadd.f32 v62, v46;
	v51 =	vmul.f32 v61, v2;
	v2 =	vld [tilespmem:$0x1FF30]  }
0x152: {  	v53 =	vld [tilespmem:s14+$0xFFFFFFC0]  }
0x153: {  	v0 =	vadd.f32 v0, v54;
	v54 =	vmul.f32 $2.000000030e-01, v62  }
0x154: {  	v3 =	vld [tilespmem:s14+$0xFFFFF340]  }
0x155: {  	v54 =	vmax.f32 v62, v54;
	[tilespmem:s23+$0x30] =	vst v51  }
0x156: {  	v54 =	vmul.f32 v54, v6;
	v6 =	vmul.f32 v61, v2;
	v2 =	vld [tilespmem:$0x1FF40]  }
0x157: {  	v55 =	vmul.f32 v55, v5;
	v5 =	vunpack.i.l.bf16.f32 v53  }
0x158: {  	v57 =	vunpack.i.u.bf16.f32 v57;
	v1 =	vunpack.i.u.bf16.f32 v49  }
0x159: {  	v59, _, _ =	vpop (xrf2);
	v49 =	vunpack.i.l.bf16.f32 v3;
	v57 =	vadd.f32 v57, v1  }
0x15a: {  	v0 =	vadd.f32 v0, v55;
	v55 =	vadd.f32 v5, v49;
	v5, _, _ =	vpop (xrf2);
	[tilespmem:s23+$0x40] =	vst v6  }
0x15b: {  	(v2sf) =	vpush v5, $0xF;
	v58 =	vmul.f32 $2.000000030e-01, v57;
	v5 =	vmul.f32 v61, v2;
	v2 =	vld [tilespmem:$0x1FF50]  }
0x15c: {  	v0 =	vadd.f32 v54, v0;
	v54 =	vpop (erf);
	v4 =	vmul.f32 $2.000000030e-01, v55  }
0x15d: {  	v58 =	vmax.f32 v57, v58;
	v57 =	vpop (erf)  }
0x15e: {  	v60 =	vnsel vm0, $0x0, v61;
	v55 =	vmax.f32 v55, v4;
	v4 =	vmul.f32 v57, v21  }
0x15f: {  	s25 =	simm.s32 $0x195A0;
	[tilespmem:s23+$0x80] =	vst v60  }
0x160: {  	[tilespmem:s25+$0x70] =	vst v4;
	v6 =	vmul.f32 v61, v2  }
0x161: {  	v58 =	vmul.f32 v58, v9;
	[tilespmem:s23+$0x50] =	vst v5  }
0x162: {  	[tilespmem:s23+$0x60] =	vst v6  }
0x163: {  	s26 =	spop (v2sf);
	(v2sf) =	vpush v59, $0xF;
	v59 =	vadd.f32 v0, v58;
	v0 =	vld [tilespmem:$0x1FF60];
	_ =	sdelay $0x3  }
0x164: {  	v53 =	vunpack.i.u.bf16.f32 v53  }
0x165: {  	v51 =	vunpack.i.u.bf16.f32 v3;
	v60 =	vmul.f32 v55, v7;
	v55 =	vmul.f32 v54, v0;
	v0 =	vld [tilespmem:$0x1FF70]  }
0x166: {  	v53 =	vadd.f32 v53, v51;
	_ =	sdelay $0x1  }
0x167: {  	s7 =	smin.f32 s26, $7.500000000e+01;
	v6 =	vmul.f32 $2.000000030e-01, v53  }
0x168: {  	v5 =	vmov s7  }
0x169: {  	v31 =	vmovc v18;
	s26 =	simm.s32 $0x6;
	s7 =	simm.s32 $0x16F50;
	v58 =	vmul.f32 $1.442695020e+00, v5;
	v61 =	vmax.f32 v53, v6;
	v0 =	vmul.f32 v54, v0  }
.LBB2_5:
0x16a: {  	v62 =	vld [tilespmem:s7+$0xFFFFF380];
	v10 =	vmul.f32 v54, v10;
	[tilespmem:s24+$0xFFFFFF70] =	vst v55  }
0x16b: {  	v18 =	vmov v11;
	v11 =	vld [tilespmem:$0x1FF80];
	v12 =	vmul.f32 v54, v12;
	[tilespmem:s24+$0xFFFFFF80] =	vst v0  }
0x16c: {  	v6 =	vmul.f32 v54, v16;
	v16 =	vld [tilespmem:s7+$0xFFFFF350];
	[tilespmem:s24+$0xFFFFFF90] =	vst v10  }
0x16d: {  	v5 =	vld [tilespmem:$0x1FE50];
	v10 =	vmul.f32 v54, v20;
	[tilespmem:s24+$0xFFFFFFA0] =	vst v12  }
0x16e: {  	v63 =	vld [tilespmem:$0x1FE60];
	v20 =	vmul.f32 v54, v22;
	[tilespmem:s24+$0xFFFFFFB0] =	vst v6  }
0x16f: {  	v22 =	vld [tilespmem:s7+$0xFFFFFFD0];
	[tilespmem:s24+$0xFFFFFFC0] =	vst v10  }
0x170: {  	v12 =	vmul.f32 v54, v23;
	v6 =	vld [tilespmem:s7+$0xFFFFFF90];
	[tilespmem:s24+$0xFFFFFFD0] =	vst v20  }
0x171: {  	v8 =	vld [tilespmem:s7+$0xFFFFF310]  }
0x172: {  	v59 =	vadd.f32 v60, v59;
	v58 =	vbroadcast v58, $0x0;
	v7 =	vmul.f32 v61, v11;
	[tilespmem:s24+$0xFFFFFFE0] =	vst v12;
	v12 =	vld [tilespmem:$0x1FE10]  }
0x173: {  	v26 =	vmovc v39;
	v39 =	vld [tilespmem:s7+$0xFFFFF370];
	v21 =	vmovc v29;
	v29 =	vmov v38;
	v30 =	vmov v42;
	v42 =	vmov v43  }
0x174: {  	v3 =	vld [tilespmem:s7+$0xFFFFFFF0];
	v38 =	vmul.f32 v57, v28;
	[tilespmem:$0x1FE50] =	vst v42;
	v0 =	vmovc v48;
	(erf) = vpow2.f32 v58;
	v59 =	vadd.f32 v59, v7  }
0x175: {  	v2 =	vnsel vm0, $0x0, v54;
	v23 =	vld [tilespmem:s7+$0xFFFFF360];
	[tilespmem:$0x1FE60] =	vst v0;
	v54 =	vmul.f32 v57, v5;
	v58 =	vmul.f32 v57, v63  }
0x176: {  	v42 =	vunpack.i.l.bf16.f32 v16;
	v0 =	vunpack.i.l.bf16.f32 v22;
	(xrf2) =	vadd.scan.msk.f32 $0xffff, v59;
	v59 =	vld [tilespmem:s7+$0xFFFFFFE0];
	[tilespmem:s25+$0x0] =	vst v38  }
0x177: {  	v63 =	vmul.f32 v57, v31;
	v43 =	vunpack.i.u.bf16.f32 v16;
	v20 =	vadd.f32 v0, v42;
	[tilespmem:s25+$0x10] =	vst v54;
	v16 =	vmovc v12;
	v12 =	vld [tilespmem:$0x1FFA0]  }
0x178: {  	v27 =	vmov v41;
	v5 =	vmul.f32 v57, v32;
	v41 =	vunpack.i.u.bf16.f32 v39;
	[tilespmem:s25+$0x20] =	vst v58  }
0x179: {  	v32 =	vmovc v45;
	v45 =	vunpack.i.l.bf16.f32 v39;
	v7 =	vmul.f32 v57, v19;
	[tilespmem:s25+$0x30] =	vst v63;
	v39 =	vmul.f32 $2.000000030e-01, v20  }
0x17a: {  	v4 =	vnsel vm0, $0x0, v57;
	v61 =	vunpack.i.u.bf16.f32 v62;
	v57 =	vmul.f32 v57, v34;
	[tilespmem:s25+$0x40] =	vst v5  }
0x17b: {  	v34 =	vmovc v47;
	v47 =	vunpack.i.l.bf16.f32 v62;
	v62 =	vld [tilespmem:s7+$0xFFFFF320];
	v63 =	vmovc v33;
	v33 =	vmov v46;
	[tilespmem:s25+$0x50] =	vst v7;
	v46 =	vmax.f32 v20, v39  }
0x17c: {  	v53 =	vmov v17;
	v17 =	vmov v15;
	v15 =	vmul.f32 v46, v12;
	v46 =	vld [tilespmem:s7+$0x0]  }
0x17d: {  	v55 =	vmov v13;
	v13 =	vunpack.i.u.bf16.f32 v22;
	[tilespmem:s25+$0x60] =	vst v57;
	v57 =	vld [tilespmem:$0x1FE30]  }
0x17e: {  	v10 =	vld [tilespmem:s7+$0xFFFFFFA0];
	v22 =	vadd.f32 v13, v43  }
0x17f: {  	v13 =	vld [tilespmem:$0x1FE20]  }
0x180: {  	v25 =	vmovc v24;
	v24 =	vmovc v35;
	v35 =	vmov v50;
	v9 =	vunpack.i.u.bf16.f32 v3;
	v60 =	vld [tilespmem:s7+$0xFFFFF330];
	v50 =	vmul.f32 $2.000000030e-01, v22  }
0x181: {  	v28 =	vmovc v52;
	v31 =	vmovc v44;
	v44 =	vunpack.i.u.bf16.f32 v23;
	v48 =	vunpack.i.l.bf16.f32 v23;
	v0 =	vld [tilespmem:s7+$0xFFFFFFB0];
	v23 =	vunpack.i.l.bf16.f32 v59  }
0x182: {  	v52 =	vmax.f32 v22, v50;
	v23 =	vadd.f32 v23, v48;
	v22 =	vmovc v57;
	v57 =	vadd.f32 v9, v41;
	v9 =	vld [tilespmem:$0x1FE40]  }
0x183: {  	[tilespmem:$0x1FE10] =	vst v63;
	v63 =	vld [tilespmem:s7+$0xFFFFFFC0];
	s20 =	spop (v2sf)  }
0x184: {  	v19 =	vmov v14;
	v20 =	vmov v13;
	v13 =	vld [tilespmem:$0x1FFB0];
	s20 =	smin.f32 s20, $7.500000000e+01;
	v14 =	vmul.f32 $2.000000030e-01, v23  }
0x185: {  	v38 =	vunpack.i.u.bf16.f32 v59;
	v59 =	vld [tilespmem:s7+$0xFFFFF340];
	[tilespmem:s24+$0xFFFFFFF0] =	vst v2;
	v58 =	vmov s20  }
0x186: {  	v2 =	vmovc v36;
	v36 =	vmovc v1;
	v38 =	vadd.f32 v38, v44;
	v39 =	vmul.f32 $1.442695020e+00, v58;
	v1 =	vmax.f32 v23, v14;
	v14 =	vld [tilespmem:$0x1FFC0]  }
0x187: {  	v3 =	vunpack.i.l.bf16.f32 v3;
	[tilespmem:$0x1FE20] =	vst v2;
	v23 =	vmov v9;
	v9 =	vmov v40  }
0x188: {  	v3 =	vadd.f32 v3, v45;
	v50 =	vmovc v37;
	v2 =	vmul.f32 $2.000000030e-01, v38;
	v39 =	vbroadcast v39, $0x0;
	[tilespmem:$0x1FE40] =	vst v9;
	v9 =	vld [tilespmem:$0x1FFD0]  }
0x189: {  	v54 =	vpop (erf);
	[tilespmem:$0x1FE30] =	vst v50;
	v50 =	vunpack.i.u.bf16.f32 v6;
	v7 =	vmul.f32 v52, v13  }
0x18a: {  	v52 =	vmul.f32 $2.000000030e-01, v3;
	v2 =	vmax.f32 v38, v2;
	(erf) = vpow2.f32 v39;
	v40 =	vmovc v51;
	v51 =	vld [tilespmem:$0x1FFE0]  }
0x18b: {  	[tilespmem:s25+$0x80] =	vst v4;
	v4 =	vadd.f32 v15, v7;
	v39 =	vmul.f32 $2.000000030e-01, v57;
	v1 =	vmul.f32 v1, v14  }
0x18c: {  	v3 =	vmax.f32 v3, v52;
	v15 =	vld [tilespmem:$0x1FFF0];
	v52 =	vunpack.i.l.bf16.f32 v6;
	v38 =	vunpack.i.l.bf16.f32 v46  }
0x18d: {  	v5 =	vmax.f32 v57, v39;
	v1 =	vadd.f32 v1, v4;
	v2 =	vmul.f32 v2, v9  }
0x18e: {  	v39 =	vunpack.i.u.bf16.f32 v8;
	v4 =	vadd.f32 v38, v47;
	v38 =	vunpack.i.l.bf16.f32 v8;
	v8 =	vld [tilespmem:$0x1FF90]  }
0x18f: {  	v1 =	vadd.f32 v1, v2;
	v2 =	vmul.f32 v3, v51;
	v3 =	vunpack.i.u.bf16.f32 v46  }
0x190: {  	v6 =	vadd.f32 v50, v39;
	v46 =	vmul.f32 $2.000000030e-01, v4;
	v3 =	vadd.f32 v3, v61  }
0x191: {  	v1 =	vadd.f32 v2, v1;
	v2 =	vmul.f32 v5, v15  }
0x192: {  	v37 =	vmovc v49;
	v7 =	vmul.f32 $2.000000030e-01, v6;
	v4 =	vmax.f32 v4, v46;
	v49 =	vmul.f32 $2.000000030e-01, v3  }
0x193: {  	v55 =	vmul.f32 v54, v55;
	v1 =	vadd.f32 v1, v2;
	v2 =	vmul.f32 v4, v8  }
0x194: {  	v50 =	vunpack.i.u.bf16.f32 v62;
	v6 =	vmax.f32 v6, v7;
	v3 =	vmax.f32 v3, v49  }
0x195: {  	v57 =	vpop (erf);
	v4 =	vadd.f32 v52, v38;
	v1 =	vadd.f32 v2, v1;
	v2 =	vmul.f32 v3, v11  }
0x196: {  	v46 =	vunpack.i.l.bf16.f32 v10;
	v52 =	vunpack.i.l.bf16.f32 v62;
	v3 =	vmul.f32 v57, v56  }
0x197: {  	s24 =	smov.u32 s23;
	s23 =	smov.u32 s25;
	s25 =	sadd.s32 $0x120, s25;
	v5 =	vadd.f32 v46, v52;
	v1 =	vadd.f32 v1, v2;
	v2 =	vmul.f32 $2.000000030e-01, v4  }
0x198: {  	v62 =	vunpack.i.l.bf16.f32 v0;
	v0 =	vunpack.i.u.bf16.f32 v0;
	[tilespmem:s25+$0x70] =	vst v3;
	v3 =	vunpack.i.u.bf16.f32 v10  }
0x199: {  	v58, _, _ =	vpop (xrf2);
	v49 =	vmul.f32 $2.000000030e-01, v5;
	v3 =	vadd.f32 v3, v50;
	(xrf2) =	vadd.scan.msk.f32 $0xffff, v1;
	v1 =	vmax.f32 v4, v2  }
0x19a: {  	v46 =	vunpack.i.l.bf16.f32 v60;
	v2 =	vmul.f32 v6, v13;
	v1 =	vmul.f32 v1, v12  }
0x19b: {  	v56 =	vmovc v61;
	v61 =	vmax.f32 v5, v49;
	v5 =	vadd.f32 v62, v46;
	v49 =	vmul.f32 $2.000000030e-01, v3  }
0x19c: {  	v4 =	vmul.f32 v61, v14;
	v2 =	vadd.f32 v1, v2;
	v1 =	vunpack.i.u.bf16.f32 v60  }
0x19d: {  	v3 =	vmax.f32 v3, v49;
	v60 =	vmul.f32 $2.000000030e-01, v5;
	v0 =	vadd.f32 v0, v1  }
0x19e: {  	v49 =	vunpack.i.l.bf16.f32 v59;
	v3 =	vmul.f32 v3, v9;
	v2 =	vadd.f32 v4, v2  }
0x19f: {  	v61 =	vmax.f32 v5, v60;
	v60 =	vunpack.i.l.bf16.f32 v63;
	v62 =	vmul.f32 $2.000000030e-01, v0  }
0x1a0: {  	s26 =	sadd.s32 $0x2, s26;
	v2 =	vadd.f32 v2, v3;
	v3 =	vmul.f32 v61, v51;
	v61 =	vadd.f32 v60, v49  }
0x1a1: {  	p0 =	slt.u32 s26, $0x30;
	s14 =	spop (v2sf);
	v11 =	vmovc v53;
	v51 =	vunpack.i.u.bf16.f32 v59;
	v0 =	vmax.f32 v0, v62;
	v62 =	vunpack.i.u.bf16.f32 v63  }
.Ltmp1:
0x1a2: {  	s14 =	smin.f32 s14, $7.500000000e+01;
	v10 =	vmovc v17;
	v17 =	vmovc v26;
	v2 =	vadd.f32 v3, v2;
	v3 =	vmul.f32 $2.000000030e-01, v61;
	v5 =	vadd.f32 v62, v51;
	(pc) =	sbr.rel @p0 .LBB2_5-.Ltmp1, $4  }
0x1a3: {  	v13 =	vmov v21;
	v6 =	vmov s14;
	v0 =	vmul.f32 v0, v15;
	v63, _, _ =	vpop (xrf2)  }
0x1a4: {  	v14 =	vmovc v24;
	v24 =	vmovc v28;
	(v2sf) =	vpush v63, $0xF;
	v3 =	vmax.f32 v61, v3;
	v4 =	vmul.f32 $2.000000030e-01, v5  }
0x1a5: {  	v28 =	vmovc v30;
	v12 =	vmovc v19;
	v59 =	vadd.f32 v2, v0;
	v0 =	vmul.f32 v54, v18;
	(v2sf) =	vpush v58, $0xF  }
0x1a6: {  	s7 =	sadd.s32 $0x80, s7;
	v19 =	vmovc v27;
	v15 =	vmovc v25;
	v60 =	vmul.f32 v3, v8;
	v58 =	vmul.f32 $1.442695020e+00, v6;
	v61 =	vmax.f32 v5, v4  }
0x1a7: {  	_ =	sdelay $0x4  }
0x1a8: {  	v53 =	vld [tilespmem:$0x1FF80];
	_ =	sdelay $0x4  }
0x1a9: {  	v2 =	vadd.f32 v60, v59;
	v3 =	vmul.f32 v61, v53;
	_ =	sdelay $0x1  }
0x1aa: {  	[tilespmem:s24+$0xFFFFFF70] =	vst v55;
	v2 =	vadd.f32 v2, v3;
	s7 =	spop (v2sf)  }
0x1ab: {  	v4 =	vmul.f32 v54, v12;
	[tilespmem:s24+$0xFFFFFF80] =	vst v0;
	s7 =	smin.f32 s7, $7.500000000e+01  }
0x1ac: {  	v5 =	vmul.f32 v54, v16;
	(xrf2) =	vadd.scan.msk.f32 $0xffff, v2;
	v2 =	vmul.f32 v54, v10;
	v3 =	vmov s7  }
0x1ad: {  	[tilespmem:s24+$0xFFFFFFA0] =	vst v4;
	v0 =	vmul.f32 $1.442695020e+00, v3;
	v3 =	vbroadcast v58, $0x0  }
0x1ae: {  	[tilespmem:s24+$0xFFFFFF90] =	vst v2;
	v2 =	vmul.f32 v54, v20  }
0x1af: {  	[tilespmem:s24+$0xFFFFFFB0] =	vst v5;
	(erf) = vpow2.f32 v3;
	v3 =	vmul.f32 v54, v22  }
0x1b0: {  	[tilespmem:s24+$0xFFFFFFC0] =	vst v2  }
0x1b1: {  	v62 =	vmul.f32 v54, v23;
	[tilespmem:s24+$0xFFFFFFD0] =	vst v3  }
0x1b2: {  	v2 =	vld [tilespmem:$0x1FE50]  }
0x1b3: {  	v0 =	vbroadcast v0, $0x0;
	[tilespmem:s24+$0xFFFFFFE0] =	vst v62  }
0x1b4: {  	v3 =	vld [tilespmem:$0x1FE60]  }
0x1b5: {  	(erf) = vpow2.f32 v0  }
0x1b6: {  	v0 =	vmul.f32 v57, v28  }
0x1b7: {  	v63 =	vmul.f32 v57, v32;
	v2 =	vmul.f32 v57, v2  }
0x1b8: {  	[tilespmem:s25+$0x0] =	vst v0;
	v0 =	vmul.f32 v57, v31  }
0x1b9: {  	[tilespmem:s25+$0x40] =	vst v63;
	v3 =	vmul.f32 v57, v3  }
0x1ba: {  	[tilespmem:s25+$0x30] =	vst v0;
	v0 =	vmul.f32 v57, v34  }
0x1bb: {  	[tilespmem:s25+$0x10] =	vst v2;
	v2, _, _ =	vpop (xrf2)  }
0x1bc: {  	[tilespmem:s25+$0x60] =	vst v0;
	(v2sf) =	vpush v2, $0xF;
	v2 =	vmul.f32 v57, v19  }
0x1bd: {  	[tilespmem:s25+$0x20] =	vst v3;
	v3 =	vpop (erf)  }
0x1be: {  	v0 =	vpop (erf);
	[tilespmem:s25+$0x50] =	vst v2;
	v2 =	vnsel vm0, $0x0, v54  }
0x1bf: {  	v32 =	vnsel vm0, $0x0, v57;
	[tilespmem:s24+$0xFFFFFFF0] =	vst v2;
	v2 =	vmul.f32 v0, v56  }
0x1c0: {  	s26 =	sadd.s32 $0x120, s25;
	[tilespmem:s25+$0x80] =	vst v32;
	v34 =	vmul.f32 v3, v13  }
0x1c1: {  	[tilespmem:s26+$0x70] =	vst v2;
	v2 =	vmul.f32 v3, v11  }
0x1c2: {  	[tilespmem:s23+$0xFFFFFF70] =	vst v34  }
0x1c3: {  	[tilespmem:s23+$0xFFFFFF80] =	vst v2  }
0x1c4: {  	v2 =	vld [tilespmem:$0x1FE10];
	_ =	sdelay $0x1  }
0x1c5: {  	v55 =	vmul.f32 v3, v15;
	_ =	sdelay $0x1  }
0x1c6: {  	v6 =	vmul.f32 v3, v14;
	[tilespmem:s23+$0xFFFFFF90] =	vst v55  }
0x1c7: {  	s14 =	spop (v2sf);
	v57 =	vld [tilespmem:$0x1FE20];
	v2 =	vmul.f32 v3, v2  }
0x1c8: {  	s14 =	smin.f32 s14, $7.500000000e+01;
	[tilespmem:s23+$0xFFFFFFA0] =	vst v6  }
0x1c9: {  	v54 =	vmov s14;
	v6 =	vld [tilespmem:$0x1FE30];
	[tilespmem:s23+$0xFFFFFFB0] =	vst v2  }
0x1ca: {  	v5 =	vmul.f32 $1.442695020e+00, v54;
	v2 =	vld [tilespmem:$0x1FE40];
	_ =	sdelay $0x1  }
0x1cb: {  	v56 =	vbroadcast v5, $0x0;
	v5 =	vmul.f32 v3, v57  }
0x1cc: {  	v58 =	vmul.f32 v0, v42  }
0x1cd: {  	v59 =	vmul.f32 v0, v43;
	(erf) = vpow2.f32 v56;
	[tilespmem:s23+$0xFFFFFFC0] =	vst v5  }
0x1ce: {  	[tilespmem:s26+$0x0] =	vst v58;
	v2 =	vmul.f32 v3, v2  }
0x1cf: {  	v60 =	vmul.f32 v0, v44;
	s20 =	spop (v2sf);
	[tilespmem:s26+$0x10] =	vst v59  }
0x1d0: {  	s14 =	smin.f32 s20, $7.500000000e+01;
	[tilespmem:s23+$0xFFFFFFE0] =	vst v2;
	v2 =	vmul.f32 v0, v48  }
0x1d1: {  	v62 =	vmul.f32 v0, v45;
	[tilespmem:s26+$0x30] =	vst v60;
	v61 =	vmov s14  }
0x1d2: {  	v63 =	vmul.f32 v0, v41;
	[tilespmem:s26+$0x20] =	vst v2;
	v2 =	vmul.f32 $1.442695020e+00, v61  }
0x1d3: {  	v32 =	vmul.f32 v0, v47;
	[tilespmem:s26+$0x40] =	vst v62  }
0x1d4: {  	v6 =	vmul.f32 v3, v6;
	[tilespmem:s26+$0x50] =	vst v63;
	v2 =	vbroadcast v2, $0x0  }
0x1d5: {  	[tilespmem:s26+$0x60] =	vst v32  }
0x1d6: {  	v34 =	vpop (erf);
	[tilespmem:s23+$0xFFFFFFD0] =	vst v6;
	v3 =	vnsel vm0, $0x0, v3;
	(erf) = vpow2.f32 v2  }
0x1d7: {  	[tilespmem:s23+$0xFFFFFFF0] =	vst v3;
	v0 =	vnsel vm0, $0x0, v0;
	v2 =	vmul.f32 v34, v29  }
0x1d8: {  	v3 =	vmul.f32 v34, v35;
	[tilespmem:s26+$0x80] =	vst v0  }
0x1d9: {  	[tilespmem:s25+$0xFFFFFF70] =	vst v2;
	v2 =	vmul.f32 v34, v24  }
0x1da: {  	v0 =	vmul.f32 v34, v17;
	[tilespmem:s25+$0xFFFFFFA0] =	vst v3  }
0x1db: {  	v3 =	vmul.f32 v34, v37;
	[tilespmem:s25+$0xFFFFFF90] =	vst v2;
	v2 =	vmul.f32 v34, v36  }
0x1dc: {  	[tilespmem:s25+$0xFFFFFF80] =	vst v0;
	v0 =	vmul.f32 v34, v33  }
0x1dd: {  	[tilespmem:s25+$0xFFFFFFD0] =	vst v3  }
0x1de: {  	[tilespmem:s25+$0xFFFFFFB0] =	vst v0;
	v0 =	vmul.f32 v34, v40  }
0x1df: {  	[tilespmem:s25+$0xFFFFFFC0] =	vst v2;
	v2 =	vpop (erf)  }
0x1e0: {  	v3 =	vnsel vm0, $0x0, v34;
	[tilespmem:s25+$0xFFFFFFE0] =	vst v0;
	v0 =	vmul.f32 v2, v38  }
0x1e1: {  	[tilespmem:s25+$0xFFFFFFF0] =	vst v3;
	v3 =	vmul.f32 v2, v39  }
0x1e2: {  	v41 =	vmul.f32 v2, v50;
	[tilespmem:s26+$0xFFFFFF70] =	vst v0  }
0x1e3: {  	v0 =	vmul.f32 v2, v52;
	[tilespmem:s26+$0xFFFFFF80] =	vst v3  }
0x1e4: {  	v3 =	vmul.f32 v2, v46;
	[tilespmem:s26+$0xFFFFFFA0] =	vst v41  }
0x1e5: {  	[tilespmem:s26+$0xFFFFFF90] =	vst v0;
	v0 =	vmul.f32 v2, v1  }
0x1e6: {  	v1 =	vmul.f32 v2, v49;
	[tilespmem:s26+$0xFFFFFFB0] =	vst v3  }
0x1e7: {  	v3 =	vmul.f32 v2, v51;
	[tilespmem:s26+$0xFFFFFFC0] =	vst v0  }
0x1e8: {  	[tilespmem:s26+$0xFFFFFFD0] =	vst v1  }
0x1e9: {  	v0 =	vnsel vm0, $0x0, v2;
	[tilespmem:s26+$0xFFFFFFE0] =	vst v3  }
0x1ea: {  	[tilespmem:s26+$0xFFFFFFF0] =	vst v0  }
0x1eb: {  	[spmem:s3] =	stream.indirect.scatter.add.f32 [tilespmem:s28], [sflag:$0x5], $0x90, s10, s9, $0xb8;
	[tilespmem:$0x1CB90] =	vst v63  }
0x1ec: {  	_ =	swait.ge [sflag:s0], $0x68  }
0x1ed: {  	[sflag:s0] =	ssyncset.done $0x0  }
0x1ee: {  	[sflag:s0] =	ssyncadd.s32 $0xFFFFFF98  }
0x1ef: {  	[tilespmem:s30], [sflag:$0x1] =	stream.indirect.gather [hbm4b:s1+s2], $0x40, s31, s2, $0xb8;
	[tilespmem:$0x1CB90] =	vst v63  }
0x1f0: {  	_ =	swait.ge [sflag:s17], $0x1900  }
0x1f1: {  	[sflag:s17] =	ssyncset.done $0x0  }
0x1f2: {  	[sflag:s17] =	ssyncadd.s32 $0xFFFFE700  }
0x1f3: {  	_ =	swait.ge [sflag:s18], $0x1C20  }
0x1f4: {  	[sflag:s18] =	ssyncset.done $0x0  }
0x1f5: {  	[sflag:s18] =	ssyncadd.s32 $0xFFFFE3E0  }
0x1f6: {  	v0 =	vld [tilespmem:$0x1602A]  }
0x1f7: {  	v1 =	vld [tilespmem:$0x1603A]  }
0x1f8: {  	v2 =	vld [tilespmem:$0x1604A]  }
0x1f9: {  	v3 =	vld [tilespmem:$0x1604C];
	_ =	sdelay $0x1  }
0x1fa: {  	v0 =	vadd.s32 $0xFFFFD8F0, v0  }
0x1fb: {  	[tilespmem:$0x19298] =	vst v0;
	v0 =	vadd.s32 $0xFFFFD8F0, v1  }
0x1fc: {  	s22 =	sadd.s32 s22, s12;
	[tilespmem:$0x192A8] =	vst v0;
	v0 =	vadd.s32 $0xFFFFD8F0, v2  }
0x1fd: {  	s7 =	sshrl.u32 s22, $0x3;
	[tilespmem:$0x192B8] =	vst v0;
	v0 =	vadd.s32 $0xFFFFD8F0, v3  }
0x1fe: {  	s7 =	sadd.s32 s6, s7;
	s23 =	simm.s32 $0x18650;
	[tilespmem:$0x192BA] =	vst v0  }
0x1ff: {  	[tilespmem:s4], [sflag:$0x4] =	stream.linear.gather [hbm4b:s7+s5], $0x68, $0x38;
	[tilespmem:$0x1CB90] =	vst v63  }
0x200: {  	v2 =	vld [tilespmem:s23+$0xFFFFF350]  }
0x201: {  	v3 =	vld [tilespmem:s23+$0xFFFFFFD0]  }
0x202: {  	v43 =	vld [tilespmem:s23+$0xFFFFF360]  }
0x203: {  	v44 =	vld [tilespmem:s23+$0xFFFFFFE0]  }
0x204: {  	v1 =	vld [tilespmem:s23+$0xFFFFF370];
	_ =	sdelay $0x1  }
0x205: {  	v0 =	vld [tilespmem:s23+$0xFFFFF380];
	v8 =	vunpack.i.l.bf16.f32 v2  }
0x206: {  	v42 =	vld [tilespmem:s23+$0xFFFFFFF0];
	v7 =	vunpack.i.l.bf16.f32 v3;
	v50 =	vunpack.i.u.bf16.f32 v2;
	v2 =	vunpack.i.u.bf16.f32 v3  }
0x207: {  	v58 =	vld [tilespmem:$0x1FFA0];
	v12 =	vunpack.i.u.bf16.f32 v43;
	v46 =	vunpack.i.u.bf16.f32 v44;
	v3 =	vadd.f32 v7, v8  }
0x208: {  	v10 =	vunpack.i.u.bf16.f32 v1;
	v2 =	vadd.f32 v2, v50;
	[tilespmem:$0x1FD80] =	vst v12;
	v5 =	vadd.f32 v46, v12;
	v12 =	vld [tilespmem:$0x1FFB0]  }
0x209: {  	v55 =	vunpack.i.l.bf16.f32 v43;
	v9 =	vunpack.i.l.bf16.f32 v44;
	v11 =	vunpack.i.l.bf16.f32 v1;
	[tilespmem:$0x1FD70] =	vst v8  }
0x20a: {  	v15 =	vld [tilespmem:$0x1FFC0];
	[tilespmem:$0x1FDA0] =	vst v10;
	v9 =	vadd.f32 v9, v55;
	v8 =	vmul.f32 $2.000000030e-01, v3;
	v1 =	vmul.f32 $2.000000030e-01, v2  }
0x20b: {  	v16 =	vld [tilespmem:$0x1FFD0];
	v52 =	vunpack.i.u.bf16.f32 v0;
	v45 =	vunpack.i.u.bf16.f32 v42;
	v4 =	vunpack.i.l.bf16.f32 v42;
	[tilespmem:$0x1FD90] =	vst v11  }
0x20c: {  	v47 =	vld [tilespmem:s23+$0x0];
	v3 =	vmax.f32 v3, v8;
	v1 =	vmax.f32 v2, v1;
	v2 =	vmul.f32 $2.000000030e-01, v9  }
0x20d: {  	v4 =	vadd.f32 v4, v11;
	v3 =	vmul.f32 v3, v58;
	v1 =	vmul.f32 v1, v12  }
0x20e: {  	v57 =	vld [tilespmem:$0x1FFE0];
	v8 =	vmul.f32 $2.000000030e-01, v5;
	v2 =	vmax.f32 v9, v2;
	v9 =	vunpack.i.l.bf16.f32 v0  }
0x20f: {  	v48 =	vadd.f32 v45, v10;
	v10 =	vld [tilespmem:$0x1FFF0];
	[tilespmem:$0x1FDB0] =	vst v9;
	v0 =	vadd.f32 v3, v1;
	v1 =	vmul.f32 v2, v15  }
0x210: {  	v2 =	vmax.f32 v5, v8;
	v3 =	vmul.f32 $2.000000030e-01, v4;
	v49 =	vld [tilespmem:s23+$0xFFFFF310]  }
0x211: {  	v8 =	vld [tilespmem:s23+$0xFFFFFF90];
	v0 =	vadd.f32 v1, v0;
	v1 =	vmul.f32 v2, v16;
	v2 =	vunpack.i.l.bf16.f32 v47  }
0x212: {  	v51 =	vmul.f32 $2.000000030e-01, v48;
	v3 =	vmax.f32 v4, v3;
	v2 =	vadd.f32 v2, v9  }
0x213: {  	v60 =	vld [tilespmem:$0x1FF90];
	v0 =	vadd.f32 v0, v1;
	v1 =	vmul.f32 v3, v57  }
0x214: {  	v4 =	vmax.f32 v48, v51;
	v9 =	vld [tilespmem:s23+$0xFFFFFFA0];
	v3 =	vunpack.i.u.bf16.f32 v47;
	v56 =	vmul.f32 $2.000000030e-01, v2  }
0x215: {  	v54 =	vld [tilespmem:s23+$0xFFFFF320];
	v3 =	vadd.f32 v3, v52;
	v0 =	vadd.f32 v1, v0;
	v1 =	vmul.f32 v4, v10  }
0x216: {  	v11 =	vunpack.i.u.bf16.f32 v49;
	v7 =	vunpack.i.l.bf16.f32 v49;
	v61 =	vunpack.i.l.bf16.f32 v8  }
0x217: {  	[tilespmem:$0x1FE00] =	vst v11;
	v2 =	vmax.f32 v2, v56;
	v59 =	vmul.f32 $2.000000030e-01, v3;
	v5 =	vadd.f32 v61, v7  }
0x218: {  	[tilespmem:$0x1FDF0] =	vst v7;
	v0 =	vadd.f32 v0, v1;
	v1 =	vmul.f32 v2, v60;
	v2 =	vunpack.i.u.bf16.f32 v8  }
0x219: {  	v62 =	vld [tilespmem:s23+$0xFFFFF330];
	v63 =	vunpack.i.l.bf16.f32 v9;
	v3 =	vmax.f32 v3, v59;
	v2 =	vadd.f32 v2, v11  }
0x21a: {  	v11 =	vunpack.i.l.bf16.f32 v54;
	v0 =	vadd.f32 v1, v0;
	v1 =	vmul.f32 v3, v53  }
0x21b: {  	v32 =	vunpack.i.u.bf16.f32 v9;
	v3 =	vld [tilespmem:s23+$0xFFFFFFB0];
	[tilespmem:$0x1FD00] =	vst v11;
	v7 =	vadd.f32 v63, v11;
	v8 =	vmul.f32 $2.000000030e-01, v2  }
0x21c: {  	v11 =	vunpack.i.u.bf16.f32 v54;
	v9 =	vld [tilespmem:s23+$0xFFFFF340];
	v0 =	vadd.f32 v0, v1;
	v1 =	vmul.f32 $2.000000030e-01, v5  }
0x21d: {  	v6 =	vadd.f32 v32, v11;
	v2 =	vmax.f32 v2, v8  }
0x21e: {  	[tilespmem:$0x1FD10] =	vst v11;
	v8 =	vmul.f32 $2.000000030e-01, v7;
	v13 =	vunpack.i.l.bf16.f32 v62;
	v1 =	vmax.f32 v5, v1  }
0x21f: {  	v33 =	vld [tilespmem:s23+$0xFFFFFFC0];
	v20 =	vunpack.i.u.bf16.f32 v62;
	v2 =	vmul.f32 v2, v12;
	v1 =	vmul.f32 v1, v58  }
0x220: {  	v11 =	vunpack.i.l.bf16.f32 v3;
	v7 =	vmax.f32 v7, v8;
	v8 =	vmul.f32 $2.000000030e-01, v6  }
0x221: {  	(xrf2) =	vadd.scan.msk.f32 $0xffff, v0;
	v11 =	vadd.f32 v11, v13;
	v0 =	vmul.f32 v7, v15;
	v22 =	vunpack.i.l.bf16.f32 v9  }
0x222: {  	v23 =	vunpack.i.u.bf16.f32 v9;
	v1 =	vadd.f32 v1, v2;
	v2 =	vunpack.i.u.bf16.f32 v3  }
0x223: {  	v3 =	vmax.f32 v6, v8;
	v34 =	vmul.f32 $2.000000030e-01, v11;
	v2 =	vadd.f32 v2, v20  }
0x224: {  	s24 =	simm.s32 $0x186D0;
	[tilespmem:$0x1FD20] =	vst v13;
	v35 =	vunpack.i.l.bf16.f32 v33;
	v0 =	vadd.f32 v0, v1;
	v1 =	vmul.f32 v3, v16  }
0x225: {  	v41 =	vld [tilespmem:s24+$0xFFFFFFE0];
	v5 =	vunpack.i.u.bf16.f32 v33;
	v3 =	vmax.f32 v11, v34;
	v36 =	vmul.f32 $2.000000030e-01, v2  }
0x226: {  	v38 =	vld [tilespmem:s24+$0xFFFFF370];
	v0 =	vadd.f32 v0, v1;
	v1 =	vadd.f32 v35, v22;
	v3 =	vmul.f32 v3, v57  }
0x227: {  	v8 =	vld [tilespmem:s24+$0xFFFFF350];
	v5 =	vadd.f32 v5, v23;
	v2 =	vmax.f32 v2, v36  }
0x228: {  	v39 =	vmul.f32 $2.000000030e-01, v1;
	v0 =	vadd.f32 v3, v0;
	v2 =	vmul.f32 v2, v10;
	v3 =	vld [tilespmem:s24+$0xFFFFFFD0]  }
0x229: {  	v9 =	vld [tilespmem:s24+$0xFFFFFFF0];
	v40 =	vmul.f32 $2.000000030e-01, v5  }
0x22a: {  	v14 =	vunpack.i.l.bf16.f32 v41;
	v1 =	vmax.f32 v1, v39;
	v0 =	vadd.f32 v0, v2;
	v2 =	vld [tilespmem:s24+$0xFFFFF360]  }
0x22b: {  	v17 =	vunpack.i.l.bf16.f32 v38;
	v5 =	vmax.f32 v5, v40;
	v11, _, _ =	vpop (xrf2);
	v1 =	vmul.f32 v1, v60  }
0x22c: {  	v63 =	vunpack.i.l.bf16.f32 v8;
	v62 =	vunpack.i.u.bf16.f32 v8;
	(v2sf) =	vpush v11, $0xF  }
0x22d: {  	v0 =	vadd.f32 v1, v0;
	v11 =	vunpack.i.l.bf16.f32 v3;
	v3 =	vunpack.i.u.bf16.f32 v3  }
0x22e: {  	v1 =	vunpack.i.u.bf16.f32 v38;
	v8 =	vadd.f32 v11, v63;
	v11 =	vunpack.i.u.bf16.f32 v9  }
0x22f: {  	v37 =	vld [tilespmem:s24+$0xFFFFF380];
	v3 =	vadd.f32 v3, v62;
	v9 =	vunpack.i.l.bf16.f32 v9;
	v18 =	vunpack.i.l.bf16.f32 v2  }
0x230: {  	[tilespmem:$0x1FDD0] =	vst v17;
	v61 =	vunpack.i.u.bf16.f32 v2;
	v2 =	vunpack.i.u.bf16.f32 v41;
	v13 =	vmul.f32 $2.000000030e-01, v8  }
0x231: {  	[tilespmem:$0x1FDE0] =	vst v1;
	v42 =	vmul.f32 $2.000000030e-01, v3;
	v14 =	vadd.f32 v14, v18;
	v2 =	vadd.f32 v2, v61  }
0x232: {  	v5 =	vmul.f32 v5, v53;
	v9 =	vadd.f32 v9, v17;
	[tilespmem:$0x1FDC0] =	vst v18;
	v43 =	vmax.f32 v8, v13  }
0x233: {  	v51 =	vld [tilespmem:s24+$0xFFFFFFA0];
	v3 =	vmax.f32 v3, v42;
	v44 =	vmul.f32 $2.000000030e-01, v14;
	v13 =	vmul.f32 $2.000000030e-01, v2  }
0x234: {  	v54 =	vunpack.i.u.bf16.f32 v37;
	v8 =	vld [tilespmem:s24+$0x0];
	v6 =	vmul.f32 v43, v58;
	v3 =	vmul.f32 v3, v12  }
0x235: {  	v47 =	vadd.f32 v11, v1;
	v46 =	vmul.f32 $2.000000030e-01, v9;
	v7 =	vmax.f32 v14, v44  }
0x236: {  	v2 =	vmax.f32 v2, v13;
	v13 =	vld [tilespmem:s24+$0xFFFFF310];
	v3 =	vadd.f32 v6, v3;
	v45 =	vmul.f32 v7, v15  }
0x237: {  	v59 =	vunpack.i.l.bf16.f32 v37;
	v0 =	vadd.f32 v0, v5;
	v14 =	vld [tilespmem:s24+$0xFFFFFF90];
	v2 =	vmul.f32 v2, v16  }
0x238: {  	v6 =	vmax.f32 v9, v46;
	v9 =	vmul.f32 $2.000000030e-01, v47;
	v3 =	vadd.f32 v45, v3  }
0x239: {  	v5 =	vunpack.i.u.bf16.f32 v51;
	v48 =	vunpack.i.l.bf16.f32 v8;
	v49 =	vunpack.i.u.bf16.f32 v8  }
0x23a: {  	v7 =	vmax.f32 v47, v9;
	v4 =	vadd.f32 v48, v59;
	v2 =	vadd.f32 v3, v2  }
0x23b: {  	v8 =	vld [tilespmem:s24+$0xFFFFF320];
	v3 =	vmul.f32 v6, v57;
	v6 =	vadd.f32 v49, v54;
	v1 =	vunpack.i.u.bf16.f32 v13  }
0x23c: {  	v34 =	vld [tilespmem:s24+$0xFFFFFFB0];
	v11 =	vunpack.i.l.bf16.f32 v13;
	v32 =	vunpack.i.u.bf16.f32 v14;
	v9 =	vmul.f32 $2.000000030e-01, v4  }
0x23d: {  	v2 =	vadd.f32 v3, v2;
	v3 =	vmul.f32 v7, v10;
	v56 =	vmul.f32 $2.000000030e-01, v6  }
0x23e: {  	v33 =	vld [tilespmem:s24+$0xFFFFF330];
	v4 =	vmax.f32 v4, v9;
	v9 =	vunpack.i.l.bf16.f32 v14;
	v14 =	vunpack.i.l.bf16.f32 v51  }
0x23f: {  	v2 =	vadd.f32 v2, v3;
	v3 =	vmul.f32 v4, v60;
	v6 =	vmax.f32 v6, v56  }
0x240: {  	v13 =	vmovc v1;
	[tilespmem:$0x1FD30] =	vst v11;
	v4 =	vadd.f32 v32, v1;
	v9 =	vadd.f32 v9, v11;
	v1 =	vunpack.i.l.bf16.f32 v8  }
0x241: {  	v11 =	vunpack.i.l.bf16.f32 v34;
	[tilespmem:$0x1FD40] =	vst v1;
	v18 =	vadd.f32 v14, v1;
	v1 =	vunpack.i.u.bf16.f32 v8  }
0x242: {  	v2 =	vadd.f32 v3, v2;
	v3 =	vmul.f32 v6, v53;
	v17 =	vmul.f32 $2.000000030e-01, v4  }
0x243: {  	[tilespmem:$0x1FD50] =	vst v1;
	v5 =	vadd.f32 v5, v1;
	v1 =	vunpack.i.l.bf16.f32 v33;
	v8 =	vmul.f32 $2.000000030e-01, v18  }
0x244: {  	v24 =	vadd.f32 v11, v1;
	v2 =	vadd.f32 v2, v3;
	v3 =	vmul.f32 $2.000000030e-01, v9  }
0x245: {  	v21 =	vld [tilespmem:s24+$0xFFFFF340];
	v4 =	vmax.f32 v4, v17  }
0x246: {  	s26 =	simm.s32 $0x18750;
	v8 =	vmax.f32 v18, v8;
	v36 =	vmul.f32 $2.000000030e-01, v24;
	v3 =	vmax.f32 v9, v3;
	v9 =	vld [tilespmem:s24+$0xFFFFFFC0];
	[tilespmem:$0x1FD60] =	vst v1  }
0x247: {  	(xrf2) =	vadd.scan.msk.f32 $0xffff, v0;
	s25 =	spop (v2sf);
	v4 =	vmul.f32 v4, v12;
	v0 =	vmul.f32 v8, v15;
	v39 =	vld [tilespmem:s26+$0xFFFFF370]  }
0x248: {  	s7 =	smin.f32 s25, $7.500000000e+01;
	v8 =	vmul.f32 $2.000000030e-01, v5;
	v3 =	vmul.f32 v3, v58;
	v6 =	vmax.f32 v24, v36;
	v24 =	vld [tilespmem:s26+$0xFFFFF350]  }
0x249: {  	v35 =	vmov s7;
	v1 =	vunpack.i.u.bf16.f32 v33;
	v41 =	vld [tilespmem:s26+$0xFFFFFFD0]  }
0x24a: {  	(xrf2) =	vadd.scan.msk.f32 $0xffff, v2;
	v42 =	vld [tilespmem:s26+$0xFFFFF360];
	v5 =	vmax.f32 v5, v8;
	v2 =	vadd.f32 v3, v4;
	v3 =	vunpack.i.u.bf16.f32 v34  }
0x24b: {  	v19 =	vmovc v1;
	v27 =	vld [tilespmem:s26+$0xFFFFFFE0];
	v4 =	vmul.f32 $1.442695020e+00, v35;
	v3 =	vadd.f32 v3, v1;
	v1 =	vunpack.i.l.bf16.f32 v21  }
0x24c: {  	v21 =	vunpack.i.u.bf16.f32 v21;
	v0 =	vadd.f32 v0, v2;
	v2 =	vmul.f32 v5, v16  }
0x24d: {  	v8 =	vld [tilespmem:s26+$0xFFFFF380];
	v38 =	vunpack.i.l.bf16.f32 v9;
	v40 =	vunpack.i.u.bf16.f32 v9;
	v4 =	vbroadcast v4, $0x0  }
0x24e: {  	v37 =	vmul.f32 $2.000000030e-01, v3;
	v7 =	vadd.f32 v38, v1;
	v28 =	vunpack.i.l.bf16.f32 v24  }
0x24f: {  	v29 =	vunpack.i.u.bf16.f32 v24;
	v44 =	vunpack.i.u.bf16.f32 v41;
	v31 =	vunpack.i.l.bf16.f32 v42  }
0x250: {  	v46 =	vunpack.i.l.bf16.f32 v27;
	v30 =	vunpack.i.l.bf16.f32 v39;
	v32 =	vunpack.i.u.bf16.f32 v42  }
0x251: {  	v49 =	vunpack.i.u.bf16.f32 v27;
	v0 =	vadd.f32 v0, v2;
	v2 =	vmul.f32 v6, v57  }
0x252: {  	(erf) = vpow2.f32 v4;
	v11 =	vunpack.i.u.bf16.f32 v8;
	v4 =	vadd.f32 v44, v29  }
0x253: {  	v48 =	vadd.f32 v46, v31;
	v3 =	vmax.f32 v3, v37;
	v9 =	vmul.f32 $2.000000030e-01, v7  }
0x254: {  	v34 =	vunpack.i.l.bf16.f32 v8;
	v0 =	vadd.f32 v2, v0;
	v3 =	vmul.f32 v3, v10  }
0x255: {  	v26, _, _ =	vpop (xrf2);
	v2 =	vadd.f32 v40, v21;
	v47 =	vmul.f32 $2.000000030e-01, v4;
	v7 =	vmax.f32 v7, v9  }
0x256: {  	v51 =	vmul.f32 $2.000000030e-01, v48;
	v9 =	vld [tilespmem:s26+$0xFFFFFFF0];
	v43, _, _ =	vpop (xrf2);
	v0 =	vadd.f32 v0, v3;
	v3 =	vmul.f32 v7, v60  }
0x257: {  	v25 =	vmul.f32 $2.000000030e-01, v2;
	(v2sf) =	vpush v43, $0xF;
	v7 =	vadd.f32 v49, v32  }
0x258: {  	v4 =	vmax.f32 v4, v47;
	v0 =	vadd.f32 v3, v0;
	v3 =	vunpack.i.l.bf16.f32 v41  }
0x259: {  	v42 =	vld [tilespmem:s26+$0xFFFFF320];
	v5 =	vmax.f32 v48, v51;
	v4 =	vmul.f32 v4, v12;
	v3 =	vadd.f32 v3, v28  }
0x25a: {  	v40 =	vld [tilespmem:s26+$0xFFFFFF90];
	v56 =	vmul.f32 v5, v15;
	(v2sf) =	vpush v26, $0xF;
	v2 =	vmax.f32 v2, v25  }
0x25b: {  	s20 =	simm.s32 $0x187D0;
	v45 =	vunpack.i.u.bf16.f32 v9;
	v9 =	vunpack.i.l.bf16.f32 v9;
	v24 =	vmul.f32 $2.000000030e-01, v3  }
0x25c: {  	v51 =	vld [tilespmem:s20+$0xFFFFF350];
	v25 =	vunpack.i.u.bf16.f32 v39;
	v27 =	vmul.f32 $2.000000030e-01, v7;
	v9 =	vadd.f32 v9, v30  }
0x25d: {  	v2 =	vmul.f32 v2, v53;
	v6 =	vadd.f32 v45, v25;
	v3 =	vmax.f32 v3, v24;
	v24 =	vld [tilespmem:s26+$0x0]  }
0x25e: {  	v26 =	vunpack.i.l.bf16.f32 v42;
	v35 =	vmul.f32 $2.000000030e-01, v9;
	v3 =	vmul.f32 v3, v58  }
0x25f: {  	v46 =	vunpack.i.l.bf16.f32 v40;
	v33 =	vmax.f32 v7, v27;
	v8 =	vmul.f32 $2.000000030e-01, v6  }
0x260: {  	v36 =	vmul.f32 v33, v16;
	v7 =	vmax.f32 v9, v35;
	v9 =	vld [tilespmem:s26+$0xFFFFF310];
	v3 =	vadd.f32 v3, v4  }
0x261: {  	v0 =	vadd.f32 v0, v2;
	v2 =	vld [tilespmem:s26+$0xFFFFFFA0];
	v6 =	vmax.f32 v6, v8;
	v35 =	vunpack.i.u.bf16.f32 v42  }
0x262: {  	v42 =	vunpack.i.l.bf16.f32 v51;
	v3 =	vadd.f32 v56, v3;
	v37 =	vunpack.i.l.bf16.f32 v24  }
0x263: {  	v38 =	vmul.f32 v7, v57;
	v39 =	vunpack.i.u.bf16.f32 v24;
	v5 =	vadd.f32 v37, v34  }
0x264: {  	v41 =	vmul.f32 v6, v10;
	v7 =	vadd.f32 v39, v11;
	v39 =	vld [tilespmem:s20+$0xFFFFF360];
	v3 =	vadd.f32 v3, v36  }
0x265: {  	v24 =	vunpack.i.u.bf16.f32 v9;
	v27 =	vunpack.i.l.bf16.f32 v9;
	v9 =	vld [tilespmem:s26+$0xFFFFF330];
	v8 =	vmul.f32 $2.000000030e-01, v5  }
0x266: {  	v47 =	vunpack.i.l.bf16.f32 v2;
	v2 =	vunpack.i.u.bf16.f32 v2;
	s14 =	spop (v2sf);
	v3 =	vadd.f32 v38, v3  }
0x267: {  	v4 =	vadd.f32 v47, v26;
	v2 =	vadd.f32 v2, v35;
	s7 =	smin.f32 s14, $7.500000000e+01;
	v5 =	vmax.f32 v5, v8  }
0x268: {  	v8 =	vmul.f32 $2.000000030e-01, v7;
	v44 =	vmov s7;
	v3 =	vadd.f32 v3, v41  }
0x269: {  	v43 =	vmul.f32 v5, v60;
	v5 =	vmul.f32 $1.442695020e+00, v44;
	v44 =	vunpack.i.u.bf16.f32 v39  }
0x26a: {  	v7 =	vmax.f32 v7, v8;
	v8 =	vunpack.i.u.bf16.f32 v40;
	v33 =	vunpack.i.l.bf16.f32 v9  }
0x26b: {  	v3 =	vadd.f32 v43, v3;
	v45 =	vmul.f32 v7, v53;
	v8 =	vadd.f32 v8, v24  }
0x26c: {  	(xrf2) =	vadd.scan.msk.f32 $0xffff, v0;
	v0 =	vld [tilespmem:s26+$0xFFFFFFB0];
	v36 =	vunpack.i.u.bf16.f32 v9;
	v7 =	vadd.f32 v46, v27;
	v5 =	vbroadcast v5, $0x0  }
0x26d: {  	v46 =	vmul.f32 $2.000000030e-01, v2;
	v3 =	vadd.f32 v3, v45;
	v48 =	vmul.f32 $2.000000030e-01, v8  }
0x26e: {  	v43 =	vunpack.i.u.bf16.f32 v51;
	v49 =	vmul.f32 $2.000000030e-01, v7;
	v45 =	vld [tilespmem:s20+$0xFFFFFFD0];
	(erf) = vpow2.f32 v5  }
0x26f: {  	v2 =	vmax.f32 v2, v46;
	(xrf2) =	vadd.scan.msk.f32 $0xffff, v3;
	v3 =	vmax.f32 v8, v48;
	v8 =	vmul.f32 $2.000000030e-01, v4  }
0x270: {  	v7 =	vmax.f32 v7, v49;
	v48 =	vunpack.i.l.bf16.f32 v39;
	v3 =	vmul.f32 v3, v12  }
0x271: {  	v39 =	vld [tilespmem:s20+$0xFFFFFFF0];
	v7 =	vmul.f32 v7, v58;
	v4 =	vmax.f32 v4, v8;
	v8 =	vunpack.i.l.bf16.f32 v0  }
0x272: {  	v2 =	vmul.f32 v2, v16;
	v4 =	vmul.f32 v4, v15;
	v47 =	vadd.f32 v8, v33  }
0x273: {  	v8 =	vld [tilespmem:s20+$0xFFFFFFE0];
	v3 =	vadd.f32 v7, v3;
	v9 =	vunpack.i.l.bf16.f32 v45;
	v38 =	vunpack.i.u.bf16.f32 v45  }
0x274: {  	v0 =	vunpack.i.u.bf16.f32 v0;
	v9 =	vadd.f32 v9, v42;
	v5 =	vadd.f32 v38, v43  }
0x275: {  	v56 =	vmul.f32 $2.000000030e-01, v47;
	v3 =	vadd.f32 v4, v3;
	v4 =	vadd.f32 v0, v36  }
0x276: {  	v6 =	vunpack.i.l.bf16.f32 v39;
	v37 =	vmul.f32 $2.000000030e-01, v9;
	v51 =	vmul.f32 $2.000000030e-01, v5  }
0x277: {  	v18 =	vmovc v1;
	v1 =	vmax.f32 v47, v56;
	v56 =	vld [tilespmem:s26+$0xFFFFF340];
	v2 =	vadd.f32 v3, v2;
	v3 =	vmul.f32 $2.000000030e-01, v4  }
0x278: {  	v49, _, _ =	vpop (xrf2);
	v47 =	vld [tilespmem:s26+$0xFFFFFFC0];
	v41 =	vunpack.i.l.bf16.f32 v8;
	v8 =	vunpack.i.u.bf16.f32 v8;
	v9 =	vmax.f32 v9, v37  }
0x279: {  	v5 =	vmax.f32 v5, v51;
	v38 =	vadd.f32 v41, v48;
	v8 =	vadd.f32 v8, v44;
	v40, _, _ =	vpop (xrf2)  }
0x27a: {  	v9 =	vmul.f32 v9, v58;
	v5 =	vmul.f32 v5, v12;
	(v2sf) =	vpush v40, $0xF;
	v40 =	vld [tilespmem:s20+$0xFFFFF370]  }
0x27b: {  	v39 =	vunpack.i.u.bf16.f32 v39;
	v3 =	vmax.f32 v4, v3;
	v46 =	vmul.f32 $2.000000030e-01, v38  }
0x27c: {  	v51 =	vmul.f32 $2.000000030e-01, v8;
	v5 =	vadd.f32 v9, v5;
	v37 =	vunpack.i.l.bf16.f32 v56  }
0x27d: {  	v9 =	vunpack.i.l.bf16.f32 v47;
	v7 =	vmax.f32 v38, v46;
	v46 =	vmul.f32 v1, v57  }
0x27e: {  	v8 =	vmax.f32 v8, v51;
	v9 =	vadd.f32 v9, v37;
	v7 =	vmul.f32 v7, v15  }
0x27f: {  	v51 =	vld [tilespmem:s20+$0x0];
	v8 =	vmul.f32 v8, v16;
	v2 =	vadd.f32 v46, v2;
	v45 =	vunpack.i.l.bf16.f32 v40  }
0x280: {  	v41 =	vunpack.i.u.bf16.f32 v40;
	v40 =	vmul.f32 $2.000000030e-01, v9;
	v5 =	vadd.f32 v7, v5  }
0x281: {  	s24 =	spop (v2sf);
	v3 =	vmul.f32 v3, v10;
	v38 =	vadd.f32 v6, v45;
	v39 =	vadd.f32 v39, v41;
	v6 =	vld [tilespmem:s20+$0xFFFFF380]  }
0x282: {  	s14 =	smin.f32 s24, $7.500000000e+01;
	v4 =	vmax.f32 v9, v40;
	v5 =	vadd.f32 v5, v8;
	v40 =	vunpack.i.u.bf16.f32 v56  }
0x283: {  	v8 =	vunpack.i.u.bf16.f32 v47;
	v9 =	vmov s14;
	v0 =	vmul.f32 $2.000000030e-01, v38  }
0x284: {  	v46 =	vunpack.i.l.bf16.f32 v51;
	v7 =	vunpack.i.u.bf16.f32 v51;
	v1 =	vmul.f32 $2.000000030e-01, v39  }
0x285: {  	v8 =	vadd.f32 v8, v40;
	v9 =	vmul.f32 $1.442695020e+00, v9;
	v0 =	vmax.f32 v38, v0  }
0x286: {  	v4 =	vmul.f32 v4, v60;
	v47 =	vunpack.i.l.bf16.f32 v6;
	v0 =	vmul.f32 v0, v57  }
0x287: {  	v1 =	vmax.f32 v39, v1;
	v56 =	vunpack.i.u.bf16.f32 v6;
	v6 =	vadd.f32 v46, v47;
	v46 =	vld [tilespmem:s20+$0xFFFFF310]  }
0x288: {  	v38 =	vmul.f32 $2.000000030e-01, v8;
	v7 =	vadd.f32 v7, v56;
	v0 =	vadd.f32 v0, v5;
	v5 =	vld [tilespmem:s20+$0xFFFFFF90]  }
0x289: {  	v2 =	vadd.f32 v2, v3;
	v1 =	vmul.f32 v1, v10;
	v51 =	vmul.f32 $2.000000030e-01, v6;
	s25 =	spop (v2sf)  }
0x28a: {  	v9 =	vbroadcast v9, $0x0;
	v3 =	vmax.f32 v8, v38;
	v8 =	vmul.f32 $2.000000030e-01, v7;
	s14 =	smin.f32 s25, $7.500000000e+01  }
0x28b: {  	v0 =	vadd.f32 v0, v1;
	v6 =	vmax.f32 v6, v51;
	v39 =	vmov s14  }
0x28c: {  	v1 =	vmax.f32 v7, v8;
	v6 =	vmul.f32 v6, v60;
	v7 =	vmul.f32 $1.442695020e+00, v39  }
0x28d: {  	v38 =	vunpack.i.l.bf16.f32 v46;
	v1 =	vmul.f32 v1, v53;
	v8 =	vunpack.i.u.bf16.f32 v5  }
0x28e: {  	v5 =	vunpack.i.l.bf16.f32 v5;
	v0 =	vadd.f32 v6, v0;
	v51 =	vbroadcast v7, $0x0  }
0x28f: {  	v2 =	vadd.f32 v4, v2;
	(erf) = vpow2.f32 v9;
	v5 =	vadd.f32 v5, v38  }
0x290: {  	v3 =	vmul.f32 v3, v53;
	(erf) = vpow2.f32 v51;
	v51 =	vadd.f32 v0, v1;
	v0 =	vld [tilespmem:$0x1FD70]  }
0x291: {  	v7 =	vmul.f32 $2.000000030e-01, v5  }
0x292: {  	v9 =	vld [tilespmem:s20+$0xFFFFF320];
	v4 =	vpop (erf);
	v2 =	vadd.f32 v2, v3  }
0x293: {  	v39 =	vunpack.i.u.bf16.f32 v46;
	v46 =	vld [tilespmem:s20+$0xFFFFFFA0];
	v3 =	vmax.f32 v5, v7;
	v5 =	vmul.f32 v4, v52  }
0x294: {  	s23 =	simm.s32 $0x1AF80  }
0x295: {  	v8 =	vadd.f32 v8, v39;
	[tilespmem:s23+$0x70] =	vst v5;
	v7 =	vmul.f32 v4, v0  }
0x296: {  	v5 =	vld [tilespmem:$0x1FD80]  }
0x297: {  	v6 =	vmul.f32 $2.000000030e-01, v8;
	[tilespmem:s23+$0x0] =	vst v7  }
0x298: {  	(xrf2) =	vadd.scan.msk.f32 $0xffff, v2;
	v52 =	vunpack.i.l.bf16.f32 v9;
	v53 =	vunpack.i.l.bf16.f32 v46;
	v2 =	vmul.f32 v3, v58;
	v58 =	vld [tilespmem:$0x1FD90]  }
0x299: {  	v1 =	vmax.f32 v8, v6;
	v6 =	vadd.f32 v53, v52  }
0x29a: {  	v8 =	vmul.f32 v4, v50;
	v1 =	vmul.f32 v1, v12  }
0x29b: {  	v53 =	vmul.f32 v4, v5;
	v5 =	vmul.f32 $2.000000030e-01, v6  }
0x29c: {  	[tilespmem:s23+$0x10] =	vst v8  }
0x29d: {  	v3 =	vmax.f32 v6, v5;
	v6 =	vmul.f32 v4, v58;
	v58 =	vadd.f32 v2, v1;
	v1 =	vld [tilespmem:$0x1FDA0];
	_ =	sdelay $0x1  }
0x29e: {  	v55 =	vmul.f32 v4, v55;
	_ =	sdelay $0x2  }
0x29f: {  	v8 =	vmul.f32 v4, v1;
	v1 =	vld [tilespmem:$0x1FDB0];
	[tilespmem:s23+$0x20] =	vst v55  }
0x2a0: {  	(v2sf) =	vpush v49, $0xF;
	v49 =	vld [tilespmem:s20+$0xFFFFF330];
	v55 =	vpop (erf);
	[tilespmem:s23+$0x30] =	vst v53  }
0x2a1: {  	v50 =	vunpack.i.u.bf16.f32 v9;
	v9 =	vunpack.i.u.bf16.f32 v46;
	v0 =	vld [tilespmem:s20+$0xFFFFFFB0];
	[tilespmem:s23+$0x40] =	vst v6;
	v53 =	vmul.f32 v55, v54  }
0x2a2: {  	s22 =	simm.s32 $0x1B0A0;
	v9 =	vadd.f32 v9, v50;
	v6 =	vmul.f32 v55, v63;
	[tilespmem:s23+$0x50] =	vst v8  }
0x2a3: {  	(xrf2) =	vadd.scan.msk.f32 $0xffff, v51;
	[tilespmem:s22+$0x70] =	vst v53  }
0x2a4: {  	v46 =	vmul.f32 $2.000000030e-01, v9;
	[tilespmem:s22+$0x0] =	vst v6;
	v51 =	vmul.f32 v4, v1;
	v4 =	vnsel vm0, $0x0, v4  }
0x2a5: {  	[tilespmem:s23+$0x80] =	vst v4  }
0x2a6: {  	v7 =	vmax.f32 v9, v46;
	v46 =	vunpack.i.l.bf16.f32 v49;
	v1 =	vunpack.i.l.bf16.f32 v0;
	[tilespmem:s23+$0x60] =	vst v51  }
0x2a7: {  	v3 =	vmul.f32 v3, v15;
	v54 =	vadd.f32 v1, v46;
	v12 =	vld [tilespmem:$0x1FDC0];
	_ =	sdelay $0x1  }
0x2a8: {  	v2 =	vld [tilespmem:s20+$0xFFFFFFC0];
	v3 =	vadd.f32 v3, v58;
	v58 =	vmul.f32 $2.000000030e-01, v54;
	_ =	sdelay $0x1  }
0x2a9: {  	v9 =	vld [tilespmem:s20+$0xFFFFF340];
	v8 =	vmul.f32 v55, v62;
	v62 =	vmax.f32 v54, v58  }
0x2aa: {  	v4 =	vmul.f32 v62, v57;
	v57 =	vmul.f32 v55, v12  }
0x2ab: {  	[tilespmem:s22+$0x10] =	vst v8;
	v58 =	vmul.f32 v55, v61  }
0x2ac: {  	v0 =	vunpack.i.u.bf16.f32 v0;
	v1 =	vunpack.i.u.bf16.f32 v49;
	v54 =	vunpack.i.l.bf16.f32 v2;
	[tilespmem:s22+$0x20] =	vst v57  }
0x2ad: {  	v7 =	vmul.f32 v7, v16;
	v0 =	vadd.f32 v0, v1;
	v8 =	vld [tilespmem:$0x1FDD0];
	[tilespmem:s22+$0x30] =	vst v58  }
0x2ae: {  	v49 =	vunpack.i.l.bf16.f32 v9;
	v5 =	vld [tilespmem:$0x1FDE0]  }
0x2af: {  	v3 =	vadd.f32 v3, v7;
	v63 =	vmul.f32 $2.000000030e-01, v0;
	v7 =	vadd.f32 v54, v49;
	v54 =	vpop (erf)  }
0x2b0: {  	v57 =	vpop (erf)  }
0x2b1: {  	v0 =	vmax.f32 v0, v63;
	v63 =	vnsel vm0, $0x0, v55;
	v53 =	vmul.f32 v57, v11  }
0x2b2: {  	s24 =	simm.s32 $0x1B1C0;
	[tilespmem:s22+$0x80] =	vst v63;
	v8 =	vmul.f32 v55, v8  }
0x2b3: {  	[tilespmem:s24+$0x70] =	vst v53;
	v5 =	vmul.f32 v55, v5  }
0x2b4: {  	[tilespmem:s22+$0x40] =	vst v8;
	v8 =	vmul.f32 v55, v59  }
0x2b5: {  	v0 =	vmul.f32 v0, v10;
	v3 =	vadd.f32 v4, v3;
	[tilespmem:s22+$0x50] =	vst v5  }
0x2b6: {  	[tilespmem:s22+$0x60] =	vst v8  }
0x2b7: {  	v51 =	vunpack.i.u.bf16.f32 v9;
	v2 =	vunpack.i.u.bf16.f32 v2;
	v59 =	vadd.f32 v3, v0;
	v0 =	vld [tilespmem:$0x1FDF0]  }
0x2b8: {  	v2 =	vadd.f32 v2, v51;
	_ =	sdelay $0x1  }
0x2b9: {  	v6, _, _ =	vpop (xrf2);
	v55 =	vmul.f32 $2.000000030e-01, v2  }
0x2ba: {  	v61, _, _ =	vpop (xrf2)  }
0x2bb: {  	(v2sf) =	vpush v61, $0xF;
	v61 =	vmax.f32 v2, v55;
	v55 =	vmul.f32 v54, v0;
	v0 =	vld [tilespmem:$0x1FE00]  }
0x2bc: {  	v62 =	vmul.f32 $2.000000030e-01, v7  }
0x2bd: {  	s26 =	spop (v2sf)  }
0x2be: {  	s7 =	smin.f32 s26, $7.500000000e+01;
	v4 =	vmax.f32 v7, v62  }
0x2bf: {  	v60 =	vmul.f32 v4, v60;
	v8 =	vmov s7  }
0x2c0: {  	s25 =	simm.s32 $0x6;
	v9 =	vmovc v10;
	(v2sf) =	vpush v6, $0xF;
	s7 =	simm.s32 $0x18850;
	v58 =	vmul.f32 $1.442695020e+00, v8;
	v0 =	vmul.f32 v54, v0  }
.LBB2_7:
0x2c1: {  	v2 =	vld [tilespmem:s7+$0xFFFFF380]  }
0x2c2: {  	v15 =	vld [tilespmem:$0x1FF80]  }
0x2c3: {  	v7 =	vld [tilespmem:$0x1FD00]  }
0x2c4: {  	v8 =	vld [tilespmem:$0x1FD10]  }
0x2c5: {  	v10 =	vld [tilespmem:$0x1FD30]  }
0x2c6: {  	v53 =	vmov v24;
	v24 =	vmov v39;
	v6 =	vld [tilespmem:s7+$0xFFFFF370];
	v63 =	vmul.f32 v54, v20;
	[tilespmem:s23+$0xFFFFFF70] =	vst v55  }
0x2c7: {  	v39 =	vld [tilespmem:s7+$0xFFFFFFF0];
	v4 =	vmovc v27;
	v27 =	vmov v38;
	v20 =	vmul.f32 v57, v29;
	v38 =	vmul.f32 v57, v32;
	[tilespmem:s23+$0xFFFFFF80] =	vst v0  }
0x2c8: {  	v12 =	vld [tilespmem:s7+$0xFFFFFFD0];
	v5 =	vbroadcast v58, $0x0;
	[tilespmem:$0x1FD30] =	vst v4;
	v7 =	vmul.f32 v54, v7  }
0x2c9: {  	v16 =	vld [tilespmem:s7+$0xFFFFF360];
	v3 =	vadd.f32 v60, v59;
	[tilespmem:s23+$0xFFFFFFC0] =	vst v63;
	v11 =	vmul.f32 v61, v15;
	v8 =	vmul.f32 v54, v8  }
0x2ca: {  	v0 =	vld [tilespmem:$0x1FD20];
	v58 =	vmul.f32 v57, v30;
	(erf) = vpow2.f32 v5;
	v5 =	vnsel vm0, $0x0, v57;
	v55 =	vmovc v10;
	[tilespmem:s23+$0xFFFFFF90] =	vst v7  }
0x2cb: {  	v4 =	vld [tilespmem:s7+$0xFFFFF350];
	v10 =	vmul.f32 v54, v22;
	v22 =	vmul.f32 v57, v31;
	v3 =	vadd.f32 v3, v11;
	[tilespmem:s23+$0xFFFFFFA0] =	vst v8  }
0x2cc: {  	v61 =	vunpack.i.u.bf16.f32 v2;
	v8 =	vmul.f32 v54, v23;
	v23 =	vld [tilespmem:s7+$0xFFFFFFE0];
	v11 =	vmul.f32 v57, v25;
	[tilespmem:s24+$0x10] =	vst v20  }
0x2cd: {  	(xrf2) =	vadd.scan.msk.f32 $0xffff, v3;
	v3 =	vmul.f32 v57, v28;
	v57 =	vmul.f32 v57, v34;
	v34 =	vmovc v47;
	v47 =	vunpack.i.l.bf16.f32 v2;
	v2 =	vld [tilespmem:$0x1FD40]  }
0x2ce: {  	[tilespmem:s24+$0x20] =	vst v22  }
0x2cf: {  	v0 =	vmul.f32 v54, v0;
	[tilespmem:s24+$0x30] =	vst v38  }
0x2d0: {  	[tilespmem:s24+$0x40] =	vst v58  }
0x2d1: {  	v14 =	vmov v9;
	v9 =	vnsel vm0, $0x0, v54;
	v54 =	vld [tilespmem:$0x1FD50];
	[tilespmem:s23+$0xFFFFFFB0] =	vst v0  }
0x2d2: {  	v31 =	vmov v48;
	v7 =	vld [tilespmem:s7+$0xFFFFFF90];
	[tilespmem:s23+$0xFFFFFFD0] =	vst v10;
	v48 =	vmov v2  }
0x2d3: {  	v32 =	vmov v44;
	v44 =	vunpack.i.u.bf16.f32 v16;
	[tilespmem:$0x1FD00] =	vst v48;
	v48 =	vunpack.i.l.bf16.f32 v16;
	v16 =	vld [tilespmem:$0x1FD60]  }
0x2d4: {  	v30 =	vmovc v45;
	v45 =	vunpack.i.l.bf16.f32 v6;
	v28 =	vmovc v42;
	v42 =	vunpack.i.l.bf16.f32 v4;
	v10 =	vld [tilespmem:s7+$0xFFFFF310];
	[tilespmem:s23+$0xFFFFFFE0] =	vst v8;
	v8 =	vunpack.i.l.bf16.f32 v12  }
0x2d5: {  	v29 =	vmovc v43;
	v43 =	vunpack.i.u.bf16.f32 v4;
	[tilespmem:s24+$0x0] =	vst v3;
	v3 =	vunpack.i.u.bf16.f32 v12;
	v4 =	vadd.f32 v8, v42  }
0x2d6: {  	v25 =	vmovc v41;
	v41 =	vunpack.i.u.bf16.f32 v6;
	[tilespmem:s24+$0x50] =	vst v11;
	v6 =	vmovc v54;
	v3 =	vadd.f32 v3, v43;
	v20 =	vunpack.i.l.bf16.f32 v23  }
0x2d7: {  	v12 =	vmovc v33;
	[tilespmem:$0x1FD10] =	vst v6;
	v6 =	vunpack.i.u.bf16.f32 v23;
	s14 =	spop (v2sf);
	v8 =	vmul.f32 $2.000000030e-01, v4;
	v23 =	vadd.f32 v20, v48  }
0x2d8: {  	v33 =	vmovc v46;
	v46 =	vld [tilespmem:$0x1FFB0];
	s14 =	smin.f32 s14, $7.500000000e+01;
	v22 =	vmul.f32 $2.000000030e-01, v3;
	v6 =	vadd.f32 v6, v44;
	[tilespmem:$0x1FD60] =	vst v12;
	v16 =	vmov v16  }
0x2d9: {  	v4 =	vmax.f32 v4, v8;
	v12 =	vld [tilespmem:$0x1FFA0];
	v11 =	vmul.f32 $2.000000030e-01, v23;
	[tilespmem:$0x1FD20] =	vst v16;
	v16 =	vmov s14  }
0x2da: {  	v17 =	vmovc v13;
	v38 =	vld [tilespmem:s7+$0x0];
	[tilespmem:s24+$0x60] =	vst v57;
	v57 =	vmul.f32 $2.000000030e-01, v6;
	v8 =	vmul.f32 $1.442695020e+00, v16;
	v16 =	vunpack.i.l.bf16.f32 v39  }
0x2db: {  	v20 =	vmovc v19;
	v19 =	vmovc v36;
	v36 =	vmov v1;
	v1 =	vmax.f32 v23, v11;
	v11 =	vadd.f32 v16, v45;
	v16 =	vld [tilespmem:$0x1FFC0]  }
0x2dc: {  	v13 =	vunpack.i.u.bf16.f32 v39;
	v0 =	vmovc v35;
	v35 =	vmovc v50;
	v3 =	vmax.f32 v3, v22;
	v50 =	vmax.f32 v6, v57  }
0x2dd: {  	v2 =	vmovc v26;
	v26 =	vmovc v52;
	v57 =	vadd.f32 v13, v41;
	v13 =	vld [tilespmem:$0x1FFD0];
	v8 =	vbroadcast v8, $0x0;
	v52 =	vmul.f32 $2.000000030e-01, v11  }
0x2de: {  	v54 =	vpop (erf);
	v3 =	vmul.f32 v3, v46;
	v22 =	vmov v18;
	v4 =	vmul.f32 v4, v12  }
0x2df: {  	[tilespmem:s24+$0x80] =	vst v5;
	v18 =	vmovc v37;
	v37 =	vmovc v49;
	v49 =	vunpack.i.l.bf16.f32 v38;
	(erf) = vpow2.f32 v8;
	v5 =	vmax.f32 v11, v52;
	v11 =	vld [tilespmem:$0x1FFE0]  }
0x2e0: {  	v3 =	vadd.f32 v4, v3;
	v8 =	vmul.f32 $2.000000030e-01, v57;
	v1 =	vmul.f32 v1, v16  }
0x2e1: {  	v4 =	vadd.f32 v49, v47;
	v39 =	vunpack.i.u.bf16.f32 v10  }
0x2e2: {  	[tilespmem:$0x1FD40] =	vst v2;
	v2 =	vld [tilespmem:s7+$0xFFFFFFA0];
	v6 =	vmax.f32 v57, v8;
	v1 =	vadd.f32 v1, v3;
	v3 =	vmul.f32 v50, v13  }
0x2e3: {  	v8 =	vmul.f32 $2.000000030e-01, v4;
	v50 =	vunpack.i.u.bf16.f32 v38;
	v38 =	vunpack.i.l.bf16.f32 v10;
	v10 =	vld [tilespmem:$0x1FF90]  }
0x2e4: {  	v1 =	vadd.f32 v1, v3;
	v3 =	vmul.f32 v5, v11  }
0x2e5: {  	v62 =	vld [tilespmem:s7+$0xFFFFF320];
	v4 =	vmax.f32 v4, v8;
	v5 =	vadd.f32 v50, v61  }
0x2e6: {  	v23 =	vmovc v21;
	v8 =	vunpack.i.u.bf16.f32 v7;
	v1 =	vadd.f32 v3, v1;
	v3 =	vmul.f32 v6, v14  }
0x2e7: {  	v21 =	vmovc v40;
	v40 =	vmovc v51;
	v52 =	vunpack.i.l.bf16.f32 v7;
	v7 =	vadd.f32 v8, v39;
	v51 =	vmul.f32 $2.000000030e-01, v5  }
0x2e8: {  	[tilespmem:$0x1FD50] =	vst v0;
	v0 =	vld [tilespmem:s7+$0xFFFFFFB0];
	v50 =	vunpack.i.l.bf16.f32 v2;
	v1 =	vadd.f32 v1, v3;
	v3 =	vmul.f32 v4, v10  }
0x2e9: {  	v2 =	vunpack.i.u.bf16.f32 v2;
	v5 =	vmax.f32 v5, v51;
	v4 =	vadd.f32 v52, v38  }
0x2ea: {  	v60 =	vld [tilespmem:s7+$0xFFFFF330];
	v57 =	vpop (erf);
	v52 =	vunpack.i.l.bf16.f32 v62;
	v1 =	vadd.f32 v3, v1;
	v3 =	vmul.f32 v5, v15  }
0x2eb: {  	v59 =	vld [tilespmem:s7+$0xFFFFF340];
	v8 =	vmul.f32 $2.000000030e-01, v7;
	v49 =	vmul.f32 v57, v56;
	v6 =	vadd.f32 v50, v52  }
0x2ec: {  	v63 =	vld [tilespmem:s7+$0xFFFFFFC0];
	[tilespmem:s23+$0xFFFFFFF0] =	vst v9;
	s23 =	smov.u32 s22;
	s22 =	smov.u32 s24;
	s24 =	sadd.s32 $0x120, s24;
	v50 =	vunpack.i.u.bf16.f32 v62;
	v1 =	vadd.f32 v1, v3;
	v3 =	vmul.f32 $2.000000030e-01, v4  }
0x2ed: {  	v58, _, _ =	vpop (xrf2);
	v51 =	vmax.f32 v7, v8;
	[tilespmem:s24+$0x70] =	vst v49;
	v2 =	vadd.f32 v2, v50;
	v49 =	vunpack.i.l.bf16.f32 v0  }
0x2ee: {  	v56 =	vmovc v61;
	v0 =	vunpack.i.u.bf16.f32 v0;
	v61 =	vmul.f32 $2.000000030e-01, v6;
	(xrf2) =	vadd.scan.msk.f32 $0xffff, v1;
	v1 =	vmax.f32 v4, v3  }
0x2ef: {  	v3 =	vmul.f32 v51, v46;
	v46 =	vunpack.i.l.bf16.f32 v60;
	v1 =	vmul.f32 v1, v12  }
0x2f0: {  	v62 =	vmax.f32 v6, v61;
	v51 =	vmul.f32 $2.000000030e-01, v2;
	v5 =	vadd.f32 v49, v46  }
0x2f1: {  	v4 =	vmul.f32 v62, v16;
	v3 =	vadd.f32 v1, v3;
	v1 =	vunpack.i.u.bf16.f32 v60  }
0x2f2: {  	v2 =	vmax.f32 v2, v51;
	v61 =	vmul.f32 $2.000000030e-01, v5;
	v0 =	vadd.f32 v0, v1  }
0x2f3: {  	v49 =	vunpack.i.l.bf16.f32 v59;
	v2 =	vmul.f32 v2, v13;
	v3 =	vadd.f32 v4, v3  }
0x2f4: {  	v60 =	vunpack.i.l.bf16.f32 v63;
	v62 =	vmax.f32 v5, v61;
	v51 =	vmul.f32 $2.000000030e-01, v0  }
0x2f5: {  	s25 =	sadd.s32 $0x2, s25;
	v61 =	vadd.f32 v60, v49;
	v2 =	vadd.f32 v3, v2;
	v3 =	vmul.f32 v62, v11  }
0x2f6: {  	p0 =	slt.u32 s25, $0x30;
	s20 =	spop (v2sf);
	v62 =	vunpack.i.u.bf16.f32 v63;
	v0 =	vmax.f32 v0, v51;
	v51 =	vunpack.i.u.bf16.f32 v59  }
.Ltmp2:
0x2f7: {  	s20 =	smin.f32 s20, $7.500000000e+01;
	v2 =	vadd.f32 v3, v2;
	v3 =	vmul.f32 $2.000000030e-01, v61;
	v5 =	vadd.f32 v62, v51;
	(pc) =	sbr.rel @p0 .LBB2_7-.Ltmp2, $4  }
0x2f8: {  	v55 =	vmul.f32 v54, v55;
	v6 =	vmov s20;
	v0 =	vmul.f32 v0, v14;
	v63, _, _ =	vpop (xrf2)  }
0x2f9: {  	(v2sf) =	vpush v63, $0xF;
	v3 =	vmax.f32 v61, v3;
	v4 =	vmul.f32 $2.000000030e-01, v5  }
0x2fa: {  	v59 =	vadd.f32 v2, v0;
	v0 =	vmul.f32 v54, v17;
	(v2sf) =	vpush v58, $0xF  }
0x2fb: {  	v9 =	vmovc v14;
	s7 =	sadd.s32 $0x80, s7;
	v13 =	vmovc v53;
	v60 =	vmul.f32 v3, v10;
	v58 =	vmul.f32 $1.442695020e+00, v6;
	v61 =	vmax.f32 v5, v4  }
0x2fc: {  	v3 =	vld [tilespmem:$0x1FF80];
	_ =	sdelay $0x2  }
0x2fd: {  	[tilespmem:s23+$0xFFFFFF70] =	vst v55  }
0x2fe: {  	v4 =	vld [tilespmem:$0x1FD10]  }
0x2ff: {  	v2 =	vadd.f32 v60, v59;
	v3 =	vmul.f32 v61, v3;
	_ =	sdelay $0x1  }
0x300: {  	v2 =	vadd.f32 v2, v3;
	_ =	sdelay $0x1  }
0x301: {  	v4 =	vmul.f32 v54, v4;
	(xrf2) =	vadd.scan.msk.f32 $0xffff, v2;
	v2 =	vld [tilespmem:$0x1FD00]  }
0x302: {  	[tilespmem:s23+$0xFFFFFF80] =	vst v0  }
0x303: {  	v5 =	vld [tilespmem:$0x1FD20];
	[tilespmem:s23+$0xFFFFFFA0] =	vst v4;
	v4 =	vmul.f32 v54, v23  }
0x304: {  	s7 =	spop (v2sf)  }
0x305: {  	[tilespmem:s23+$0xFFFFFFE0] =	vst v4;
	v4 =	vmul.f32 v57, v30;
	s7 =	smin.f32 s7, $7.500000000e+01  }
0x306: {  	v2 =	vmul.f32 v54, v2;
	v3 =	vmov s7  }
0x307: {  	[tilespmem:s24+$0x40] =	vst v4;
	v0 =	vmul.f32 $1.442695020e+00, v3;
	v3 =	vbroadcast v58, $0x0  }
0x308: {  	v4 =	vnsel vm0, $0x0, v57;
	v5 =	vmul.f32 v54, v5;
	[tilespmem:s23+$0xFFFFFF90] =	vst v2;
	v2 =	vmul.f32 v54, v20  }
0x309: {  	[tilespmem:s24+$0x80] =	vst v4;
	v0 =	vbroadcast v0, $0x0;
	(erf) = vpow2.f32 v3  }
0x30a: {  	v3 =	vmul.f32 v54, v22;
	[tilespmem:s23+$0xFFFFFFC0] =	vst v2;
	v2 =	vmul.f32 v57, v29  }
0x30b: {  	[tilespmem:s23+$0xFFFFFFB0] =	vst v5  }
0x30c: {  	(erf) = vpow2.f32 v0;
	v0 =	vmul.f32 v57, v28;
	[tilespmem:s23+$0xFFFFFFD0] =	vst v3  }
0x30d: {  	v3 =	vmul.f32 v57, v31;
	[tilespmem:s24+$0x10] =	vst v2  }
0x30e: {  	[tilespmem:s24+$0x0] =	vst v0;
	v0 =	vmul.f32 v57, v32;
	v2, _, _ =	vpop (xrf2)  }
0x30f: {  	[tilespmem:s24+$0x20] =	vst v3;
	(v2sf) =	vpush v2, $0xF;
	v2 =	vmul.f32 v57, v25  }
0x310: {  	[tilespmem:s24+$0x30] =	vst v0;
	v0 =	vmul.f32 v57, v34  }
0x311: {  	[tilespmem:s24+$0x50] =	vst v2  }
0x312: {  	v2 =	vnsel vm0, $0x0, v54;
	[tilespmem:s24+$0x60] =	vst v0  }
0x313: {  	[tilespmem:s23+$0xFFFFFFF0] =	vst v2  }
0x314: {  	v4 =	vld [tilespmem:$0x1FD30];
	_ =	sdelay $0x1  }
0x315: {  	v3 =	vpop (erf)  }
0x316: {  	v0 =	vpop (erf)  }
0x317: {  	v2 =	vmul.f32 v0, v56  }
0x318: {  	s25 =	sadd.s32 $0x120, s24;
	v4 =	vmul.f32 v3, v4  }
0x319: {  	[tilespmem:s25+$0x70] =	vst v2  }
0x31a: {  	v2 =	vmul.f32 v3, v13;
	[tilespmem:s22+$0xFFFFFF70] =	vst v4  }
0x31b: {  	v4 =	vld [tilespmem:$0x1FD40]  }
0x31c: {  	v6 =	vld [tilespmem:$0x1FD50];
	[tilespmem:s22+$0xFFFFFF80] =	vst v2  }
0x31d: {  	v2 =	vld [tilespmem:$0x1FD60]  }
0x31e: {  	s14 =	spop (v2sf)  }
0x31f: {  	s14 =	smin.f32 s14, $7.500000000e+01  }
0x320: {  	v5 =	vmov s14;
	v4 =	vmul.f32 v3, v4  }
0x321: {  	v5 =	vmul.f32 $1.442695020e+00, v5;
	v6 =	vmul.f32 v3, v6  }
0x322: {  	v2 =	vmul.f32 v3, v2;
	[tilespmem:s22+$0xFFFFFF90] =	vst v4  }
0x323: {  	v4 =	vbroadcast v5, $0x0;
	v5 =	vmul.f32 v3, v19;
	[tilespmem:s22+$0xFFFFFFA0] =	vst v6  }
0x324: {  	v6 =	vmul.f32 v3, v18;
	[tilespmem:s22+$0xFFFFFFB0] =	vst v2  }
0x325: {  	(erf) = vpow2.f32 v4;
	[tilespmem:s22+$0xFFFFFFC0] =	vst v5  }
0x326: {  	v2 =	vmul.f32 v3, v21;
	v3 =	vnsel vm0, $0x0, v3;
	[tilespmem:s22+$0xFFFFFFD0] =	vst v6  }
0x327: {  	s26 =	spop (v2sf);
	v5 =	vmul.f32 v0, v43;
	[tilespmem:s22+$0xFFFFFFF0] =	vst v3  }
0x328: {  	s14 =	smin.f32 s26, $7.500000000e+01;
	[tilespmem:s22+$0xFFFFFFE0] =	vst v2;
	v2 =	vmul.f32 v0, v48  }
0x329: {  	v4 =	vmul.f32 v0, v42;
	v6 =	vmul.f32 v0, v45;
	[tilespmem:s25+$0x10] =	vst v5;
	v5 =	vmov s14  }
0x32a: {  	[tilespmem:s25+$0x20] =	vst v2;
	v2 =	vmul.f32 $1.442695020e+00, v5;
	v5 =	vmul.f32 v0, v41  }
0x32b: {  	[tilespmem:s25+$0x0] =	vst v4;
	v4 =	vmul.f32 v0, v44  }
0x32c: {  	[tilespmem:s25+$0x40] =	vst v6;
	v2 =	vbroadcast v2, $0x0  }
0x32d: {  	[tilespmem:s25+$0x30] =	vst v4  }
0x32e: {  	v4 =	vmul.f32 v0, v47;
	v0 =	vnsel vm0, $0x0, v0;
	[tilespmem:s25+$0x50] =	vst v5;
	v5 =	vpop (erf);
	(erf) = vpow2.f32 v2  }
0x32f: {  	[tilespmem:s25+$0x80] =	vst v0;
	v2 =	vmul.f32 v5, v27  }
0x330: {  	[tilespmem:s25+$0x60] =	vst v4;
	v0 =	vmul.f32 v5, v24  }
0x331: {  	[tilespmem:s24+$0xFFFFFF70] =	vst v2;
	v2 =	vmul.f32 v5, v26  }
0x332: {  	v3 =	vmul.f32 v5, v35;
	[tilespmem:s24+$0xFFFFFF80] =	vst v0  }
0x333: {  	v0 =	vmul.f32 v5, v33;
	[tilespmem:s24+$0xFFFFFF90] =	vst v2;
	v2 =	vmul.f32 v5, v36  }
0x334: {  	[tilespmem:s24+$0xFFFFFFA0] =	vst v3;
	v3 =	vmul.f32 v5, v37  }
0x335: {  	[tilespmem:s24+$0xFFFFFFB0] =	vst v0  }
0x336: {  	v0 =	vmul.f32 v5, v40;
	[tilespmem:s24+$0xFFFFFFD0] =	vst v3  }
0x337: {  	[tilespmem:s24+$0xFFFFFFC0] =	vst v2;
	v2 =	vpop (erf)  }
0x338: {  	v3 =	vnsel vm0, $0x0, v5;
	[tilespmem:s24+$0xFFFFFFE0] =	vst v0;
	v0 =	vmul.f32 v2, v38  }
0x339: {  	[tilespmem:s24+$0xFFFFFFF0] =	vst v3;
	v3 =	vmul.f32 v2, v39  }
0x33a: {  	v4 =	vmul.f32 v2, v50;
	[tilespmem:s25+$0xFFFFFF70] =	vst v0  }
0x33b: {  	v0 =	vmul.f32 v2, v52;
	[tilespmem:s25+$0xFFFFFF80] =	vst v3  }
0x33c: {  	v3 =	vmul.f32 v2, v46;
	[tilespmem:s25+$0xFFFFFFA0] =	vst v4  }
0x33d: {  	[tilespmem:s25+$0xFFFFFF90] =	vst v0;
	v0 =	vmul.f32 v2, v1  }
0x33e: {  	v1 =	vmul.f32 v2, v49;
	[tilespmem:s25+$0xFFFFFFB0] =	vst v3  }
0x33f: {  	v3 =	vmul.f32 v2, v51;
	[tilespmem:s25+$0xFFFFFFC0] =	vst v0  }
0x340: {  	[tilespmem:s25+$0xFFFFFFD0] =	vst v1  }
0x341: {  	v0 =	vnsel vm0, $0x0, v2;
	[tilespmem:s25+$0xFFFFFFE0] =	vst v3  }
0x342: {  	[tilespmem:s25+$0xFFFFFFF0] =	vst v0  }
0x343: {  	[spmem:s3] =	stream.indirect.scatter.add.f32 [tilespmem:s19], [sflag:$0x6], $0x90, s13, s9, $0xb8;
	[tilespmem:$0x1CB90] =	vst v63  }
0x344: {  	s21 =	sadd.s32 $0x1, s21;
	_ =	swait.ge [sflag:s8], $0x68  }
0x345: {  	p0 =	sne.s32 s21, $0x64;
	v2 =	vld [tilespmem:$0x1FFA0]  }
.Ltmp3:
0x346: {  	v3 =	vld [tilespmem:$0x1FFB0];
	(pc) =	sbr.rel @p0 .LBB2_4-.Ltmp3, $4  }
0x347: {  	v4 =	vld [tilespmem:$0x1FFC0]  }
0x348: {  	v5 =	vld [tilespmem:$0x1FFD0]  }
0x349: {  	[sflag:s8] =	ssyncset.done $0x0;
	v6 =	vld [tilespmem:$0x1FFE0]  }
0x34a: {  	v7 =	vld [tilespmem:$0x1FF90];
	[sflag:s8] =	ssyncadd.s32 $0xFFFFFF98  }
0x34b: {  	_ =	swait.ge [sflag:s15], $0x1900  }
0x34c: {  	[sflag:s15] =	ssyncset.done $0x0  }
0x34d: {  	[sflag:s15] =	ssyncadd.s32 $0xFFFFE700  }
0x34e: {  	_ =	swait.ge [sflag:s16], $0x1C20  }
0x34f: {  	[sflag:s16] =	ssyncset.done $0x0  }
0x350: {  	[sflag:s16] =	ssyncadd.s32 $0xFFFFE3E0  }
0x351: {  	_ =	swait.ge [sflag:s18], $0x1C20  }
0x352: {  	[sflag:s18] =	ssyncset.done $0x0  }
0x353: {  	[sflag:s18] =	ssyncadd.s32 $0xFFFFE3E0  }
0x354: {  	s7 =	stileid.u32;
	[bflag:$0x0] =	sbarrier.arrive $0xFFFF  }
0x355: {  	s7 =	sshll.u32 s7, $0x6;
	s14 =	rddreg [dreg:$0x13]  }
0x356: {  	s7 =	sor.u32 $0x1C07, s7;
	s20 =	rddreg [dreg:$0x15]  }
0x357: {  	[hbm:s14], [sflag:s7] =	dma.local [spmem:s20], $0x2BF2  }
0x358: {  	_ =	swait.ge [sflag:s29], $0x2BF2  }
0x359: {  	s25 =	rddreg [dreg:$0x17]  }
0x35a: {  	s26 =	rddreg [dreg:$0x9];
	s14 =	sadd.s32 $0x1, s25  }
0x35b: {  	p0 =	sne.s32 s14, s26  }
.Ltmp4:
0x35c: {  	_ = 	snop;
	(pc) =	sbr.rel @p0 .LBB2_1-.Ltmp4, $3  }
0x35d: {  	_ =	sdelay $0x1  }
0x35e: {  	[sflag:s29] =	ssyncset.done $0x0  }
0x35f: {  	v0 =	vimm.f32 $0.0e+00;
	[sflag:s29] =	ssyncadd.s32 $0xFFFFD40E  }
0x360: {  	_ =	sfence.sel $0x180000  }
0x361: {  	[bflag:$0x0] =	sbarrier.arrive $0xFFFF  }
0x362: {  	_ =	strace $0x9000004A  }
0x363: {  	s0 =	stileid.u32;
	[bflag:$0x2] =	sbarrier.arrive $0xFFFF  }
0x364: {  	p0 =	sne.s32 s0, $0x0;
	s0 =	rddreg [dreg:$0x4]  }
0x365: {  	s0 =	sadd.s32 @!p0 $0x100000, s0  }
0x366: {  	[sflag:s0] =	ssyncadd.tile.s32 @!p0 $0x1;
	_ =	shalt  }
.Lfunc_end2:
_tile_overlayer_lowered:
.L_overlay_start_2:
0x367: {  	(tag) =	ssettag $0x2  }
0x368: {  	s0 =	rddreg [dreg:$0x0];
	s2 =	stileid.u32  }
0x369: {  	s1 =	rddreg [dreg:$0x1];
	p0 =	sne.s32 s2, $0x0  }
0x36a: {  	s3 =	rddreg [dreg:$0x2];
	[bflag:$0x3] =	sbarrier.arrive $0xFFFF;
	s2 =	simm.s32 @!p0 $0x1C07  }
0x36b: {  	[timem:s3], [sflag:s2] =	dma.local @!p0 [hbm:s0], s1  }
0x36c: {  	s0 =	simm.s32 @!p0 $0x7  }
0x36d: {  	_ =	swait.ge @!p0 [sflag:s0], s1  }
0x36e: {  	s1 =	ssub.s32 @!p0 $0x0, s1;
	[sflag:s0] =	ssyncset.done @!p0 $0x0  }
0x36f: {  	[sflag:s0] =	ssyncadd.s32 @!p0 s1  }
0x370: {  	[bflag:$0x3] =	sbarrier.arrive $0xFFFF  }
0x371: {  	_ =	shalt  }

// kernel: kernel.7.cloned.1.call-start
scs
__scs_entry_jumppad:
0x0: {  	(pc) =	sbr.rel $0x88, $3  }
0x1: {  	(tag) =	ssettag $0x0;
	lr =	simm.s32 $0x1  }
0x2: {  	[smem:$0x3F9B] =	sst lr;
	_ =	strace $0xD0000000  }
0x3: {  	_ = 	snop  }
0x4: {  	_ = 	snop  }
0x5: {  	_ = 	snop  }
0x6: {  	_ = 	snop  }
0x7: {  	_ = 	snop  }
__scs_overlays_trampoline_lowered:
0x8: {  	[smem:$0x3FAA] =	sst s0  }
0x9: {  	[smem:$0x3FAB] =	sst s1  }
0xa: {  	[smem:$0x3FAC] =	sst s2  }
0xb: {  	[smem:$0x3FAD] =	sst s3  }
0xc: {  	[smem:$0x3FAE] =	sst s4  }
0xd: {  	[smem:$0x3FAF] =	sst s5  }
0xe: {  	[smem:$0x3FB0] =	sst s6  }
0xf: {  	[smem:$0x3FB1] =	sst s7  }
0x10: {  	[smem:$0x3FB2] =	sst s8  }
0x11: {  	[smem:$0x3FB3] =	sst s9;
	s0 =	simm.s32 @!p0 $0x0  }
0x12: {  	s1 =	sld [smem:$0x3F99];
	s0 =	simm.s32 @p0 $0x1  }
0x13: {  	[smem:$0x3FB4] =	sst s0;
	s0 =	simm.s32 @!p1 $0x0  }
0x14: {  	s2 =	sld [smem:$0x3F98];
	s0 =	simm.s32 @p1 $0x1  }
0x15: {  	[smem:$0x3FB5] =	sst s0;
	s0 =	simm.s32 @!p2 $0x0  }
0x16: {  	s3 =	sld [smem:$0x3FDB];
	s0 =	simm.s32 @p2 $0x1  }
0x17: {  	s4 =	simm.s32 $0x1BF5;
	[smem:$0x3FB7] =	sst s0  }
0x18: {  	s0 =	sld [smem:$0x3F9A];
	_ =	swait.ge [sflag:s4], $0x0  }
0x19: {  	s7 =	sld [smem:$0x3F9B]  }
0x1a: {  	s8 =	sadd.s32 $0xFFFFE003, lr  }
0x1b: {  	s9 =	sadd.s32 $0xFFFFFEF7, lr;
	s5 =	simm.s32 $0xFFFFFFFF;
	p2 =	slt.u32 s8, $0xFFFFF086  }
0x1c: {  	p1 =	slt.u32 s9, $0xF7A;
	s5 =	simm.s32 @!p2 $0x0  }
0x1d: {  	s5 =	simm.s32 @p1 $0x1;
	p0 =	seq.s32 s7, s2  }
0x1e: {  	s7 =	smul.u32 @!p0 $0xF7A, s2;
	p2 =	seq.s32 @!p0 s5, $0x0  }
0x1f: {  	s9 =	smul.u32 $0xF7A, s1;
	s8 =	simm.s32 @!p0 $0x1BF5;
	p2 =	por !p2, p0  }
0x20: {  	[sflag:s8] =	ssyncset.s32 @!p0 $0xFFFFF086;
	s6 =	sadd.s32 @!p0 s3, s7;
	s7 =	simm.s32 @!p0 $0x108  }
0x21: {  	s3 =	sadd.s32 s3, s9;
	s6 =	sadd.s32 @!p0 $0x88, s6;
	s7 =	simm.s32 @p2 $0x1082  }
0x22: {  	[simem:s7], [sflag:s8] =	dma.local @!p0 [hbm:s6], $0xF7A  }
0x23: {  	s9 =	sor.u32 $0xD0000000, s2;
	s6 =	simm.s32 $0x108;
	_ =	swait.ge @!p0 [sflag:s8], $0x0  }
0x24: {  	s3 =	sadd.s32 $0x88, s3;
	s6 =	simm.s32 @!p1 $0x1082;
	[sflag:s4] =	ssyncset.s32 $0xFFFFF086  }
0x25: {  	[simem:s6], [sflag:s4] =	dma.local [hbm:s3], $0xF7A  }
0x26: {  	[smem:$0x3F9B] =	sst s1;
	(tag) =	ssettag s2;
	_ =	strace s9  }
0x27: {  	s1 =	sld [smem:$0x3FAB]  }
0x28: {  	s2 =	sld [smem:$0x3FAC]  }
0x29: {  	s4 =	sld [smem:$0x3FAE]  }
0x2a: {  	p0 =	seq.s32 s5, $0x0;
	s5 =	sld [smem:$0x3FAF]  }
0x2b: {  	s6 =	sld [smem:$0x3FB0]  }
0x2c: {  	s7 =	sld [smem:$0x3FB1]  }
0x2d: {  	s3 =	simm.s32 $0x108;
	s8 =	sld [smem:$0x3FB2]  }
0x2e: {  	s3 =	simm.s32 @!p0 $0x1082;
	s9 =	sld [smem:$0x3FB3]  }
0x2f: {  	lr =	sadd.s32 s0, s3;
	s0 =	sld [smem:$0x3FAA]  }
0x30: {  	s3 =	sld [smem:$0x3FAD]  }
0x31: {  	[smem:$0x3FB6] =	sst s10  }
0x32: {  	s10 =	sld [smem:$0x3FB4];
	_ =	sdelay $0x3  }
0x33: {  	p0 =	seq.s32 s10, $0x1;
	s10 =	sld [smem:$0x3FB6];
	_ =	sdelay $0x3  }
0x34: {  	[smem:$0x3FB6] =	sst s10  }
0x35: {  	s10 =	sld [smem:$0x3FB5];
	_ =	sdelay $0x3  }
0x36: {  	p1 =	seq.s32 s10, $0x1;
	s10 =	sld [smem:$0x3FB6];
	_ =	sdelay $0x3  }
0x37: {  	[smem:$0x3FB6] =	sst s10  }
0x38: {  	s10 =	sld [smem:$0x3FB7]  }
0x39: {  	_ = 	snop;
	(pc) =	sbr.ind lr, $3  }
0x3a: {  	_ = 	snop  }
0x3b: {  	_ = 	snop  }
0x3c: {  	p2 =	seq.s32 s10, $0x1;
	s10 =	sld [smem:$0x3FB6]  }
0x3d: {  	_ =	shalt  }
0x3e: {  	_ =	shalt  }
0x3f: {  	_ =	shalt  }
0x40: {  	_ =	shalt  }
0x41: {  	_ =	shalt  }
0x42: {  	_ =	shalt  }
0x43: {  	_ =	shalt  }
0x44: {  	_ =	shalt  }
0x45: {  	_ =	shalt  }
0x46: {  	_ =	shalt  }
0x47: {  	_ =	shalt  }
0x48: {  	_ =	shalt  }
0x49: {  	_ =	shalt  }
0x4a: {  	_ =	shalt  }
0x4b: {  	_ =	shalt  }
0x4c: {  	_ =	shalt  }
0x4d: {  	_ =	shalt  }
0x4e: {  	_ =	shalt  }
0x4f: {  	_ =	shalt  }
0x50: {  	_ =	shalt  }
0x51: {  	_ =	shalt  }
0x52: {  	_ =	shalt  }
0x53: {  	_ =	shalt  }
0x54: {  	_ =	shalt  }
0x55: {  	_ =	shalt  }
0x56: {  	_ =	shalt  }
0x57: {  	_ =	shalt  }
0x58: {  	_ =	shalt  }
0x59: {  	_ =	shalt  }
0x5a: {  	_ =	shalt  }
0x5b: {  	_ =	shalt  }
0x5c: {  	_ =	shalt  }
0x5d: {  	_ =	shalt  }
0x5e: {  	_ =	shalt  }
0x5f: {  	_ =	shalt  }
0x60: {  	_ =	shalt  }
0x61: {  	_ =	shalt  }
0x62: {  	_ =	shalt  }
0x63: {  	_ =	shalt  }
0x64: {  	_ =	shalt  }
0x65: {  	_ =	shalt  }
0x66: {  	_ =	shalt  }
0x67: {  	_ =	shalt  }
0x68: {  	_ =	shalt  }
0x69: {  	_ =	shalt  }
0x6a: {  	_ =	shalt  }
0x6b: {  	_ =	shalt  }
0x6c: {  	_ =	shalt  }
0x6d: {  	_ =	shalt  }
0x6e: {  	_ =	shalt  }
0x6f: {  	_ =	shalt  }
0x70: {  	_ =	shalt  }
0x71: {  	_ =	shalt  }
0x72: {  	_ =	shalt  }
0x73: {  	_ =	shalt  }
0x74: {  	_ =	shalt  }
0x75: {  	_ =	shalt  }
0x76: {  	_ =	shalt  }
0x77: {  	_ =	shalt  }
0x78: {  	_ =	shalt  }
0x79: {  	_ =	shalt  }
0x7a: {  	_ =	shalt  }
0x7b: {  	_ =	shalt  }
0x7c: {  	_ =	shalt  }
0x7d: {  	_ =	shalt  }
0x7e: {  	_ =	shalt  }
0x7f: {  	_ =	shalt  }
0x80: {  	_ =	shalt  }
0x81: {  	_ =	shalt  }
0x82: {  	_ =	shalt  }
0x83: {  	_ =	shalt  }
0x84: {  	_ =	shalt  }
0x85: {  	_ =	shalt  }
0x86: {  	_ =	shalt  }
0x87: {  	_ =	shalt  }
.Lfunc_end0:
.L_simem_size_0:
called_computation_lowered:
.L_overlay_start_0:
0x88: {  	s2 =	sld [smem:$0x3FD9]  }
0x89: {  	s3 =	sld [smem:$0x3FFE];
	_ =	sdelay $0x1  }
0x8a: {  	s1 =	srdreg.scid  }
0x8b: {  	s0 =	sand.u32 $0x1, s1  }
0x8c: {  	s17 =	sshll.u32 s0, $0xA;
	s2 =	sadd.s32 s3, s2  }
0x8d: {  	s2 =	sadd.s32 s2, s17  }
0x8e: {  	[smem:$0x3FC2] =	sst s2  }
0x8f: {  	_ = 	snop  }
0x90: {  	s2 =	sld [smem:$0x3FC5]  }
0x91: {  	s18 =	sld [smem:$0x3FD0];
	(tm) =	ssettm $0x1  }
0x92: {  	s4 =	sld [smem:$0x3FFB];
	_ =	sdelay $0x3  }
0x93: {  	_ =	strace s4  }
0x94: {  	s4 =	sld [smem:$0x3FFC];
	_ =	sdelay $0x3  }
0x95: {  	_ =	strace s4  }
0x96: {  	s4 =	sld [smem:$0x3FFD];
	_ =	sdelay $0x3  }
0x97: {  	_ =	strace s4  }
0x98: {  	_ =	strace $0x8FFFFFFF  }
0x99: {  	s19 =	sld [smem:$0x3FDB];
	_ =	sdelay $0x1  }
0x9a: {  	s5 =	simm.s32 $_scs_section_size  }
0x9b: {  	s6 =	simm.s32 $_size__tile_overlayer_lowered;
	s7 =	simm.s32 $_tile_overlayer_lowered  }
0x9c: {  	s22 =	simm.s32 $0x1BFF;
	s21 =	sshll.u32 s7, $0x1;
	s4 =	sadd.s32 s5, s19  }
0x9d: {  	s8 =	simm.s32 $0x0;
	s20 =	sshll.u32 s6, $0x1;
	s6 =	sadd.s32 s21, s4  }
0x9e: {  	[timem:s8], [sflag:s22] =	dma.local [hbm:s6], s20  }
0x9f: {  	_ =	swait.ge [sflag:s22], s20  }
0xa0: {  	s5 =	ssub.s32 $0x0, s20;
	[sflag:s22] =	ssyncset.done $0x0  }
0xa1: {  	[sflag:s22] =	ssyncadd.s32 s5;
	_ =	sdelay $0x1  }
0xa2: {  	s23 =	simm.s32 $0x1B8B  }
0xa3: {  	_ =	swait.ge [sflag:s23], $0x1  }
0xa4: {  	[sflag:s23] =	ssyncset.done $0x0  }
0xa5: {  	s25 =	simm.s32 $0x1B8E;
	s24 =	sld [smem:$0x3FFE];
	[sflag:s23] =	ssyncadd.s32 $0xFFFFFFFF  }
0xa6: {  	s26 =	simm.s32 $execute0_lowered;
	[smem:$0x3FD2] =	sst s25  }
0xa7: {  	s6 =	sshll.u32 s26, $0x1;
	_ =	strace $0x80000046;
	[dreg:$0x1] =	wrdreg $0xFFFFFFFF  }
0xa8: {  	s28 =	simm.s32 $_size_execute0_lowered;
	s4 =	sadd.s32 s4, s6;
	[dreg:$0x0] =	wrdreg $0x0  }
0xa9: {  	s6 =	sshll.u32 s28, $0x1;
	[dreg:$0x2] =	wrdreg s4  }
0xaa: {  	[dreg:$0x3] =	wrdreg s6  }
0xab: {  	[dreg:$0x4] =	wrdreg $0xC0  }
0xac: {  	_ =	task [dreg:s8], $0x5FFFF  }
0xad: {  	[dreg:$0x1] =	wrdreg $0xFFFFFFFF  }
0xae: {  	[dreg:$0x0] =	wrdreg $0x60  }
0xaf: {  	[dreg:$0x2] =	wrdreg s18  }
0xb0: {  	[dreg:$0x3] =	wrdreg s24  }
0xb1: {  	[dreg:$0x4] =	wrdreg s2  }
0xb2: {  	[dreg:$0x5] =	wrdreg $0x0  }
0xb3: {  	[dreg:$0x6] =	wrdreg $0x9  }
0xb4: {  	_ =	task.clear_ibuf [dreg:s8], $0x7FFFF;
	_ =	strace $0x90000046  }
0xb5: {  	s29 =	simm.s32 $0x9;
	_ =	strace $0x80000048  }
0xb6: {  	_ =	swait.ge [sflag:s29], $0x1  }
0xb7: {  	[sflag:s29] =	ssyncadd.s32 $0xFFFFFFFF  }
0xb8: {  	_ =	strace $0x90000048  }
0xb9: {  	_ =	sfence  }
0xba: {  	s30 =	sld [smem:$0x0];
	_ =	sdelay $0x2  }
0xbb: {  	s31 =	sshll.u32 s1, $0xD;
	s1 =	sshrl.u32 s1, $0x2  }
0xbc: {  	s3 =	sand.u32 $0x4000, s31;
	s1 =	sadd.s32 s1, s30  }
0xbd: {  	s0 =	sor.u32 s3, s0;
	s1 =	sshll.u32 s1, $0x11  }
0xbe: {  	s0 =	sor.u32 s1, s0  }
0xbf: {  	s0 =	sadd.s32 $0x8F2B, s0  }
0xc0: {  	[sflag:s0] =	ssyncadd.remote.s32 $0x1  }
0xc1: {  	_ =	sfence.sel $0xFFFF  }
0xc2: {  	[dreg:$0x0] =	wrdreg $0xFFFFFFFF;
	(pc) =	sbr.abs _section_cstart, $3  }
0xc3: {  	[dreg:$0x1] =	wrdreg $0xFFFFFFFF  }
0xc4: {  	_ =	task.clear_ibuf [dreg:s8], $0x2FFFF;
	_ =	strace $0x9FFFFFFF  }
0xc5: {  	(tm) =	ssettm $0x7FFFFFFF  }
tec
execute0_lowered:
.L_overlay_start_1:
0x0: {  	(tag) =	ssettag $0x1  }
0x1: {  	s1 =	rddreg [dreg:$0x0]  }
0x2: {  	s0 =	rddreg [dreg:$0x1]  }
0x3: {  	s3 =	rddreg [dreg:$0x3];
	s5 =	simm.s32 $0x0;
	s2 =	srdreg.scid  }
0x4: {  	s10 =	stileid.u32;
	s28 =	simm.s32 $0x192D0;
	s29 =	simm.s32 $0x7  }
0x5: {  	s31 =	simm.s32 $0x15F90;
	s30 =	simm.s32 $0x16060;
	[smem:$0x7FF] =	sst s5  }
0x6: {  	s2 =	sand.u32 $0x1, s2;
	s4 =	sshll.u32 s10, $0x1;
	s6 =	smul.u32 $0x57E40, s10  }
0x7: {  	s26 =	smul.u32 $0x15F90, s10;
	_ =	strace $0x80000047;
	s7 =	ssub.s32 $0x2, s2  }
0x8: {  	s4 =	sor.u32 s2, s4;
	p0 =	seq.s32 s2, $0x1;
	s2 =	simm.s32 $0x64  }
0x9: {  	s8 =	sshrl.u32 s7, $0x1;
	s9 =	sshrl.u32 s6, $0x2;
	s4 =	smul.u32 $0x5210, s4  }
0xa: {  	s6 =	sadd.s32 $0x1A00, s0;
	s10 =	sshrl.u32 s26, $0x3;
	s14 =	sadd.s32 s26, s3  }
0xb: {  	s7 =	ssub.s32 s7, s8;
	s13 =	sadd.s32 s9, s3;
	s9 =	simm.s32 $0x32  }
0xc: {  	s22 =	sadd.s32 $0x15180, s13;
	s23 =	sshrl.u32 s4, $0x3;
	[dreg:$0x5] =	wrdreg s13  }
0xd: {  	s24 =	sadd.s32 $0x68, s4;
	s7 =	smax.u32 s7, $0x1;
	[dreg:$0x6] =	wrdreg s22  }
0xe: {  	s11 =	sadd.s32 $0xD0, s4;
	s15 =	sadd.s32 $0x1C20, s13;
	[dreg:$0x9] =	wrdreg s7  }
0xf: {  	s12 =	sadd.s32 $0x138, s4;
	s16 =	sadd.s32 $0x3840, s13;
	[dreg:$0xa] =	wrdreg s15  }
0x10: {  	s17 =	sadd.s32 $0x5460, s13;
	s18 =	sadd.s32 $0x7080, s13;
	[dreg:$0xb] =	wrdreg s16  }
0x11: {  	s19 =	sadd.s32 $0x8CA0, s13;
	s20 =	sadd.s32 $0xA8C0, s13;
	[dreg:$0xc] =	wrdreg s17  }
0x12: {  	s21 =	sadd.s32 $0xC4E0, s13;
	s26 =	sadd.s32 $0x13560, s13;
	[dreg:$0xd] =	wrdreg s18  }
0x13: {  	s4 =	simm.s32 $0x15FF8;
	s8 =	sadd.s32 s6, s23;
	[dreg:$0xe] =	wrdreg s19  }
0x14: {  	s25 =	sshrl.u32 s24, $0x3;
	s7 =	simm.s32 $0x16400;
	[dreg:$0xf] =	wrdreg s20  }
0x15: {  	[dreg:$0x10] =	wrdreg s21;
	s22 =	sadd.s32 $0xE100, s13;
	s23 =	sadd.s32 $0xFD20, s13  }
0x16: {  	s24 =	sadd.s32 $0x11940, s13;
	[dreg:$0x16] =	wrdreg s26;
	s13 =	simm.s32 $0x19298  }
0x17: {  	s15 =	simm.s32 $0x1;
	s16 =	simm.s32 $0x5;
	[dreg:$0x7] =	wrdreg s8  }
0x18: {  	s17 =	simm.s32 $0x2;
	s18 =	simm.s32 $0x6;
	[dreg:$0x11] =	wrdreg s22  }
0x19: {  	s19 =	simm.s32 $0x1AEF0;
	s8 =	sadd.s32 s6, s25;
	[dreg:$0x12] =	wrdreg s23  }
0x1a: {  	s7 =	simm.s32 @!p0 $0x42400;
	[dreg:$0x14] =	wrdreg s24;
	s25 =	sshrl.u32 s14, $0x3  }
0x1b: {  	s14 =	simm.s32 $0x0;
	[dreg:$0x8] =	wrdreg s8;
	s0 =	sadd.s32 s7, s0  }
0x1c: {  	[dreg:$0x15] =	wrdreg s25;
	s8 =	simm.s32 $0x4;
	s0 =	sadd.s32 s0, s10  }
0x1d: {  	v0 =	vimm.f32 $0.0e+00;
	vm0 =	vmmov $0x1;
	s10 =	simm.s32 $0x19260;
	[dreg:$0x13] =	wrdreg s0;
	s0 =	simm.s32 $0x3  }
.LBB2_1:
0x1e: {  	[dreg:$0x17] =	wrdreg s14;
	s7 =	simm.s32 $0x0;
	s20 =	simm.s32 $0x240  }
.LBB2_2:
0x1f: {  	p0 =	sne.s32 s20, $0x6E40;
	[tilespmem:s7+$0x19350] =	vst v0  }
0x20: {  	[tilespmem:s7+$0x192D0] =	vst v0  }
0x21: {  	[tilespmem:s7+$0x192E0] =	vst v0  }
0x22: {  	[tilespmem:s7+$0x192F0] =	vst v0  }
.Ltmp0:
0x23: {  	[tilespmem:s7+$0x19300] =	vst v0;
	(pc) =	sbr.rel @p0 .LBB2_2-.Ltmp0, $4  }
0x24: {  	[tilespmem:s7+$0x19310] =	vst v0  }
0x25: {  	[tilespmem:s7+$0x19320] =	vst v0  }
0x26: {  	[tilespmem:s7+$0x19330] =	vst v0  }
0x27: {  	[tilespmem:s7+$0x19340] =	vst v0;
	s7 =	sshra.s32 s20, $0x2;
	s20 =	sadd.s32 $0x240, s20  }
0x28: {  	[tilespmem:s7+$0x19350] =	vst v0  }
0x29: {  	[tilespmem:s7+$0x192D0] =	vst v0  }
0x2a: {  	[tilespmem:s7+$0x192E0] =	vst v0  }
0x2b: {  	[tilespmem:s7+$0x192F0] =	vst v0  }
0x2c: {  	[tilespmem:s7+$0x19300] =	vst v0  }
0x2d: {  	[tilespmem:s7+$0x19310] =	vst v0  }
0x2e: {  	[tilespmem:s7+$0x19320] =	vst v0  }
0x2f: {  	[tilespmem:s7+$0x19330] =	vst v0  }
0x30: {  	[tilespmem:s7+$0x19340] =	vst v0;
	v0 =	vimm.s32 $0x0  }
0x31: {  	[tilespmem:$0x19260] =	vst v0  }
0x32: {  	[tilespmem:$0x19298] =	vst v0  }
0x33: {  	[tilespmem:$0x19270] =	vst v0  }
0x34: {  	[tilespmem:$0x192A8] =	vst v0  }
0x35: {  	[tilespmem:$0x19280] =	vst v0  }
0x36: {  	[tilespmem:$0x192B8] =	vst v0  }
0x37: {  	[tilespmem:$0x19282] =	vst v0  }
0x38: {  	s14 =	rddreg [dreg:$0x5];
	[tilespmem:$0x192BA] =	vst v0  }
0x39: {  	[spmem:s14] =	stream.linear.scatter [tilespmem:s28], [sflag:$0x7], $0x1C20, $0x38;
	[tilespmem:$0x1CB90] =	vst v63  }
0x3a: {  	_ =	swait.ge [sflag:s29], $0x1C20  }
0x3b: {  	[sflag:s29] =	ssyncset.done $0x0  }
0x3c: {  	s20 =	rddreg [dreg:$0xa];
	[sflag:s29] =	ssyncadd.s32 $0xFFFFE3E0  }
0x3d: {  	[spmem:s20] =	stream.linear.scatter [tilespmem:s28], [sflag:$0x7], $0x1C20, $0x38;
	[tilespmem:$0x1CB90] =	vst v63  }
0x3e: {  	_ =	swait.ge [sflag:s29], $0x1C20  }
0x3f: {  	[sflag:s29] =	ssyncset.done $0x0  }
0x40: {  	s21 =	rddreg [dreg:$0xb];
	[sflag:s29] =	ssyncadd.s32 $0xFFFFE3E0  }
0x41: {  	[spmem:s21] =	stream.linear.scatter [tilespmem:s28], [sflag:$0x7], $0x1C20, $0x38;
	[tilespmem:$0x1CB90] =	vst v63  }
0x42: {  	_ =	swait.ge [sflag:s29], $0x1C20  }
0x43: {  	[sflag:s29] =	ssyncset.done $0x0  }
0x44: {  	s22 =	rddreg [dreg:$0xc];
	[sflag:s29] =	ssyncadd.s32 $0xFFFFE3E0  }
0x45: {  	[spmem:s22] =	stream.linear.scatter [tilespmem:s28], [sflag:$0x7], $0x1C20, $0x38;
	[tilespmem:$0x1CB90] =	vst v63  }
0x46: {  	_ =	swait.ge [sflag:s29], $0x1C20  }
0x47: {  	[sflag:s29] =	ssyncset.done $0x0  }
0x48: {  	s23 =	rddreg [dreg:$0xd];
	[sflag:s29] =	ssyncadd.s32 $0xFFFFE3E0  }
0x49: {  	[spmem:s23] =	stream.linear.scatter [tilespmem:s28], [sflag:$0x7], $0x1C20, $0x38;
	[tilespmem:$0x1CB90] =	vst v63  }
0x4a: {  	_ =	swait.ge [sflag:s29], $0x1C20  }
0x4b: {  	[sflag:s29] =	ssyncset.done $0x0  }
0x4c: {  	s24 =	rddreg [dreg:$0xe];
	[sflag:s29] =	ssyncadd.s32 $0xFFFFE3E0  }
0x4d: {  	[spmem:s24] =	stream.linear.scatter [tilespmem:s28], [sflag:$0x7], $0x1C20, $0x38;
	[tilespmem:$0x1CB90] =	vst v63  }
0x4e: {  	_ =	swait.ge [sflag:s29], $0x1C20  }
0x4f: {  	[sflag:s29] =	ssyncset.done $0x0  }
0x50: {  	s25 =	rddreg [dreg:$0xf];
	[sflag:s29] =	ssyncadd.s32 $0xFFFFE3E0  }
0x51: {  	[spmem:s25] =	stream.linear.scatter [tilespmem:s28], [sflag:$0x7], $0x1C20, $0x38;
	[tilespmem:$0x1CB90] =	vst v63  }
0x52: {  	_ =	swait.ge [sflag:s29], $0x1C20  }
0x53: {  	[sflag:s29] =	ssyncset.done $0x0  }
0x54: {  	s26 =	rddreg [dreg:$0x10];
	[sflag:s29] =	ssyncadd.s32 $0xFFFFE3E0  }
0x55: {  	[spmem:s26] =	stream.linear.scatter [tilespmem:s28], [sflag:$0x7], $0x1C20, $0x38;
	[tilespmem:$0x1CB90] =	vst v63  }
0x56: {  	_ =	swait.ge [sflag:s29], $0x1C20  }
0x57: {  	[sflag:s29] =	ssyncset.done $0x0  }
0x58: {  	s14 =	rddreg [dreg:$0x11];
	[sflag:s29] =	ssyncadd.s32 $0xFFFFE3E0  }
0x59: {  	[spmem:s14] =	stream.linear.scatter [tilespmem:s28], [sflag:$0x7], $0x1C20, $0x38;
	[tilespmem:$0x1CB90] =	vst v63  }
0x5a: {  	_ =	swait.ge [sflag:s29], $0x1C20  }
0x5b: {  	[sflag:s29] =	ssyncset.done $0x0  }
0x5c: {  	s20 =	rddreg [dreg:$0x12];
	[sflag:s29] =	ssyncadd.s32 $0xFFFFE3E0  }
0x5d: {  	[spmem:s20] =	stream.linear.scatter [tilespmem:s28], [sflag:$0x7], $0x1C20, $0x38;
	[tilespmem:$0x1CB90] =	vst v63  }
0x5e: {  	_ =	swait.ge [sflag:s29], $0x1C20  }
0x5f: {  	[sflag:s29] =	ssyncset.done $0x0  }
0x60: {  	s21 =	rddreg [dreg:$0x14];
	[sflag:s29] =	ssyncadd.s32 $0xFFFFE3E0  }
0x61: {  	[spmem:s21] =	stream.linear.scatter [tilespmem:s28], [sflag:$0x7], $0x1C20, $0x38;
	[tilespmem:$0x1CB90] =	vst v63  }
0x62: {  	_ =	swait.ge [sflag:s29], $0x1C20  }
0x63: {  	[sflag:s29] =	ssyncset.done $0x0  }
0x64: {  	s22 =	rddreg [dreg:$0x16];
	[sflag:s29] =	ssyncadd.s32 $0xFFFFE3E0  }
0x65: {  	[spmem:s22] =	stream.linear.scatter [tilespmem:s28], [sflag:$0x7], $0x1C20, $0x38;
	[tilespmem:$0x1CB90] =	vst v63  }
0x66: {  	_ =	swait.ge [sflag:s29], $0x1C20  }
0x67: {  	[sflag:s29] =	ssyncset.done $0x0  }
0x68: {  	s23 =	rddreg [dreg:$0x6];
	[sflag:s29] =	ssyncadd.s32 $0xFFFFE3E0  }
0x69: {  	[spmem:s23] =	stream.linear.scatter [tilespmem:s28], [sflag:$0x7], $0xE10, $0x38;
	[tilespmem:$0x1CB90] =	vst v63  }
0x6a: {  	_ =	swait.ge [sflag:s29], $0xE10  }
0x6b: {  	[sflag:s29] =	ssyncset.done $0x0  }
0x6c: {  	[sflag:s29] =	ssyncadd.s32 $0xFFFFF1F0  }
0x6d: {  	s14 =	simm.s32 $0x1CB10;
	s21 =	simm.s32 $0x0;
	s24 =	rddreg [dreg:$0x2]  }
0x6e: {  	[tilespmem:s14], [sflag:$0x7] =	stream.linear.gather [hbm4b:s24+s21], $0x80, $0x38;
	[tilespmem:$0x1CB90] =	vst v63  }
0x6f: {  	_ =	swait.ge [sflag:s29], $0x80  }
0x70: {  	[sflag:s29] =	ssyncset.done $0x0  }
0x71: {  	[sflag:s29] =	ssyncadd.s32 $0xFFFFFF80  }
0x72: {  	v2 =	vld [tilespmem:$0x1CB10]  }
0x73: {  	v0 =	vld [tilespmem:$0x1CB80]  }
0x74: {  	v3 =	vld [tilespmem:$0x1CB20]  }
0x75: {  	v4 =	vld [tilespmem:$0x1CB30]  }
0x76: {  	v5 =	vld [tilespmem:$0x1CB40]  }
0x77: {  	v6 =	vld [tilespmem:$0x1CB50]  }
0x78: {  	v9 =	vld [tilespmem:$0x1CB60];
	[tilespmem:$0x1FF80] =	vst v0  }
0x79: {  	v7 =	vld [tilespmem:$0x1CB70];
	[bflag:$0x0] =	sbarrier.arrive $0xFFFF  }
0x7a: {  	s25 =	rddreg [dreg:$0x7]  }
0x7b: {  	[tilespmem:s31], [sflag:$0x3] =	stream.linear.gather [hbm4b:s25+s21], $0x68, $0x38;
	[tilespmem:$0x1CB90] =	vst v63  }
0x7c: {  	_ =	swait.ge [sflag:s0], $0x68  }
0x7d: {  	[sflag:s0] =	ssyncset.done $0x0  }
0x7e: {  	[sflag:s0] =	ssyncadd.s32 $0xFFFFFF98  }
0x7f: {  	[tilespmem:s30], [sflag:$0x1] =	stream.indirect.gather [hbm4b:s1+s2], $0x40, s31, s2, $0xb8;
	[tilespmem:$0x1CB90] =	vst v63  }
0x80: {  	s26 =	rddreg [dreg:$0x8]  }
0x81: {  	[tilespmem:s4], [sflag:$0x4] =	stream.linear.gather [hbm4b:s26+s21], $0x68, $0x38;
	[tilespmem:$0x1CB90] =	vst v63  }
0x82: {  	_ =	swait.ge [sflag:s8], $0x68  }
0x83: {  	[tilespmem:$0x1FF90] =	vst v7  }
0x84: {  	[tilespmem:$0x1FFA0] =	vst v2  }
0x85: {  	[tilespmem:$0x1FFB0] =	vst v3  }
0x86: {  	[tilespmem:$0x1FFC0] =	vst v4  }
0x87: {  	[sflag:s8] =	ssyncset.done $0x0;
	[tilespmem:$0x1FFD0] =	vst v5  }
0x88: {  	[tilespmem:$0x1FFE0] =	vst v6;
	[sflag:s8] =	ssyncadd.s32 $0xFFFFFF98  }
0x89: {  	[spmem:s3] =	stream.indirect.scatter.add.f32 [tilespmem:s28], [sflag:$0x5], $0x90, s10, s9, $0xb8;
	[tilespmem:$0x1CB90] =	vst v63  }
0x8a: {  	[tilespmem:$0x1FFF0] =	vst v9  }
0x8b: {  	[spmem:s3] =	stream.indirect.scatter.add.f32 [tilespmem:s28], [sflag:$0x6], $0x90, s13, s9, $0xb8;
	[tilespmem:$0x1CB90] =	vst v63  }
.LBB2_4:
0x8c: {  	s7 =	simm.s32 $0x17960  }
0x8d: {  	[tilespmem:s7], [sflag:$0x2] =	stream.indirect.gather [hbm4b:s1+s2], $0x40, s4, s2, $0xb8;
	[tilespmem:$0x1CB90] =	vst v63  }
0x8e: {  	_ =	swait.ge [sflag:s15], $0x1900  }
0x8f: {  	[sflag:s15] =	ssyncset.done $0x0  }
0x90: {  	[sflag:s15] =	ssyncadd.s32 $0xFFFFE700  }
0x91: {  	_ =	swait.ge [sflag:s16], $0x1C20  }
0x92: {  	[sflag:s16] =	ssyncset.done $0x0  }
0x93: {  	[sflag:s16] =	ssyncadd.s32 $0xFFFFE3E0  }
0x94: {  	v0 =	vld [tilespmem:$0x15FC2]  }
0x95: {  	v1 =	vld [tilespmem:$0x15FD2]  }
0x96: {  	v10 =	vld [tilespmem:$0x15FE2]  }
0x97: {  	v11 =	vld [tilespmem:$0x15FE4];
	_ =	sdelay $0x1  }
0x98: {  	s22 =	smul.u32 $0xD0, s21;
	v0 =	vadd.s32 $0xFFFFD8F0, v0  }
0x99: {  	[tilespmem:$0x19260] =	vst v0;
	v0 =	vadd.s32 $0xFFFFD8F0, v1  }
0x9a: {  	s20 =	sadd.s32 s22, s11;
	[tilespmem:$0x19270] =	vst v0;
	v0 =	vadd.s32 $0xFFFFD8F0, v10  }
0x9b: {  	s7 =	sshrl.u32 s20, $0x3;
	[tilespmem:$0x19280] =	vst v0;
	v0 =	vadd.s32 $0xFFFFD8F0, v11  }
0x9c: {  	s23 =	simm.s32 $0x16D50;
	s7 =	sadd.s32 s6, s7;
	[tilespmem:$0x19282] =	vst v0  }
0x9d: {  	[tilespmem:s31], [sflag:$0x3] =	stream.linear.gather [hbm4b:s7+s5], $0x68, $0x38;
	[tilespmem:$0x1CB90] =	vst v63  }
0x9e: {  	v0 =	vld [tilespmem:s23+$0xFFFFF380]  }
0x9f: {  	v1 =	vld [tilespmem:s23+$0xFFFFF370]  }
0xa0: {  	v10 =	vld [tilespmem:s23+$0xFFFFF350]  }
0xa1: {  	v11 =	vld [tilespmem:s23+$0xFFFFFFD0]  }
0xa2: {  	v13 =	vld [tilespmem:s23+$0xFFFFF360]  }
0xa3: {  	v14 =	vld [tilespmem:s23+$0xFFFFFFE0];
	_ =	sdelay $0x1  }
0xa4: {  	v18 =	vunpack.i.u.bf16.f32 v0  }
0xa5: {  	v12 =	vld [tilespmem:s23+$0xFFFFFFF0];
	v8 =	vunpack.i.l.bf16.f32 v10;
	v15 =	vunpack.i.l.bf16.f32 v11;
	v16 =	vunpack.i.u.bf16.f32 v10;
	[tilespmem:$0x1FE70] =	vst v18  }
0xa6: {  	v10 =	vunpack.i.u.bf16.f32 v11;
	v63 =	vunpack.i.u.bf16.f32 v1;
	v19 =	vunpack.i.l.bf16.f32 v13;
	[tilespmem:$0x1FE80] =	vst v8  }
0xa7: {  	v17 =	vunpack.i.l.bf16.f32 v14;
	[tilespmem:$0x1FE90] =	vst v16;
	v11 =	vadd.f32 v15, v8;
	v10 =	vadd.f32 v10, v16  }
0xa8: {  	[tilespmem:$0x1FEA0] =	vst v19;
	v8 =	vunpack.i.l.bf16.f32 v1;
	v17 =	vadd.f32 v17, v19;
	v19 =	vunpack.i.u.bf16.f32 v13  }
0xa9: {  	v13 =	vunpack.i.u.bf16.f32 v14;
	[tilespmem:$0x1FEC0] =	vst v8;
	v16 =	vmul.f32 $2.000000030e-01, v11;
	v1 =	vmul.f32 $2.000000030e-01, v10  }
0xaa: {  	v15 =	vunpack.i.u.bf16.f32 v12;
	[tilespmem:$0x1FEB0] =	vst v19;
	v13 =	vadd.f32 v13, v19  }
0xab: {  	v14 =	vld [tilespmem:s23+$0x0];
	v11 =	vmax.f32 v11, v16;
	v1 =	vmax.f32 v10, v1;
	v10 =	vmul.f32 $2.000000030e-01, v17  }
0xac: {  	v12 =	vunpack.i.l.bf16.f32 v12;
	v11 =	vmul.f32 v11, v2;
	v1 =	vmul.f32 v1, v3  }
0xad: {  	v12 =	vadd.f32 v12, v8;
	v16 =	vmul.f32 $2.000000030e-01, v13;
	v10 =	vmax.f32 v17, v10  }
0xae: {  	v8 =	vunpack.i.l.bf16.f32 v0;
	v0 =	vadd.f32 v11, v1;
	v1 =	vmul.f32 v10, v4  }
0xaf: {  	[tilespmem:$0x1FED0] =	vst v8;
	v10 =	vmax.f32 v13, v16;
	v11 =	vmul.f32 $2.000000030e-01, v12;
	v13 =	vadd.f32 v15, v63  }
0xb0: {  	v15 =	vld [tilespmem:s23+$0xFFFFF310];
	v0 =	vadd.f32 v1, v0;
	v1 =	vmul.f32 v10, v5;
	v10 =	vunpack.i.l.bf16.f32 v14  }
0xb1: {  	v16 =	vld [tilespmem:s23+$0xFFFFFF90];
	v11 =	vmax.f32 v12, v11;
	v12 =	vmul.f32 $2.000000030e-01, v13;
	v10 =	vadd.f32 v10, v8  }
0xb2: {  	v0 =	vadd.f32 v0, v1;
	v1 =	vmul.f32 v11, v6  }
0xb3: {  	v12 =	vmax.f32 v13, v12;
	v13 =	vmul.f32 $2.000000030e-01, v10  }
0xb4: {  	v0 =	vadd.f32 v1, v0;
	v1 =	vmul.f32 v12, v9  }
0xb5: {  	v17 =	vld [tilespmem:s23+$0xFFFFFFA0];
	v11 =	vunpack.i.u.bf16.f32 v14;
	v8 =	vunpack.i.u.bf16.f32 v15;
	v10 =	vmax.f32 v10, v13  }
0xb6: {  	v14 =	vld [tilespmem:s23+$0xFFFFF320];
	v0 =	vadd.f32 v0, v1;
	v1 =	vmul.f32 v10, v7;
	v10 =	vunpack.i.u.bf16.f32 v16  }
0xb7: {  	v11 =	vadd.f32 v11, v18;
	[tilespmem:$0x1FF70] =	vst v8;
	v13 =	vunpack.i.l.bf16.f32 v16;
	v16 =	vadd.f32 v10, v8;
	v8 =	vld [tilespmem:$0x1FF80];
	_ =	sdelay $0x1  }
0xb8: {  	v18 =	vunpack.i.l.bf16.f32 v15;
	v12 =	vmul.f32 $2.000000030e-01, v11  }
0xb9: {  	[tilespmem:$0x1FF60] =	vst v18  }
0xba: {  	v15 =	vld [tilespmem:s23+$0xFFFFF330];
	v13 =	vadd.f32 v13, v18;
	v11 =	vmax.f32 v11, v12;
	v10 =	vunpack.i.l.bf16.f32 v14  }
0xbb: {  	v12 =	vunpack.i.l.bf16.f32 v17;
	v0 =	vadd.f32 v1, v0;
	v1 =	vmul.f32 v11, v8;
	v11 =	vld [tilespmem:s23+$0xFFFFFFB0]  }
0xbc: {  	v19 =	vadd.f32 v12, v10;
	v12 =	vunpack.i.u.bf16.f32 v14;
	v18 =	vmul.f32 $2.000000030e-01, v16  }
0xbd: {  	v14 =	vunpack.i.u.bf16.f32 v17;
	v0 =	vadd.f32 v0, v1;
	v1 =	vmul.f32 $2.000000030e-01, v13  }
0xbe: {  	v14 =	vadd.f32 v14, v12;
	v16 =	vmax.f32 v16, v18  }
0xbf: {  	v21 =	vld [tilespmem:s23+$0xFFFFFFC0];
	v17 =	vmul.f32 $2.000000030e-01, v19;
	v1 =	vmax.f32 v13, v1;
	v13 =	vmul.f32 v16, v3  }
0xc0: {  	v18 =	vld [tilespmem:s23+$0xFFFFF340];
	v16 =	vunpack.i.l.bf16.f32 v15;
	v1 =	vmul.f32 v1, v2;
	v20 =	vunpack.i.l.bf16.f32 v11  }
0xc1: {  	v17 =	vmax.f32 v19, v17;
	v19 =	vmul.f32 $2.000000030e-01, v14;
	v23 =	vadd.f32 v20, v16  }
0xc2: {  	(xrf2) =	vadd.scan.msk.f32 $0xffff, v0;
	v0 =	vmul.f32 v17, v4;
	v11 =	vunpack.i.u.bf16.f32 v11;
	v1 =	vadd.f32 v1, v13  }
0xc3: {  	v20 =	vunpack.i.u.bf16.f32 v15;
	v13 =	vmax.f32 v14, v19;
	v14 =	vmul.f32 $2.000000030e-01, v23  }
0xc4: {  	v11 =	vadd.f32 v11, v20;
	v0 =	vadd.f32 v0, v1;
	v1 =	vmul.f32 v13, v5  }
0xc5: {  	s24 =	simm.s32 $0x16DD0;
	v22 =	vunpack.i.l.bf16.f32 v18;
	v13 =	vmax.f32 v23, v14;
	v14 =	vunpack.i.l.bf16.f32 v21  }
0xc6: {  	v19 =	vld [tilespmem:s24+$0xFFFFF350];
	v15 =	vmul.f32 $2.000000030e-01, v11;
	v0 =	vadd.f32 v0, v1;
	v1 =	vadd.f32 v14, v22  }
0xc7: {  	v17 =	vunpack.i.u.bf16.f32 v21;
	v23 =	vunpack.i.u.bf16.f32 v18;
	v14 =	vld [tilespmem:s24+$0xFFFFF380];
	v13 =	vmul.f32 v13, v6  }
0xc8: {  	v18 =	vld [tilespmem:s24+$0xFFFFF370];
	v11 =	vmax.f32 v11, v15;
	v17 =	vadd.f32 v17, v23;
	v15 =	vmul.f32 $2.000000030e-01, v1  }
0xc9: {  	v11 =	vmul.f32 v11, v9;
	v0 =	vadd.f32 v13, v0;
	v13 =	vld [tilespmem:s24+$0xFFFFFFD0]  }
0xca: {  	v21 =	vld [tilespmem:s24+$0xFFFFFFF0];
	v1 =	vmax.f32 v1, v15;
	v15 =	vmul.f32 $2.000000030e-01, v17  }
0xcb: {  	v0 =	vadd.f32 v0, v11;
	v11 =	vld [tilespmem:s24+$0xFFFFF360]  }
0xcc: {  	v24, _, _ =	vpop (xrf2);
	v1 =	vmul.f32 v1, v7;
	v29 =	vunpack.i.u.bf16.f32 v14;
	v15 =	vmax.f32 v17, v15;
	v17 =	vld [tilespmem:s24+$0xFFFFFFE0]  }
0xcd: {  	v25 =	vunpack.i.u.bf16.f32 v19;
	(v2sf) =	vpush v24, $0xF;
	v27 =	vunpack.i.l.bf16.f32 v18;
	[tilespmem:$0x1FEE0] =	vst v29  }
0xce: {  	[tilespmem:$0x1FF00] =	vst v25;
	v0 =	vadd.f32 v1, v0;
	v1 =	vunpack.i.l.bf16.f32 v19;
	v24 =	vunpack.i.l.bf16.f32 v13  }
0xcf: {  	[tilespmem:$0x1FF30] =	vst v27;
	v15 =	vmul.f32 v15, v8;
	v13 =	vunpack.i.u.bf16.f32 v13;
	v19 =	vadd.f32 v24, v1  }
0xd0: {  	[tilespmem:$0x1FEF0] =	vst v1;
	v1 =	vunpack.i.u.bf16.f32 v18;
	v24 =	vunpack.i.u.bf16.f32 v21;
	v13 =	vadd.f32 v13, v25  }
0xd1: {  	[tilespmem:$0x1FF40] =	vst v1;
	v28 =	vunpack.i.l.bf16.f32 v11;
	v25 =	vmul.f32 $2.000000030e-01, v19;
	v26 =	vunpack.i.l.bf16.f32 v17  }
0xd2: {  	[tilespmem:$0x1FF10] =	vst v28;
	v18 =	vmul.f32 $2.000000030e-01, v13;
	v26 =	vadd.f32 v26, v28;
	v28 =	vunpack.i.u.bf16.f32 v11  }
0xd3: {  	v21 =	vunpack.i.l.bf16.f32 v21;
	v11 =	vunpack.i.u.bf16.f32 v17;
	v17 =	vmax.f32 v19, v25;
	[tilespmem:$0x1FF20] =	vst v28  }
0xd4: {  	v13 =	vmax.f32 v13, v18;
	v11 =	vadd.f32 v11, v28;
	v18 =	vmul.f32 $2.000000030e-01, v26;
	v19 =	vld [tilespmem:s24+$0x0]  }
0xd5: {  	v21 =	vadd.f32 v21, v27;
	v17 =	vmul.f32 v17, v2;
	v13 =	vmul.f32 v13, v3  }
0xd6: {  	v25 =	vmul.f32 $2.000000030e-01, v11;
	v18 =	vmax.f32 v26, v18;
	v26 =	vunpack.i.l.bf16.f32 v14  }
0xd7: {  	v0 =	vadd.f32 v0, v15;
	v13 =	vadd.f32 v17, v13;
	[tilespmem:$0x1FF50] =	vst v26;
	v14 =	vmul.f32 v18, v4  }
0xd8: {  	v17 =	vmul.f32 $2.000000030e-01, v21;
	v11 =	vmax.f32 v11, v25;
	v18 =	vadd.f32 v24, v1;
	v24 =	vld [tilespmem:s24+$0xFFFFF310]  }
0xd9: {  	v11 =	vmul.f32 v11, v5;
	v13 =	vadd.f32 v14, v13;
	v14 =	vunpack.i.l.bf16.f32 v19  }
0xda: {  	v17 =	vmax.f32 v21, v17;
	v25 =	vld [tilespmem:s24+$0xFFFFFF90];
	v21 =	vmul.f32 $2.000000030e-01, v18;
	v14 =	vadd.f32 v14, v26  }
0xdb: {  	v30 =	vld [tilespmem:s24+$0xFFFFFFC0];
	v11 =	vadd.f32 v13, v11;
	v13 =	vmul.f32 v17, v6;
	v17 =	vunpack.i.u.bf16.f32 v19  }
0xdc: {  	v26 =	vld [tilespmem:s24+$0xFFFFFFA0];
	v18 =	vmax.f32 v18, v21;
	v21 =	vmul.f32 $2.000000030e-01, v14;
	v17 =	vadd.f32 v17, v29  }
0xdd: {  	v19 =	vld [tilespmem:s24+$0xFFFFF320];
	v18 =	vmul.f32 v18, v9;
	v15 =	vadd.f32 v13, v11;
	v11 =	vunpack.i.u.bf16.f32 v24  }
0xde: {  	v13 =	vunpack.i.l.bf16.f32 v24;
	v14 =	vmax.f32 v14, v21;
	v21 =	vmul.f32 $2.000000030e-01, v17  }
0xdf: {  	v24 =	vunpack.i.l.bf16.f32 v25;
	v15 =	vadd.f32 v15, v18;
	v14 =	vmul.f32 v14, v7  }
0xe0: {  	v31 =	vunpack.i.l.bf16.f32 v30;
	v18 =	vunpack.i.u.bf16.f32 v25;
	v17 =	vmax.f32 v17, v21  }
0xe1: {  	v21 =	vld [tilespmem:s24+$0xFFFFF330];
	v18 =	vadd.f32 v18, v11;
	v14 =	vadd.f32 v14, v15;
	v17 =	vmul.f32 v17, v8  }
0xe2: {  	v24 =	vadd.f32 v24, v13;
	v25 =	vld [tilespmem:s24+$0xFFFFFFB0];
	v27 =	vunpack.i.l.bf16.f32 v26;
	v15 =	vunpack.i.l.bf16.f32 v19  }
0xe3: {  	v28 =	vmul.f32 $2.000000030e-01, v18;
	v27 =	vadd.f32 v27, v15;
	v29 =	vadd.f32 v14, v17  }
0xe4: {  	v17 =	vmul.f32 $2.000000030e-01, v24;
	v14 =	vunpack.i.u.bf16.f32 v19;
	v19 =	vunpack.i.u.bf16.f32 v26  }
0xe5: {  	v18 =	vmax.f32 v18, v28;
	v26 =	vmul.f32 $2.000000030e-01, v27;
	v19 =	vadd.f32 v19, v14  }
0xe6: {  	v28 =	vld [tilespmem:s24+$0xFFFFF340];
	v24 =	vmax.f32 v24, v17;
	v18 =	vmul.f32 v18, v3;
	v1 =	vunpack.i.l.bf16.f32 v21  }
0xe7: {  	(xrf2) =	vadd.scan.msk.f32 $0xffff, v0;
	s25 =	spop (v2sf);
	v24 =	vmul.f32 v24, v2;
	v26 =	vmax.f32 v27, v26;
	v27 =	vunpack.i.l.bf16.f32 v25  }
0xe8: {  	s7 =	smin.f32 s25, $7.500000000e+01;
	(xrf2) =	vadd.scan.msk.f32 $0xffff, v29;
	v0 =	vmul.f32 v26, v4;
	v26 =	vmul.f32 $2.000000030e-01, v19;
	v27 =	vadd.f32 v27, v1  }
0xe9: {  	[tilespmem:$0x1FE10] =	vst v1;
	v1 =	vunpack.i.u.bf16.f32 v21;
	v21 =	vunpack.i.u.bf16.f32 v25;
	v25 =	vmov s7  }
0xea: {  	v24 =	vadd.f32 v24, v18;
	v21 =	vadd.f32 v21, v1;
	v25 =	vmul.f32 $1.442695020e+00, v25  }
0xeb: {  	[tilespmem:$0x1FE20] =	vst v1;
	v19 =	vmax.f32 v19, v26;
	v26 =	vmul.f32 $2.000000030e-01, v27;
	v1 =	vunpack.i.l.bf16.f32 v28  }
0xec: {  	s23 =	simm.s32 $0x16E50;
	v0 =	vadd.f32 v0, v24;
	v24 =	vmul.f32 v19, v5;
	v29 =	vmul.f32 $2.000000030e-01, v21;
	[tilespmem:$0x1FE30] =	vst v1  }
0xed: {  	v25 =	vbroadcast v25, $0x0;
	v26 =	vmax.f32 v27, v26;
	v27 =	vadd.f32 v31, v1;
	v17 =	vld [tilespmem:s23+$0xFFFFF380]  }
0xee: {  	v32 =	vld [tilespmem:s23+$0xFFFFF370];
	v1 =	vunpack.i.u.bf16.f32 v28;
	v0 =	vadd.f32 v0, v24;
	v24 =	vmul.f32 v26, v6  }
0xef: {  	v28 =	vunpack.i.u.bf16.f32 v30;
	v30 =	vld [tilespmem:s23+$0xFFFFF350];
	v26 =	vmax.f32 v21, v29;
	[tilespmem:$0x1FE40] =	vst v1  }
0xf0: {  	v29 =	vmul.f32 $2.000000030e-01, v27;
	v31 =	vld [tilespmem:s23+$0xFFFFFFD0];
	v0 =	vadd.f32 v24, v0;
	v24 =	vadd.f32 v28, v1  }
0xf1: {  	v35, _, _ =	vpop (xrf2);
	v26 =	vmul.f32 v26, v9;
	v34 =	vld [tilespmem:s23+$0xFFFFFFF0]  }
0xf2: {  	(erf) = vpow2.f32 v25;
	v36 =	vld [tilespmem:s23+$0xFFFFFFE0];
	v27 =	vmax.f32 v27, v29;
	v25, _, _ =	vpop (xrf2);
	v28 =	vmul.f32 $2.000000030e-01, v24  }
0xf3: {  	v0 =	vadd.f32 v0, v26;
	v26 =	vmul.f32 v27, v7;
	(v2sf) =	vpush v25, $0xF  }
0xf4: {  	v27 =	vld [tilespmem:s23+$0xFFFFF360];
	v21 =	vunpack.i.u.bf16.f32 v17;
	v1 =	vunpack.i.u.bf16.f32 v30;
	v19 =	vunpack.i.u.bf16.f32 v32  }
0xf5: {  	(v2sf) =	vpush v35, $0xF;
	v24 =	vmax.f32 v24, v28;
	v0 =	vadd.f32 v26, v0  }
0xf6: {  	v28 =	vunpack.i.l.bf16.f32 v30;
	v25 =	vunpack.i.l.bf16.f32 v31;
	v26 =	vunpack.i.u.bf16.f32 v31  }
0xf7: {  	v38 =	vunpack.i.u.bf16.f32 v34;
	v40 =	vunpack.i.l.bf16.f32 v36;
	v34 =	vunpack.i.l.bf16.f32 v34  }
0xf8: {  	[tilespmem:$0x1FE50] =	vst v1;
	v37 =	vadd.f32 v25, v28;
	v26 =	vadd.f32 v26, v1;
	v1 =	vunpack.i.l.bf16.f32 v32  }
0xf9: {  	v53 =	vadd.f32 v38, v19;
	v24 =	vmul.f32 v24, v8;
	v18 =	vunpack.i.l.bf16.f32 v27  }
0xfa: {  	v51 =	vadd.f32 v34, v1;
	v39 =	vmul.f32 $2.000000030e-01, v37;
	v41 =	vmul.f32 $2.000000030e-01, v26;
	[tilespmem:$0x1FE60] =	vst v18  }
0xfb: {  	v40 =	vadd.f32 v40, v18;
	v18 =	vunpack.i.u.bf16.f32 v27;
	v27 =	vunpack.i.u.bf16.f32 v36;
	v49 =	vld [tilespmem:s23+$0x0]  }
0xfc: {  	v52 =	vmul.f32 $2.000000030e-01, v51;
	v47 =	vmax.f32 v37, v39;
	v27 =	vadd.f32 v27, v18;
	v54 =	vld [tilespmem:s23+$0xFFFFF310]  }
0xfd: {  	v26 =	vmax.f32 v26, v41;
	v56 =	vld [tilespmem:s23+$0xFFFFFF90];
	v48 =	vmul.f32 $2.000000030e-01, v40;
	v36 =	vmul.f32 v47, v2  }
0xfe: {  	v34 =	vunpack.i.l.bf16.f32 v17;
	v58 =	vld [tilespmem:s23+$0xFFFFF320];
	v26 =	vmul.f32 v26, v3;
	v50 =	vmul.f32 $2.000000030e-01, v27  }
0xff: {  	v38 =	vmul.f32 $2.000000030e-01, v53;
	v0 =	vadd.f32 v0, v24;
	v60 =	vld [tilespmem:s23+$0xFFFFFFA0];
	v37 =	vmax.f32 v40, v48  }
0x100: {  	v26 =	vadd.f32 v36, v26;
	v36 =	vmax.f32 v51, v52;
	v27 =	vmax.f32 v27, v50  }
0x101: {  	v32 =	vmovc v1;
	v1 =	vmul.f32 v37, v4;
	v37 =	vmax.f32 v53, v38;
	v27 =	vmul.f32 v27, v5  }
0x102: {  	v55 =	vunpack.i.u.bf16.f32 v49;
	v17 =	vunpack.i.u.bf16.f32 v54;
	v61 =	vunpack.i.u.bf16.f32 v56  }
0x103: {  	v29 =	vunpack.i.l.bf16.f32 v54;
	v39 =	vunpack.i.l.bf16.f32 v56;
	v24 =	vunpack.i.l.bf16.f32 v58  }
0x104: {  	v51 =	vunpack.i.l.bf16.f32 v60;
	v26 =	vadd.f32 v1, v26;
	v1 =	vunpack.i.l.bf16.f32 v49  }
0x105: {  	v35 =	vunpack.i.u.bf16.f32 v58;
	v52 =	vunpack.i.u.bf16.f32 v60;
	v1 =	vadd.f32 v1, v34  }
0x106: {  	v39 =	vadd.f32 v39, v29;
	v26 =	vadd.f32 v26, v27;
	v27 =	vmul.f32 v36, v6  }
0x107: {  	s14 =	simm.s32 $0x16ED0;
	v41 =	vadd.f32 v51, v24;
	v36 =	vadd.f32 v55, v21;
	v57 =	vmul.f32 $2.000000030e-01, v1  }
0x108: {  	v47 =	vld [tilespmem:s14+$0xFFFFF360];
	v44 =	vadd.f32 v52, v35;
	v26 =	vadd.f32 v27, v26;
	v27 =	vmul.f32 v37, v9  }
0x109: {  	(xrf2) =	vadd.scan.msk.f32 $0xffff, v0;
	v0 =	vmul.f32 $2.000000030e-01, v39;
	v59 =	vmul.f32 $2.000000030e-01, v36;
	v1 =	vmax.f32 v1, v57  }
0x10a: {  	v49 =	vld [tilespmem:s23+$0xFFFFFFB0];
	v58 =	vmul.f32 $2.000000030e-01, v41;
	v26 =	vadd.f32 v26, v27;
	v27 =	vmul.f32 v1, v7  }
0x10b: {  	v62 =	vld [tilespmem:s23+$0xFFFFF330];
	s26 =	spop (v2sf);
	v45 =	vmul.f32 $2.000000030e-01, v44;
	v37 =	vadd.f32 v61, v17;
	v36 =	vmax.f32 v36, v59  }
0x10c: {  	v53 =	vld [tilespmem:s14+$0xFFFFF350];
	s7 =	smin.f32 s26, $7.500000000e+01;
	v41 =	vmax.f32 v41, v58;
	v36 =	vmul.f32 v36, v8;
	v26 =	vadd.f32 v27, v26  }
0x10d: {  	v60 =	vld [tilespmem:s14+$0xFFFFFFD0];
	v50 =	vmax.f32 v44, v45;
	v44 =	vunpack.i.u.bf16.f32 v47;
	v1 =	vmov s7  }
0x10e: {  	v56 =	vld [tilespmem:s14+$0xFFFFFFE0];
	v42 =	vmul.f32 $2.000000030e-01, v37;
	v1 =	vmul.f32 $1.442695020e+00, v1;
	v36 =	vadd.f32 v26, v36  }
0x10f: {  	v61 =	vunpack.i.l.bf16.f32 v49;
	v41 =	vmul.f32 v41, v4;
	v59 =	vmax.f32 v39, v0  }
0x110: {  	v0 =	vunpack.i.l.bf16.f32 v62;
	v37 =	vmax.f32 v37, v42;
	v43 =	vbroadcast v1, $0x0;
	(xrf2) =	vadd.scan.msk.f32 $0xffff, v36  }
0x111: {  	v48 =	vadd.f32 v61, v0;
	v42 =	vunpack.i.l.bf16.f32 v53;
	v37 =	vmul.f32 v37, v3  }
0x112: {  	(erf) = vpow2.f32 v43;
	v36 =	vmul.f32 v59, v2;
	v59 =	vunpack.i.l.bf16.f32 v60  }
0x113: {  	v43 =	vunpack.i.u.bf16.f32 v53;
	v53 =	vunpack.i.u.bf16.f32 v56;
	v61 =	vadd.f32 v59, v42  }
0x114: {  	v37 =	vadd.f32 v36, v37;
	v36 =	vunpack.i.u.bf16.f32 v62;
	v62 =	vmul.f32 $2.000000030e-01, v48  }
0x115: {  	v33 =	vmovc v0;
	v0 =	vunpack.i.l.bf16.f32 v56;
	v60 =	vunpack.i.u.bf16.f32 v60;
	v54 =	vadd.f32 v53, v44  }
0x116: {  	v55 =	vld [tilespmem:s23+$0xFFFFFFC0];
	v45 =	vmul.f32 $2.000000030e-01, v61;
	v1 =	vmax.f32 v48, v62;
	v62 =	vadd.f32 v60, v43  }
0x117: {  	v52 =	vadd.f32 v41, v37;
	v48 =	vunpack.i.l.bf16.f32 v47;
	v60 =	vunpack.i.u.bf16.f32 v49  }
0x118: {  	v56 =	vld [tilespmem:s14+$0xFFFFFFF0];
	v0 =	vadd.f32 v0, v48;
	v39 =	vmax.f32 v61, v45;
	v38 =	vmul.f32 $2.000000030e-01, v62  }
0x119: {  	v57 =	vld [tilespmem:s23+$0xFFFFF340];
	v58, _, _ =	vpop (xrf2);
	v47 =	vadd.f32 v60, v36;
	v61 =	vmul.f32 $2.000000030e-01, v54;
	v39 =	vmul.f32 v39, v2  }
0x11a: {  	v59 =	vmul.f32 $2.000000030e-01, v0;
	v37 =	vmax.f32 v62, v38;
	v62 =	vmul.f32 v50, v5;
	v41, _, _ =	vpop (xrf2)  }
0x11b: {  	v38 =	vmax.f32 v54, v61;
	v61 =	vunpack.i.l.bf16.f32 v55;
	(v2sf) =	vpush v41, $0xF;
	v41 =	vld [tilespmem:s14+$0xFFFFF370]  }
0x11c: {  	v54 =	vmul.f32 v1, v6;
	v37 =	vmul.f32 v37, v3;
	v40 =	vmax.f32 v0, v59  }
0x11d: {  	v0 =	vunpack.i.l.bf16.f32 v56;
	v56 =	vunpack.i.u.bf16.f32 v56;
	v53 =	vmul.f32 v38, v5  }
0x11e: {  	v49 =	vadd.f32 v52, v62;
	v60 =	vadd.f32 v39, v37;
	v37 =	vunpack.i.l.bf16.f32 v57  }
0x11f: {  	v38 =	vld [tilespmem:s14+$0xFFFFF380];
	v40 =	vmul.f32 v40, v4;
	v62 =	vmul.f32 $2.000000030e-01, v47;
	v1 =	vadd.f32 v61, v37  }
0x120: {  	v49 =	vadd.f32 v54, v49;
	v45 =	vunpack.i.l.bf16.f32 v41;
	v41 =	vunpack.i.u.bf16.f32 v41  }
0x121: {  	s20 =	spop (v2sf);
	v50 =	vld [tilespmem:s14+$0x0];
	v47 =	vmax.f32 v47, v62;
	v0 =	vadd.f32 v0, v45;
	v56 =	vadd.f32 v56, v41  }
0x122: {  	s20 =	smin.f32 s20, $7.500000000e+01;
	v51 =	vadd.f32 v40, v60;
	v40 =	vunpack.i.u.bf16.f32 v57;
	v46 =	vmul.f32 $2.000000030e-01, v1  }
0x123: {  	v57 =	vmov s20;
	v59 =	vmul.f32 $2.000000030e-01, v0;
	v60 =	vmul.f32 $2.000000030e-01, v56  }
0x124: {  	v61 =	vadd.f32 v51, v53;
	v53 =	vmul.f32 v47, v9;
	v47 =	vunpack.i.l.bf16.f32 v38  }
0x125: {  	v0 =	vmax.f32 v0, v59;
	v62 =	vmax.f32 v56, v60;
	v56 =	vunpack.i.u.bf16.f32 v55  }
0x126: {  	v59 =	vunpack.i.l.bf16.f32 v50;
	v50 =	vunpack.i.u.bf16.f32 v50;
	v51 =	vadd.f32 v56, v40  }
0x127: {  	v56 =	vunpack.i.u.bf16.f32 v38;
	v38 =	vadd.f32 v59, v47;
	v0 =	vmul.f32 v0, v6  }
0x128: {  	v52 =	vmul.f32 $1.442695020e+00, v57;
	v50 =	vadd.f32 v50, v56;
	v60 =	vmul.f32 $2.000000030e-01, v51  }
0x129: {  	v0 =	vadd.f32 v0, v61;
	v61 =	vmul.f32 v62, v9;
	v62 =	vmul.f32 $2.000000030e-01, v38  }
0x12a: {  	v1 =	vmax.f32 v1, v46;
	v52 =	vbroadcast v52, $0x0;
	v49 =	vadd.f32 v49, v53  }
0x12b: {  	v59 =	vmul.f32 $2.000000030e-01, v50;
	v51 =	vmax.f32 v51, v60;
	s25 =	spop (v2sf);
	v60 =	vmax.f32 v38, v62  }
0x12c: {  	(erf) = vpow2.f32 v52;
	v0 =	vadd.f32 v0, v61;
	s20 =	smin.f32 s25, $7.500000000e+01;
	v52 =	vmul.f32 v60, v7  }
0x12d: {  	v1 =	vmul.f32 v1, v7;
	v50 =	vmax.f32 v50, v59;
	v61 =	vmov s20  }
0x12e: {  	v46 =	vld [tilespmem:s14+$0xFFFFFF90];
	v50 =	vmul.f32 v50, v8;
	v62 =	vmul.f32 $1.442695020e+00, v61;
	v0 =	vadd.f32 v52, v0  }
0x12f: {  	v1 =	vadd.f32 v1, v49;
	v55 =	vld [tilespmem:s14+$0xFFFFF310]  }
0x130: {  	v51 =	vmul.f32 v51, v8;
	v49 =	vbroadcast v62, $0x0;
	v62 =	vadd.f32 v0, v50;
	v0 =	vld [tilespmem:$0x1FE70];
	_ =	sdelay $0x3  }
0x131: {  	v61 =	vadd.f32 v1, v51;
	v51 =	vpop (erf)  }
0x132: {  	v57 =	vunpack.i.u.bf16.f32 v46;
	v39 =	vunpack.i.u.bf16.f32 v55;
	v53 =	vmul.f32 v51, v0;
	v0 =	vld [tilespmem:$0x1FE80]  }
0x133: {  	v54 =	vadd.f32 v57, v39  }
0x134: {  	v38 =	vunpack.i.l.bf16.f32 v55;
	v55 =	vld [tilespmem:s14+$0xFFFFF320]  }
0x135: {  	v57 =	vld [tilespmem:s14+$0xFFFFFFA0];
	v52 =	vmul.f32 $2.000000030e-01, v54  }
0x136: {  	v46 =	vunpack.i.l.bf16.f32 v46;
	v1 =	vld [tilespmem:$0x1FEA0]  }
0x137: {  	v46 =	vadd.f32 v46, v38;
	v60 =	vmax.f32 v54, v52;
	v54 =	vmul.f32 v51, v0;
	v0 =	vld [tilespmem:$0x1FE90];
	_ =	sdelay $0x1  }
0x138: {  	v59 =	vmul.f32 $2.000000030e-01, v46  }
0x139: {  	s24 =	simm.s32 $0x19360;
	(v2sf) =	vpush v58, $0xF  }
0x13a: {  	v59 =	vmax.f32 v46, v59;
	v52 =	vunpack.i.l.bf16.f32 v55;
	v46 =	vunpack.i.l.bf16.f32 v57;
	[tilespmem:s24+$0x70] =	vst v53  }
0x13b: {  	v58 =	vmul.f32 v51, v0;
	v0 =	vadd.f32 v46, v52;
	v46 =	vmul.f32 v51, v1;
	v1 =	vld [tilespmem:$0x1FEB0];
	_ =	sdelay $0x4  }
0x13c: {  	v53 =	vmul.f32 v51, v1;
	v1 =	vmul.f32 $2.000000030e-01, v0  }
0x13d: {  	[tilespmem:s24+$0x0] =	vst v54  }
0x13e: {  	v0 =	vmax.f32 v0, v1;
	v1 =	vld [tilespmem:$0x1FEC0];
	[tilespmem:s24+$0x10] =	vst v58  }
0x13f: {  	v59 =	vmul.f32 v59, v2;
	v2 =	vld [tilespmem:$0x1FED0];
	_ =	sdelay $0x2  }
0x140: {  	v54 =	vmul.f32 v60, v3;
	[tilespmem:s24+$0x20] =	vst v46  }
0x141: {  	[tilespmem:s24+$0x30] =	vst v53;
	v1 =	vmul.f32 v51, v1  }
0x142: {  	v54 =	vadd.f32 v59, v54;
	v59 =	vmul.f32 v51, v2;
	v2 =	vld [tilespmem:$0x1FEE0]  }
0x143: {  	v58 =	vmul.f32 v51, v63;
	[tilespmem:s24+$0x40] =	vst v1  }
0x144: {  	v50 =	vunpack.i.u.bf16.f32 v55;
	v55 =	vunpack.i.u.bf16.f32 v57;
	v1 =	vld [tilespmem:$0x1FEF0]  }
0x145: {  	v55 =	vadd.f32 v55, v50;
	[tilespmem:s24+$0x50] =	vst v58  }
0x146: {  	(xrf2) =	vadd.scan.msk.f32 $0xffff, v61;
	v61 =	vpop (erf);
	[tilespmem:s24+$0x60] =	vst v59  }
0x147: {  	v60 =	vmul.f32 $2.000000030e-01, v55;
	v63 =	vmul.f32 v61, v2;
	v2 =	vld [tilespmem:$0x1FF00]  }
0x148: {  	v0 =	vmul.f32 v0, v4;
	v4 =	vnsel vm0, $0x0, v51  }
0x149: {  	s23 =	simm.s32 $0x19480;
	v55 =	vmax.f32 v55, v60;
	[tilespmem:s24+$0x80] =	vst v4;
	v60 =	vmul.f32 v61, v1  }
0x14a: {  	[tilespmem:s23+$0x70] =	vst v63  }
0x14b: {  	[tilespmem:s23+$0x0] =	vst v60  }
0x14c: {  	v51 =	vmul.f32 v61, v2;
	v2 =	vld [tilespmem:$0x1FF10];
	_ =	sdelay $0x2  }
0x14d: {  	v57 =	vld [tilespmem:s14+$0xFFFFFFB0]  }
0x14e: {  	(erf) = vpow2.f32 v49;
	v49 =	vld [tilespmem:s14+$0xFFFFF330];
	[tilespmem:s23+$0x10] =	vst v51  }
0x14f: {  	v4 =	vmul.f32 v61, v2;
	v2 =	vld [tilespmem:$0x1FF20];
	_ =	sdelay $0x3  }
0x150: {  	(xrf2) =	vadd.scan.msk.f32 $0xffff, v62;
	v62 =	vunpack.i.l.bf16.f32 v57;
	v46 =	vunpack.i.l.bf16.f32 v49;
	[tilespmem:s23+$0x20] =	vst v4  }
0x151: {  	v62 =	vadd.f32 v62, v46;
	v51 =	vmul.f32 v61, v2;
	v2 =	vld [tilespmem:$0x1FF30]  }
0x152: {  	v53 =	vld [tilespmem:s14+$0xFFFFFFC0]  }
0x153: {  	v0 =	vadd.f32 v0, v54;
	v54 =	vmul.f32 $2.000000030e-01, v62  }
0x154: {  	v3 =	vld [tilespmem:s14+$0xFFFFF340]  }
0x155: {  	v54 =	vmax.f32 v62, v54;
	[tilespmem:s23+$0x30] =	vst v51  }
0x156: {  	v54 =	vmul.f32 v54, v6;
	v6 =	vmul.f32 v61, v2;
	v2 =	vld [tilespmem:$0x1FF40]  }
0x157: {  	v55 =	vmul.f32 v55, v5;
	v5 =	vunpack.i.l.bf16.f32 v53  }
0x158: {  	v57 =	vunpack.i.u.bf16.f32 v57;
	v1 =	vunpack.i.u.bf16.f32 v49  }
0x159: {  	v59, _, _ =	vpop (xrf2);
	v49 =	vunpack.i.l.bf16.f32 v3;
	v57 =	vadd.f32 v57, v1  }
0x15a: {  	v0 =	vadd.f32 v0, v55;
	v55 =	vadd.f32 v5, v49;
	v5, _, _ =	vpop (xrf2);
	[tilespmem:s23+$0x40] =	vst v6  }
0x15b: {  	(v2sf) =	vpush v5, $0xF;
	v58 =	vmul.f32 $2.000000030e-01, v57;
	v5 =	vmul.f32 v61, v2;
	v2 =	vld [tilespmem:$0x1FF50]  }
0x15c: {  	v0 =	vadd.f32 v54, v0;
	v54 =	vpop (erf);
	v4 =	vmul.f32 $2.000000030e-01, v55  }
0x15d: {  	v58 =	vmax.f32 v57, v58;
	v57 =	vpop (erf)  }
0x15e: {  	v60 =	vnsel vm0, $0x0, v61;
	v55 =	vmax.f32 v55, v4;
	v4 =	vmul.f32 v57, v21  }
0x15f: {  	s25 =	simm.s32 $0x195A0;
	[tilespmem:s23+$0x80] =	vst v60  }
0x160: {  	[tilespmem:s25+$0x70] =	vst v4;
	v6 =	vmul.f32 v61, v2  }
0x161: {  	v58 =	vmul.f32 v58, v9;
	[tilespmem:s23+$0x50] =	vst v5  }
0x162: {  	[tilespmem:s23+$0x60] =	vst v6  }
0x163: {  	s26 =	spop (v2sf);
	(v2sf) =	vpush v59, $0xF;
	v59 =	vadd.f32 v0, v58;
	v0 =	vld [tilespmem:$0x1FF60];
	_ =	sdelay $0x3  }
0x164: {  	v53 =	vunpack.i.u.bf16.f32 v53  }
0x165: {  	v51 =	vunpack.i.u.bf16.f32 v3;
	v60 =	vmul.f32 v55, v7;
	v55 =	vmul.f32 v54, v0;
	v0 =	vld [tilespmem:$0x1FF70]  }
0x166: {  	v53 =	vadd.f32 v53, v51;
	_ =	sdelay $0x1  }
0x167: {  	s7 =	smin.f32 s26, $7.500000000e+01;
	v6 =	vmul.f32 $2.000000030e-01, v53  }
0x168: {  	v5 =	vmov s7  }
0x169: {  	v31 =	vmovc v18;
	s26 =	simm.s32 $0x6;
	s7 =	simm.s32 $0x16F50;
	v58 =	vmul.f32 $1.442695020e+00, v5;
	v61 =	vmax.f32 v53, v6;
	v0 =	vmul.f32 v54, v0  }
.LBB2_5:
0x16a: {  	v62 =	vld [tilespmem:s7+$0xFFFFF380];
	v10 =	vmul.f32 v54, v10;
	[tilespmem:s24+$0xFFFFFF70] =	vst v55  }
0x16b: {  	v18 =	vmov v11;
	v11 =	vld [tilespmem:$0x1FF80];
	v12 =	vmul.f32 v54, v12;
	[tilespmem:s24+$0xFFFFFF80] =	vst v0  }
0x16c: {  	v6 =	vmul.f32 v54, v16;
	v16 =	vld [tilespmem:s7+$0xFFFFF350];
	[tilespmem:s24+$0xFFFFFF90] =	vst v10  }
0x16d: {  	v5 =	vld [tilespmem:$0x1FE50];
	v10 =	vmul.f32 v54, v20;
	[tilespmem:s24+$0xFFFFFFA0] =	vst v12  }
0x16e: {  	v63 =	vld [tilespmem:$0x1FE60];
	v20 =	vmul.f32 v54, v22;
	[tilespmem:s24+$0xFFFFFFB0] =	vst v6  }
0x16f: {  	v22 =	vld [tilespmem:s7+$0xFFFFFFD0];
	[tilespmem:s24+$0xFFFFFFC0] =	vst v10  }
0x170: {  	v12 =	vmul.f32 v54, v23;
	v6 =	vld [tilespmem:s7+$0xFFFFFF90];
	[tilespmem:s24+$0xFFFFFFD0] =	vst v20  }
0x171: {  	v8 =	vld [tilespmem:s7+$0xFFFFF310]  }
0x172: {  	v59 =	vadd.f32 v60, v59;
	v58 =	vbroadcast v58, $0x0;
	v7 =	vmul.f32 v61, v11;
	[tilespmem:s24+$0xFFFFFFE0] =	vst v12;
	v12 =	vld [tilespmem:$0x1FE10]  }
0x173: {  	v26 =	vmovc v39;
	v39 =	vld [tilespmem:s7+$0xFFFFF370];
	v21 =	vmovc v29;
	v29 =	vmov v38;
	v30 =	vmov v42;
	v42 =	vmov v43  }
0x174: {  	v3 =	vld [tilespmem:s7+$0xFFFFFFF0];
	v38 =	vmul.f32 v57, v28;
	[tilespmem:$0x1FE50] =	vst v42;
	v0 =	vmovc v48;
	(erf) = vpow2.f32 v58;
	v59 =	vadd.f32 v59, v7  }
0x175: {  	v2 =	vnsel vm0, $0x0, v54;
	v23 =	vld [tilespmem:s7+$0xFFFFF360];
	[tilespmem:$0x1FE60] =	vst v0;
	v54 =	vmul.f32 v57, v5;
	v58 =	vmul.f32 v57, v63  }
0x176: {  	v42 =	vunpack.i.l.bf16.f32 v16;
	v0 =	vunpack.i.l.bf16.f32 v22;
	(xrf2) =	vadd.scan.msk.f32 $0xffff, v59;
	v59 =	vld [tilespmem:s7+$0xFFFFFFE0];
	[tilespmem:s25+$0x0] =	vst v38  }
0x177: {  	v63 =	vmul.f32 v57, v31;
	v43 =	vunpack.i.u.bf16.f32 v16;
	v20 =	vadd.f32 v0, v42;
	[tilespmem:s25+$0x10] =	vst v54;
	v16 =	vmovc v12;
	v12 =	vld [tilespmem:$0x1FFA0]  }
0x178: {  	v27 =	vmov v41;
	v5 =	vmul.f32 v57, v32;
	v41 =	vunpack.i.u.bf16.f32 v39;
	[tilespmem:s25+$0x20] =	vst v58  }
0x179: {  	v32 =	vmovc v45;
	v45 =	vunpack.i.l.bf16.f32 v39;
	v7 =	vmul.f32 v57, v19;
	[tilespmem:s25+$0x30] =	vst v63;
	v39 =	vmul.f32 $2.000000030e-01, v20  }
0x17a: {  	v4 =	vnsel vm0, $0x0, v57;
	v61 =	vunpack.i.u.bf16.f32 v62;
	v57 =	vmul.f32 v57, v34;
	[tilespmem:s25+$0x40] =	vst v5  }
0x17b: {  	v34 =	vmovc v47;
	v47 =	vunpack.i.l.bf16.f32 v62;
	v62 =	vld [tilespmem:s7+$0xFFFFF320];
	v63 =	vmovc v33;
	v33 =	vmov v46;
	[tilespmem:s25+$0x50] =	vst v7;
	v46 =	vmax.f32 v20, v39  }
0x17c: {  	v53 =	vmov v17;
	v17 =	vmov v15;
	v15 =	vmul.f32 v46, v12;
	v46 =	vld [tilespmem:s7+$0x0]  }
0x17d: {  	v55 =	vmov v13;
	v13 =	vunpack.i.u.bf16.f32 v22;
	[tilespmem:s25+$0x60] =	vst v57;
	v57 =	vld [tilespmem:$0x1FE30]  }
0x17e: {  	v10 =	vld [tilespmem:s7+$0xFFFFFFA0];
	v22 =	vadd.f32 v13, v43  }
0x17f: {  	v13 =	vld [tilespmem:$0x1FE20]  }
0x180: {  	v25 =	vmovc v24;
	v24 =	vmovc v35;
	v35 =	vmov v50;
	v9 =	vunpack.i.u.bf16.f32 v3;
	v60 =	vld [tilespmem:s7+$0xFFFFF330];
	v50 =	vmul.f32 $2.000000030e-01, v22  }
0x181: {  	v28 =	vmovc v52;
	v31 =	vmovc v44;
	v44 =	vunpack.i.u.bf16.f32 v23;
	v48 =	vunpack.i.l.bf16.f32 v23;
	v0 =	vld [tilespmem:s7+$0xFFFFFFB0];
	v23 =	vunpack.i.l.bf16.f32 v59  }
0x182: {  	v52 =	vmax.f32 v22, v50;
	v23 =	vadd.f32 v23, v48;
	v22 =	vmovc v57;
	v57 =	vadd.f32 v9, v41;
	v9 =	vld [tilespmem:$0x1FE40]  }
0x183: {  	[tilespmem:$0x1FE10] =	vst v63;
	v63 =	vld [tilespmem:s7+$0xFFFFFFC0];
	s20 =	spop (v2sf)  }
0x184: {  	v19 =	vmov v14;
	v20 =	vmov v13;
	v13 =	vld [tilespmem:$0x1FFB0];
	s20 =	smin.f32 s20, $7.500000000e+01;
	v14 =	vmul.f32 $2.000000030e-01, v23  }
0x185: {  	v38 =	vunpack.i.u.bf16.f32 v59;
	v59 =	vld [tilespmem:s7+$0xFFFFF340];
	[tilespmem:s24+$0xFFFFFFF0] =	vst v2;
	v58 =	vmov s20  }
0x186: {  	v2 =	vmovc v36;
	v36 =	vmovc v1;
	v38 =	vadd.f32 v38, v44;
	v39 =	vmul.f32 $1.442695020e+00, v58;
	v1 =	vmax.f32 v23, v14;
	v14 =	vld [tilespmem:$0x1FFC0]  }
0x187: {  	v3 =	vunpack.i.l.bf16.f32 v3;
	[tilespmem:$0x1FE20] =	vst v2;
	v23 =	vmov v9;
	v9 =	vmov v40  }
0x188: {  	v3 =	vadd.f32 v3, v45;
	v50 =	vmovc v37;
	v2 =	vmul.f32 $2.000000030e-01, v38;
	v39 =	vbroadcast v39, $0x0;
	[tilespmem:$0x1FE40] =	vst v9;
	v9 =	vld [tilespmem:$0x1FFD0]  }
0x189: {  	v54 =	vpop (erf);
	[tilespmem:$0x1FE30] =	vst v50;
	v50 =	vunpack.i.u.bf16.f32 v6;
	v7 =	vmul.f32 v52, v13  }
0x18a: {  	v52 =	vmul.f32 $2.000000030e-01, v3;
	v2 =	vmax.f32 v38, v2;
	(erf) = vpow2.f32 v39;
	v40 =	vmovc v51;
	v51 =	vld [tilespmem:$0x1FFE0]  }
0x18b: {  	[tilespmem:s25+$0x80] =	vst v4;
	v4 =	vadd.f32 v15, v7;
	v39 =	vmul.f32 $2.000000030e-01, v57;
	v1 =	vmul.f32 v1, v14  }
0x18c: {  	v3 =	vmax.f32 v3, v52;
	v15 =	vld [tilespmem:$0x1FFF0];
	v52 =	vunpack.i.l.bf16.f32 v6;
	v38 =	vunpack.i.l.bf16.f32 v46  }
0x18d: {  	v5 =	vmax.f32 v57, v39;
	v1 =	vadd.f32 v1, v4;
	v2 =	vmul.f32 v2, v9  }
0x18e: {  	v39 =	vunpack.i.u.bf16.f32 v8;
	v4 =	vadd.f32 v38, v47;
	v38 =	vunpack.i.l.bf16.f32 v8;
	v8 =	vld [tilespmem:$0x1FF90]  }
0x18f: {  	v1 =	vadd.f32 v1, v2;
	v2 =	vmul.f32 v3, v51;
	v3 =	vunpack.i.u.bf16.f32 v46  }
0x190: {  	v6 =	vadd.f32 v50, v39;
	v46 =	vmul.f32 $2.000000030e-01, v4;
	v3 =	vadd.f32 v3, v61  }
0x191: {  	v1 =	vadd.f32 v2, v1;
	v2 =	vmul.f32 v5, v15  }
0x192: {  	v37 =	vmovc v49;
	v7 =	vmul.f32 $2.000000030e-01, v6;
	v4 =	vmax.f32 v4, v46;
	v49 =	vmul.f32 $2.000000030e-01, v3  }
0x193: {  	v55 =	vmul.f32 v54, v55;
	v1 =	vadd.f32 v1, v2;
	v2 =	vmul.f32 v4, v8  }
0x194: {  	v50 =	vunpack.i.u.bf16.f32 v62;
	v6 =	vmax.f32 v6, v7;
	v3 =	vmax.f32 v3, v49  }
0x195: {  	v57 =	vpop (erf);
	v4 =	vadd.f32 v52, v38;
	v1 =	vadd.f32 v2, v1;
	v2 =	vmul.f32 v3, v11  }
0x196: {  	v46 =	vunpack.i.l.bf16.f32 v10;
	v52 =	vunpack.i.l.bf16.f32 v62;
	v3 =	vmul.f32 v57, v56  }
0x197: {  	s24 =	smov.u32 s23;
	s23 =	smov.u32 s25;
	s25 =	sadd.s32 $0x120, s25;
	v5 =	vadd.f32 v46, v52;
	v1 =	vadd.f32 v1, v2;
	v2 =	vmul.f32 $2.000000030e-01, v4  }
0x198: {  	v62 =	vunpack.i.l.bf16.f32 v0;
	v0 =	vunpack.i.u.bf16.f32 v0;
	[tilespmem:s25+$0x70] =	vst v3;
	v3 =	vunpack.i.u.bf16.f32 v10  }
0x199: {  	v58, _, _ =	vpop (xrf2);
	v49 =	vmul.f32 $2.000000030e-01, v5;
	v3 =	vadd.f32 v3, v50;
	(xrf2) =	vadd.scan.msk.f32 $0xffff, v1;
	v1 =	vmax.f32 v4, v2  }
0x19a: {  	v46 =	vunpack.i.l.bf16.f32 v60;
	v2 =	vmul.f32 v6, v13;
	v1 =	vmul.f32 v1, v12  }
0x19b: {  	v56 =	vmovc v61;
	v61 =	vmax.f32 v5, v49;
	v5 =	vadd.f32 v62, v46;
	v49 =	vmul.f32 $2.000000030e-01, v3  }
0x19c: {  	v4 =	vmul.f32 v61, v14;
	v2 =	vadd.f32 v1, v2;
	v1 =	vunpack.i.u.bf16.f32 v60  }
0x19d: {  	v3 =	vmax.f32 v3, v49;
	v60 =	vmul.f32 $2.000000030e-01, v5;
	v0 =	vadd.f32 v0, v1  }
0x19e: {  	v49 =	vunpack.i.l.bf16.f32 v59;
	v3 =	vmul.f32 v3, v9;
	v2 =	vadd.f32 v4, v2  }
0x19f: {  	v61 =	vmax.f32 v5, v60;
	v60 =	vunpack.i.l.bf16.f32 v63;
	v62 =	vmul.f32 $2.000000030e-01, v0  }
0x1a0: {  	s26 =	sadd.s32 $0x2, s26;
	v2 =	vadd.f32 v2, v3;
	v3 =	vmul.f32 v61, v51;
	v61 =	vadd.f32 v60, v49  }
0x1a1: {  	p0 =	slt.u32 s26, $0x30;
	s14 =	spop (v2sf);
	v11 =	vmovc v53;
	v51 =	vunpack.i.u.bf16.f32 v59;
	v0 =	vmax.f32 v0, v62;
	v62 =	vunpack.i.u.bf16.f32 v63  }
.Ltmp1:
0x1a2: {  	s14 =	smin.f32 s14, $7.500000000e+01;
	v10 =	vmovc v17;
	v17 =	vmovc v26;
	v2 =	vadd.f32 v3, v2;
	v3 =	vmul.f32 $2.000000030e-01, v61;
	v5 =	vadd.f32 v62, v51;
	(pc) =	sbr.rel @p0 .LBB2_5-.Ltmp1, $4  }
0x1a3: {  	v13 =	vmov v21;
	v6 =	vmov s14;
	v0 =	vmul.f32 v0, v15;
	v63, _, _ =	vpop (xrf2)  }
0x1a4: {  	v14 =	vmovc v24;
	v24 =	vmovc v28;
	(v2sf) =	vpush v63, $0xF;
	v3 =	vmax.f32 v61, v3;
	v4 =	vmul.f32 $2.000000030e-01, v5  }
0x1a5: {  	v28 =	vmovc v30;
	v12 =	vmovc v19;
	v59 =	vadd.f32 v2, v0;
	v0 =	vmul.f32 v54, v18;
	(v2sf) =	vpush v58, $0xF  }
0x1a6: {  	s7 =	sadd.s32 $0x80, s7;
	v19 =	vmovc v27;
	v15 =	vmovc v25;
	v60 =	vmul.f32 v3, v8;
	v58 =	vmul.f32 $1.442695020e+00, v6;
	v61 =	vmax.f32 v5, v4  }
0x1a7: {  	_ =	sdelay $0x4  }
0x1a8: {  	v53 =	vld [tilespmem:$0x1FF80];
	_ =	sdelay $0x4  }
0x1a9: {  	v2 =	vadd.f32 v60, v59;
	v3 =	vmul.f32 v61, v53;
	_ =	sdelay $0x1  }
0x1aa: {  	[tilespmem:s24+$0xFFFFFF70] =	vst v55;
	v2 =	vadd.f32 v2, v3;
	s7 =	spop (v2sf)  }
0x1ab: {  	v4 =	vmul.f32 v54, v12;
	[tilespmem:s24+$0xFFFFFF80] =	vst v0;
	s7 =	smin.f32 s7, $7.500000000e+01  }
0x1ac: {  	v5 =	vmul.f32 v54, v16;
	(xrf2) =	vadd.scan.msk.f32 $0xffff, v2;
	v2 =	vmul.f32 v54, v10;
	v3 =	vmov s7  }
0x1ad: {  	[tilespmem:s24+$0xFFFFFFA0] =	vst v4;
	v0 =	vmul.f32 $1.442695020e+00, v3;
	v3 =	vbroadcast v58, $0x0  }
0x1ae: {  	[tilespmem:s24+$0xFFFFFF90] =	vst v2;
	v2 =	vmul.f32 v54, v20  }
0x1af: {  	[tilespmem:s24+$0xFFFFFFB0] =	vst v5;
	(erf) = vpow2.f32 v3;
	v3 =	vmul.f32 v54, v22  }
0x1b0: {  	[tilespmem:s24+$0xFFFFFFC0] =	vst v2  }
0x1b1: {  	v62 =	vmul.f32 v54, v23;
	[tilespmem:s24+$0xFFFFFFD0] =	vst v3  }
0x1b2: {  	v2 =	vld [tilespmem:$0x1FE50]  }
0x1b3: {  	v0 =	vbroadcast v0, $0x0;
	[tilespmem:s24+$0xFFFFFFE0] =	vst v62  }
0x1b4: {  	v3 =	vld [tilespmem:$0x1FE60]  }
0x1b5: {  	(erf) = vpow2.f32 v0  }
0x1b6: {  	v0 =	vmul.f32 v57, v28  }
0x1b7: {  	v63 =	vmul.f32 v57, v32;
	v2 =	vmul.f32 v57, v2  }
0x1b8: {  	[tilespmem:s25+$0x0] =	vst v0;
	v0 =	vmul.f32 v57, v31  }
0x1b9: {  	[tilespmem:s25+$0x40] =	vst v63;
	v3 =	vmul.f32 v57, v3  }
0x1ba: {  	[tilespmem:s25+$0x30] =	vst v0;
	v0 =	vmul.f32 v57, v34  }
0x1bb: {  	[tilespmem:s25+$0x10] =	vst v2;
	v2, _, _ =	vpop (xrf2)  }
0x1bc: {  	[tilespmem:s25+$0x60] =	vst v0;
	(v2sf) =	vpush v2, $0xF;
	v2 =	vmul.f32 v57, v19  }
0x1bd: {  	[tilespmem:s25+$0x20] =	vst v3;
	v3 =	vpop (erf)  }
0x1be: {  	v0 =	vpop (erf);
	[tilespmem:s25+$0x50] =	vst v2;
	v2 =	vnsel vm0, $0x0, v54  }
0x1bf: {  	v32 =	vnsel vm0, $0x0, v57;
	[tilespmem:s24+$0xFFFFFFF0] =	vst v2;
	v2 =	vmul.f32 v0, v56  }
0x1c0: {  	s26 =	sadd.s32 $0x120, s25;
	[tilespmem:s25+$0x80] =	vst v32;
	v34 =	vmul.f32 v3, v13  }
0x1c1: {  	[tilespmem:s26+$0x70] =	vst v2;
	v2 =	vmul.f32 v3, v11  }
0x1c2: {  	[tilespmem:s23+$0xFFFFFF70] =	vst v34  }
0x1c3: {  	[tilespmem:s23+$0xFFFFFF80] =	vst v2  }
0x1c4: {  	v2 =	vld [tilespmem:$0x1FE10];
	_ =	sdelay $0x1  }
0x1c5: {  	v55 =	vmul.f32 v3, v15;
	_ =	sdelay $0x1  }
0x1c6: {  	v6 =	vmul.f32 v3, v14;
	[tilespmem:s23+$0xFFFFFF90] =	vst v55  }
0x1c7: {  	s14 =	spop (v2sf);
	v57 =	vld [tilespmem:$0x1FE20];
	v2 =	vmul.f32 v3, v2  }
0x1c8: {  	s14 =	smin.f32 s14, $7.500000000e+01;
	[tilespmem:s23+$0xFFFFFFA0] =	vst v6  }
0x1c9: {  	v54 =	vmov s14;
	v6 =	vld [tilespmem:$0x1FE30];
	[tilespmem:s23+$0xFFFFFFB0] =	vst v2  }
0x1ca: {  	v5 =	vmul.f32 $1.442695020e+00, v54;
	v2 =	vld [tilespmem:$0x1FE40];
	_ =	sdelay $0x1  }
0x1cb: {  	v56 =	vbroadcast v5, $0x0;
	v5 =	vmul.f32 v3, v57  }
0x1cc: {  	v58 =	vmul.f32 v0, v42  }
0x1cd: {  	v59 =	vmul.f32 v0, v43;
	(erf) = vpow2.f32 v56;
	[tilespmem:s23+$0xFFFFFFC0] =	vst v5  }
0x1ce: {  	[tilespmem:s26+$0x0] =	vst v58;
	v2 =	vmul.f32 v3, v2  }
0x1cf: {  	v60 =	vmul.f32 v0, v44;
	s20 =	spop (v2sf);
	[tilespmem:s26+$0x10] =	vst v59  }
0x1d0: {  	s14 =	smin.f32 s20, $7.500000000e+01;
	[tilespmem:s23+$0xFFFFFFE0] =	vst v2;
	v2 =	vmul.f32 v0, v48  }
0x1d1: {  	v62 =	vmul.f32 v0, v45;
	[tilespmem:s26+$0x30] =	vst v60;
	v61 =	vmov s14  }
0x1d2: {  	v63 =	vmul.f32 v0, v41;
	[tilespmem:s26+$0x20] =	vst v2;
	v2 =	vmul.f32 $1.442695020e+00, v61  }
0x1d3: {  	v32 =	vmul.f32 v0, v47;
	[tilespmem:s26+$0x40] =	vst v62  }
0x1d4: {  	v6 =	vmul.f32 v3, v6;
	[tilespmem:s26+$0x50] =	vst v63;
	v2 =	vbroadcast v2, $0x0  }
0x1d5: {  	[tilespmem:s26+$0x60] =	vst v32  }
0x1d6: {  	v34 =	vpop (erf);
	[tilespmem:s23+$0xFFFFFFD0] =	vst v6;
	v3 =	vnsel vm0, $0x0, v3;
	(erf) = vpow2.f32 v2  }
0x1d7: {  	[tilespmem:s23+$0xFFFFFFF0] =	vst v3;
	v0 =	vnsel vm0, $0x0, v0;
	v2 =	vmul.f32 v34, v29  }
0x1d8: {  	v3 =	vmul.f32 v34, v35;
	[tilespmem:s26+$0x80] =	vst v0  }
0x1d9: {  	[tilespmem:s25+$0xFFFFFF70] =	vst v2;
	v2 =	vmul.f32 v34, v24  }
0x1da: {  	v0 =	vmul.f32 v34, v17;
	[tilespmem:s25+$0xFFFFFFA0] =	vst v3  }
0x1db: {  	v3 =	vmul.f32 v34, v37;
	[tilespmem:s25+$0xFFFFFF90] =	vst v2;
	v2 =	vmul.f32 v34, v36  }
0x1dc: {  	[tilespmem:s25+$0xFFFFFF80] =	vst v0;
	v0 =	vmul.f32 v34, v33  }
0x1dd: {  	[tilespmem:s25+$0xFFFFFFD0] =	vst v3  }
0x1de: {  	[tilespmem:s25+$0xFFFFFFB0] =	vst v0;
	v0 =	vmul.f32 v34, v40  }
0x1df: {  	[tilespmem:s25+$0xFFFFFFC0] =	vst v2;
	v2 =	vpop (erf)  }
0x1e0: {  	v3 =	vnsel vm0, $0x0, v34;
	[tilespmem:s25+$0xFFFFFFE0] =	vst v0;
	v0 =	vmul.f32 v2, v38  }
0x1e1: {  	[tilespmem:s25+$0xFFFFFFF0] =	vst v3;
	v3 =	vmul.f32 v2, v39  }
0x1e2: {  	v41 =	vmul.f32 v2, v50;
	[tilespmem:s26+$0xFFFFFF70] =	vst v0  }
0x1e3: {  	v0 =	vmul.f32 v2, v52;
	[tilespmem:s26+$0xFFFFFF80] =	vst v3  }
0x1e4: {  	v3 =	vmul.f32 v2, v46;
	[tilespmem:s26+$0xFFFFFFA0] =	vst v41  }
0x1e5: {  	[tilespmem:s26+$0xFFFFFF90] =	vst v0;
	v0 =	vmul.f32 v2, v1  }
0x1e6: {  	v1 =	vmul.f32 v2, v49;
	[tilespmem:s26+$0xFFFFFFB0] =	vst v3  }
0x1e7: {  	v3 =	vmul.f32 v2, v51;
	[tilespmem:s26+$0xFFFFFFC0] =	vst v0  }
0x1e8: {  	[tilespmem:s26+$0xFFFFFFD0] =	vst v1  }
0x1e9: {  	v0 =	vnsel vm0, $0x0, v2;
	[tilespmem:s26+$0xFFFFFFE0] =	vst v3  }
0x1ea: {  	[tilespmem:s26+$0xFFFFFFF0] =	vst v0  }
0x1eb: {  	[spmem:s3] =	stream.indirect.scatter.add.f32 [tilespmem:s28], [sflag:$0x5], $0x90, s10, s9, $0xb8;
	[tilespmem:$0x1CB90] =	vst v63  }
0x1ec: {  	_ =	swait.ge [sflag:s0], $0x68  }
0x1ed: {  	[sflag:s0] =	ssyncset.done $0x0  }
0x1ee: {  	[sflag:s0] =	ssyncadd.s32 $0xFFFFFF98  }
0x1ef: {  	[tilespmem:s30], [sflag:$0x1] =	stream.indirect.gather [hbm4b:s1+s2], $0x40, s31, s2, $0xb8;
	[tilespmem:$0x1CB90] =	vst v63  }
0x1f0: {  	_ =	swait.ge [sflag:s17], $0x1900  }
0x1f1: {  	[sflag:s17] =	ssyncset.done $0x0  }
0x1f2: {  	[sflag:s17] =	ssyncadd.s32 $0xFFFFE700  }
0x1f3: {  	_ =	swait.ge [sflag:s18], $0x1C20  }
0x1f4: {  	[sflag:s18] =	ssyncset.done $0x0  }
0x1f5: {  	[sflag:s18] =	ssyncadd.s32 $0xFFFFE3E0  }
0x1f6: {  	v0 =	vld [tilespmem:$0x1602A]  }
0x1f7: {  	v1 =	vld [tilespmem:$0x1603A]  }
0x1f8: {  	v2 =	vld [tilespmem:$0x1604A]  }
0x1f9: {  	v3 =	vld [tilespmem:$0x1604C];
	_ =	sdelay $0x1  }
0x1fa: {  	v0 =	vadd.s32 $0xFFFFD8F0, v0  }
0x1fb: {  	[tilespmem:$0x19298] =	vst v0;
	v0 =	vadd.s32 $0xFFFFD8F0, v1  }
0x1fc: {  	s22 =	sadd.s32 s22, s12;
	[tilespmem:$0x192A8] =	vst v0;
	v0 =	vadd.s32 $0xFFFFD8F0, v2  }
0x1fd: {  	s7 =	sshrl.u32 s22, $0x3;
	[tilespmem:$0x192B8] =	vst v0;
	v0 =	vadd.s32 $0xFFFFD8F0, v3  }
0x1fe: {  	s7 =	sadd.s32 s6, s7;
	s23 =	simm.s32 $0x18650;
	[tilespmem:$0x192BA] =	vst v0  }
0x1ff: {  	[tilespmem:s4], [sflag:$0x4] =	stream.linear.gather [hbm4b:s7+s5], $0x68, $0x38;
	[tilespmem:$0x1CB90] =	vst v63  }
0x200: {  	v2 =	vld [tilespmem:s23+$0xFFFFF350]  }
0x201: {  	v3 =	vld [tilespmem:s23+$0xFFFFFFD0]  }
0x202: {  	v43 =	vld [tilespmem:s23+$0xFFFFF360]  }
0x203: {  	v44 =	vld [tilespmem:s23+$0xFFFFFFE0]  }
0x204: {  	v1 =	vld [tilespmem:s23+$0xFFFFF370];
	_ =	sdelay $0x1  }
0x205: {  	v0 =	vld [tilespmem:s23+$0xFFFFF380];
	v8 =	vunpack.i.l.bf16.f32 v2  }
0x206: {  	v42 =	vld [tilespmem:s23+$0xFFFFFFF0];
	v7 =	vunpack.i.l.bf16.f32 v3;
	v50 =	vunpack.i.u.bf16.f32 v2;
	v2 =	vunpack.i.u.bf16.f32 v3  }
0x207: {  	v58 =	vld [tilespmem:$0x1FFA0];
	v12 =	vunpack.i.u.bf16.f32 v43;
	v46 =	vunpack.i.u.bf16.f32 v44;
	v3 =	vadd.f32 v7, v8  }
0x208: {  	v10 =	vunpack.i.u.bf16.f32 v1;
	v2 =	vadd.f32 v2, v50;
	[tilespmem:$0x1FD80] =	vst v12;
	v5 =	vadd.f32 v46, v12;
	v12 =	vld [tilespmem:$0x1FFB0]  }
0x209: {  	v55 =	vunpack.i.l.bf16.f32 v43;
	v9 =	vunpack.i.l.bf16.f32 v44;
	v11 =	vunpack.i.l.bf16.f32 v1;
	[tilespmem:$0x1FD70] =	vst v8  }
0x20a: {  	v15 =	vld [tilespmem:$0x1FFC0];
	[tilespmem:$0x1FDA0] =	vst v10;
	v9 =	vadd.f32 v9, v55;
	v8 =	vmul.f32 $2.000000030e-01, v3;
	v1 =	vmul.f32 $2.000000030e-01, v2  }
0x20b: {  	v16 =	vld [tilespmem:$0x1FFD0];
	v52 =	vunpack.i.u.bf16.f32 v0;
	v45 =	vunpack.i.u.bf16.f32 v42;
	v4 =	vunpack.i.l.bf16.f32 v42;
	[tilespmem:$0x1FD90] =	vst v11  }
0x20c: {  	v47 =	vld [tilespmem:s23+$0x0];
	v3 =	vmax.f32 v3, v8;
	v1 =	vmax.f32 v2, v1;
	v2 =	vmul.f32 $2.000000030e-01, v9  }
0x20d: {  	v4 =	vadd.f32 v4, v11;
	v3 =	vmul.f32 v3, v58;
	v1 =	vmul.f32 v1, v12  }
0x20e: {  	v57 =	vld [tilespmem:$0x1FFE0];
	v8 =	vmul.f32 $2.000000030e-01, v5;
	v2 =	vmax.f32 v9, v2;
	v9 =	vunpack.i.l.bf16.f32 v0  }
0x20f: {  	v48 =	vadd.f32 v45, v10;
	v10 =	vld [tilespmem:$0x1FFF0];
	[tilespmem:$0x1FDB0] =	vst v9;
	v0 =	vadd.f32 v3, v1;
	v1 =	vmul.f32 v2, v15  }
0x210: {  	v2 =	vmax.f32 v5, v8;
	v3 =	vmul.f32 $2.000000030e-01, v4;
	v49 =	vld [tilespmem:s23+$0xFFFFF310]  }
0x211: {  	v8 =	vld [tilespmem:s23+$0xFFFFFF90];
	v0 =	vadd.f32 v1, v0;
	v1 =	vmul.f32 v2, v16;
	v2 =	vunpack.i.l.bf16.f32 v47  }
0x212: {  	v51 =	vmul.f32 $2.000000030e-01, v48;
	v3 =	vmax.f32 v4, v3;
	v2 =	vadd.f32 v2, v9  }
0x213: {  	v60 =	vld [tilespmem:$0x1FF90];
	v0 =	vadd.f32 v0, v1;
	v1 =	vmul.f32 v3, v57  }
0x214: {  	v4 =	vmax.f32 v48, v51;
	v9 =	vld [tilespmem:s23+$0xFFFFFFA0];
	v3 =	vunpack.i.u.bf16.f32 v47;
	v56 =	vmul.f32 $2.000000030e-01, v2  }
0x215: {  	v54 =	vld [tilespmem:s23+$0xFFFFF320];
	v3 =	vadd.f32 v3, v52;
	v0 =	vadd.f32 v1, v0;
	v1 =	vmul.f32 v4, v10  }
0x216: {  	v11 =	vunpack.i.u.bf16.f32 v49;
	v7 =	vunpack.i.l.bf16.f32 v49;
	v61 =	vunpack.i.l.bf16.f32 v8  }
0x217: {  	[tilespmem:$0x1FE00] =	vst v11;
	v2 =	vmax.f32 v2, v56;
	v59 =	vmul.f32 $2.000000030e-01, v3;
	v5 =	vadd.f32 v61, v7  }
0x218: {  	[tilespmem:$0x1FDF0] =	vst v7;
	v0 =	vadd.f32 v0, v1;
	v1 =	vmul.f32 v2, v60;
	v2 =	vunpack.i.u.bf16.f32 v8  }
0x219: {  	v62 =	vld [tilespmem:s23+$0xFFFFF330];
	v63 =	vunpack.i.l.bf16.f32 v9;
	v3 =	vmax.f32 v3, v59;
	v2 =	vadd.f32 v2, v11  }
0x21a: {  	v11 =	vunpack.i.l.bf16.f32 v54;
	v0 =	vadd.f32 v1, v0;
	v1 =	vmul.f32 v3, v53  }
0x21b: {  	v32 =	vunpack.i.u.bf16.f32 v9;
	v3 =	vld [tilespmem:s23+$0xFFFFFFB0];
	[tilespmem:$0x1FD00] =	vst v11;
	v7 =	vadd.f32 v63, v11;
	v8 =	vmul.f32 $2.000000030e-01, v2  }
0x21c: {  	v11 =	vunpack.i.u.bf16.f32 v54;
	v9 =	vld [tilespmem:s23+$0xFFFFF340];
	v0 =	vadd.f32 v0, v1;
	v1 =	vmul.f32 $2.000000030e-01, v5  }
0x21d: {  	v6 =	vadd.f32 v32, v11;
	v2 =	vmax.f32 v2, v8  }
0x21e: {  	[tilespmem:$0x1FD10] =	vst v11;
	v8 =	vmul.f32 $2.000000030e-01, v7;
	v13 =	vunpack.i.l.bf16.f32 v62;
	v1 =	vmax.f32 v5, v1  }
0x21f: {  	v33 =	vld [tilespmem:s23+$0xFFFFFFC0];
	v20 =	vunpack.i.u.bf16.f32 v62;
	v2 =	vmul.f32 v2, v12;
	v1 =	vmul.f32 v1, v58  }
0x220: {  	v11 =	vunpack.i.l.bf16.f32 v3;
	v7 =	vmax.f32 v7, v8;
	v8 =	vmul.f32 $2.000000030e-01, v6  }
0x221: {  	(xrf2) =	vadd.scan.msk.f32 $0xffff, v0;
	v11 =	vadd.f32 v11, v13;
	v0 =	vmul.f32 v7, v15;
	v22 =	vunpack.i.l.bf16.f32 v9  }
0x222: {  	v23 =	vunpack.i.u.bf16.f32 v9;
	v1 =	vadd.f32 v1, v2;
	v2 =	vunpack.i.u.bf16.f32 v3  }
0x223: {  	v3 =	vmax.f32 v6, v8;
	v34 =	vmul.f32 $2.000000030e-01, v11;
	v2 =	vadd.f32 v2, v20  }
0x224: {  	s24 =	simm.s32 $0x186D0;
	[tilespmem:$0x1FD20] =	vst v13;
	v35 =	vunpack.i.l.bf16.f32 v33;
	v0 =	vadd.f32 v0, v1;
	v1 =	vmul.f32 v3, v16  }
0x225: {  	v41 =	vld [tilespmem:s24+$0xFFFFFFE0];
	v5 =	vunpack.i.u.bf16.f32 v33;
	v3 =	vmax.f32 v11, v34;
	v36 =	vmul.f32 $2.000000030e-01, v2  }
0x226: {  	v38 =	vld [tilespmem:s24+$0xFFFFF370];
	v0 =	vadd.f32 v0, v1;
	v1 =	vadd.f32 v35, v22;
	v3 =	vmul.f32 v3, v57  }
0x227: {  	v8 =	vld [tilespmem:s24+$0xFFFFF350];
	v5 =	vadd.f32 v5, v23;
	v2 =	vmax.f32 v2, v36  }
0x228: {  	v39 =	vmul.f32 $2.000000030e-01, v1;
	v0 =	vadd.f32 v3, v0;
	v2 =	vmul.f32 v2, v10;
	v3 =	vld [tilespmem:s24+$0xFFFFFFD0]  }
0x229: {  	v9 =	vld [tilespmem:s24+$0xFFFFFFF0];
	v40 =	vmul.f32 $2.000000030e-01, v5  }
0x22a: {  	v14 =	vunpack.i.l.bf16.f32 v41;
	v1 =	vmax.f32 v1, v39;
	v0 =	vadd.f32 v0, v2;
	v2 =	vld [tilespmem:s24+$0xFFFFF360]  }
0x22b: {  	v17 =	vunpack.i.l.bf16.f32 v38;
	v5 =	vmax.f32 v5, v40;
	v11, _, _ =	vpop (xrf2);
	v1 =	vmul.f32 v1, v60  }
0x22c: {  	v63 =	vunpack.i.l.bf16.f32 v8;
	v62 =	vunpack.i.u.bf16.f32 v8;
	(v2sf) =	vpush v11, $0xF  }
0x22d: {  	v0 =	vadd.f32 v1, v0;
	v11 =	vunpack.i.l.bf16.f32 v3;
	v3 =	vunpack.i.u.bf16.f32 v3  }
0x22e: {  	v1 =	vunpack.i.u.bf16.f32 v38;
	v8 =	vadd.f32 v11, v63;
	v11 =	vunpack.i.u.bf16.f32 v9  }
0x22f: {  	v37 =	vld [tilespmem:s24+$0xFFFFF380];
	v3 =	vadd.f32 v3, v62;
	v9 =	vunpack.i.l.bf16.f32 v9;
	v18 =	vunpack.i.l.bf16.f32 v2  }
0x230: {  	[tilespmem:$0x1FDD0] =	vst v17;
	v61 =	vunpack.i.u.bf16.f32 v2;
	v2 =	vunpack.i.u.bf16.f32 v41;
	v13 =	vmul.f32 $2.000000030e-01, v8  }
0x231: {  	[tilespmem:$0x1FDE0] =	vst v1;
	v42 =	vmul.f32 $2.000000030e-01, v3;
	v14 =	vadd.f32 v14, v18;
	v2 =	vadd.f32 v2, v61  }
0x232: {  	v5 =	vmul.f32 v5, v53;
	v9 =	vadd.f32 v9, v17;
	[tilespmem:$0x1FDC0] =	vst v18;
	v43 =	vmax.f32 v8, v13  }
0x233: {  	v51 =	vld [tilespmem:s24+$0xFFFFFFA0];
	v3 =	vmax.f32 v3, v42;
	v44 =	vmul.f32 $2.000000030e-01, v14;
	v13 =	vmul.f32 $2.000000030e-01, v2  }
0x234: {  	v54 =	vunpack.i.u.bf16.f32 v37;
	v8 =	vld [tilespmem:s24+$0x0];
	v6 =	vmul.f32 v43, v58;
	v3 =	vmul.f32 v3, v12  }
0x235: {  	v47 =	vadd.f32 v11, v1;
	v46 =	vmul.f32 $2.000000030e-01, v9;
	v7 =	vmax.f32 v14, v44  }
0x236: {  	v2 =	vmax.f32 v2, v13;
	v13 =	vld [tilespmem:s24+$0xFFFFF310];
	v3 =	vadd.f32 v6, v3;
	v45 =	vmul.f32 v7, v15  }
0x237: {  	v59 =	vunpack.i.l.bf16.f32 v37;
	v0 =	vadd.f32 v0, v5;
	v14 =	vld [tilespmem:s24+$0xFFFFFF90];
	v2 =	vmul.f32 v2, v16  }
0x238: {  	v6 =	vmax.f32 v9, v46;
	v9 =	vmul.f32 $2.000000030e-01, v47;
	v3 =	vadd.f32 v45, v3  }
0x239: {  	v5 =	vunpack.i.u.bf16.f32 v51;
	v48 =	vunpack.i.l.bf16.f32 v8;
	v49 =	vunpack.i.u.bf16.f32 v8  }
0x23a: {  	v7 =	vmax.f32 v47, v9;
	v4 =	vadd.f32 v48, v59;
	v2 =	vadd.f32 v3, v2  }
0x23b: {  	v8 =	vld [tilespmem:s24+$0xFFFFF320];
	v3 =	vmul.f32 v6, v57;
	v6 =	vadd.f32 v49, v54;
	v1 =	vunpack.i.u.bf16.f32 v13  }
0x23c: {  	v34 =	vld [tilespmem:s24+$0xFFFFFFB0];
	v11 =	vunpack.i.l.bf16.f32 v13;
	v32 =	vunpack.i.u.bf16.f32 v14;
	v9 =	vmul.f32 $2.000000030e-01, v4  }
0x23d: {  	v2 =	vadd.f32 v3, v2;
	v3 =	vmul.f32 v7, v10;
	v56 =	vmul.f32 $2.000000030e-01, v6  }
0x23e: {  	v33 =	vld [tilespmem:s24+$0xFFFFF330];
	v4 =	vmax.f32 v4, v9;
	v9 =	vunpack.i.l.bf16.f32 v14;
	v14 =	vunpack.i.l.bf16.f32 v51  }
0x23f: {  	v2 =	vadd.f32 v2, v3;
	v3 =	vmul.f32 v4, v60;
	v6 =	vmax.f32 v6, v56  }
0x240: {  	v13 =	vmovc v1;
	[tilespmem:$0x1FD30] =	vst v11;
	v4 =	vadd.f32 v32, v1;
	v9 =	vadd.f32 v9, v11;
	v1 =	vunpack.i.l.bf16.f32 v8  }
0x241: {  	v11 =	vunpack.i.l.bf16.f32 v34;
	[tilespmem:$0x1FD40] =	vst v1;
	v18 =	vadd.f32 v14, v1;
	v1 =	vunpack.i.u.bf16.f32 v8  }
0x242: {  	v2 =	vadd.f32 v3, v2;
	v3 =	vmul.f32 v6, v53;
	v17 =	vmul.f32 $2.000000030e-01, v4  }
0x243: {  	[tilespmem:$0x1FD50] =	vst v1;
	v5 =	vadd.f32 v5, v1;
	v1 =	vunpack.i.l.bf16.f32 v33;
	v8 =	vmul.f32 $2.000000030e-01, v18  }
0x244: {  	v24 =	vadd.f32 v11, v1;
	v2 =	vadd.f32 v2, v3;
	v3 =	vmul.f32 $2.000000030e-01, v9  }
0x245: {  	v21 =	vld [tilespmem:s24+$0xFFFFF340];
	v4 =	vmax.f32 v4, v17  }
0x246: {  	s26 =	simm.s32 $0x18750;
	v8 =	vmax.f32 v18, v8;
	v36 =	vmul.f32 $2.000000030e-01, v24;
	v3 =	vmax.f32 v9, v3;
	v9 =	vld [tilespmem:s24+$0xFFFFFFC0];
	[tilespmem:$0x1FD60] =	vst v1  }
0x247: {  	(xrf2) =	vadd.scan.msk.f32 $0xffff, v0;
	s25 =	spop (v2sf);
	v4 =	vmul.f32 v4, v12;
	v0 =	vmul.f32 v8, v15;
	v39 =	vld [tilespmem:s26+$0xFFFFF370]  }
0x248: {  	s7 =	smin.f32 s25, $7.500000000e+01;
	v8 =	vmul.f32 $2.000000030e-01, v5;
	v3 =	vmul.f32 v3, v58;
	v6 =	vmax.f32 v24, v36;
	v24 =	vld [tilespmem:s26+$0xFFFFF350]  }
0x249: {  	v35 =	vmov s7;
	v1 =	vunpack.i.u.bf16.f32 v33;
	v41 =	vld [tilespmem:s26+$0xFFFFFFD0]  }
0x24a: {  	(xrf2) =	vadd.scan.msk.f32 $0xffff, v2;
	v42 =	vld [tilespmem:s26+$0xFFFFF360];
	v5 =	vmax.f32 v5, v8;
	v2 =	vadd.f32 v3, v4;
	v3 =	vunpack.i.u.bf16.f32 v34  }
0x24b: {  	v19 =	vmovc v1;
	v27 =	vld [tilespmem:s26+$0xFFFFFFE0];
	v4 =	vmul.f32 $1.442695020e+00, v35;
	v3 =	vadd.f32 v3, v1;
	v1 =	vunpack.i.l.bf16.f32 v21  }
0x24c: {  	v21 =	vunpack.i.u.bf16.f32 v21;
	v0 =	vadd.f32 v0, v2;
	v2 =	vmul.f32 v5, v16  }
0x24d: {  	v8 =	vld [tilespmem:s26+$0xFFFFF380];
	v38 =	vunpack.i.l.bf16.f32 v9;
	v40 =	vunpack.i.u.bf16.f32 v9;
	v4 =	vbroadcast v4, $0x0  }
0x24e: {  	v37 =	vmul.f32 $2.000000030e-01, v3;
	v7 =	vadd.f32 v38, v1;
	v28 =	vunpack.i.l.bf16.f32 v24  }
0x24f: {  	v29 =	vunpack.i.u.bf16.f32 v24;
	v44 =	vunpack.i.u.bf16.f32 v41;
	v31 =	vunpack.i.l.bf16.f32 v42  }
0x250: {  	v46 =	vunpack.i.l.bf16.f32 v27;
	v30 =	vunpack.i.l.bf16.f32 v39;
	v32 =	vunpack.i.u.bf16.f32 v42  }
0x251: {  	v49 =	vunpack.i.u.bf16.f32 v27;
	v0 =	vadd.f32 v0, v2;
	v2 =	vmul.f32 v6, v57  }
0x252: {  	(erf) = vpow2.f32 v4;
	v11 =	vunpack.i.u.bf16.f32 v8;
	v4 =	vadd.f32 v44, v29  }
0x253: {  	v48 =	vadd.f32 v46, v31;
	v3 =	vmax.f32 v3, v37;
	v9 =	vmul.f32 $2.000000030e-01, v7  }
0x254: {  	v34 =	vunpack.i.l.bf16.f32 v8;
	v0 =	vadd.f32 v2, v0;
	v3 =	vmul.f32 v3, v10  }
0x255: {  	v26, _, _ =	vpop (xrf2);
	v2 =	vadd.f32 v40, v21;
	v47 =	vmul.f32 $2.000000030e-01, v4;
	v7 =	vmax.f32 v7, v9  }
0x256: {  	v51 =	vmul.f32 $2.000000030e-01, v48;
	v9 =	vld [tilespmem:s26+$0xFFFFFFF0];
	v43, _, _ =	vpop (xrf2);
	v0 =	vadd.f32 v0, v3;
	v3 =	vmul.f32 v7, v60  }
0x257: {  	v25 =	vmul.f32 $2.000000030e-01, v2;
	(v2sf) =	vpush v43, $0xF;
	v7 =	vadd.f32 v49, v32  }
0x258: {  	v4 =	vmax.f32 v4, v47;
	v0 =	vadd.f32 v3, v0;
	v3 =	vunpack.i.l.bf16.f32 v41  }
0x259: {  	v42 =	vld [tilespmem:s26+$0xFFFFF320];
	v5 =	vmax.f32 v48, v51;
	v4 =	vmul.f32 v4, v12;
	v3 =	vadd.f32 v3, v28  }
0x25a: {  	v40 =	vld [tilespmem:s26+$0xFFFFFF90];
	v56 =	vmul.f32 v5, v15;
	(v2sf) =	vpush v26, $0xF;
	v2 =	vmax.f32 v2, v25  }
0x25b: {  	s20 =	simm.s32 $0x187D0;
	v45 =	vunpack.i.u.bf16.f32 v9;
	v9 =	vunpack.i.l.bf16.f32 v9;
	v24 =	vmul.f32 $2.000000030e-01, v3  }
0x25c: {  	v51 =	vld [tilespmem:s20+$0xFFFFF350];
	v25 =	vunpack.i.u.bf16.f32 v39;
	v27 =	vmul.f32 $2.000000030e-01, v7;
	v9 =	vadd.f32 v9, v30  }
0x25d: {  	v2 =	vmul.f32 v2, v53;
	v6 =	vadd.f32 v45, v25;
	v3 =	vmax.f32 v3, v24;
	v24 =	vld [tilespmem:s26+$0x0]  }
0x25e: {  	v26 =	vunpack.i.l.bf16.f32 v42;
	v35 =	vmul.f32 $2.000000030e-01, v9;
	v3 =	vmul.f32 v3, v58  }
0x25f: {  	v46 =	vunpack.i.l.bf16.f32 v40;
	v33 =	vmax.f32 v7, v27;
	v8 =	vmul.f32 $2.000000030e-01, v6  }
0x260: {  	v36 =	vmul.f32 v33, v16;
	v7 =	vmax.f32 v9, v35;
	v9 =	vld [tilespmem:s26+$0xFFFFF310];
	v3 =	vadd.f32 v3, v4  }
0x261: {  	v0 =	vadd.f32 v0, v2;
	v2 =	vld [tilespmem:s26+$0xFFFFFFA0];
	v6 =	vmax.f32 v6, v8;
	v35 =	vunpack.i.u.bf16.f32 v42  }
0x262: {  	v42 =	vunpack.i.l.bf16.f32 v51;
	v3 =	vadd.f32 v56, v3;
	v37 =	vunpack.i.l.bf16.f32 v24  }
0x263: {  	v38 =	vmul.f32 v7, v57;
	v39 =	vunpack.i.u.bf16.f32 v24;
	v5 =	vadd.f32 v37, v34  }
0x264: {  	v41 =	vmul.f32 v6, v10;
	v7 =	vadd.f32 v39, v11;
	v39 =	vld [tilespmem:s20+$0xFFFFF360];
	v3 =	vadd.f32 v3, v36  }
0x265: {  	v24 =	vunpack.i.u.bf16.f32 v9;
	v27 =	vunpack.i.l.bf16.f32 v9;
	v9 =	vld [tilespmem:s26+$0xFFFFF330];
	v8 =	vmul.f32 $2.000000030e-01, v5  }
0x266: {  	v47 =	vunpack.i.l.bf16.f32 v2;
	v2 =	vunpack.i.u.bf16.f32 v2;
	s14 =	spop (v2sf);
	v3 =	vadd.f32 v38, v3  }
0x267: {  	v4 =	vadd.f32 v47, v26;
	v2 =	vadd.f32 v2, v35;
	s7 =	smin.f32 s14, $7.500000000e+01;
	v5 =	vmax.f32 v5, v8  }
0x268: {  	v8 =	vmul.f32 $2.000000030e-01, v7;
	v44 =	vmov s7;
	v3 =	vadd.f32 v3, v41  }
0x269: {  	v43 =	vmul.f32 v5, v60;
	v5 =	vmul.f32 $1.442695020e+00, v44;
	v44 =	vunpack.i.u.bf16.f32 v39  }
0x26a: {  	v7 =	vmax.f32 v7, v8;
	v8 =	vunpack.i.u.bf16.f32 v40;
	v33 =	vunpack.i.l.bf16.f32 v9  }
0x26b: {  	v3 =	vadd.f32 v43, v3;
	v45 =	vmul.f32 v7, v53;
	v8 =	vadd.f32 v8, v24  }
0x26c: {  	(xrf2) =	vadd.scan.msk.f32 $0xffff, v0;
	v0 =	vld [tilespmem:s26+$0xFFFFFFB0];
	v36 =	vunpack.i.u.bf16.f32 v9;
	v7 =	vadd.f32 v46, v27;
	v5 =	vbroadcast v5, $0x0  }
0x26d: {  	v46 =	vmul.f32 $2.000000030e-01, v2;
	v3 =	vadd.f32 v3, v45;
	v48 =	vmul.f32 $2.000000030e-01, v8  }
0x26e: {  	v43 =	vunpack.i.u.bf16.f32 v51;
	v49 =	vmul.f32 $2.000000030e-01, v7;
	v45 =	vld [tilespmem:s20+$0xFFFFFFD0];
	(erf) = vpow2.f32 v5  }
0x26f: {  	v2 =	vmax.f32 v2, v46;
	(xrf2) =	vadd.scan.msk.f32 $0xffff, v3;
	v3 =	vmax.f32 v8, v48;
	v8 =	vmul.f32 $2.000000030e-01, v4  }
0x270: {  	v7 =	vmax.f32 v7, v49;
	v48 =	vunpack.i.l.bf16.f32 v39;
	v3 =	vmul.f32 v3, v12  }
0x271: {  	v39 =	vld [tilespmem:s20+$0xFFFFFFF0];
	v7 =	vmul.f32 v7, v58;
	v4 =	vmax.f32 v4, v8;
	v8 =	vunpack.i.l.bf16.f32 v0  }
0x272: {  	v2 =	vmul.f32 v2, v16;
	v4 =	vmul.f32 v4, v15;
	v47 =	vadd.f32 v8, v33  }
0x273: {  	v8 =	vld [tilespmem:s20+$0xFFFFFFE0];
	v3 =	vadd.f32 v7, v3;
	v9 =	vunpack.i.l.bf16.f32 v45;
	v38 =	vunpack.i.u.bf16.f32 v45  }
0x274: {  	v0 =	vunpack.i.u.bf16.f32 v0;
	v9 =	vadd.f32 v9, v42;
	v5 =	vadd.f32 v38, v43  }
0x275: {  	v56 =	vmul.f32 $2.000000030e-01, v47;
	v3 =	vadd.f32 v4, v3;
	v4 =	vadd.f32 v0, v36  }
0x276: {  	v6 =	vunpack.i.l.bf16.f32 v39;
	v37 =	vmul.f32 $2.000000030e-01, v9;
	v51 =	vmul.f32 $2.000000030e-01, v5  }
0x277: {  	v18 =	vmovc v1;
	v1 =	vmax.f32 v47, v56;
	v56 =	vld [tilespmem:s26+$0xFFFFF340];
	v2 =	vadd.f32 v3, v2;
	v3 =	vmul.f32 $2.000000030e-01, v4  }
0x278: {  	v49, _, _ =	vpop (xrf2);
	v47 =	vld [tilespmem:s26+$0xFFFFFFC0];
	v41 =	vunpack.i.l.bf16.f32 v8;
	v8 =	vunpack.i.u.bf16.f32 v8;
	v9 =	vmax.f32 v9, v37  }
0x279: {  	v5 =	vmax.f32 v5, v51;
	v38 =	vadd.f32 v41, v48;
	v8 =	vadd.f32 v8, v44;
	v40, _, _ =	vpop (xrf2)  }
0x27a: {  	v9 =	vmul.f32 v9, v58;
	v5 =	vmul.f32 v5, v12;
	(v2sf) =	vpush v40, $0xF;
	v40 =	vld [tilespmem:s20+$0xFFFFF370]  }
0x27b: {  	v39 =	vunpack.i.u.bf16.f32 v39;
	v3 =	vmax.f32 v4, v3;
	v46 =	vmul.f32 $2.000000030e-01, v38  }
0x27c: {  	v51 =	vmul.f32 $2.000000030e-01, v8;
	v5 =	vadd.f32 v9, v5;
	v37 =	vunpack.i.l.bf16.f32 v56  }
0x27d: {  	v9 =	vunpack.i.l.bf16.f32 v47;
	v7 =	vmax.f32 v38, v46;
	v46 =	vmul.f32 v1, v57  }
0x27e: {  	v8 =	vmax.f32 v8, v51;
	v9 =	vadd.f32 v9, v37;
	v7 =	vmul.f32 v7, v15  }
0x27f: {  	v51 =	vld [tilespmem:s20+$0x0];
	v8 =	vmul.f32 v8, v16;
	v2 =	vadd.f32 v46, v2;
	v45 =	vunpack.i.l.bf16.f32 v40  }
0x280: {  	v41 =	vunpack.i.u.bf16.f32 v40;
	v40 =	vmul.f32 $2.000000030e-01, v9;
	v5 =	vadd.f32 v7, v5  }
0x281: {  	s24 =	spop (v2sf);
	v3 =	vmul.f32 v3, v10;
	v38 =	vadd.f32 v6, v45;
	v39 =	vadd.f32 v39, v41;
	v6 =	vld [tilespmem:s20+$0xFFFFF380]  }
0x282: {  	s14 =	smin.f32 s24, $7.500000000e+01;
	v4 =	vmax.f32 v9, v40;
	v5 =	vadd.f32 v5, v8;
	v40 =	vunpack.i.u.bf16.f32 v56  }
0x283: {  	v8 =	vunpack.i.u.bf16.f32 v47;
	v9 =	vmov s14;
	v0 =	vmul.f32 $2.000000030e-01, v38  }
0x284: {  	v46 =	vunpack.i.l.bf16.f32 v51;
	v7 =	vunpack.i.u.bf16.f32 v51;
	v1 =	vmul.f32 $2.000000030e-01, v39  }
0x285: {  	v8 =	vadd.f32 v8, v40;
	v9 =	vmul.f32 $1.442695020e+00, v9;
	v0 =	vmax.f32 v38, v0  }
0x286: {  	v4 =	vmul.f32 v4, v60;
	v47 =	vunpack.i.l.bf16.f32 v6;
	v0 =	vmul.f32 v0, v57  }
0x287: {  	v1 =	vmax.f32 v39, v1;
	v56 =	vunpack.i.u.bf16.f32 v6;
	v6 =	vadd.f32 v46, v47;
	v46 =	vld [tilespmem:s20+$0xFFFFF310]  }
0x288: {  	v38 =	vmul.f32 $2.000000030e-01, v8;
	v7 =	vadd.f32 v7, v56;
	v0 =	vadd.f32 v0, v5;
	v5 =	vld [tilespmem:s20+$0xFFFFFF90]  }
0x289: {  	v2 =	vadd.f32 v2, v3;
	v1 =	vmul.f32 v1, v10;
	v51 =	vmul.f32 $2.000000030e-01, v6;
	s25 =	spop (v2sf)  }
0x28a: {  	v9 =	vbroadcast v9, $0x0;
	v3 =	vmax.f32 v8, v38;
	v8 =	vmul.f32 $2.000000030e-01, v7;
	s14 =	smin.f32 s25, $7.500000000e+01  }
0x28b: {  	v0 =	vadd.f32 v0, v1;
	v6 =	vmax.f32 v6, v51;
	v39 =	vmov s14  }
0x28c: {  	v1 =	vmax.f32 v7, v8;
	v6 =	vmul.f32 v6, v60;
	v7 =	vmul.f32 $1.442695020e+00, v39  }
0x28d: {  	v38 =	vunpack.i.l.bf16.f32 v46;
	v1 =	vmul.f32 v1, v53;
	v8 =	vunpack.i.u.bf16.f32 v5  }
0x28e: {  	v5 =	vunpack.i.l.bf16.f32 v5;
	v0 =	vadd.f32 v6, v0;
	v51 =	vbroadcast v7, $0x0  }
0x28f: {  	v2 =	vadd.f32 v4, v2;
	(erf) = vpow2.f32 v9;
	v5 =	vadd.f32 v5, v38  }
0x290: {  	v3 =	vmul.f32 v3, v53;
	(erf) = vpow2.f32 v51;
	v51 =	vadd.f32 v0, v1;
	v0 =	vld [tilespmem:$0x1FD70]  }
0x291: {  	v7 =	vmul.f32 $2.000000030e-01, v5  }
0x292: {  	v9 =	vld [tilespmem:s20+$0xFFFFF320];
	v4 =	vpop (erf);
	v2 =	vadd.f32 v2, v3  }
0x293: {  	v39 =	vunpack.i.u.bf16.f32 v46;
	v46 =	vld [tilespmem:s20+$0xFFFFFFA0];
	v3 =	vmax.f32 v5, v7;
	v5 =	vmul.f32 v4, v52  }
0x294: {  	s23 =	simm.s32 $0x1AF80  }
0x295: {  	v8 =	vadd.f32 v8, v39;
	[tilespmem:s23+$0x70] =	vst v5;
	v7 =	vmul.f32 v4, v0  }
0x296: {  	v5 =	vld [tilespmem:$0x1FD80]  }
0x297: {  	v6 =	vmul.f32 $2.000000030e-01, v8;
	[tilespmem:s23+$0x0] =	vst v7  }
0x298: {  	(xrf2) =	vadd.scan.msk.f32 $0xffff, v2;
	v52 =	vunpack.i.l.bf16.f32 v9;
	v53 =	vunpack.i.l.bf16.f32 v46;
	v2 =	vmul.f32 v3, v58;
	v58 =	vld [tilespmem:$0x1FD90]  }
0x299: {  	v1 =	vmax.f32 v8, v6;
	v6 =	vadd.f32 v53, v52  }
0x29a: {  	v8 =	vmul.f32 v4, v50;
	v1 =	vmul.f32 v1, v12  }
0x29b: {  	v53 =	vmul.f32 v4, v5;
	v5 =	vmul.f32 $2.000000030e-01, v6  }
0x29c: {  	[tilespmem:s23+$0x10] =	vst v8  }
0x29d: {  	v3 =	vmax.f32 v6, v5;
	v6 =	vmul.f32 v4, v58;
	v58 =	vadd.f32 v2, v1;
	v1 =	vld [tilespmem:$0x1FDA0];
	_ =	sdelay $0x1  }
0x29e: {  	v55 =	vmul.f32 v4, v55;
	_ =	sdelay $0x2  }
0x29f: {  	v8 =	vmul.f32 v4, v1;
	v1 =	vld [tilespmem:$0x1FDB0];
	[tilespmem:s23+$0x20] =	vst v55  }
0x2a0: {  	(v2sf) =	vpush v49, $0xF;
	v49 =	vld [tilespmem:s20+$0xFFFFF330];
	v55 =	vpop (erf);
	[tilespmem:s23+$0x30] =	vst v53  }
0x2a1: {  	v50 =	vunpack.i.u.bf16.f32 v9;
	v9 =	vunpack.i.u.bf16.f32 v46;
	v0 =	vld [tilespmem:s20+$0xFFFFFFB0];
	[tilespmem:s23+$0x40] =	vst v6;
	v53 =	vmul.f32 v55, v54  }
0x2a2: {  	s22 =	simm.s32 $0x1B0A0;
	v9 =	vadd.f32 v9, v50;
	v6 =	vmul.f32 v55, v63;
	[tilespmem:s23+$0x50] =	vst v8  }
0x2a3: {  	(xrf2) =	vadd.scan.msk.f32 $0xffff, v51;
	[tilespmem:s22+$0x70] =	vst v53  }
0x2a4: {  	v46 =	vmul.f32 $2.000000030e-01, v9;
	[tilespmem:s22+$0x0] =	vst v6;
	v51 =	vmul.f32 v4, v1;
	v4 =	vnsel vm0, $0x0, v4  }
0x2a5: {  	[tilespmem:s23+$0x80] =	vst v4  }
0x2a6: {  	v7 =	vmax.f32 v9, v46;
	v46 =	vunpack.i.l.bf16.f32 v49;
	v1 =	vunpack.i.l.bf16.f32 v0;
	[tilespmem:s23+$0x60] =	vst v51  }
0x2a7: {  	v3 =	vmul.f32 v3, v15;
	v54 =	vadd.f32 v1, v46;
	v12 =	vld [tilespmem:$0x1FDC0];
	_ =	sdelay $0x1  }
0x2a8: {  	v2 =	vld [tilespmem:s20+$0xFFFFFFC0];
	v3 =	vadd.f32 v3, v58;
	v58 =	vmul.f32 $2.000000030e-01, v54;
	_ =	sdelay $0x1  }
0x2a9: {  	v9 =	vld [tilespmem:s20+$0xFFFFF340];
	v8 =	vmul.f32 v55, v62;
	v62 =	vmax.f32 v54, v58  }
0x2aa: {  	v4 =	vmul.f32 v62, v57;
	v57 =	vmul.f32 v55, v12  }
0x2ab: {  	[tilespmem:s22+$0x10] =	vst v8;
	v58 =	vmul.f32 v55, v61  }
0x2ac: {  	v0 =	vunpack.i.u.bf16.f32 v0;
	v1 =	vunpack.i.u.bf16.f32 v49;
	v54 =	vunpack.i.l.bf16.f32 v2;
	[tilespmem:s22+$0x20] =	vst v57  }
0x2ad: {  	v7 =	vmul.f32 v7, v16;
	v0 =	vadd.f32 v0, v1;
	v8 =	vld [tilespmem:$0x1FDD0];
	[tilespmem:s22+$0x30] =	vst v58  }
0x2ae: {  	v49 =	vunpack.i.l.bf16.f32 v9;
	v5 =	vld [tilespmem:$0x1FDE0]  }
0x2af: {  	v3 =	vadd.f32 v3, v7;
	v63 =	vmul.f32 $2.000000030e-01, v0;
	v7 =	vadd.f32 v54, v49;
	v54 =	vpop (erf)  }
0x2b0: {  	v57 =	vpop (erf)  }
0x2b1: {  	v0 =	vmax.f32 v0, v63;
	v63 =	vnsel vm0, $0x0, v55;
	v53 =	vmul.f32 v57, v11  }
0x2b2: {  	s24 =	simm.s32 $0x1B1C0;
	[tilespmem:s22+$0x80] =	vst v63;
	v8 =	vmul.f32 v55, v8  }
0x2b3: {  	[tilespmem:s24+$0x70] =	vst v53;
	v5 =	vmul.f32 v55, v5  }
0x2b4: {  	[tilespmem:s22+$0x40] =	vst v8;
	v8 =	vmul.f32 v55, v59  }
0x2b5: {  	v0 =	vmul.f32 v0, v10;
	v3 =	vadd.f32 v4, v3;
	[tilespmem:s22+$0x50] =	vst v5  }
0x2b6: {  	[tilespmem:s22+$0x60] =	vst v8  }
0x2b7: {  	v51 =	vunpack.i.u.bf16.f32 v9;
	v2 =	vunpack.i.u.bf16.f32 v2;
	v59 =	vadd.f32 v3, v0;
	v0 =	vld [tilespmem:$0x1FDF0]  }
0x2b8: {  	v2 =	vadd.f32 v2, v51;
	_ =	sdelay $0x1  }
0x2b9: {  	v6, _, _ =	vpop (xrf2);
	v55 =	vmul.f32 $2.000000030e-01, v2  }
0x2ba: {  	v61, _, _ =	vpop (xrf2)  }
0x2bb: {  	(v2sf) =	vpush v61, $0xF;
	v61 =	vmax.f32 v2, v55;
	v55 =	vmul.f32 v54, v0;
	v0 =	vld [tilespmem:$0x1FE00]  }
0x2bc: {  	v62 =	vmul.f32 $2.000000030e-01, v7  }
0x2bd: {  	s26 =	spop (v2sf)  }
0x2be: {  	s7 =	smin.f32 s26, $7.500000000e+01;
	v4 =	vmax.f32 v7, v62  }
0x2bf: {  	v60 =	vmul.f32 v4, v60;
	v8 =	vmov s7  }
0x2c0: {  	s25 =	simm.s32 $0x6;
	v9 =	vmovc v10;
	(v2sf) =	vpush v6, $0xF;
	s7 =	simm.s32 $0x18850;
	v58 =	vmul.f32 $1.442695020e+00, v8;
	v0 =	vmul.f32 v54, v0  }
.LBB2_7:
0x2c1: {  	v2 =	vld [tilespmem:s7+$0xFFFFF380]  }
0x2c2: {  	v15 =	vld [tilespmem:$0x1FF80]  }
0x2c3: {  	v7 =	vld [tilespmem:$0x1FD00]  }
0x2c4: {  	v8 =	vld [tilespmem:$0x1FD10]  }
0x2c5: {  	v10 =	vld [tilespmem:$0x1FD30]  }
0x2c6: {  	v53 =	vmov v24;
	v24 =	vmov v39;
	v6 =	vld [tilespmem:s7+$0xFFFFF370];
	v63 =	vmul.f32 v54, v20;
	[tilespmem:s23+$0xFFFFFF70] =	vst v55  }
0x2c7: {  	v39 =	vld [tilespmem:s7+$0xFFFFFFF0];
	v4 =	vmovc v27;
	v27 =	vmov v38;
	v20 =	vmul.f32 v57, v29;
	v38 =	vmul.f32 v57, v32;
	[tilespmem:s23+$0xFFFFFF80] =	vst v0  }
0x2c8: {  	v12 =	vld [tilespmem:s7+$0xFFFFFFD0];
	v5 =	vbroadcast v58, $0x0;
	[tilespmem:$0x1FD30] =	vst v4;
	v7 =	vmul.f32 v54, v7  }
0x2c9: {  	v16 =	vld [tilespmem:s7+$0xFFFFF360];
	v3 =	vadd.f32 v60, v59;
	[tilespmem:s23+$0xFFFFFFC0] =	vst v63;
	v11 =	vmul.f32 v61, v15;
	v8 =	vmul.f32 v54, v8  }
0x2ca: {  	v0 =	vld [tilespmem:$0x1FD20];
	v58 =	vmul.f32 v57, v30;
	(erf) = vpow2.f32 v5;
	v5 =	vnsel vm0, $0x0, v57;
	v55 =	vmovc v10;
	[tilespmem:s23+$0xFFFFFF90] =	vst v7  }
0x2cb: {  	v4 =	vld [tilespmem:s7+$0xFFFFF350];
	v10 =	vmul.f32 v54, v22;
	v22 =	vmul.f32 v57, v31;
	v3 =	vadd.f32 v3, v11;
	[tilespmem:s23+$0xFFFFFFA0] =	vst v8  }
0x2cc: {  	v61 =	vunpack.i.u.bf16.f32 v2;
	v8 =	vmul.f32 v54, v23;
	v23 =	vld [tilespmem:s7+$0xFFFFFFE0];
	v11 =	vmul.f32 v57, v25;
	[tilespmem:s24+$0x10] =	vst v20  }
0x2cd: {  	(xrf2) =	vadd.scan.msk.f32 $0xffff, v3;
	v3 =	vmul.f32 v57, v28;
	v57 =	vmul.f32 v57, v34;
	v34 =	vmovc v47;
	v47 =	vunpack.i.l.bf16.f32 v2;
	v2 =	vld [tilespmem:$0x1FD40]  }
0x2ce: {  	[tilespmem:s24+$0x20] =	vst v22  }
0x2cf: {  	v0 =	vmul.f32 v54, v0;
	[tilespmem:s24+$0x30] =	vst v38  }
0x2d0: {  	[tilespmem:s24+$0x40] =	vst v58  }
0x2d1: {  	v14 =	vmov v9;
	v9 =	vnsel vm0, $0x0, v54;
	v54 =	vld [tilespmem:$0x1FD50];
	[tilespmem:s23+$0xFFFFFFB0] =	vst v0  }
0x2d2: {  	v31 =	vmov v48;
	v7 =	vld [tilespmem:s7+$0xFFFFFF90];
	[tilespmem:s23+$0xFFFFFFD0] =	vst v10;
	v48 =	vmov v2  }
0x2d3: {  	v32 =	vmov v44;
	v44 =	vunpack.i.u.bf16.f32 v16;
	[tilespmem:$0x1FD00] =	vst v48;
	v48 =	vunpack.i.l.bf16.f32 v16;
	v16 =	vld [tilespmem:$0x1FD60]  }
0x2d4: {  	v30 =	vmovc v45;
	v45 =	vunpack.i.l.bf16.f32 v6;
	v28 =	vmovc v42;
	v42 =	vunpack.i.l.bf16.f32 v4;
	v10 =	vld [tilespmem:s7+$0xFFFFF310];
	[tilespmem:s23+$0xFFFFFFE0] =	vst v8;
	v8 =	vunpack.i.l.bf16.f32 v12  }
0x2d5: {  	v29 =	vmovc v43;
	v43 =	vunpack.i.u.bf16.f32 v4;
	[tilespmem:s24+$0x0] =	vst v3;
	v3 =	vunpack.i.u.bf16.f32 v12;
	v4 =	vadd.f32 v8, v42  }
0x2d6: {  	v25 =	vmovc v41;
	v41 =	vunpack.i.u.bf16.f32 v6;
	[tilespmem:s24+$0x50] =	vst v11;
	v6 =	vmovc v54;
	v3 =	vadd.f32 v3, v43;
	v20 =	vunpack.i.l.bf16.f32 v23  }
0x2d7: {  	v12 =	vmovc v33;
	[tilespmem:$0x1FD10] =	vst v6;
	v6 =	vunpack.i.u.bf16.f32 v23;
	s14 =	spop (v2sf);
	v8 =	vmul.f32 $2.000000030e-01, v4;
	v23 =	vadd.f32 v20, v48  }
0x2d8: {  	v33 =	vmovc v46;
	v46 =	vld [tilespmem:$0x1FFB0];
	s14 =	smin.f32 s14, $7.500000000e+01;
	v22 =	vmul.f32 $2.000000030e-01, v3;
	v6 =	vadd.f32 v6, v44;
	[tilespmem:$0x1FD60] =	vst v12;
	v16 =	vmov v16  }
0x2d9: {  	v4 =	vmax.f32 v4, v8;
	v12 =	vld [tilespmem:$0x1FFA0];
	v11 =	vmul.f32 $2.000000030e-01, v23;
	[tilespmem:$0x1FD20] =	vst v16;
	v16 =	vmov s14  }
0x2da: {  	v17 =	vmovc v13;
	v38 =	vld [tilespmem:s7+$0x0];
	[tilespmem:s24+$0x60] =	vst v57;
	v57 =	vmul.f32 $2.000000030e-01, v6;
	v8 =	vmul.f32 $1.442695020e+00, v16;
	v16 =	vunpack.i.l.bf16.f32 v39  }
0x2db: {  	v20 =	vmovc v19;
	v19 =	vmovc v36;
	v36 =	vmov v1;
	v1 =	vmax.f32 v23, v11;
	v11 =	vadd.f32 v16, v45;
	v16 =	vld [tilespmem:$0x1FFC0]  }
0x2dc: {  	v13 =	vunpack.i.u.bf16.f32 v39;
	v0 =	vmovc v35;
	v35 =	vmovc v50;
	v3 =	vmax.f32 v3, v22;
	v50 =	vmax.f32 v6, v57  }
0x2dd: {  	v2 =	vmovc v26;
	v26 =	vmovc v52;
	v57 =	vadd.f32 v13, v41;
	v13 =	vld [tilespmem:$0x1FFD0];
	v8 =	vbroadcast v8, $0x0;
	v52 =	vmul.f32 $2.000000030e-01, v11  }
0x2de: {  	v54 =	vpop (erf);
	v3 =	vmul.f32 v3, v46;
	v22 =	vmov v18;
	v4 =	vmul.f32 v4, v12  }
0x2df: {  	[tilespmem:s24+$0x80] =	vst v5;
	v18 =	vmovc v37;
	v37 =	vmovc v49;
	v49 =	vunpack.i.l.bf16.f32 v38;
	(erf) = vpow2.f32 v8;
	v5 =	vmax.f32 v11, v52;
	v11 =	vld [tilespmem:$0x1FFE0]  }
0x2e0: {  	v3 =	vadd.f32 v4, v3;
	v8 =	vmul.f32 $2.000000030e-01, v57;
	v1 =	vmul.f32 v1, v16  }
0x2e1: {  	v4 =	vadd.f32 v49, v47;
	v39 =	vunpack.i.u.bf16.f32 v10  }
0x2e2: {  	[tilespmem:$0x1FD40] =	vst v2;
	v2 =	vld [tilespmem:s7+$0xFFFFFFA0];
	v6 =	vmax.f32 v57, v8;
	v1 =	vadd.f32 v1, v3;
	v3 =	vmul.f32 v50, v13  }
0x2e3: {  	v8 =	vmul.f32 $2.000000030e-01, v4;
	v50 =	vunpack.i.u.bf16.f32 v38;
	v38 =	vunpack.i.l.bf16.f32 v10;
	v10 =	vld [tilespmem:$0x1FF90]  }
0x2e4: {  	v1 =	vadd.f32 v1, v3;
	v3 =	vmul.f32 v5, v11  }
0x2e5: {  	v62 =	vld [tilespmem:s7+$0xFFFFF320];
	v4 =	vmax.f32 v4, v8;
	v5 =	vadd.f32 v50, v61  }
0x2e6: {  	v23 =	vmovc v21;
	v8 =	vunpack.i.u.bf16.f32 v7;
	v1 =	vadd.f32 v3, v1;
	v3 =	vmul.f32 v6, v14  }
0x2e7: {  	v21 =	vmovc v40;
	v40 =	vmovc v51;
	v52 =	vunpack.i.l.bf16.f32 v7;
	v7 =	vadd.f32 v8, v39;
	v51 =	vmul.f32 $2.000000030e-01, v5  }
0x2e8: {  	[tilespmem:$0x1FD50] =	vst v0;
	v0 =	vld [tilespmem:s7+$0xFFFFFFB0];
	v50 =	vunpack.i.l.bf16.f32 v2;
	v1 =	vadd.f32 v1, v3;
	v3 =	vmul.f32 v4, v10  }
0x2e9: {  	v2 =	vunpack.i.u.bf16.f32 v2;
	v5 =	vmax.f32 v5, v51;
	v4 =	vadd.f32 v52, v38  }
0x2ea: {  	v60 =	vld [tilespmem:s7+$0xFFFFF330];
	v57 =	vpop (erf);
	v52 =	vunpack.i.l.bf16.f32 v62;
	v1 =	vadd.f32 v3, v1;
	v3 =	vmul.f32 v5, v15  }
0x2eb: {  	v59 =	vld [tilespmem:s7+$0xFFFFF340];
	v8 =	vmul.f32 $2.000000030e-01, v7;
	v49 =	vmul.f32 v57, v56;
	v6 =	vadd.f32 v50, v52  }
0x2ec: {  	v63 =	vld [tilespmem:s7+$0xFFFFFFC0];
	[tilespmem:s23+$0xFFFFFFF0] =	vst v9;
	s23 =	smov.u32 s22;
	s22 =	smov.u32 s24;
	s24 =	sadd.s32 $0x120, s24;
	v50 =	vunpack.i.u.bf16.f32 v62;
	v1 =	vadd.f32 v1, v3;
	v3 =	vmul.f32 $2.000000030e-01, v4  }
0x2ed: {  	v58, _, _ =	vpop (xrf2);
	v51 =	vmax.f32 v7, v8;
	[tilespmem:s24+$0x70] =	vst v49;
	v2 =	vadd.f32 v2, v50;
	v49 =	vunpack.i.l.bf16.f32 v0  }
0x2ee: {  	v56 =	vmovc v61;
	v0 =	vunpack.i.u.bf16.f32 v0;
	v61 =	vmul.f32 $2.000000030e-01, v6;
	(xrf2) =	vadd.scan.msk.f32 $0xffff, v1;
	v1 =	vmax.f32 v4, v3  }
0x2ef: {  	v3 =	vmul.f32 v51, v46;
	v46 =	vunpack.i.l.bf16.f32 v60;
	v1 =	vmul.f32 v1, v12  }
0x2f0: {  	v62 =	vmax.f32 v6, v61;
	v51 =	vmul.f32 $2.000000030e-01, v2;
	v5 =	vadd.f32 v49, v46  }
0x2f1: {  	v4 =	vmul.f32 v62, v16;
	v3 =	vadd.f32 v1, v3;
	v1 =	vunpack.i.u.bf16.f32 v60  }
0x2f2: {  	v2 =	vmax.f32 v2, v51;
	v61 =	vmul.f32 $2.000000030e-01, v5;
	v0 =	vadd.f32 v0, v1  }
0x2f3: {  	v49 =	vunpack.i.l.bf16.f32 v59;
	v2 =	vmul.f32 v2, v13;
	v3 =	vadd.f32 v4, v3  }
0x2f4: {  	v60 =	vunpack.i.l.bf16.f32 v63;
	v62 =	vmax.f32 v5, v61;
	v51 =	vmul.f32 $2.000000030e-01, v0  }
0x2f5: {  	s25 =	sadd.s32 $0x2, s25;
	v61 =	vadd.f32 v60, v49;
	v2 =	vadd.f32 v3, v2;
	v3 =	vmul.f32 v62, v11  }
0x2f6: {  	p0 =	slt.u32 s25, $0x30;
	s20 =	spop (v2sf);
	v62 =	vunpack.i.u.bf16.f32 v63;
	v0 =	vmax.f32 v0, v51;
	v51 =	vunpack.i.u.bf16.f32 v59  }
.Ltmp2:
0x2f7: {  	s20 =	smin.f32 s20, $7.500000000e+01;
	v2 =	vadd.f32 v3, v2;
	v3 =	vmul.f32 $2.000000030e-01, v61;
	v5 =	vadd.f32 v62, v51;
	(pc) =	sbr.rel @p0 .LBB2_7-.Ltmp2, $4  }
0x2f8: {  	v55 =	vmul.f32 v54, v55;
	v6 =	vmov s20;
	v0 =	vmul.f32 v0, v14;
	v63, _, _ =	vpop (xrf2)  }
0x2f9: {  	(v2sf) =	vpush v63, $0xF;
	v3 =	vmax.f32 v61, v3;
	v4 =	vmul.f32 $2.000000030e-01, v5  }
0x2fa: {  	v59 =	vadd.f32 v2, v0;
	v0 =	vmul.f32 v54, v17;
	(v2sf) =	vpush v58, $0xF  }
0x2fb: {  	v9 =	vmovc v14;
	s7 =	sadd.s32 $0x80, s7;
	v13 =	vmovc v53;
	v60 =	vmul.f32 v3, v10;
	v58 =	vmul.f32 $1.442695020e+00, v6;
	v61 =	vmax.f32 v5, v4  }
0x2fc: {  	v3 =	vld [tilespmem:$0x1FF80];
	_ =	sdelay $0x2  }
0x2fd: {  	[tilespmem:s23+$0xFFFFFF70] =	vst v55  }
0x2fe: {  	v4 =	vld [tilespmem:$0x1FD10]  }
0x2ff: {  	v2 =	vadd.f32 v60, v59;
	v3 =	vmul.f32 v61, v3;
	_ =	sdelay $0x1  }
0x300: {  	v2 =	vadd.f32 v2, v3;
	_ =	sdelay $0x1  }
0x301: {  	v4 =	vmul.f32 v54, v4;
	(xrf2) =	vadd.scan.msk.f32 $0xffff, v2;
	v2 =	vld [tilespmem:$0x1FD00]  }
0x302: {  	[tilespmem:s23+$0xFFFFFF80] =	vst v0  }
0x303: {  	v5 =	vld [tilespmem:$0x1FD20];
	[tilespmem:s23+$0xFFFFFFA0] =	vst v4;
	v4 =	vmul.f32 v54, v23  }
0x304: {  	s7 =	spop (v2sf)  }
0x305: {  	[tilespmem:s23+$0xFFFFFFE0] =	vst v4;
	v4 =	vmul.f32 v57, v30;
	s7 =	smin.f32 s7, $7.500000000e+01  }
0x306: {  	v2 =	vmul.f32 v54, v2;
	v3 =	vmov s7  }
0x307: {  	[tilespmem:s24+$0x40] =	vst v4;
	v0 =	vmul.f32 $1.442695020e+00, v3;
	v3 =	vbroadcast v58, $0x0  }
0x308: {  	v4 =	vnsel vm0, $0x0, v57;
	v5 =	vmul.f32 v54, v5;
	[tilespmem:s23+$0xFFFFFF90] =	vst v2;
	v2 =	vmul.f32 v54, v20  }
0x309: {  	[tilespmem:s24+$0x80] =	vst v4;
	v0 =	vbroadcast v0, $0x0;
	(erf) = vpow2.f32 v3  }
0x30a: {  	v3 =	vmul.f32 v54, v22;
	[tilespmem:s23+$0xFFFFFFC0] =	vst v2;
	v2 =	vmul.f32 v57, v29  }
0x30b: {  	[tilespmem:s23+$0xFFFFFFB0] =	vst v5  }
0x30c: {  	(erf) = vpow2.f32 v0;
	v0 =	vmul.f32 v57, v28;
	[tilespmem:s23+$0xFFFFFFD0] =	vst v3  }
0x30d: {  	v3 =	vmul.f32 v57, v31;
	[tilespmem:s24+$0x10] =	vst v2  }
0x30e: {  	[tilespmem:s24+$0x0] =	vst v0;
	v0 =	vmul.f32 v57, v32;
	v2, _, _ =	vpop (xrf2)  }
0x30f: {  	[tilespmem:s24+$0x20] =	vst v3;
	(v2sf) =	vpush v2, $0xF;
	v2 =	vmul.f32 v57, v25  }
0x310: {  	[tilespmem:s24+$0x30] =	vst v0;
	v0 =	vmul.f32 v57, v34  }
0x311: {  	[tilespmem:s24+$0x50] =	vst v2  }
0x312: {  	v2 =	vnsel vm0, $0x0, v54;
	[tilespmem:s24+$0x60] =	vst v0  }
0x313: {  	[tilespmem:s23+$0xFFFFFFF0] =	vst v2  }
0x314: {  	v4 =	vld [tilespmem:$0x1FD30];
	_ =	sdelay $0x1  }
0x315: {  	v3 =	vpop (erf)  }
0x316: {  	v0 =	vpop (erf)  }
0x317: {  	v2 =	vmul.f32 v0, v56  }
0x318: {  	s25 =	sadd.s32 $0x120, s24;
	v4 =	vmul.f32 v3, v4  }
0x319: {  	[tilespmem:s25+$0x70] =	vst v2  }
0x31a: {  	v2 =	vmul.f32 v3, v13;
	[tilespmem:s22+$0xFFFFFF70] =	vst v4  }
0x31b: {  	v4 =	vld [tilespmem:$0x1FD40]  }
0x31c: {  	v6 =	vld [tilespmem:$0x1FD50];
	[tilespmem:s22+$0xFFFFFF80] =	vst v2  }
0x31d: {  	v2 =	vld [tilespmem:$0x1FD60]  }
0x31e: {  	s14 =	spop (v2sf)  }
0x31f: {  	s14 =	smin.f32 s14, $7.500000000e+01  }
0x320: {  	v5 =	vmov s14;
	v4 =	vmul.f32 v3, v4  }
0x321: {  	v5 =	vmul.f32 $1.442695020e+00, v5;
	v6 =	vmul.f32 v3, v6  }
0x322: {  	v2 =	vmul.f32 v3, v2;
	[tilespmem:s22+$0xFFFFFF90] =	vst v4  }
0x323: {  	v4 =	vbroadcast v5, $0x0;
	v5 =	vmul.f32 v3, v19;
	[tilespmem:s22+$0xFFFFFFA0] =	vst v6  }
0x324: {  	v6 =	vmul.f32 v3, v18;
	[tilespmem:s22+$0xFFFFFFB0] =	vst v2  }
0x325: {  	(erf) = vpow2.f32 v4;
	[tilespmem:s22+$0xFFFFFFC0] =	vst v5  }
0x326: {  	v2 =	vmul.f32 v3, v21;
	v3 =	vnsel vm0, $0x0, v3;
	[tilespmem:s22+$0xFFFFFFD0] =	vst v6  }
0x327: {  	s26 =	spop (v2sf);
	v5 =	vmul.f32 v0, v43;
	[tilespmem:s22+$0xFFFFFFF0] =	vst v3  }
0x328: {  	s14 =	smin.f32 s26, $7.500000000e+01;
	[tilespmem:s22+$0xFFFFFFE0] =	vst v2;
	v2 =	vmul.f32 v0, v48  }
0x329: {  	v4 =	vmul.f32 v0, v42;
	v6 =	vmul.f32 v0, v45;
	[tilespmem:s25+$0x10] =	vst v5;
	v5 =	vmov s14  }
0x32a: {  	[tilespmem:s25+$0x20] =	vst v2;
	v2 =	vmul.f32 $1.442695020e+00, v5;
	v5 =	vmul.f32 v0, v41  }
0x32b: {  	[tilespmem:s25+$0x0] =	vst v4;
	v4 =	vmul.f32 v0, v44  }
0x32c: {  	[tilespmem:s25+$0x40] =	vst v6;
	v2 =	vbroadcast v2, $0x0  }
0x32d: {  	[tilespmem:s25+$0x30] =	vst v4  }
0x32e: {  	v4 =	vmul.f32 v0, v47;
	v0 =	vnsel vm0, $0x0, v0;
	[tilespmem:s25+$0x50] =	vst v5;
	v5 =	vpop (erf);
	(erf) = vpow2.f32 v2  }
0x32f: {  	[tilespmem:s25+$0x80] =	vst v0;
	v2 =	vmul.f32 v5, v27  }
0x330: {  	[tilespmem:s25+$0x60] =	vst v4;
	v0 =	vmul.f32 v5, v24  }
0x331: {  	[tilespmem:s24+$0xFFFFFF70] =	vst v2;
	v2 =	vmul.f32 v5, v26  }
0x332: {  	v3 =	vmul.f32 v5, v35;
	[tilespmem:s24+$0xFFFFFF80] =	vst v0  }
0x333: {  	v0 =	vmul.f32 v5, v33;
	[tilespmem:s24+$0xFFFFFF90] =	vst v2;
	v2 =	vmul.f32 v5, v36  }
0x334: {  	[tilespmem:s24+$0xFFFFFFA0] =	vst v3;
	v3 =	vmul.f32 v5, v37  }
0x335: {  	[tilespmem:s24+$0xFFFFFFB0] =	vst v0  }
0x336: {  	v0 =	vmul.f32 v5, v40;
	[tilespmem:s24+$0xFFFFFFD0] =	vst v3  }
0x337: {  	[tilespmem:s24+$0xFFFFFFC0] =	vst v2;
	v2 =	vpop (erf)  }
0x338: {  	v3 =	vnsel vm0, $0x0, v5;
	[tilespmem:s24+$0xFFFFFFE0] =	vst v0;
	v0 =	vmul.f32 v2, v38  }
0x339: {  	[tilespmem:s24+$0xFFFFFFF0] =	vst v3;
	v3 =	vmul.f32 v2, v39  }
0x33a: {  	v4 =	vmul.f32 v2, v50;
	[tilespmem:s25+$0xFFFFFF70] =	vst v0  }
0x33b: {  	v0 =	vmul.f32 v2, v52;
	[tilespmem:s25+$0xFFFFFF80] =	vst v3  }
0x33c: {  	v3 =	vmul.f32 v2, v46;
	[tilespmem:s25+$0xFFFFFFA0] =	vst v4  }
0x33d: {  	[tilespmem:s25+$0xFFFFFF90] =	vst v0;
	v0 =	vmul.f32 v2, v1  }
0x33e: {  	v1 =	vmul.f32 v2, v49;
	[tilespmem:s25+$0xFFFFFFB0] =	vst v3  }
0x33f: {  	v3 =	vmul.f32 v2, v51;
	[tilespmem:s25+$0xFFFFFFC0] =	vst v0  }
0x340: {  	[tilespmem:s25+$0xFFFFFFD0] =	vst v1  }
0x341: {  	v0 =	vnsel vm0, $0x0, v2;
	[tilespmem:s25+$0xFFFFFFE0] =	vst v3  }
0x342: {  	[tilespmem:s25+$0xFFFFFFF0] =	vst v0  }
0x343: {  	[spmem:s3] =	stream.indirect.scatter.add.f32 [tilespmem:s19], [sflag:$0x6], $0x90, s13, s9, $0xb8;
	[tilespmem:$0x1CB90] =	vst v63  }
0x344: {  	s21 =	sadd.s32 $0x1, s21;
	_ =	swait.ge [sflag:s8], $0x68  }
0x345: {  	p0 =	sne.s32 s21, $0x64;
	v2 =	vld [tilespmem:$0x1FFA0]  }
.Ltmp3:
0x346: {  	v3 =	vld [tilespmem:$0x1FFB0];
	(pc) =	sbr.rel @p0 .LBB2_4-.Ltmp3, $4  }
0x347: {  	v4 =	vld [tilespmem:$0x1FFC0]  }
0x348: {  	v5 =	vld [tilespmem:$0x1FFD0]  }
0x349: {  	[sflag:s8] =	ssyncset.done $0x0;
	v6 =	vld [tilespmem:$0x1FFE0]  }
0x34a: {  	v7 =	vld [tilespmem:$0x1FF90];
	[sflag:s8] =	ssyncadd.s32 $0xFFFFFF98  }
0x34b: {  	_ =	swait.ge [sflag:s15], $0x1900  }
0x34c: {  	[sflag:s15] =	ssyncset.done $0x0  }
0x34d: {  	[sflag:s15] =	ssyncadd.s32 $0xFFFFE700  }
0x34e: {  	_ =	swait.ge [sflag:s16], $0x1C20  }
0x34f: {  	[sflag:s16] =	ssyncset.done $0x0  }
0x350: {  	[sflag:s16] =	ssyncadd.s32 $0xFFFFE3E0  }
0x351: {  	_ =	swait.ge [sflag:s18], $0x1C20  }
0x352: {  	[sflag:s18] =	ssyncset.done $0x0  }
0x353: {  	[sflag:s18] =	ssyncadd.s32 $0xFFFFE3E0  }
0x354: {  	s7 =	stileid.u32;
	[bflag:$0x0] =	sbarrier.arrive $0xFFFF  }
0x355: {  	s7 =	sshll.u32 s7, $0x6;
	s14 =	rddreg [dreg:$0x13]  }
0x356: {  	s7 =	sor.u32 $0x1C07, s7;
	s20 =	rddreg [dreg:$0x15]  }
0x357: {  	[hbm:s14], [sflag:s7] =	dma.local [spmem:s20], $0x2BF2  }
0x358: {  	_ =	swait.ge [sflag:s29], $0x2BF2  }
0x359: {  	s25 =	rddreg [dreg:$0x17]  }
0x35a: {  	s26 =	rddreg [dreg:$0x9];
	s14 =	sadd.s32 $0x1, s25  }
0x35b: {  	p0 =	sne.s32 s14, s26  }
.Ltmp4:
0x35c: {  	_ = 	snop;
	(pc) =	sbr.rel @p0 .LBB2_1-.Ltmp4, $3  }
0x35d: {  	_ =	sdelay $0x1  }
0x35e: {  	[sflag:s29] =	ssyncset.done $0x0  }
0x35f: {  	v0 =	vimm.f32 $0.0e+00;
	[sflag:s29] =	ssyncadd.s32 $0xFFFFD40E  }
0x360: {  	_ =	sfence.sel $0x180000  }
0x361: {  	[bflag:$0x0] =	sbarrier.arrive $0xFFFF  }
0x362: {  	_ =	strace $0x90000047  }
0x363: {  	s0 =	stileid.u32;
	[bflag:$0x2] =	sbarrier.arrive $0xFFFF  }
0x364: {  	p0 =	sne.s32 s0, $0x0;
	s0 =	rddreg [dreg:$0x4]  }
0x365: {  	s0 =	sadd.s32 @!p0 $0x100000, s0  }
0x366: {  	[sflag:s0] =	ssyncadd.tile.s32 @!p0 $0x1;
	_ =	shalt  }
.Lfunc_end2:
_tile_overlayer_lowered:
.L_overlay_start_2:
0x367: {  	(tag) =	ssettag $0x2  }
0x368: {  	s0 =	rddreg [dreg:$0x0];
	s2 =	stileid.u32  }
0x369: {  	s1 =	rddreg [dreg:$0x1];
	p0 =	sne.s32 s2, $0x0  }
0x36a: {  	s3 =	rddreg [dreg:$0x2];
	[bflag:$0x3] =	sbarrier.arrive $0xFFFF;
	s2 =	simm.s32 @!p0 $0x1C07  }
0x36b: {  	[timem:s3], [sflag:s2] =	dma.local @!p0 [hbm:s0], s1  }
0x36c: {  	s0 =	simm.s32 @!p0 $0x7  }
0x36d: {  	_ =	swait.ge @!p0 [sflag:s0], s1  }
0x36e: {  	s1 =	ssub.s32 @!p0 $0x0, s1;
	[sflag:s0] =	ssyncset.done @!p0 $0x0  }
0x36f: {  	[sflag:s0] =	ssyncadd.s32 @!p0 s1  }
0x370: {  	[bflag:$0x3] =	sbarrier.arrive $0xFFFF  }
0x371: {  	_ =	shalt  }

</sc_bundles>
